<compile_context>
chip_gen: v7x
topology: tpu7x:2x2x1
jax: 0.10.2.dev20260603
libtpu: 0.0.44.dev20260713+nightly
codegen_flags: <defaults>
</compile_context>

<pallas_src>
import functools

import jax
import jax.numpy as jnp
from jax import lax
from jax.experimental import pallas as pl
from jax.experimental.pallas import tpu as pltpu
from jax.experimental.pallas import tpu_sc as plsc

N, T, D, H, KNN, C = 2048, 32, 128, 128, 16, 16
BR = 256
INV_DEG = 1.0 / float(KNN + 1)
M_EDGES = 16384.0
_DN_T = (((1,), (1,)), ((), ()))


def _lstm_body(x_ref, wih_ref, whh_ref, bih_ref, bhh_ref, out_ref, h_scr, c_scr,
               acc_scr):
    t = pl.program_id(0)

    @pl.when(t == 0)
    def _():
        h_scr[...] = jnp.zeros_like(h_scr)
        c_scr[...] = jnp.zeros_like(c_scr)

    x_t = x_ref[0]
    h_bf = h_scr[...].astype(jnp.bfloat16)
    gx = jax.lax.dot_general(x_t, wih_ref[...], _DN_T,
                             preferred_element_type=jnp.float32)
    acc_scr[...] = gx + bih_ref[...]
    acc_scr[...] += jax.lax.dot_general(h_bf, whh_ref[...], _DN_T,
                                        preferred_element_type=jnp.float32)
    gates = acc_scr[...] + bhh_ref[...]
    i = jax.nn.sigmoid(gates[:, 0:H])
    f = jax.nn.sigmoid(gates[:, H:2 * H])
    g = jnp.tanh(gates[:, 2 * H:3 * H])
    o = jax.nn.sigmoid(gates[:, 3 * H:4 * H])
    c = f * c_scr[...] + i * g
    h_new = o * jnp.tanh(c)
    c_scr[...] = c
    h_scr[...] = h_new

    @pl.when(t == T - 1)
    def _():
        out_ref[...] = h_new


def _lstm(xbf, wih_bf, whh_bf, bih, bhh):
    return pl.pallas_call(
        _lstm_body,
        grid=(T,),
        in_specs=[
            pl.BlockSpec((1, N, D), lambda t: (t, 0, 0)),
            pl.BlockSpec((4 * H, D), lambda t: (0, 0)),
            pl.BlockSpec((4 * H, H), lambda t: (0, 0)),
            pl.BlockSpec((1, 4 * H), lambda t: (0, 0)),
            pl.BlockSpec((1, 4 * H), lambda t: (0, 0)),
        ],
        out_specs=pl.BlockSpec((N, H), lambda t: (0, 0)),
        out_shape=jax.ShapeDtypeStruct((N, H), jnp.float32),
        scratch_shapes=[
            pltpu.VMEM((N, H), jnp.float32),
            pltpu.VMEM((N, H), jnp.float32),
            pltpu.VMEM((N, 4 * H), jnp.float32),
        ],
    )(xbf, wih_bf, whh_bf, bih, bhh)


def _knn_body(x_ref, sqr_ref, sqc_ref, nbr_ref, b_ref):
    r = pl.program_id(0)
    x = x_ref[...]
    xb = x_ref[pl.ds(r * BR, BR), :]
    sq_row = sqr_ref[...]
    sq_col = sqc_ref[pl.ds(r * BR, BR), :]
    g = jax.lax.dot_general(xb, x, _DN_T, preferred_element_type=jnp.float32)
    col = jax.lax.broadcasted_iota(jnp.int32, (BR, N), 1)
    rowid = r * BR + jax.lax.broadcasted_iota(jnp.int32, (BR, N), 0)
    d2 = (sq_col + sq_row) - g * 2.0
    d2 = d2 + jnp.where(col == rowid, jnp.float32(1e12), jnp.float32(0.0))

    kcol = jax.lax.broadcasted_iota(jnp.int32, (BR, KNN), 1)
    nbr0 = jnp.zeros((BR, KNN), jnp.int32)
    b0 = jnp.zeros((BR, N), jnp.float32)

    def body(k, carry):
        d2, bacc, nbracc = carry
        m = jnp.min(d2, axis=1, keepdims=True)
        cand = jnp.where(d2 <= m, col, N)
        jsel = jnp.min(cand, axis=1, keepdims=True)
        onehot = col == jsel
        d2 = jnp.where(onehot, jnp.float32(1e30), d2)
        bacc = jnp.where(onehot, jnp.float32(1.0), bacc)
        nbracc = jnp.where(kcol == k, jsel, nbracc)
        return d2, bacc, nbracc

    _, bacc, nbracc = jax.lax.fori_loop(0, KNN, body, (d2, b0, nbr0))
    nbr_ref[...] = nbracc
    b_ref[...] = bacc


def _knn(x, sqr, sqc):
    return pl.pallas_call(
        _knn_body,
        grid=(N // BR,),
        in_specs=[
            pl.BlockSpec((N, H), lambda r: (0, 0)),
            pl.BlockSpec((1, N), lambda r: (0, 0)),
            pl.BlockSpec((N, 1), lambda r: (0, 0)),
        ],
        out_specs=[
            pl.BlockSpec((BR, KNN), lambda r: (r, 0)),
            pl.BlockSpec((BR, N), lambda r: (r, 0)),
        ],
        out_shape=[
            jax.ShapeDtypeStruct((N, KNN), jnp.int32),
            jax.ShapeDtypeStruct((N, N), jnp.float32),
        ],
    )(x, sqr, sqc)


def _sc_agg(x, nbr):
    info = plsc.get_sparse_core_info()
    nc, ns = info.num_cores, info.num_subcores
    nw = nc * ns
    npw = N // nw
    ch = 4
    rpc = npw * KNN // ch
    npc = npw // ch
    nbr2 = nbr.reshape(nw * ch, rpc)
    mesh = plsc.VectorSubcoreMesh(core_axis_name="c", subcore_axis_name="s")

    @functools.partial(
        pl.kernel,
        out_type=jax.ShapeDtypeStruct((N, H), jnp.float32),
        mesh=mesh,
        compiler_params=pltpu.CompilerParams(use_tc_tiling_on_sc=False),
        scratch_types=[
            pltpu.VMEM((ch, rpc), jnp.int32),
            pltpu.VMEM((rpc, H), jnp.float32),
            pltpu.VMEM((npw, H), jnp.float32),
            pltpu.SemaphoreType.DMA,
        ],
    )
    def k(x_hbm, nbr_hbm, out_hbm, idx_v, rows_v, out_v, sem):
        wid = lax.axis_index("s") * nc + lax.axis_index("c")
        pltpu.sync_copy(nbr_hbm.at[pl.ds(wid * ch, ch)], idx_v)
        for c in range(ch):
            pltpu.async_copy(x_hbm.at[idx_v.at[c]], rows_v, sem).wait()

            def nbody(n, carry):
                for lc in range(H // info.num_lanes):
                    sl = pl.ds(lc * info.num_lanes, info.num_lanes)
                    acc = rows_v[n * KNN, sl]
                    for kk in range(1, KNN):
                        acc = acc + rows_v[n * KNN + kk, sl]
                    out_v[c * npc + n, sl] = acc
                return carry

            lax.fori_loop(0, npc, nbody, 0)
        pltpu.sync_copy(out_v, out_hbm.at[pl.ds(wid * npw, npw)])

    return k(x, nbr2)


def _gcn_body(x_ref, bx_ref, wout_ref, bout_ref, wroot_ref, wpool_ref,
              bpool_ref, s_ref):
    x = x_ref[...]
    agg = (bx_ref[...] + x) * INV_DEG
    x2 = jnp.dot(agg, wout_ref[...], preferred_element_type=jnp.float32)
    x2 = (x2 + bout_ref[...]) + jnp.dot(
        x, wroot_ref[...], preferred_element_type=jnp.float32)
    x2 = jax.nn.relu(x2)
    logits = jnp.dot(x2, wpool_ref[...], preferred_element_type=jnp.float32)
    logits = logits + bpool_ref[...]
    mx = jnp.max(logits, axis=1, keepdims=True)
    e = jnp.exp(logits - mx)
    s_ref[...] = e / jnp.sum(e, axis=1, keepdims=True)


def _gcn_softmax(x, bx, w_out, b_out, w_root, w_pool, b_pool):
    return pl.pallas_call(
        _gcn_body,
        grid=(1,),
        in_specs=[
            pl.BlockSpec((N, H), lambda i: (0, 0)),
            pl.BlockSpec((N, H), lambda i: (0, 0)),
            pl.BlockSpec((H, H), lambda i: (0, 0)),
            pl.BlockSpec((1, H), lambda i: (0, 0)),
            pl.BlockSpec((H, H), lambda i: (0, 0)),
            pl.BlockSpec((H, C), lambda i: (0, 0)),
            pl.BlockSpec((1, C), lambda i: (0, 0)),
        ],
        out_specs=pl.BlockSpec((N, C), lambda i: (0, 0)),
        out_shape=jax.ShapeDtypeStruct((N, C), jnp.float32),
    )(x, bx, w_out, b_out, w_root, w_pool, b_pool)


def _pool_body(s_ref, b_ref, spec_ref, orth_ref, clus_ref):
    s = s_ref[...]
    st = s.T
    b = b_ref[...]
    st_bf = st.astype(jnp.bfloat16)
    s_bf = s.astype(jnp.bfloat16)
    b_bf = b.astype(jnp.bfloat16)
    m1 = jax.lax.dot_general(st_bf, b_bf, _DN_T,
                             preferred_element_type=jnp.float32)
    m1b = m1.astype(jnp.bfloat16)
    out_adj = jax.lax.dot_general(m1b, s_bf, (((1,), (0,)), ((), ())),
                                  preferred_element_type=jnp.float32)
    degrees = jnp.sum(b, axis=0, keepdims=True)
    ca = jnp.sum(st_bf.astype(jnp.float32)
                 * degrees.astype(jnp.bfloat16).astype(jnp.float32),
                 axis=1, keepdims=True)
    ir = jax.lax.broadcasted_iota(jnp.int32, (C, C), 0)
    ic = jax.lax.broadcasted_iota(jnp.int32, (C, C), 1)
    eye = ir == ic
    normalizer = ((ca * ca.T) * 0.5) / M_EDGES
    dec = out_adj - normalizer
    tr = jnp.sum(jnp.where(eye, dec, jnp.float32(0.0)))
    spec_ref[...] = jnp.full((1, 1), (-tr) / 2.0 / M_EDGES)

    ss = jax.lax.dot_general(st, s, (((1,), (0,)), ((), ())),
                             preferred_element_type=jnp.float32)
    ssn = jnp.sqrt(jnp.sum(ss * ss))
    om = ss / ssn - jnp.where(eye, jnp.float32(0.25), jnp.float32(0.0))
    orth_ref[...] = jnp.full((1, 1), jnp.sqrt(jnp.sum(om * om)))

    cs = jnp.sum(s, axis=0, keepdims=True)
    clus = jnp.sqrt(jnp.sum(cs * cs)) / N * 4.0 - 1.0
    clus_ref[...] = jnp.full((1, 1), clus)


def _pool(s, b):
    return pl.pallas_call(
        _pool_body,
        grid=(1,),
        in_specs=[
            pl.BlockSpec((N, C), lambda i: (0, 0)),
            pl.BlockSpec((N, N), lambda i: (0, 0)),
        ],
        out_specs=[
            pl.BlockSpec((1, 1), lambda i: (0, 0)),
            pl.BlockSpec((1, 1), lambda i: (0, 0)),
            pl.BlockSpec((1, 1), lambda i: (0, 0)),
        ],
        out_shape=[
            jax.ShapeDtypeStruct((1, 1), jnp.float32),
            jax.ShapeDtypeStruct((1, 1), jnp.float32),
            jax.ShapeDtypeStruct((1, 1), jnp.float32),
        ],
    )(s, b)


def kernel(inputs, W_ih, W_hh, b_ih, b_hh, W_out, b_out, W_root, W_pool, b_pool):
    xbf = jnp.swapaxes(inputs, 0, 1).astype(jnp.bfloat16)
    x = _lstm(xbf, W_ih.astype(jnp.bfloat16), W_hh.astype(jnp.bfloat16),
              b_ih[None], b_hh[None])

    sq = jnp.sum(x * x, axis=-1)
    nbr, bmat = _knn(x, sq[None, :], sq[:, None])

    bx = _sc_agg(x, nbr)
    s = _gcn_softmax(x, bx, W_out, b_out[None, :], W_root, W_pool,
                     b_pool[None, :])
    spec, orth, clus = _pool(s, bmat)
    return s[None], spec[0, 0], orth[0, 0], clus[0, 0]

# --- scband reference (transcript-rebuilt; emitter-appended) ---
"""Pipeline reference for scband-etecluster-model-6803228197025 (READ-ONLY COPY).

The authoritative reference and input builder live on the scoring server;
editing this copy changes nothing except your own understanding.
"""

import jax, jax.numpy as jnp
import numpy as np

N, T, D, H, KNN, C = 2048, 32, 128, 128, 16, 16


def setup_inputs(seed: int = 0):
    key = jax.random.key(seed)
    ks = jax.random.split(key, 10)
    s = 1.0 / np.sqrt(H)
    return {
        "inputs": jax.random.normal(ks[0], (N, T, D), dtype=jnp.float32),
        "W_ih": jax.random.uniform(ks[1], (4 * H, D), jnp.float32, -s, s),
        "W_hh": jax.random.uniform(ks[2], (4 * H, H), jnp.float32, -s, s),
        "b_ih": jax.random.uniform(ks[3], (4 * H,), jnp.float32, -s, s),
        "b_hh": jax.random.uniform(ks[4], (4 * H,), jnp.float32, -s, s),
        "W_out": jax.random.uniform(ks[5], (H, H), jnp.float32, -s, s),
        "b_out": jax.random.uniform(ks[6], (H,), jnp.float32, -s, s),
        "W_root": jax.random.uniform(ks[7], (H, H), jnp.float32, -s, s),
        "W_pool": jax.random.uniform(ks[8], (H, C), jnp.float32, -s, s),
        "b_pool": jnp.zeros((C,), jnp.float32),
    }


def reference(inputs, W_ih, W_hh, b_ih, b_hh, W_out, b_out, W_root, W_pool, b_pool):
    # 1) LSTM encoder (single layer, batch_first); final hidden state h_n is node embedding
    def step(carry, x_t):
        h, c = carry
        gates = x_t @ W_ih.T + b_ih + h @ W_hh.T + b_hh
        i, f, g, o = jnp.split(gates, 4, axis=-1)
        i = jax.nn.sigmoid(i)
        f = jax.nn.sigmoid(f)
        g = jnp.tanh(g)
        o = jax.nn.sigmoid(o)
        c = f * c + i * g
        h = o * jnp.tanh(c)
        return (h, c), None

    h0 = jnp.zeros((N, H), jnp.float32)
    (h_n, _), _ = jax.lax.scan(step, (h0, h0), jnp.swapaxes(inputs, 0, 1))
    x = h_n  # [N, H] (squeezed h_n)

    # 2) knn_graph (Euclidean, loop=False): edge_index[0]=source neighbor, edge_index[1]=target node
    sq = jnp.sum(x * x, axis=-1)
    d2 = sq[:, None] + sq[None, :] - 2.0 * (x @ x.T)
    d2 = d2 + jnp.eye(N, dtype=jnp.float32) * 1e12  # exclude self (loop=False)
    _, nbr = jax.lax.top_k(-d2, KNN)  # [N, KNN] nearest neighbors
    row = nbr.reshape(-1)  # sources
    col = jnp.repeat(jnp.arange(N), KNN)  # targets

    # 3) ClusterGCNConv (diag_lambda=0, add self loops) + ReLU
    row_sl = jnp.concatenate([row, jnp.arange(N)])
    col_sl = jnp.concatenate([col, jnp.arange(N)])
    deg = jax.ops.segment_sum(jnp.ones(row_sl.shape[0], jnp.float32), col_sl, num_segments=N)
    deg_inv = 1.0 / jnp.maximum(deg, 1.0)
    ew = deg_inv[col_sl]
    agg = jnp.zeros((N, H), jnp.float32).at[col_sl].add(ew[:, None] * x[row_sl])
    x = jax.nn.relu(agg @ W_out + b_out + x @ W_root)

    # 4) to_dense_adj + DMoNPooling
    adj = jnp.zeros((N, N), jnp.float32).at[row, col].add(1.0)[None]  # [1,N,N]
    xb = x[None]  # [1,N,H]
    sass = jax.nn.softmax(xb @ W_pool + b_pool, axis=-1)  # [1,N,C]
    st = jnp.swapaxes(sass, 1, 2)  # [1,C,N]
    out_adj = st @ adj @ sass  # [1,C,C]

    degrees = jnp.sum(adj, axis=-1)[..., None]  # [1,N,1]
    m = jnp.sum(degrees, axis=(1, 2)) / 2.0  # [1]
    ca = st @ degrees  # [1,C,1]
    normalizer = (ca @ jnp.swapaxes(ca, 1, 2)) / 2.0 / m[:, None, None]
    decompose = out_adj - normalizer
    spectral_loss = jnp.mean(-jnp.trace(decompose, axis1=1, axis2=2) / 2.0 / m)

    ss = st @ sass  # [1,C,C]
    ss_norm = jnp.sqrt(jnp.sum(ss * ss, axis=(-2, -1), keepdims=True))
    i_s = jnp.eye(C, dtype=jnp.float32)
    ortho = ss / ss_norm - i_s / jnp.sqrt(jnp.float32(C))
    ortho_loss = jnp.mean(jnp.sqrt(jnp.sum(ortho * ortho, axis=(-2, -1))))

    cluster_size = jnp.sum(sass, axis=1)  # [1,C]
    cluster_loss = jnp.mean(
        jnp.sqrt(jnp.sum(cluster_size * cluster_size, axis=1)) / N * jnp.sqrt(jnp.float32(C)) - 1.0
    )
    return sass, spectral_loss, ortho_loss, cluster_loss

if __name__ == "__main__":
    import jax
    _d = setup_inputs()
    print(jax.jit(kernel)(*tuple(_d.values())))

</pallas_src>

<mosaic_0001>
#map = affine_map<(d0, d1) -> (0, 0)>
module attributes {stable_mosaic.version = 14 : i64} {
  func.func @k(%arg0: i32, %arg1: i32, %arg2: memref<2048x128xf32, #tpu.memory_space<hbm>>, %arg3: memref<128x256xi32, #tpu.memory_space<hbm>>, %arg4: memref<2048x128xf32, #tpu.memory_space<hbm>>, %arg5: memref<4x256xi32, #tpu.memory_space<vmem>>, %arg6: memref<256x128xf32, #tpu.memory_space<vmem>>, %arg7: memref<64x128xf32, #tpu.memory_space<vmem>>, %arg8: memref<!tpu.dma_semaphore, #tpu.memory_space<semaphore_mem>>) attributes {dimension_semantics = [#tpu.dimension_semantics<core_parallel>, #tpu.dimension_semantics<subcore_parallel>], iteration_bounds = array<i64: 2, 16>, scalar_prefetch = 0 : i64, scratch_operands = 4 : i64, tpu.core_type = #tpu.core_type<sc_vector_subcore>, window_params = [{transform_indices = #map}, {transform_indices = #map}, {transform_indices = #map}]} {
    %mul3A = arith.constant 2 : i32
    %mul3A_0 = arith.muli %arg1, %mul3A : i32
    %add3A = arith.addi %mul3A_0, %arg0 : i32
    %mul3A_1 = arith.constant 4 : i32
    %mul3A_2 = arith.muli %add3A, %mul3A_1 : i32
    "tpu.region"() ({
      %run_scoped3A = tpu.sem_alloc : memref<!tpu.dma_semaphore, #tpu.memory_space<semaphore_mem>>
      %dma_start3A_82 = arith.constant 0 : i32
      %dma_start3A_83 = tpu.memref_slice %arg3[%mul3A_2, %dma_start3A_82] : memref<128x256xi32, #tpu.memory_space<hbm>> -> memref<4x256xi32, #tpu.memory_space<hbm>>
      %dma_start3A_84 = arith.constant 0 : i32
      %dma_start3A_85 = tpu.memref_slice %arg3[%mul3A_2, %dma_start3A_84] : memref<128x256xi32, #tpu.memory_space<hbm>> -> memref<4x256xi32, #tpu.memory_space<hbm>>
      tpu.enqueue_dma source(%dma_start3A_85 : memref<4x256xi32, #tpu.memory_space<hbm>>) target(%arg5 : memref<4x256xi32, #tpu.memory_space<vmem>>) target_semaphore(%run_scoped3A : memref<!tpu.dma_semaphore, #tpu.memory_space<semaphore_mem>>)
      %dma_wait3A_86 = arith.constant 0 : i32
      %dma_wait3A_87 = tpu.memref_slice %arg3[%mul3A_2, %dma_wait3A_86] : memref<128x256xi32, #tpu.memory_space<hbm>> -> memref<4x256xi32, #tpu.memory_space<hbm>>
      %dma_wait3A_88 = arith.constant 0 : i32
      %dma_wait3A_89 = tpu.memref_slice %arg3[%mul3A_2, %dma_wait3A_88] : memref<128x256xi32, #tpu.memory_space<hbm>> -> memref<4x256xi32, #tpu.memory_space<hbm>>
      tpu.wait_dma2 semaphore(%run_scoped3A : memref<!tpu.dma_semaphore, #tpu.memory_space<semaphore_mem>>) src(%dma_wait3A_89 : memref<4x256xi32, #tpu.memory_space<hbm>>) dst(%arg5 : memref<4x256xi32, #tpu.memory_space<vmem>>)
      tpu.yield
    }) : () -> ()
    %dma_start3A = arith.constant 0 : i32
    %dma_start3A_3 = arith.constant 0 : i32
    %dma_start3A_4 = tpu.memref_slice %arg5[%dma_start3A, %dma_start3A_3] : memref<4x256xi32, #tpu.memory_space<vmem>> -> memref<1x256xi32, #tpu.memory_space<vmem>>
    %dma_start3A_5 = tpu.memref_squeeze %dma_start3A_4 : memref<1x256xi32, #tpu.memory_space<vmem>> -> memref<256xi32, #tpu.memory_space<vmem>>
    %dma_start3A_6 = arith.constant 0 : i32
    %dma_start3A_7 = arith.constant 0 : i32
    %dma_start3A_8 = tpu.memref_slice %arg2[%dma_start3A_6, %dma_start3A_7] : memref<2048x128xf32, #tpu.memory_space<hbm>> -> memref<2048x128xf32, #tpu.memory_space<hbm>>
    tpu.enqueue_indirect_dma source(%dma_start3A_8 : memref<2048x128xf32, #tpu.memory_space<hbm>>) target(%arg6 : memref<256x128xf32, #tpu.memory_space<vmem>>) offsets(%dma_start3A_5 : memref<256xi32, #tpu.memory_space<vmem>>) semaphore(%arg8 : memref<!tpu.dma_semaphore, #tpu.memory_space<semaphore_mem>>)
    %dma_wait3A = arith.constant 0 : i32
    %dma_wait3A_9 = arith.constant 0 : i32
    %dma_wait3A_10 = tpu.memref_slice %arg5[%dma_wait3A, %dma_wait3A_9] : memref<4x256xi32, #tpu.memory_space<vmem>> -> memref<1x256xi32, #tpu.memory_space<vmem>>
    %dma_wait3A_11 = tpu.memref_squeeze %dma_wait3A_10 : memref<1x256xi32, #tpu.memory_space<vmem>> -> memref<256xi32, #tpu.memory_space<vmem>>
    %dma_wait3A_12 = arith.constant 0 : i32
    %dma_wait3A_13 = arith.constant 0 : i32
    %dma_wait3A_14 = tpu.memref_slice %arg2[%dma_wait3A_12, %dma_wait3A_13] : memref<2048x128xf32, #tpu.memory_space<hbm>> -> memref<2048x128xf32, #tpu.memory_space<hbm>>
    tpu.wait_indirect_dma semaphore(%arg8 : memref<!tpu.dma_semaphore, #tpu.memory_space<semaphore_mem>>) src(%dma_wait3A_14 : memref<2048x128xf32, #tpu.memory_space<hbm>>) dst(%arg6 : memref<256x128xf32, #tpu.memory_space<vmem>>)
    %scan3A = arith.constant 0 : i32
    %scan3A_15 = arith.constant 0 : i32
    %scan3A_16 = arith.constant 16 : i32
    %scan3A_17 = arith.addi %scan3A_15, %scan3A_16 : i32
    %scan3A_18 = arith.constant 1 : i32
    scf.for %scan3A_82 = %scan3A_15 to %scan3A_17 step %scan3A_18  : i32 {
      %mul3A_83 = arith.constant 16 : i32
      %mul3A_84 = arith.muli %scan3A_82, %mul3A_83 : i32
      %get3A = arith.index_cast %mul3A_84 : i32 to index
      %get3A_85 = arith.constant 0 : index
      %get3A_86 = tpu.vector_load %arg6[%get3A, %get3A_85] {strides = array<i32>} : memref<256x128xf32, #tpu.memory_space<vmem>>, vector<1x16xf32>,
      %get3A_87 = vector.shape_cast %get3A_86 : vector<1x16xf32> to vector<16xf32>
      %mul3A_88 = arith.constant 16 : i32
      %mul3A_89 = arith.muli %scan3A_82, %mul3A_88 : i32
      %add3A_90 = arith.constant 1 : i32
      %add3A_91 = arith.addi %mul3A_89, %add3A_90 : i32
      %get3A_92 = arith.index_cast %add3A_91 : i32 to index
      %get3A_93 = arith.constant 0 : index
      %get3A_94 = tpu.vector_load %arg6[%get3A_92, %get3A_93] {strides = array<i32>} : memref<256x128xf32, #tpu.memory_space<vmem>>, vector<1x16xf32>,
      %get3A_95 = vector.shape_cast %get3A_94 : vector<1x16xf32> to vector<16xf32>
      %add3A_96 = arith.addf %get3A_87, %get3A_95 : vector<16xf32>
      %mul3A_97 = arith.constant 16 : i32
      %mul3A_98 = arith.muli %scan3A_82, %mul3A_97 : i32
      %add3A_99 = arith.constant 2 : i32
      %add3A_100 = arith.addi %mul3A_98, %add3A_99 : i32
      %get3A_101 = arith.index_cast %add3A_100 : i32 to index
      %get3A_102 = arith.constant 0 : index
      %get3A_103 = tpu.vector_load %arg6[%get3A_101, %get3A_102] {strides = array<i32>} : memref<256x128xf32, #tpu.memory_space<vmem>>, vector<1x16xf32>,
      %get3A_104 = vector.shape_cast %get3A_103 : vector<1x16xf32> to vector<16xf32>
      %add3A_105 = arith.addf %add3A_96, %get3A_104 : vector<16xf32>
      %mul3A_106 = arith.constant 16 : i32
      %mul3A_107 = arith.muli %scan3A_82, %mul3A_106 : i32
      %add3A_108 = arith.constant 3 : i32
      %add3A_109 = arith.addi %mul3A_107, %add3A_108 : i32
      %get3A_110 = arith.index_cast %add3A_109 : i32 to index
      %get3A_111 = arith.constant 0 : index
      %get3A_112 = tpu.vector_load %arg6[%get3A_110, %get3A_111] {strides = array<i32>} : memref<256x128xf32, #tpu.memory_space<vmem>>, vector<1x16xf32>,
      %get3A_113 = vector.shape_cast %get3A_112 : vector<1x16xf32> to vector<16xf32>
      %add3A_114 = arith.addf %add3A_105, %get3A_113 : vector<16xf32>
      %mul3A_115 = arith.constant 16 : i32
      %mul3A_116 = arith.muli %scan3A_82, %mul3A_115 : i32
      %add3A_117 = arith.constant 4 : i32
      %add3A_118 = arith.addi %mul3A_116, %add3A_117 : i32
      %get3A_119 = arith.index_cast %add3A_118 : i32 to index
      %get3A_120 = arith.constant 0 : index
      %get3A_121 = tpu.vector_load %arg6[%get3A_119, %get3A_120] {strides = array<i32>} : memref<256x128xf32, #tpu.memory_space<vmem>>, vector<1x16xf32>,
      %get3A_122 = vector.shape_cast %get3A_121 : vector<1x16xf32> to vector<16xf32>
      %add3A_123 = arith.addf %add3A_114, %get3A_122 : vector<16xf32>
      %mul3A_124 = arith.constant 16 : i32
      %mul3A_125 = arith.muli %scan3A_82, %mul3A_124 : i32
      %add3A_126 = arith.constant 5 : i32
      %add3A_127 = arith.addi %mul3A_125, %add3A_126 : i32
      %get3A_128 = arith.index_cast %add3A_127 : i32 to index
      %get3A_129 = arith.constant 0 : index
      %get3A_130 = tpu.vector_load %arg6[%get3A_128, %get3A_129] {strides = array<i32>} : memref<256x128xf32, #tpu.memory_space<vmem>>, vector<1x16xf32>,
      %get3A_131 = vector.shape_cast %get3A_130 : vector<1x16xf32> to vector<16xf32>
      %add3A_132 = arith.addf %add3A_123, %get3A_131 : vector<16xf32>
      %mul3A_133 = arith.constant 16 : i32
      %mul3A_134 = arith.muli %scan3A_82, %mul3A_133 : i32
      %add3A_135 = arith.constant 6 : i32
      %add3A_136 = arith.addi %mul3A_134, %add3A_135 : i32
      %get3A_137 = arith.index_cast %add3A_136 : i32 to index
      %get3A_138 = arith.constant 0 : index
      %get3A_139 = tpu.vector_load %arg6[%get3A_137, %get3A_138] {strides = array<i32>} : memref<256x128xf32, #tpu.memory_space<vmem>>, vector<1x16xf32>,
      %get3A_140 = vector.shape_cast %get3A_139 : vector<1x16xf32> to vector<16xf32>
      %add3A_141 = arith.addf %add3A_132, %get3A_140 : vector<16xf32>
      %mul3A_142 = arith.constant 16 : i32
      %mul3A_143 = arith.muli %scan3A_82, %mul3A_142 : i32
      %add3A_144 = arith.constant 7 : i32
      %add3A_145 = arith.addi %mul3A_143, %add3A_144 : i32
      %get3A_146 = arith.index_cast %add3A_145 : i32 to index
      %get3A_147 = arith.constant 0 : index
      %get3A_148 = tpu.vector_load %arg6[%get3A_146, %get3A_147] {strides = array<i32>} : memref<256x128xf32, #tpu.memory_space<vmem>>, vector<1x16xf32>,
      %get3A_149 = vector.shape_cast %get3A_148 : vector<1x16xf32> to vector<16xf32>
      %add3A_150 = arith.addf %add3A_141, %get3A_149 : vector<16xf32>
      %mul3A_151 = arith.constant 16 : i32
      %mul3A_152 = arith.muli %scan3A_82, %mul3A_151 : i32
      %add3A_153 = arith.constant 8 : i32
      %add3A_154 = arith.addi %mul3A_152, %add3A_153 : i32
      %get3A_155 = arith.index_cast %add3A_154 : i32 to index
      %get3A_156 = arith.constant 0 : index
      %get3A_157 = tpu.vector_load %arg6[%get3A_155, %get3A_156] {strides = array<i32>} : memref<256x128xf32, #tpu.memory_space<vmem>>, vector<1x16xf32>,
      %get3A_158 = vector.shape_cast %get3A_157 : vector<1x16xf32> to vector<16xf32>
      %add3A_159 = arith.addf %add3A_150, %get3A_158 : vector<16xf32>
      %mul3A_160 = arith.constant 16 : i32
      %mul3A_161 = arith.muli %scan3A_82, %mul3A_160 : i32
      %add3A_162 = arith.constant 9 : i32
      %add3A_163 = arith.addi %mul3A_161, %add3A_162 : i32
      %get3A_164 = arith.index_cast %add3A_163 : i32 to index
      %get3A_165 = arith.constant 0 : index
      %get3A_166 = tpu.vector_load %arg6[%get3A_164, %get3A_165] {strides = array<i32>} : memref<256x128xf32, #tpu.memory_space<vmem>>, vector<1x16xf32>,
      %get3A_167 = vector.shape_cast %get3A_166 : vector<1x16xf32> to vector<16xf32>
      %add3A_168 = arith.addf %add3A_159, %get3A_167 : vector<16xf32>
      %mul3A_169 = arith.constant 16 : i32
      %mul3A_170 = arith.muli %scan3A_82, %mul3A_169 : i32
      %add3A_171 = arith.constant 10 : i32
      %add3A_172 = arith.addi %mul3A_170, %add3A_171 : i32
      %get3A_173 = arith.index_cast %add3A_172 : i32 to index
      %get3A_174 = arith.constant 0 : index
      %get3A_175 = tpu.vector_load %arg6[%get3A_173, %get3A_174] {strides = array<i32>} : memref<256x128xf32, #tpu.memory_space<vmem>>, vector<1x16xf32>,
      %get3A_176 = vector.shape_cast %get3A_175 : vector<1x16xf32> to vector<16xf32>
      %add3A_177 = arith.addf %add3A_168, %get3A_176 : vector<16xf32>
      %mul3A_178 = arith.constant 16 : i32
      %mul3A_179 = arith.muli %scan3A_82, %mul3A_178 : i32
      %add3A_180 = arith.constant 11 : i32
      %add3A_181 = arith.addi %mul3A_179, %add3A_180 : i32
      %get3A_182 = arith.index_cast %add3A_181 : i32 to index
      %get3A_183 = arith.constant 0 : index
      %get3A_184 = tpu.vector_load %arg6[%get3A_182, %get3A_183] {strides = array<i32>} : memref<256x128xf32, #tpu.memory_space<vmem>>, vector<1x16xf32>,
      %get3A_185 = vector.shape_cast %get3A_184 : vector<1x16xf32> to vector<16xf32>
      %add3A_186 = arith.addf %add3A_177, %get3A_185 : vector<16xf32>
      %mul3A_187 = arith.constant 16 : i32
      %mul3A_188 = arith.muli %scan3A_82, %mul3A_187 : i32
      %add3A_189 = arith.constant 12 : i32
      %add3A_190 = arith.addi %mul3A_188, %add3A_189 : i32
      %get3A_191 = arith.index_cast %add3A_190 : i32 to index
      %get3A_192 = arith.constant 0 : index
      %get3A_193 = tpu.vector_load %arg6[%get3A_191, %get3A_192] {strides = array<i32>} : memref<256x128xf32, #tpu.memory_space<vmem>>, vector<1x16xf32>,
      %get3A_194 = vector.shape_cast %get3A_193 : vector<1x16xf32> to vector<16xf32>
      %add3A_195 = arith.addf %add3A_186, %get3A_194 : vector<16xf32>
      %mul3A_196 = arith.constant 16 : i32
      %mul3A_197 = arith.muli %scan3A_82, %mul3A_196 : i32
      %add3A_198 = arith.constant 13 : i32
      %add3A_199 = arith.addi %mul3A_197, %add3A_198 : i32
      %get3A_200 = arith.index_cast %add3A_199 : i32 to index
      %get3A_201 = arith.constant 0 : index
      %get3A_202 = tpu.vector_load %arg6[%get3A_200, %get3A_201] {strides = array<i32>} : memref<256x128xf32, #tpu.memory_space<vmem>>, vector<1x16xf32>,
      %get3A_203 = vector.shape_cast %get3A_202 : vector<1x16xf32> to vector<16xf32>
      %add3A_204 = arith.addf %add3A_195, %get3A_203 : vector<16xf32>
      %mul3A_205 = arith.constant 16 : i32
      %mul3A_206 = arith.muli %scan3A_82, %mul3A_205 : i32
      %add3A_207 = arith.constant 14 : i32
      %add3A_208 = arith.addi %mul3A_206, %add3A_207 : i32
      %get3A_209 = arith.index_cast %add3A_208 : i32 to index
      %get3A_210 = arith.constant 0 : index
      %get3A_211 = tpu.vector_load %arg6[%get3A_209, %get3A_210] {strides = array<i32>} : memref<256x128xf32, #tpu.memory_space<vmem>>, vector<1x16xf32>,
      %get3A_212 = vector.shape_cast %get3A_211 : vector<1x16xf32> to vector<16xf32>
      %add3A_213 = arith.addf %add3A_204, %get3A_212 : vector<16xf32>
      %mul3A_214 = arith.constant 16 : i32
      %mul3A_215 = arith.muli %scan3A_82, %mul3A_214 : i32
      %add3A_216 = arith.constant 15 : i32
      %add3A_217 = arith.addi %mul3A_215, %add3A_216 : i32
      %get3A_218 = arith.index_cast %add3A_217 : i32 to index
      %get3A_219 = arith.constant 0 : index
      %get3A_220 = tpu.vector_load %arg6[%get3A_218, %get3A_219] {strides = array<i32>} : memref<256x128xf32, #tpu.memory_space<vmem>>, vector<1x16xf32>,
      %get3A_221 = vector.shape_cast %get3A_220 : vector<1x16xf32> to vector<16xf32>
      %add3A_222 = arith.addf %add3A_213, %get3A_221 : vector<16xf32>
      %add3A_223 = arith.constant 0 : i32
      %add3A_224 = arith.addi %add3A_223, %scan3A_82 : i32
      %swap3A = arith.index_cast %add3A_224 : i32 to index
      %swap3A_225 = arith.constant 0 : index
      %swap3A_226 = tpu.vector_load %arg7[%swap3A, %swap3A_225] {strides = array<i32>} : memref<64x128xf32, #tpu.memory_space<vmem>>, vector<1x16xf32>,
      %swap3A_227 = vector.shape_cast %swap3A_226 : vector<1x16xf32> to vector<16xf32>
      %swap3A_228 = vector.shape_cast %add3A_222 : vector<16xf32> to vector<1x16xf32>
      tpu.vector_store %arg7[%swap3A, %swap3A_225], %swap3A_228 {strides = array<i32>} : memref<64x128xf32, #tpu.memory_space<vmem>>, vector<1x16xf32>,
      %mul3A_229 = arith.constant 16 : i32
      %mul3A_230 = arith.muli %scan3A_82, %mul3A_229 : i32
      %get3A_231 = arith.index_cast %mul3A_230 : i32 to index
      %get3A_232 = arith.constant 16 : index
      %get3A_233 = tpu.vector_load %arg6[%get3A_231, %get3A_232] {strides = array<i32>} : memref<256x128xf32, #tpu.memory_space<vmem>>, vector<1x16xf32>,
      %get3A_234 = vector.shape_cast %get3A_233 : vector<1x16xf32> to vector<16xf32>
      %mul3A_235 = arith.constant 16 : i32
      %mul3A_236 = arith.muli %scan3A_82, %mul3A_235 : i32
      %add3A_237 = arith.constant 1 : i32
      %add3A_238 = arith.addi %mul3A_236, %add3A_237 : i32
      %get3A_239 = arith.index_cast %add3A_238 : i32 to index
      %get3A_240 = arith.constant 16 : index
      %get3A_241 = tpu.vector_load %arg6[%get3A_239, %get3A_240] {strides = array<i32>} : memref<256x128xf32, #tpu.memory_space<vmem>>, vector<1x16xf32>,
      %get3A_242 = vector.shape_cast %get3A_241 : vector<1x16xf32> to vector<16xf32>
      %add3A_243 = arith.addf %get3A_234, %get3A_242 : vector<16xf32>
      %mul3A_244 = arith.constant 16 : i32
      %mul3A_245 = arith.muli %scan3A_82, %mul3A_244 : i32
      %add3A_246 = arith.constant 2 : i32
      %add3A_247 = arith.addi %mul3A_245, %add3A_246 : i32
      %get3A_248 = arith.index_cast %add3A_247 : i32 to index
      %get3A_249 = arith.constant 16 : index
      %get3A_250 = tpu.vector_load %arg6[%get3A_248, %get3A_249] {strides = array<i32>} : memref<256x128xf32, #tpu.memory_space<vmem>>, vector<1x16xf32>,
      %get3A_251 = vector.shape_cast %get3A_250 : vector<1x16xf32> to vector<16xf32>
      %add3A_252 = arith.addf %add3A_243, %get3A_251 : vector<16xf32>
      %mul3A_253 = arith.constant 16 : i32
      %mul3A_254 = arith.muli %scan3A_82, %mul3A_253 : i32
      %add3A_255 = arith.constant 3 : i32
      %add3A_256 = arith.addi %mul3A_254, %add3A_255 : i32
      %get3A_257 = arith.index_cast %add3A_256 : i32 to index
      %get3A_258 = arith.constant 16 : index
      %get3A_259 = tpu.vector_load %arg6[%get3A_257, %get3A_258] {strides = array<i32>} : memref<256x128xf32, #tpu.memory_space<vmem>>, vector<1x16xf32>,
      %get3A_260 = vector.shape_cast %get3A_259 : vector<1x16xf32> to vector<16xf32>
      %add3A_261 = arith.addf %add3A_252, %get3A_260 : vector<16xf32>
      %mul3A_262 = arith.constant 16 : i32
      %mul3A_263 = arith.muli %scan3A_82, %mul3A_262 : i32
      %add3A_264 = arith.constant 4 : i32
      %add3A_265 = arith.addi %mul3A_263, %add3A_264 : i32
      %get3A_266 = arith.index_cast %add3A_265 : i32 to index
      %get3A_267 = arith.constant 16 : index
      %get3A_268 = tpu.vector_load %arg6[%get3A_266, %get3A_267] {strides = array<i32>} : memref<256x128xf32, #tpu.memory_space<vmem>>, vector<1x16xf32>,
      %get3A_269 = vector.shape_cast %get3A_268 : vector<1x16xf32> to vector<16xf32>
      %add3A_270 = arith.addf %add3A_261, %get3A_269 : vector<16xf32>
      %mul3A_271 = arith.constant 16 : i32
      %mul3A_272 = arith.muli %scan3A_82, %mul3A_271 : i32
      %add3A_273 = arith.constant 5 : i32
      %add3A_274 = arith.addi %mul3A_272, %add3A_273 : i32
      %get3A_275 = arith.index_cast %add3A_274 : i32 to index
      %get3A_276 = arith.constant 16 : index
      %get3A_277 = tpu.vector_load %arg6[%get3A_275, %get3A_276] {strides = array<i32>} : memref<256x128xf32, #tpu.memory_space<vmem>>, vector<1x16xf32>,
      %get3A_278 = vector.shape_cast %get3A_277 : vector<1x16xf32> to vector<16xf32>
      %add3A_279 = arith.addf %add3A_270, %get3A_278 : vector<16xf32>
      %mul3A_280 = arith.constant 16 : i32
      %mul3A_281 = arith.muli %scan3A_82, %mul3A_280 : i32
      %add3A_282 = arith.constant 6 : i32
      %add3A_283 = arith.addi %mul3A_281, %add3A_282 : i32
      %get3A_284 = arith.index_cast %add3A_283 : i32 to index
      %get3A_285 = arith.constant 16 : index
      %get3A_286 = tpu.vector_load %arg6[%get3A_284, %get3A_285] {strides = array<i32>} : memref<256x128xf32, #tpu.memory_space<vmem>>, vector<1x16xf32>,
      %get3A_287 = vector.shape_cast %get3A_286 : vector<1x16xf32> to vector<16xf32>
      %add3A_288 = arith.addf %add3A_279, %get3A_287 : vector<16xf32>
      %mul3A_289 = arith.constant 16 : i32
      %mul3A_290 = arith.muli %scan3A_82, %mul3A_289 : i32
      %add3A_291 = arith.constant 7 : i32
      %add3A_292 = arith.addi %mul3A_290, %add3A_291 : i32
      %get3A_293 = arith.index_cast %add3A_292 : i32 to index
      %get3A_294 = arith.constant 16 : index
      %get3A_295 = tpu.vector_load %arg6[%get3A_293, %get3A_294] {strides = array<i32>} : memref<256x128xf32, #tpu.memory_space<vmem>>, vector<1x16xf32>,
      %get3A_296 = vector.shape_cast %get3A_295 : vector<1x16xf32> to vector<16xf32>
      %add3A_297 = arith.addf %add3A_288, %get3A_296 : vector<16xf32>
      %mul3A_298 = arith.constant 16 : i32
      %mul3A_299 = arith.muli %scan3A_82, %mul3A_298 : i32
      %add3A_300 = arith.constant 8 : i32
      %add3A_301 = arith.addi %mul3A_299, %add3A_300 : i32
      %get3A_302 = arith.index_cast %add3A_301 : i32 to index
      %get3A_303 = arith.constant 16 : index
      %get3A_304 = tpu.vector_load %arg6[%get3A_302, %get3A_303] {strides = array<i32>} : memref<256x128xf32, #tpu.memory_space<vmem>>, vector<1x16xf32>,
      %get3A_305 = vector.shape_cast %get3A_304 : vector<1x16xf32> to vector<16xf32>
      %add3A_306 = arith.addf %add3A_297, %get3A_305 : vector<16xf32>
      %mul3A_307 = arith.constant 16 : i32
      %mul3A_308 = arith.muli %scan3A_82, %mul3A_307 : i32
      %add3A_309 = arith.constant 9 : i32
      %add3A_310 = arith.addi %mul3A_308, %add3A_309 : i32
      %get3A_311 = arith.index_cast %add3A_310 : i32 to index
      %get3A_312 = arith.constant 16 : index
      %get3A_313 = tpu.vector_load %arg6[%get3A_311, %get3A_312] {strides = array<i32>} : memref<256x128xf32, #tpu.memory_space<vmem>>, vector<1x16xf32>,
      %get3A_314 = vector.shape_cast %get3A_313 : vector<1x16xf32> to vector<16xf32>
      %add3A_315 = arith.addf %add3A_306, %get3A_314 : vector<16xf32>
      %mul3A_316 = arith.constant 16 : i32
      %mul3A_317 = arith.muli %scan3A_82, %mul3A_316 : i32
      %add3A_318 = arith.constant 10 : i32
      %add3A_319 = arith.addi %mul3A_317, %add3A_318 : i32
      %get3A_320 = arith.index_cast %add3A_319 : i32 to index
      %get3A_321 = arith.constant 16 : index
      %get3A_322 = tpu.vector_load %arg6[%get3A_320, %get3A_321] {strides = array<i32>} : memref<256x128xf32, #tpu.memory_space<vmem>>, vector<1x16xf32>,
      %get3A_323 = vector.shape_cast %get3A_322 : vector<1x16xf32> to vector<16xf32>
      %add3A_324 = arith.addf %add3A_315, %get3A_323 : vector<16xf32>
      %mul3A_325 = arith.constant 16 : i32
      %mul3A_326 = arith.muli %scan3A_82, %mul3A_325 : i32
      %add3A_327 = arith.constant 11 : i32
      %add3A_328 = arith.addi %mul3A_326, %add3A_327 : i32
      %get3A_329 = arith.index_cast %add3A_328 : i32 to index
      %get3A_330 = arith.constant 16 : index
      %get3A_331 = tpu.vector_load %arg6[%get3A_329, %get3A_330] {strides = array<i32>} : memref<256x128xf32, #tpu.memory_space<vmem>>, vector<1x16xf32>,
      %get3A_332 = vector.shape_cast %get3A_331 : vector<1x16xf32> to vector<16xf32>
      %add3A_333 = arith.addf %add3A_324, %get3A_332 : vector<16xf32>
      %mul3A_334 = arith.constant 16 : i32
      %mul3A_335 = arith.muli %scan3A_82, %mul3A_334 : i32
      %add3A_336 = arith.constant 12 : i32
      %add3A_337 = arith.addi %mul3A_335, %add3A_336 : i32
      %get3A_338 = arith.index_cast %add3A_337 : i32 to index
      %get3A_339 = arith.constant 16 : index
      %get3A_340 = tpu.vector_load %arg6[%get3A_338, %get3A_339] {strides = array<i32>} : memref<256x128xf32, #tpu.memory_space<vmem>>, vector<1x16xf32>,
      %get3A_341 = vector.shape_cast %get3A_340 : vector<1x16xf32> to vector<16xf32>
      %add3A_342 = arith.addf %add3A_333, %get3A_341 : vector<16xf32>
      %mul3A_343 = arith.constant 16 : i32
      %mul3A_344 = arith.muli %scan3A_82, %mul3A_343 : i32
      %add3A_345 = arith.constant 13 : i32
      %add3A_346 = arith.addi %mul3A_344, %add3A_345 : i32
      %get3A_347 = arith.index_cast %add3A_346 : i32 to index
      %get3A_348 = arith.constant 16 : index
      %get3A_349 = tpu.vector_load %arg6[%get3A_347, %get3A_348] {strides = array<i32>} : memref<256x128xf32, #tpu.memory_space<vmem>>, vector<1x16xf32>,
      %get3A_350 = vector.shape_cast %get3A_349 : vector<1x16xf32> to vector<16xf32>
      %add3A_351 = arith.addf %add3A_342, %get3A_350 : vector<16xf32>
      %mul3A_352 = arith.constant 16 : i32
      %mul3A_353 = arith.muli %scan3A_82, %mul3A_352 : i32
      %add3A_354 = arith.constant 14 : i32
      %add3A_355 = arith.addi %mul3A_353, %add3A_354 : i32
      %get3A_356 = arith.index_cast %add3A_355 : i32 to index
      %get3A_357 = arith.constant 16 : index
      %get3A_358 = tpu.vector_load %arg6[%get3A_356, %get3A_357] {strides = array<i32>} : memref<256x128xf32, #tpu.memory_space<vmem>>, vector<1x16xf32>,
      %get3A_359 = vector.shape_cast %get3A_358 : vector<1x16xf32> to vector<16xf32>
      %add3A_360 = arith.addf %add3A_351, %get3A_359 : vector<16xf32>
      %mul3A_361 = arith.constant 16 : i32
      %mul3A_362 = arith.muli %scan3A_82, %mul3A_361 : i32
      %add3A_363 = arith.constant 15 : i32
      %add3A_364 = arith.addi %mul3A_362, %add3A_363 : i32
      %get3A_365 = arith.index_cast %add3A_364 : i32 to index
      %get3A_366 = arith.constant 16 : index
      %get3A_367 = tpu.vector_load %arg6[%get3A_365, %get3A_366] {strides = array<i32>} : memref<256x128xf32, #tpu.memory_space<vmem>>, vector<1x16xf32>,
      %get3A_368 = vector.shape_cast %get3A_367 : vector<1x16xf32> to vector<16xf32>
      %add3A_369 = arith.addf %add3A_360, %get3A_368 : vector<16xf32>
      %add3A_370 = arith.constant 0 : i32
      %add3A_371 = arith.addi %add3A_370, %scan3A_82 : i32
      %swap3A_372 = arith.index_cast %add3A_371 : i32 to index
      %swap3A_373 = arith.constant 16 : index
      %swap3A_374 = tpu.vector_load %arg7[%swap3A_372, %swap3A_373] {strides = array<i32>} : memref<64x128xf32, #tpu.memory_space<vmem>>, vector<1x16xf32>,
      %swap3A_375 = vector.shape_cast %swap3A_374 : vector<1x16xf32> to vector<16xf32>
      %swap3A_376 = vector.shape_cast %add3A_369 : vector<16xf32> to vector<1x16xf32>
      tpu.vector_store %arg7[%swap3A_372, %swap3A_373], %swap3A_376 {strides = array<i32>} : memref<64x128xf32, #tpu.memory_space<vmem>>, vector<1x16xf32>,
      %mul3A_377 = arith.constant 16 : i32
      %mul3A_378 = arith.muli %scan3A_82, %mul3A_377 : i32
      %get3A_379 = arith.index_cast %mul3A_378 : i32 to index
      %get3A_380 = arith.constant 32 : index
      %get3A_381 = tpu.vector_load %arg6[%get3A_379, %get3A_380] {strides = array<i32>} : memref<256x128xf32, #tpu.memory_space<vmem>>, vector<1x16xf32>,
      %get3A_382 = vector.shape_cast %get3A_381 : vector<1x16xf32> to vector<16xf32>
      %mul3A_383 = arith.constant 16 : i32
      %mul3A_384 = arith.muli %scan3A_82, %mul3A_383 : i32
      %add3A_385 = arith.constant 1 : i32
      %add3A_386 = arith.addi %mul3A_384, %add3A_385 : i32
      %get3A_387 = arith.index_cast %add3A_386 : i32 to index
      %get3A_388 = arith.constant 32 : index
      %get3A_389 = tpu.vector_load %arg6[%get3A_387, %get3A_388] {strides = array<i32>} : memref<256x128xf32, #tpu.memory_space<vmem>>, vector<1x16xf32>,
      %get3A_390 = vector.shape_cast %get3A_389 : vector<1x16xf32> to vector<16xf32>
      %add3A_391 = arith.addf %get3A_382, %get3A_390 : vector<16xf32>
      %mul3A_392 = arith.constant 16 : i32
      %mul3A_393 = arith.muli %scan3A_82, %mul3A_392 : i32
      %add3A_394 = arith.constant 2 : i32
      %add3A_395 = arith.addi %mul3A_393, %add3A_394 : i32
      %get3A_396 = arith.index_cast %add3A_395 : i32 to index
      %get3A_397 = arith.constant 32 : index
      %get3A_398 = tpu.vector_load %arg6[%get3A_396, %get3A_397] {strides = array<i32>} : memref<256x128xf32, #tpu.memory_space<vmem>>, vector<1x16xf32>,
      %get3A_399 = vector.shape_cast %get3A_398 : vector<1x16xf32> to vector<16xf32>
      %add3A_400 = arith.addf %add3A_391, %get3A_399 : vector<16xf32>
      %mul3A_401 = arith.constant 16 : i32
      %mul3A_402 = arith.muli %scan3A_82, %mul3A_401 : i32
      %add3A_403 = arith.constant 3 : i32
      %add3A_404 = arith.addi %mul3A_402, %add3A_403 : i32
      %get3A_405 = arith.index_cast %add3A_404 : i32 to index
      %get3A_406 = arith.constant 32 : index
      %get3A_407 = tpu.vector_load %arg6[%get3A_405, %get3A_406] {strides = array<i32>} : memref<256x128xf32, #tpu.memory_space<vmem>>, vector<1x16xf32>,
      %get3A_408 = vector.shape_cast %get3A_407 : vector<1x16xf32> to vector<16xf32>
      %add3A_409 = arith.addf %add3A_400, %get3A_408 : vector<16xf32>
      %mul3A_410 = arith.constant 16 : i32
      %mul3A_411 = arith.muli %scan3A_82, %mul3A_410 : i32
      %add3A_412 = arith.constant 4 : i32
      %add3A_413 = arith.addi %mul3A_411, %add3A_412 : i32
      %get3A_414 = arith.index_cast %add3A_413 : i32 to index
      %get3A_415 = arith.constant 32 : index
      %get3A_416 = tpu.vector_load %arg6[%get3A_414, %get3A_415] {strides = array<i32>} : memref<256x128xf32, #tpu.memory_space<vmem>>, vector<1x16xf32>,
      %get3A_417 = vector.shape_cast %get3A_416 : vector<1x16xf32> to vector<16xf32>
      %add3A_418 = arith.addf %add3A_409, %get3A_417 : vector<16xf32>
      %mul3A_419 = arith.constant 16 : i32
      %mul3A_420 = arith.muli %scan3A_82, %mul3A_419 : i32
      %add3A_421 = arith.constant 5 : i32
      %add3A_422 = arith.addi %mul3A_420, %add3A_421 : i32
      %get3A_423 = arith.index_cast %add3A_422 : i32 to index
      %get3A_424 = arith.constant 32 : index
      %get3A_425 = tpu.vector_load %arg6[%get3A_423, %get3A_424] {strides = array<i32>} : memref<256x128xf32, #tpu.memory_space<vmem>>, vector<1x16xf32>,
      %get3A_426 = vector.shape_cast %get3A_425 : vector<1x16xf32> to vector<16xf32>
      %add3A_427 = arith.addf %add3A_418, %get3A_426 : vector<16xf32>
      %mul3A_428 = arith.constant 16 : i32
      %mul3A_429 = arith.muli %scan3A_82, %mul3A_428 : i32
      %add3A_430 = arith.constant 6 : i32
      %add3A_431 = arith.addi %mul3A_429, %add3A_430 : i32
      %get3A_432 = arith.index_cast %add3A_431 : i32 to index
      %get3A_433 = arith.constant 32 : index
      %get3A_434 = tpu.vector_load %arg6[%get3A_432, %get3A_433] {strides = array<i32>} : memref<256x128xf32, #tpu.memory_space<vmem>>, vector<1x16xf32>,
      %get3A_435 = vector.shape_cast %get3A_434 : vector<1x16xf32> to vector<16xf32>
      %add3A_436 = arith.addf %add3A_427, %get3A_435 : vector<16xf32>
      %mul3A_437 = arith.constant 16 : i32
      %mul3A_438 = arith.muli %scan3A_82, %mul3A_437 : i32
      %add3A_439 = arith.constant 7 : i32
      %add3A_440 = arith.addi %mul3A_438, %add3A_439 : i32
      %get3A_441 = arith.index_cast %add3A_440 : i32 to index
      %get3A_442 = arith.constant 32 : index
      %get3A_443 = tpu.vector_load %arg6[%get3A_441, %get3A_442] {strides = array<i32>} : memref<256x128xf32, #tpu.memory_space<vmem>>, vector<1x16xf32>,
      %get3A_444 = vector.shape_cast %get3A_443 : vector<1x16xf32> to vector<16xf32>
      %add3A_445 = arith.addf %add3A_436, %get3A_444 : vector<16xf32>
      %mul3A_446 = arith.constant 16 : i32
      %mul3A_447 = arith.muli %scan3A_82, %mul3A_446 : i32
      %add3A_448 = arith.constant 8 : i32
      %add3A_449 = arith.addi %mul3A_447, %add3A_448 : i32
      %get3A_450 = arith.index_cast %add3A_449 : i32 to index
      %get3A_451 = arith.constant 32 : index
      %get3A_452 = tpu.vector_load %arg6[%get3A_450, %get3A_451] {strides = array<i32>} : memref<256x128xf32, #tpu.memory_space<vmem>>, vector<1x16xf32>,
      %get3A_453 = vector.shape_cast %get3A_452 : vector<1x16xf32> to vector<16xf32>
      %add3A_454 = arith.addf %add3A_445, %get3A_453 : vector<16xf32>
      %mul3A_455 = arith.constant 16 : i32
      %mul3A_456 = arith.muli %scan3A_82, %mul3A_455 : i32
      %add3A_457 = arith.constant 9 : i32
      %add3A_458 = arith.addi %mul3A_456, %add3A_457 : i32
      %get3A_459 = arith.index_cast %add3A_458 : i32 to index
      %get3A_460 = arith.constant 32 : index
      %get3A_461 = tpu.vector_load %arg6[%get3A_459, %get3A_460] {strides = array<i32>} : memref<256x128xf32, #tpu.memory_space<vmem>>, vector<1x16xf32>,
      %get3A_462 = vector.shape_cast %get3A_461 : vector<1x16xf32> to vector<16xf32>
      %add3A_463 = arith.addf %add3A_454, %get3A_462 : vector<16xf32>
      %mul3A_464 = arith.constant 16 : i32
      %mul3A_465 = arith.muli %scan3A_82, %mul3A_464 : i32
      %add3A_466 = arith.constant 10 : i32
      %add3A_467 = arith.addi %mul3A_465, %add3A_466 : i32
      %get3A_468 = arith.index_cast %add3A_467 : i32 to index
      %get3A_469 = arith.constant 32 : index
      %get3A_470 = tpu.vector_load %arg6[%get3A_468, %get3A_469] {strides = array<i32>} : memref<256x128xf32, #tpu.memory_space<vmem>>, vector<1x16xf32>,
      %get3A_471 = vector.shape_cast %get3A_470 : vector<1x16xf32> to vector<16xf32>
      %add3A_472 = arith.addf %add3A_463, %get3A_471 : vector<16xf32>
      %mul3A_473 = arith.constant 16 : i32
      %mul3A_474 = arith.muli %scan3A_82, %mul3A_473 : i32
      %add3A_475 = arith.constant 11 : i32
      %add3A_476 = arith.addi %mul3A_474, %add3A_475 : i32
      %get3A_477 = arith.index_cast %add3A_476 : i32 to index
      %get3A_478 = arith.constant 32 : index
      %get3A_479 = tpu.vector_load %arg6[%get3A_477, %get3A_478] {strides = array<i32>} : memref<256x128xf32, #tpu.memory_space<vmem>>, vector<1x16xf32>,
      %get3A_480 = vector.shape_cast %get3A_479 : vector<1x16xf32> to vector<16xf32>
      %add3A_481 = arith.addf %add3A_472, %get3A_480 : vector<16xf32>
      %mul3A_482 = arith.constant 16 : i32
      %mul3A_483 = arith.muli %scan3A_82, %mul3A_482 : i32
      %add3A_484 = arith.constant 12 : i32
      %add3A_485 = arith.addi %mul3A_483, %add3A_484 : i32
      %get3A_486 = arith.index_cast %add3A_485 : i32 to index
      %get3A_487 = arith.constant 32 : index
      %get3A_488 = tpu.vector_load %arg6[%get3A_486, %get3A_487] {strides = array<i32>} : memref<256x128xf32, #tpu.memory_space<vmem>>, vector<1x16xf32>,
      %get3A_489 = vector.shape_cast %get3A_488 : vector<1x16xf32> to vector<16xf32>
      %add3A_490 = arith.addf %add3A_481, %get3A_489 : vector<16xf32>
      %mul3A_491 = arith.constant 16 : i32
      %mul3A_492 = arith.muli %scan3A_82, %mul3A_491 : i32
      %add3A_493 = arith.constant 13 : i32
      %add3A_494 = arith.addi %mul3A_492, %add3A_493 : i32
      %get3A_495 = arith.index_cast %add3A_494 : i32 to index
      %get3A_496 = arith.constant 32 : index
      %get3A_497 = tpu.vector_load %arg6[%get3A_495, %get3A_496] {strides = array<i32>} : memref<256x128xf32, #tpu.memory_space<vmem>>, vector<1x16xf32>,
      %get3A_498 = vector.shape_cast %get3A_497 : vector<1x16xf32> to vector<16xf32>
      %add3A_499 = arith.addf %add3A_490, %get3A_498 : vector<16xf32>
      %mul3A_500 = arith.constant 16 : i32
      %mul3A_501 = arith.muli %scan3A_82, %mul3A_500 : i32
      %add3A_502 = arith.constant 14 : i32
      %add3A_503 = arith.addi %mul3A_501, %add3A_502 : i32
      %get3A_504 = arith.index_cast %add3A_503 : i32 to index
      %get3A_505 = arith.constant 32 : index
      %get3A_506 = tpu.vector_load %arg6[%get3A_504, %get3A_505] {strides = array<i32>} : memref<256x128xf32, #tpu.memory_space<vmem>>, vector<1x16xf32>,
      %get3A_507 = vector.shape_cast %get3A_506 : vector<1x16xf32> to vector<16xf32>
      %add3A_508 = arith.addf %add3A_499, %get3A_507 : vector<16xf32>
      %mul3A_509 = arith.constant 16 : i32
      %mul3A_510 = arith.muli %scan3A_82, %mul3A_509 : i32
      %add3A_511 = arith.constant 15 : i32
      %add3A_512 = arith.addi %mul3A_510, %add3A_511 : i32
      %get3A_513 = arith.index_cast %add3A_512 : i32 to index
      %get3A_514 = arith.constant 32 : index
      %get3A_515 = tpu.vector_load %arg6[%get3A_513, %get3A_514] {strides = array<i32>} : memref<256x128xf32, #tpu.memory_space<vmem>>, vector<1x16xf32>,
      %get3A_516 = vector.shape_cast %get3A_515 : vector<1x16xf32> to vector<16xf32>
      %add3A_517 = arith.addf %add3A_508, %get3A_516 : vector<16xf32>
      %add3A_518 = arith.constant 0 : i32
      %add3A_519 = arith.addi %add3A_518, %scan3A_82 : i32
      %swap3A_520 = arith.index_cast %add3A_519 : i32 to index
      %swap3A_521 = arith.constant 32 : index
      %swap3A_522 = tpu.vector_load %arg7[%swap3A_520, %swap3A_521] {strides = array<i32>} : memref<64x128xf32, #tpu.memory_space<vmem>>, vector<1x16xf32>,
      %swap3A_523 = vector.shape_cast %swap3A_522 : vector<1x16xf32> to vector<16xf32>
      %swap3A_524 = vector.shape_cast %add3A_517 : vector<16xf32> to vector<1x16xf32>
      tpu.vector_store %arg7[%swap3A_520, %swap3A_521], %swap3A_524 {strides = array<i32>} : memref<64x128xf32, #tpu.memory_space<vmem>>, vector<1x16xf32>,
      %mul3A_525 = arith.constant 16 : i32
      %mul3A_526 = arith.muli %scan3A_82, %mul3A_525 : i32
      %get3A_527 = arith.index_cast %mul3A_526 : i32 to index
      %get3A_528 = arith.constant 48 : index
      %get3A_529 = tpu.vector_load %arg6[%get3A_527, %get3A_528] {strides = array<i32>} : memref<256x128xf32, #tpu.memory_space<vmem>>, vector<1x16xf32>,
      %get3A_530 = vector.shape_cast %get3A_529 : vector<1x16xf32> to vector<16xf32>
      %mul3A_531 = arith.constant 16 : i32
      %mul3A_532 = arith.muli %scan3A_82, %mul3A_531 : i32
      %add3A_533 = arith.constant 1 : i32
      %add3A_534 = arith.addi %mul3A_532, %add3A_533 : i32
      %get3A_535 = arith.index_cast %add3A_534 : i32 to index
      %get3A_536 = arith.constant 48 : index
      %get3A_537 = tpu.vector_load %arg6[%get3A_535, %get3A_536] {strides = array<i32>} : memref<256x128xf32, #tpu.memory_space<vmem>>, vector<1x16xf32>,
      %get3A_538 = vector.shape_cast %get3A_537 : vector<1x16xf32> to vector<16xf32>
      %add3A_539 = arith.addf %get3A_530, %get3A_538 : vector<16xf32>
      %mul3A_540 = arith.constant 16 : i32
      %mul3A_541 = arith.muli %scan3A_82, %mul3A_540 : i32
      %add3A_542 = arith.constant 2 : i32
      %add3A_543 = arith.addi %mul3A_541, %add3A_542 : i32
      %get3A_544 = arith.index_cast %add3A_543 : i32 to index
      %get3A_545 = arith.constant 48 : index
      %get3A_546 = tpu.vector_load %arg6[%get3A_544, %get3A_545] {strides = array<i32>} : memref<256x128xf32, #tpu.memory_space<vmem>>, vector<1x16xf32>,
      %get3A_547 = vector.shape_cast %get3A_546 : vector<1x16xf32> to vector<16xf32>
      %add3A_548 = arith.addf %add3A_539, %get3A_547 : vector<16xf32>
      %mul3A_549 = arith.constant 16 : i32
      %mul3A_550 = arith.muli %scan3A_82, %mul3A_549 : i32
      %add3A_551 = arith.constant 3 : i32
      %add3A_552 = arith.addi %mul3A_550, %add3A_551 : i32
      %get3A_553 = arith.index_cast %add3A_552 : i32 to index
      %get3A_554 = arith.constant 48 : index
      %get3A_555 = tpu.vector_load %arg6[%get3A_553, %get3A_554] {strides = array<i32>} : memref<256x128xf32, #tpu.memory_space<vmem>>, vector<1x16xf32>,
      %get3A_556 = vector.shape_cast %get3A_555 : vector<1x16xf32> to vector<16xf32>
      %add3A_557 = arith.addf %add3A_548, %get3A_556 : vector<16xf32>
      %mul3A_558 = arith.constant 16 : i32
      %mul3A_559 = arith.muli %scan3A_82, %mul3A_558 : i32
      %add3A_560 = arith.constant 4 : i32
      %add3A_561 = arith.addi %mul3A_559, %add3A_560 : i32
      %get3A_562 = arith.index_cast %add3A_561 : i32 to index
      %get3A_563 = arith.constant 48 : index
      %get3A_564 = tpu.vector_load %arg6[%get3A_562, %get3A_563] {strides = array<i32>} : memref<256x128xf32, #tpu.memory_space<vmem>>, vector<1x16xf32>,
      %get3A_565 = vector.shape_cast %get3A_564 : vector<1x16xf32> to vector<16xf32>
      %add3A_566 = arith.addf %add3A_557, %get3A_565 : vector<16xf32>
      %mul3A_567 = arith.constant 16 : i32
      %mul3A_568 = arith.muli %scan3A_82, %mul3A_567 : i32
      %add3A_569 = arith.constant 5 : i32
      %add3A_570 = arith.addi %mul3A_568, %add3A_569 : i32
      %get3A_571 = arith.index_cast %add3A_570 : i32 to index
      %get3A_572 = arith.constant 48 : index
      %get3A_573 = tpu.vector_load %arg6[%get3A_571, %get3A_572] {strides = array<i32>} : memref<256x128xf32, #tpu.memory_space<vmem>>, vector<1x16xf32>,
      %get3A_574 = vector.shape_cast %get3A_573 : vector<1x16xf32> to vector<16xf32>
      %add3A_575 = arith.addf %add3A_566, %get3A_574 : vector<16xf32>
      %mul3A_576 = arith.constant 16 : i32
      %mul3A_577 = arith.muli %scan3A_82, %mul3A_576 : i32
      %add3A_578 = arith.constant 6 : i32
      %add3A_579 = arith.addi %mul3A_577, %add3A_578 : i32
      %get3A_580 = arith.index_cast %add3A_579 : i32 to index
      %get3A_581 = arith.constant 48 : index
      %get3A_582 = tpu.vector_load %arg6[%get3A_580, %get3A_581] {strides = array<i32>} : memref<256x128xf32, #tpu.memory_space<vmem>>, vector<1x16xf32>,
      %get3A_583 = vector.shape_cast %get3A_582 : vector<1x16xf32> to vector<16xf32>
      %add3A_584 = arith.addf %add3A_575, %get3A_583 : vector<16xf32>
      %mul3A_585 = arith.constant 16 : i32
      %mul3A_586 = arith.muli %scan3A_82, %mul3A_585 : i32
      %add3A_587 = arith.constant 7 : i32
      %add3A_588 = arith.addi %mul3A_586, %add3A_587 : i32
      %get3A_589 = arith.index_cast %add3A_588 : i32 to index
      %get3A_590 = arith.constant 48 : index
      %get3A_591 = tpu.vector_load %arg6[%get3A_589, %get3A_590] {strides = array<i32>} : memref<256x128xf32, #tpu.memory_space<vmem>>, vector<1x16xf32>,
      %get3A_592 = vector.shape_cast %get3A_591 : vector<1x16xf32> to vector<16xf32>
      %add3A_593 = arith.addf %add3A_584, %get3A_592 : vector<16xf32>
      %mul3A_594 = arith.constant 16 : i32
      %mul3A_595 = arith.muli %scan3A_82, %mul3A_594 : i32
      %add3A_596 = arith.constant 8 : i32
      %add3A_597 = arith.addi %mul3A_595, %add3A_596 : i32
      %get3A_598 = arith.index_cast %add3A_597 : i32 to index
      %get3A_599 = arith.constant 48 : index
      %get3A_600 = tpu.vector_load %arg6[%get3A_598, %get3A_599] {strides = array<i32>} : memref<256x128xf32, #tpu.memory_space<vmem>>, vector<1x16xf32>,
      %get3A_601 = vector.shape_cast %get3A_600 : vector<1x16xf32> to vector<16xf32>
      %add3A_602 = arith.addf %add3A_593, %get3A_601 : vector<16xf32>
      %mul3A_603 = arith.constant 16 : i32
      %mul3A_604 = arith.muli %scan3A_82, %mul3A_603 : i32
      %add3A_605 = arith.constant 9 : i32
      %add3A_606 = arith.addi %mul3A_604, %add3A_605 : i32
      %get3A_607 = arith.index_cast %add3A_606 : i32 to index
      %get3A_608 = arith.constant 48 : index
      %get3A_609 = tpu.vector_load %arg6[%get3A_607, %get3A_608] {strides = array<i32>} : memref<256x128xf32, #tpu.memory_space<vmem>>, vector<1x16xf32>,
      %get3A_610 = vector.shape_cast %get3A_609 : vector<1x16xf32> to vector<16xf32>
      %add3A_611 = arith.addf %add3A_602, %get3A_610 : vector<16xf32>
      %mul3A_612 = arith.constant 16 : i32
      %mul3A_613 = arith.muli %scan3A_82, %mul3A_612 : i32
      %add3A_614 = arith.constant 10 : i32
      %add3A_615 = arith.addi %mul3A_613, %add3A_614 : i32
      %get3A_616 = arith.index_cast %add3A_615 : i32 to index
      %get3A_617 = arith.constant 48 : index
      %get3A_618 = tpu.vector_load %arg6[%get3A_616, %get3A_617] {strides = array<i32>} : memref<256x128xf32, #tpu.memory_space<vmem>>, vector<1x16xf32>,
      %get3A_619 = vector.shape_cast %get3A_618 : vector<1x16xf32> to vector<16xf32>
      %add3A_620 = arith.addf %add3A_611, %get3A_619 : vector<16xf32>
      %mul3A_621 = arith.constant 16 : i32
      %mul3A_622 = arith.muli %scan3A_82, %mul3A_621 : i32
      %add3A_623 = arith.constant 11 : i32
      %add3A_624 = arith.addi %mul3A_622, %add3A_623 : i32
      %get3A_625 = arith.index_cast %add3A_624 : i32 to index
      %get3A_626 = arith.constant 48 : index
      %get3A_627 = tpu.vector_load %arg6[%get3A_625, %get3A_626] {strides = array<i32>} : memref<256x128xf32, #tpu.memory_space<vmem>>, vector<1x16xf32>,
      %get3A_628 = vector.shape_cast %get3A_627 : vector<1x16xf32> to vector<16xf32>
      %add3A_629 = arith.addf %add3A_620, %get3A_628 : vector<16xf32>
      %mul3A_630 = arith.constant 16 : i32
      %mul3A_631 = arith.muli %scan3A_82, %mul3A_630 : i32
      %add3A_632 = arith.constant 12 : i32
      %add3A_633 = arith.addi %mul3A_631, %add3A_632 : i32
      %get3A_634 = arith.index_cast %add3A_633 : i32 to index
      %get3A_635 = arith.constant 48 : index
      %get3A_636 = tpu.vector_load %arg6[%get3A_634, %get3A_635] {strides = array<i32>} : memref<256x128xf32, #tpu.memory_space<vmem>>, vector<1x16xf32>,
      %get3A_637 = vector.shape_cast %get3A_636 : vector<1x16xf32> to vector<16xf32>
      %add3A_638 = arith.addf %add3A_629, %get3A_637 : vector<16xf32>
      %mul3A_639 = arith.constant 16 : i32
      %mul3A_640 = arith.muli %scan3A_82, %mul3A_639 : i32
      %add3A_641 = arith.constant 13 : i32
      %add3A_642 = arith.addi %mul3A_640, %add3A_641 : i32
      %get3A_643 = arith.index_cast %add3A_642 : i32 to index
      %get3A_644 = arith.constant 48 : index
      %get3A_645 = tpu.vector_load %arg6[%get3A_643, %get3A_644] {strides = array<i32>} : memref<256x128xf32, #tpu.memory_space<vmem>>, vector<1x16xf32>,
      %get3A_646 = vector.shape_cast %get3A_645 : vector<1x16xf32> to vector<16xf32>
      %add3A_647 = arith.addf %add3A_638, %get3A_646 : vector<16xf32>
      %mul3A_648 = arith.constant 16 : i32
      %mul3A_649 = arith.muli %scan3A_82, %mul3A_648 : i32
      %add3A_650 = arith.constant 14 : i32
      %add3A_651 = arith.addi %mul3A_649, %add3A_650 : i32
      %get3A_652 = arith.index_cast %add3A_651 : i32 to index
      %get3A_653 = arith.constant 48 : index
      %get3A_654 = tpu.vector_load %arg6[%get3A_652, %get3A_653] {strides = array<i32>} : memref<256x128xf32, #tpu.memory_space<vmem>>, vector<1x16xf32>,
      %get3A_655 = vector.shape_cast %get3A_654 : vector<1x16xf32> to vector<16xf32>
      %add3A_656 = arith.addf %add3A_647, %get3A_655 : vector<16xf32>
      %mul3A_657 = arith.constant 16 : i32
      %mul3A_658 = arith.muli %scan3A_82, %mul3A_657 : i32
      %add3A_659 = arith.constant 15 : i32
      %add3A_660 = arith.addi %mul3A_658, %add3A_659 : i32
      %get3A_661 = arith.index_cast %add3A_660 : i32 to index
      %get3A_662 = arith.constant 48 : index
      %get3A_663 = tpu.vector_load %arg6[%get3A_661, %get3A_662] {strides = array<i32>} : memref<256x128xf32, #tpu.memory_space<vmem>>, vector<1x16xf32>,
      %get3A_664 = vector.shape_cast %get3A_663 : vector<1x16xf32> to vector<16xf32>
      %add3A_665 = arith.addf %add3A_656, %get3A_664 : vector<16xf32>
      %add3A_666 = arith.constant 0 : i32
      %add3A_667 = arith.addi %add3A_666, %scan3A_82 : i32
      %swap3A_668 = arith.index_cast %add3A_667 : i32 to index
      %swap3A_669 = arith.constant 48 : index
      %swap3A_670 = tpu.vector_load %arg7[%swap3A_668, %swap3A_669] {strides = array<i32>} : memref<64x128xf32, #tpu.memory_space<vmem>>, vector<1x16xf32>,
      %swap3A_671 = vector.shape_cast %swap3A_670 : vector<1x16xf32> to vector<16xf32>
      %swap3A_672 = vector.shape_cast %add3A_665 : vector<16xf32> to vector<1x16xf32>
      tpu.vector_store %arg7[%swap3A_668, %swap3A_669], %swap3A_672 {strides = array<i32>} : memref<64x128xf32, #tpu.memory_space<vmem>>, vector<1x16xf32>,
      %mul3A_673 = arith.constant 16 : i32
      %mul3A_674 = arith.muli %scan3A_82, %mul3A_673 : i32
      %get3A_675 = arith.index_cast %mul3A_674 : i32 to index
      %get3A_676 = arith.constant 64 : index
      %get3A_677 = tpu.vector_load %arg6[%get3A_675, %get3A_676] {strides = array<i32>} : memref<256x128xf32, #tpu.memory_space<vmem>>, vector<1x16xf32>,
      %get3A_678 = vector.shape_cast %get3A_677 : vector<1x16xf32> to vector<16xf32>
      %mul3A_679 = arith.constant 16 : i32
      %mul3A_680 = arith.muli %scan3A_82, %mul3A_679 : i32
      %add3A_681 = arith.constant 1 : i32
      %add3A_682 = arith.addi %mul3A_680, %add3A_681 : i32
      %get3A_683 = arith.index_cast %add3A_682 : i32 to index
      %get3A_684 = arith.constant 64 : index
      %get3A_685 = tpu.vector_load %arg6[%get3A_683, %get3A_684] {strides = array<i32>} : memref<256x128xf32, #tpu.memory_space<vmem>>, vector<1x16xf32>,
      %get3A_686 = vector.shape_cast %get3A_685 : vector<1x16xf32> to vector<16xf32>
      %add3A_687 = arith.addf %get3A_678, %get3A_686 : vector<16xf32>
      %mul3A_688 = arith.constant 16 : i32
      %mul3A_689 = arith.muli %scan3A_82, %mul3A_688 : i32
      %add3A_690 = arith.constant 2 : i32
      %add3A_691 = arith.addi %mul3A_689, %add3A_690 : i32
      %get3A_692 = arith.index_cast %add3A_691 : i32 to index
      %get3A_693 = arith.constant 64 : index
      %get3A_694 = tpu.vector_load %arg6[%get3A_692, %get3A_693] {strides = array<i32>} : memref<256x128xf32, #tpu.memory_space<vmem>>, vector<1x16xf32>,
      %get3A_695 = vector.shape_cast %get3A_694 : vector<1x16xf32> to vector<16xf32>
      %add3A_696 = arith.addf %add3A_687, %get3A_695 : vector<16xf32>
      %mul3A_697 = arith.constant 16 : i32
      %mul3A_698 = arith.muli %scan3A_82, %mul3A_697 : i32
      %add3A_699 = arith.constant 3 : i32
      %add3A_700 = arith.addi %mul3A_698, %add3A_699 : i32
      %get3A_701 = arith.index_cast %add3A_700 : i32 to index
      %get3A_702 = arith.constant 64 : index
      %get3A_703 = tpu.vector_load %arg6[%get3A_701, %get3A_702] {strides = array<i32>} : memref<256x128xf32, #tpu.memory_space<vmem>>, vector<1x16xf32>,
      %get3A_704 = vector.shape_cast %get3A_703 : vector<1x16xf32> to vector<16xf32>
      %add3A_705 = arith.addf %add3A_696, %get3A_704 : vector<16xf32>
      %mul3A_706 = arith.constant 16 : i32
      %mul3A_707 = arith.muli %scan3A_82, %mul3A_706 : i32
      %add3A_708 = arith.constant 4 : i32
      %add3A_709 = arith.addi %mul3A_707, %add3A_708 : i32
      %get3A_710 = arith.index_cast %add3A_709 : i32 to index
      %get3A_711 = arith.constant 64 : index
      %get3A_712 = tpu.vector_load %arg6[%get3A_710, %get3A_711] {strides = array<i32>} : memref<256x128xf32, #tpu.memory_space<vmem>>, vector<1x16xf32>,
      %get3A_713 = vector.shape_cast %get3A_712 : vector<1x16xf32> to vector<16xf32>
      %add3A_714 = arith.addf %add3A_705, %get3A_713 : vector<16xf32>
      %mul3A_715 = arith.constant 16 : i32
      %mul3A_716 = arith.muli %scan3A_82, %mul3A_715 : i32
      %add3A_717 = arith.constant 5 : i32
      %add3A_718 = arith.addi %mul3A_716, %add3A_717 : i32
      %get3A_719 = arith.index_cast %add3A_718 : i32 to index
      %get3A_720 = arith.constant 64 : index
      %get3A_721 = tpu.vector_load %arg6[%get3A_719, %get3A_720] {strides = array<i32>} : memref<256x128xf32, #tpu.memory_space<vmem>>, vector<1x16xf32>,
      %get3A_722 = vector.shape_cast %get3A_721 : vector<1x16xf32> to vector<16xf32>
      %add3A_723 = arith.addf %add3A_714, %get3A_722 : vector<16xf32>
      %mul3A_724 = arith.constant 16 : i32
      %mul3A_725 = arith.muli %scan3A_82, %mul3A_724 : i32
      %add3A_726 = arith.constant 6 : i32
      %add3A_727 = arith.addi %mul3A_725, %add3A_726 : i32
      %get3A_728 = arith.index_cast %add3A_727 : i32 to index
      %get3A_729 = arith.constant 64 : index
      %get3A_730 = tpu.vector_load %arg6[%get3A_728, %get3A_729] {strides = array<i32>} : memref<256x128xf32, #tpu.memory_space<vmem>>, vector<1x16xf32>,
      %get3A_731 = vector.shape_cast %get3A_730 : vector<1x16xf32> to vector<16xf32>
      %add3A_732 = arith.addf %add3A_723, %get3A_731 : vector<16xf32>
      %mul3A_733 = arith.constant 16 : i32
      %mul3A_734 = arith.muli %scan3A_82, %mul3A_733 : i32
      %add3A_735 = arith.constant 7 : i32
      %add3A_736 = arith.addi %mul3A_734, %add3A_735 : i32
      %get3A_737 = arith.index_cast %add3A_736 : i32 to index
      %get3A_738 = arith.constant 64 : index
      %get3A_739 = tpu.vector_load %arg6[%get3A_737, %get3A_738] {strides = array<i32>} : memref<256x128xf32, #tpu.memory_space<vmem>>, vector<1x16xf32>,
      %get3A_740 = vector.shape_cast %get3A_739 : vector<1x16xf32> to vector<16xf32>
      %add3A_741 = arith.addf %add3A_732, %get3A_740 : vector<16xf32>
      %mul3A_742 = arith.constant 16 : i32
      %mul3A_743 = arith.muli %scan3A_82, %mul3A_742 : i32
      %add3A_744 = arith.constant 8 : i32
      %add3A_745 = arith.addi %mul3A_743, %add3A_744 : i32
      %get3A_746 = arith.index_cast %add3A_745 : i32 to index
      %get3A_747 = arith.constant 64 : index
      %get3A_748 = tpu.vector_load %arg6[%get3A_746, %get3A_747] {strides = array<i32>} : memref<256x128xf32, #tpu.memory_space<vmem>>, vector<1x16xf32>,
      %get3A_749 = vector.shape_cast %get3A_748 : vector<1x16xf32> to vector<16xf32>
      %add3A_750 = arith.addf %add3A_741, %get3A_749 : vector<16xf32>
      %mul3A_751 = arith.constant 16 : i32
      %mul3A_752 = arith.muli %scan3A_82, %mul3A_751 : i32
      %add3A_753 = arith.constant 9 : i32
      %add3A_754 = arith.addi %mul3A_752, %add3A_753 : i32
      %get3A_755 = arith.index_cast %add3A_754 : i32 to index
      %get3A_756 = arith.constant 64 : index
      %get3A_757 = tpu.vector_load %arg6[%get3A_755, %get3A_756] {strides = array<i32>} : memref<256x128xf32, #tpu.memory_space<vmem>>, vector<1x16xf32>,
      %get3A_758 = vector.shape_cast %get3A_757 : vector<1x16xf32> to vector<16xf32>
      %add3A_759 = arith.addf %add3A_750, %get3A_758 : vector<16xf32>
      %mul3A_760 = arith.constant 16 : i32
      %mul3A_761 = arith.muli %scan3A_82, %mul3A_760 : i32
      %add3A_762 = arith.constant 10 : i32
      %add3A_763 = arith.addi %mul3A_761, %add3A_762 : i32
      %get3A_764 = arith.index_cast %add3A_763 : i32 to index
      %get3A_765 = arith.constant 64 : index
      %get3A_766 = tpu.vector_load %arg6[%get3A_764, %get3A_765] {strides = array<i32>} : memref<256x128xf32, #tpu.memory_space<vmem>>, vector<1x16xf32>,
      %get3A_767 = vector.shape_cast %get3A_766 : vector<1x16xf32> to vector<16xf32>
      %add3A_768 = arith.addf %add3A_759, %get3A_767 : vector<16xf32>
      %mul3A_769 = arith.constant 16 : i32
      %mul3A_770 = arith.muli %scan3A_82, %mul3A_769 : i32
      %add3A_771 = arith.constant 11 : i32
      %add3A_772 = arith.addi %mul3A_770, %add3A_771 : i32
      %get3A_773 = arith.index_cast %add3A_772 : i32 to index
      %get3A_774 = arith.constant 64 : index
      %get3A_775 = tpu.vector_load %arg6[%get3A_773, %get3A_774] {strides = array<i32>} : memref<256x128xf32, #tpu.memory_space<vmem>>, vector<1x16xf32>,
      %get3A_776 = vector.shape_cast %get3A_775 : vector<1x16xf32> to vector<16xf32>
      %add3A_777 = arith.addf %add3A_768, %get3A_776 : vector<16xf32>
      %mul3A_778 = arith.constant 16 : i32
      %mul3A_779 = arith.muli %scan3A_82, %mul3A_778 : i32
      %add3A_780 = arith.constant 12 : i32
      %add3A_781 = arith.addi %mul3A_779, %add3A_780 : i32
      %get3A_782 = arith.index_cast %add3A_781 : i32 to index
      %get3A_783 = arith.constant 64 : index
      %get3A_784 = tpu.vector_load %arg6[%get3A_782, %get3A_783] {strides = array<i32>} : memref<256x128xf32, #tpu.memory_space<vmem>>, vector<1x16xf32>,
      %get3A_785 = vector.shape_cast %get3A_784 : vector<1x16xf32> to vector<16xf32>
      %add3A_786 = arith.addf %add3A_777, %get3A_785 : vector<16xf32>
      %mul3A_787 = arith.constant 16 : i32
      %mul3A_788 = arith.muli %scan3A_82, %mul3A_787 : i32
      %add3A_789 = arith.constant 13 : i32
      %add3A_790 = arith.addi %mul3A_788, %add3A_789 : i32
      %get3A_791 = arith.index_cast %add3A_790 : i32 to index
      %get3A_792 = arith.constant 64 : index
      %get3A_793 = tpu.vector_load %arg6[%get3A_791, %get3A_792] {strides = array<i32>} : memref<256x128xf32, #tpu.memory_space<vmem>>, vector<1x16xf32>,
      %get3A_794 = vector.shape_cast %get3A_793 : vector<1x16xf32> to vector<16xf32>
      %add3A_795 = arith.addf %add3A_786, %get3A_794 : vector<16xf32>
      %mul3A_796 = arith.constant 16 : i32
      %mul3A_797 = arith.muli %scan3A_82, %mul3A_796 : i32
      %add3A_798 = arith.constant 14 : i32
      %add3A_799 = arith.addi %mul3A_797, %add3A_798 : i32
      %get3A_800 = arith.index_cast %add3A_799 : i32 to index
      %get3A_801 = arith.constant 64 : index
      %get3A_802 = tpu.vector_load %arg6[%get3A_800, %get3A_801] {strides = array<i32>} : memref<256x128xf32, #tpu.memory_space<vmem>>, vector<1x16xf32>,
      %get3A_803 = vector.shape_cast %get3A_802 : vector<1x16xf32> to vector<16xf32>
      %add3A_804 = arith.addf %add3A_795, %get3A_803 : vector<16xf32>
      %mul3A_805 = arith.constant 16 : i32
      %mul3A_806 = arith.muli %scan3A_82, %mul3A_805 : i32
      %add3A_807 = arith.constant 15 : i32
      %add3A_808 = arith.addi %mul3A_806, %add3A_807 : i32
      %get3A_809 = arith.index_cast %add3A_808 : i32 to index
      %get3A_810 = arith.constant 64 : index
      %get3A_811 = tpu.vector_load %arg6[%get3A_809, %get3A_810] {strides = array<i32>} : memref<256x128xf32, #tpu.memory_space<vmem>>, vector<1x16xf32>,
      %get3A_812 = vector.shape_cast %get3A_811 : vector<1x16xf32> to vector<16xf32>
      %add3A_813 = arith.addf %add3A_804, %get3A_812 : vector<16xf32>
      %add3A_814 = arith.constant 0 : i32
      %add3A_815 = arith.addi %add3A_814, %scan3A_82 : i32
      %swap3A_816 = arith.index_cast %add3A_815 : i32 to index
      %swap3A_817 = arith.constant 64 : index
      %swap3A_818 = tpu.vector_load %arg7[%swap3A_816, %swap3A_817] {strides = array<i32>} : memref<64x128xf32, #tpu.memory_space<vmem>>, vector<1x16xf32>,
      %swap3A_819 = vector.shape_cast %swap3A_818 : vector<1x16xf32> to vector<16xf32>
      %swap3A_820 = vector.shape_cast %add3A_813 : vector<16xf32> to vector<1x16xf32>
      tpu.vector_store %arg7[%swap3A_816, %swap3A_817], %swap3A_820 {strides = array<i32>} : memref<64x128xf32, #tpu.memory_space<vmem>>, vector<1x16xf32>,
      %mul3A_821 = arith.constant 16 : i32
      %mul3A_822 = arith.muli %scan3A_82, %mul3A_821 : i32
      %get3A_823 = arith.index_cast %mul3A_822 : i32 to index
      %get3A_824 = arith.constant 80 : index
      %get3A_825 = tpu.vector_load %arg6[%get3A_823, %get3A_824] {strides = array<i32>} : memref<256x128xf32, #tpu.memory_space<vmem>>, vector<1x16xf32>,
      %get3A_826 = vector.shape_cast %get3A_825 : vector<1x16xf32> to vector<16xf32>
      %mul3A_827 = arith.constant 16 : i32
      %mul3A_828 = arith.muli %scan3A_82, %mul3A_827 : i32
      %add3A_829 = arith.constant 1 : i32
      %add3A_830 = arith.addi %mul3A_828, %add3A_829 : i32
      %get3A_831 = arith.index_cast %add3A_830 : i32 to index
      %get3A_832 = arith.constant 80 : index
      %get3A_833 = tpu.vector_load %arg6[%get3A_831, %get3A_832] {strides = array<i32>} : memref<256x128xf32, #tpu.memory_space<vmem>>, vector<1x16xf32>,
      %get3A_834 = vector.shape_cast %get3A_833 : vector<1x16xf32> to vector<16xf32>
      %add3A_835 = arith.addf %get3A_826, %get3A_834 : vector<16xf32>
      %mul3A_836 = arith.constant 16 : i32
      %mul3A_837 = arith.muli %scan3A_82, %mul3A_836 : i32
      %add3A_838 = arith.constant 2 : i32
      %add3A_839 = arith.addi %mul3A_837, %add3A_838 : i32
      %get3A_840 = arith.index_cast %add3A_839 : i32 to index
      %get3A_841 = arith.constant 80 : index
      %get3A_842 = tpu.vector_load %arg6[%get3A_840, %get3A_841] {strides = array<i32>} : memref<256x128xf32, #tpu.memory_space<vmem>>, vector<1x16xf32>,
      %get3A_843 = vector.shape_cast %get3A_842 : vector<1x16xf32> to vector<16xf32>
      %add3A_844 = arith.addf %add3A_835, %get3A_843 : vector<16xf32>
      %mul3A_845 = arith.constant 16 : i32
      %mul3A_846 = arith.muli %scan3A_82, %mul3A_845 : i32
      %add3A_847 = arith.constant 3 : i32
      %add3A_848 = arith.addi %mul3A_846, %add3A_847 : i32
      %get3A_849 = arith.index_cast %add3A_848 : i32 to index
      %get3A_850 = arith.constant 80 : index
      %get3A_851 = tpu.vector_load %arg6[%get3A_849, %get3A_850] {strides = array<i32>} : memref<256x128xf32, #tpu.memory_space<vmem>>, vector<1x16xf32>,
      %get3A_852 = vector.shape_cast %get3A_851 : vector<1x16xf32> to vector<16xf32>
      %add3A_853 = arith.addf %add3A_844, %get3A_852 : vector<16xf32>
      %mul3A_854 = arith.constant 16 : i32
      %mul3A_855 = arith.muli %scan3A_82, %mul3A_854 : i32
      %add3A_856 = arith.constant 4 : i32
      %add3A_857 = arith.addi %mul3A_855, %add3A_856 : i32
      %get3A_858 = arith.index_cast %add3A_857 : i32 to index
      %get3A_859 = arith.constant 80 : index
      %get3A_860 = tpu.vector_load %arg6[%get3A_858, %get3A_859] {strides = array<i32>} : memref<256x128xf32, #tpu.memory_space<vmem>>, vector<1x16xf32>,
      %get3A_861 = vector.shape_cast %get3A_860 : vector<1x16xf32> to vector<16xf32>
      %add3A_862 = arith.addf %add3A_853, %get3A_861 : vector<16xf32>
      %mul3A_863 = arith.constant 16 : i32
      %mul3A_864 = arith.muli %scan3A_82, %mul3A_863 : i32
      %add3A_865 = arith.constant 5 : i32
      %add3A_866 = arith.addi %mul3A_864, %add3A_865 : i32
      %get3A_867 = arith.index_cast %add3A_866 : i32 to index
      %get3A_868 = arith.constant 80 : index
      %get3A_869 = tpu.vector_load %arg6[%get3A_867, %get3A_868] {strides = array<i32>} : memref<256x128xf32, #tpu.memory_space<vmem>>, vector<1x16xf32>,
      %get3A_870 = vector.shape_cast %get3A_869 : vector<1x16xf32> to vector<16xf32>
      %add3A_871 = arith.addf %add3A_862, %get3A_870 : vector<16xf32>
      %mul3A_872 = arith.constant 16 : i32
      %mul3A_873 = arith.muli %scan3A_82, %mul3A_872 : i32
      %add3A_874 = arith.constant 6 : i32
      %add3A_875 = arith.addi %mul3A_873, %add3A_874 : i32
      %get3A_876 = arith.index_cast %add3A_875 : i32 to index
      %get3A_877 = arith.constant 80 : index
      %get3A_878 = tpu.vector_load %arg6[%get3A_876, %get3A_877] {strides = array<i32>} : memref<256x128xf32, #tpu.memory_space<vmem>>, vector<1x16xf32>,
      %get3A_879 = vector.shape_cast %get3A_878 : vector<1x16xf32> to vector<16xf32>
      %add3A_880 = arith.addf %add3A_871, %get3A_879 : vector<16xf32>
      %mul3A_881 = arith.constant 16 : i32
      %mul3A_882 = arith.muli %scan3A_82, %mul3A_881 : i32
      %add3A_883 = arith.constant 7 : i32
      %add3A_884 = arith.addi %mul3A_882, %add3A_883 : i32
      %get3A_885 = arith.index_cast %add3A_884 : i32 to index
      %get3A_886 = arith.constant 80 : index
      %get3A_887 = tpu.vector_load %arg6[%get3A_885, %get3A_886] {strides = array<i32>} : memref<256x128xf32, #tpu.memory_space<vmem>>, vector<1x16xf32>,
      %get3A_888 = vector.shape_cast %get3A_887 : vector<1x16xf32> to vector<16xf32>
      %add3A_889 = arith.addf %add3A_880, %get3A_888 : vector<16xf32>
      %mul3A_890 = arith.constant 16 : i32
      %mul3A_891 = arith.muli %scan3A_82, %mul3A_890 : i32
      %add3A_892 = arith.constant 8 : i32
      %add3A_893 = arith.addi %mul3A_891, %add3A_892 : i32
      %get3A_894 = arith.index_cast %add3A_893 : i32 to index
      %get3A_895 = arith.constant 80 : index
      %get3A_896 = tpu.vector_load %arg6[%get3A_894, %get3A_895] {strides = array<i32>} : memref<256x128xf32, #tpu.memory_space<vmem>>, vector<1x16xf32>,
      %get3A_897 = vector.shape_cast %get3A_896 : vector<1x16xf32> to vector<16xf32>
      %add3A_898 = arith.addf %add3A_889, %get3A_897 : vector<16xf32>
      %mul3A_899 = arith.constant 16 : i32
      %mul3A_900 = arith.muli %scan3A_82, %mul3A_899 : i32
      %add3A_901 = arith.constant 9 : i32
      %add3A_902 = arith.addi %mul3A_900, %add3A_901 : i32
      %get3A_903 = arith.index_cast %add3A_902 : i32 to index
      %get3A_904 = arith.constant 80 : index
      %get3A_905 = tpu.vector_load %arg6[%get3A_903, %get3A_904] {strides = array<i32>} : memref<256x128xf32, #tpu.memory_space<vmem>>, vector<1x16xf32>,
      %get3A_906 = vector.shape_cast %get3A_905 : vector<1x16xf32> to vector<16xf32>
      %add3A_907 = arith.addf %add3A_898, %get3A_906 : vector<16xf32>
      %mul3A_908 = arith.constant 16 : i32
      %mul3A_909 = arith.muli %scan3A_82, %mul3A_908 : i32
      %add3A_910 = arith.constant 10 : i32
      %add3A_911 = arith.addi %mul3A_909, %add3A_910 : i32
      %get3A_912 = arith.index_cast %add3A_911 : i32 to index
      %get3A_913 = arith.constant 80 : index
      %get3A_914 = tpu.vector_load %arg6[%get3A_912, %get3A_913] {strides = array<i32>} : memref<256x128xf32, #tpu.memory_space<vmem>>, vector<1x16xf32>,
      %get3A_915 = vector.shape_cast %get3A_914 : vector<1x16xf32> to vector<16xf32>
      %add3A_916 = arith.addf %add3A_907, %get3A_915 : vector<16xf32>
      %mul3A_917 = arith.constant 16 : i32
      %mul3A_918 = arith.muli %scan3A_82, %mul3A_917 : i32
      %add3A_919 = arith.constant 11 : i32
      %add3A_920 = arith.addi %mul3A_918, %add3A_919 : i32
      %get3A_921 = arith.index_cast %add3A_920 : i32 to index
      %get3A_922 = arith.constant 80 : index
      %get3A_923 = tpu.vector_load %arg6[%get3A_921, %get3A_922] {strides = array<i32>} : memref<256x128xf32, #tpu.memory_space<vmem>>, vector<1x16xf32>,
      %get3A_924 = vector.shape_cast %get3A_923 : vector<1x16xf32> to vector<16xf32>
      %add3A_925 = arith.addf %add3A_916, %get3A_924 : vector<16xf32>
      %mul3A_926 = arith.constant 16 : i32
      %mul3A_927 = arith.muli %scan3A_82, %mul3A_926 : i32
      %add3A_928 = arith.constant 12 : i32
      %add3A_929 = arith.addi %mul3A_927, %add3A_928 : i32
      %get3A_930 = arith.index_cast %add3A_929 : i32 to index
      %get3A_931 = arith.constant 80 : index
      %get3A_932 = tpu.vector_load %arg6[%get3A_930, %get3A_931] {strides = array<i32>} : memref<256x128xf32, #tpu.memory_space<vmem>>, vector<1x16xf32>,
      %get3A_933 = vector.shape_cast %get3A_932 : vector<1x16xf32> to vector<16xf32>
      %add3A_934 = arith.addf %add3A_925, %get3A_933 : vector<16xf32>
      %mul3A_935 = arith.constant 16 : i32
      %mul3A_936 = arith.muli %scan3A_82, %mul3A_935 : i32
      %add3A_937 = arith.constant 13 : i32
      %add3A_938 = arith.addi %mul3A_936, %add3A_937 : i32
      %get3A_939 = arith.index_cast %add3A_938 : i32 to index
      %get3A_940 = arith.constant 80 : index
      %get3A_941 = tpu.vector_load %arg6[%get3A_939, %get3A_940] {strides = array<i32>} : memref<256x128xf32, #tpu.memory_space<vmem>>, vector<1x16xf32>,
      %get3A_942 = vector.shape_cast %get3A_941 : vector<1x16xf32> to vector<16xf32>
      %add3A_943 = arith.addf %add3A_934, %get3A_942 : vector<16xf32>
      %mul3A_944 = arith.constant 16 : i32
      %mul3A_945 = arith.muli %scan3A_82, %mul3A_944 : i32
      %add3A_946 = arith.constant 14 : i32
      %add3A_947 = arith.addi %mul3A_945, %add3A_946 : i32
      %get3A_948 = arith.index_cast %add3A_947 : i32 to index
      %get3A_949 = arith.constant 80 : index
      %get3A_950 = tpu.vector_load %arg6[%get3A_948, %get3A_949] {strides = array<i32>} : memref<256x128xf32, #tpu.memory_space<vmem>>, vector<1x16xf32>,
      %get3A_951 = vector.shape_cast %get3A_950 : vector<1x16xf32> to vector<16xf32>
      %add3A_952 = arith.addf %add3A_943, %get3A_951 : vector<16xf32>
      %mul3A_953 = arith.constant 16 : i32
      %mul3A_954 = arith.muli %scan3A_82, %mul3A_953 : i32
      %add3A_955 = arith.constant 15 : i32
      %add3A_956 = arith.addi %mul3A_954, %add3A_955 : i32
      %get3A_957 = arith.index_cast %add3A_956 : i32 to index
      %get3A_958 = arith.constant 80 : index
      %get3A_959 = tpu.vector_load %arg6[%get3A_957, %get3A_958] {strides = array<i32>} : memref<256x128xf32, #tpu.memory_space<vmem>>, vector<1x16xf32>,
      %get3A_960 = vector.shape_cast %get3A_959 : vector<1x16xf32> to vector<16xf32>
      %add3A_961 = arith.addf %add3A_952, %get3A_960 : vector<16xf32>
      %add3A_962 = arith.constant 0 : i32
      %add3A_963 = arith.addi %add3A_962, %scan3A_82 : i32
      %swap3A_964 = arith.index_cast %add3A_963 : i32 to index
      %swap3A_965 = arith.constant 80 : index
      %swap3A_966 = tpu.vector_load %arg7[%swap3A_964, %swap3A_965] {strides = array<i32>} : memref<64x128xf32, #tpu.memory_space<vmem>>, vector<1x16xf32>,
      %swap3A_967 = vector.shape_cast %swap3A_966 : vector<1x16xf32> to vector<16xf32>
      %swap3A_968 = vector.shape_cast %add3A_961 : vector<16xf32> to vector<1x16xf32>
      tpu.vector_store %arg7[%swap3A_964, %swap3A_965], %swap3A_968 {strides = array<i32>} : memref<64x128xf32, #tpu.memory_space<vmem>>, vector<1x16xf32>,
      %mul3A_969 = arith.constant 16 : i32
      %mul3A_970 = arith.muli %scan3A_82, %mul3A_969 : i32
      %get3A_971 = arith.index_cast %mul3A_970 : i32 to index
      %get3A_972 = arith.constant 96 : index
      %get3A_973 = tpu.vector_load %arg6[%get3A_971, %get3A_972] {strides = array<i32>} : memref<256x128xf32, #tpu.memory_space<vmem>>, vector<1x16xf32>,
      %get3A_974 = vector.shape_cast %get3A_973 : vector<1x16xf32> to vector<16xf32>
      %mul3A_975 = arith.constant 16 : i32
      %mul3A_976 = arith.muli %scan3A_82, %mul3A_975 : i32
      %add3A_977 = arith.constant 1 : i32
      %add3A_978 = arith.addi %mul3A_976, %add3A_977 : i32
      %get3A_979 = arith.index_cast %add3A_978 : i32 to index
      %get3A_980 = arith.constant 96 : index
      %get3A_981 = tpu.vector_load %arg6[%get3A_979, %get3A_980] {strides = array<i32>} : memref<256x128xf32, #tpu.memory_space<vmem>>, vector<1x16xf32>,
      %get3A_982 = vector.shape_cast %get3A_981 : vector<1x16xf32> to vector<16xf32>
      %add3A_983 = arith.addf %get3A_974, %get3A_982 : vector<16xf32>
      %mul3A_984 = arith.constant 16 : i32
      %mul3A_985 = arith.muli %scan3A_82, %mul3A_984 : i32
      %add3A_986 = arith.constant 2 : i32
      %add3A_987 = arith.addi %mul3A_985, %add3A_986 : i32
      %get3A_988 = arith.index_cast %add3A_987 : i32 to index
      %get3A_989 = arith.constant 96 : index
      %get3A_990 = tpu.vector_load %arg6[%get3A_988, %get3A_989] {strides = array<i32>} : memref<256x128xf32, #tpu.memory_space<vmem>>, vector<1x16xf32>,
      %get3A_991 = vector.shape_cast %get3A_990 : vector<1x16xf32> to vector<16xf32>
      %add3A_992 = arith.addf %add3A_983, %get3A_991 : vector<16xf32>
      %mul3A_993 = arith.constant 16 : i32
      %mul3A_994 = arith.muli %scan3A_82, %mul3A_993 : i32
      %add3A_995 = arith.constant 3 : i32
      %add3A_996 = arith.addi %mul3A_994, %add3A_995 : i32
      %get3A_997 = arith.index_cast %add3A_996 : i32 to index
      %get3A_998 = arith.constant 96 : index
      %get3A_999 = tpu.vector_load %arg6[%get3A_997, %get3A_998] {strides = array<i32>} : memref<256x128xf32, #tpu.memory_space<vmem>>, vector<1x16xf32>,
      %get3A_1000 = vector.shape_cast %get3A_999 : vector<1x16xf32> to vector<16xf32>
      %add3A_1001 = arith.addf %add3A_992, %get3A_1000 : vector<16xf32>
      %mul3A_1002 = arith.constant 16 : i32
      %mul3A_1003 = arith.muli %scan3A_82, %mul3A_1002 : i32
      %add3A_1004 = arith.constant 4 : i32
      %add3A_1005 = arith.addi %mul3A_1003, %add3A_1004 : i32
      %get3A_1006 = arith.index_cast %add3A_1005 : i32 to index
      %get3A_1007 = arith.constant 96 : index
      %get3A_1008 = tpu.vector_load %arg6[%get3A_1006, %get3A_1007] {strides = array<i32>} : memref<256x128xf32, #tpu.memory_space<vmem>>, vector<1x16xf32>,
      %get3A_1009 = vector.shape_cast %get3A_1008 : vector<1x16xf32> to vector<16xf32>
      %add3A_1010 = arith.addf %add3A_1001, %get3A_1009 : vector<16xf32>
      %mul3A_1011 = arith.constant 16 : i32
      %mul3A_1012 = arith.muli %scan3A_82, %mul3A_1011 : i32
      %add3A_1013 = arith.constant 5 : i32
      %add3A_1014 = arith.addi %mul3A_1012, %add3A_1013 : i32
      %get3A_1015 = arith.index_cast %add3A_1014 : i32 to index
      %get3A_1016 = arith.constant 96 : index
      %get3A_1017 = tpu.vector_load %arg6[%get3A_1015, %get3A_1016] {strides = array<i32>} : memref<256x128xf32, #tpu.memory_space<vmem>>, vector<1x16xf32>,
      %get3A_1018 = vector.shape_cast %get3A_1017 : vector<1x16xf32> to vector<16xf32>
      %add3A_1019 = arith.addf %add3A_1010, %get3A_1018 : vector<16xf32>
      %mul3A_1020 = arith.constant 16 : i32
      %mul3A_1021 = arith.muli %scan3A_82, %mul3A_1020 : i32
      %add3A_1022 = arith.constant 6 : i32
      %add3A_1023 = arith.addi %mul3A_1021, %add3A_1022 : i32
      %get3A_1024 = arith.index_cast %add3A_1023 : i32 to index
      %get3A_1025 = arith.constant 96 : index
      %get3A_1026 = tpu.vector_load %arg6[%get3A_1024, %get3A_1025] {strides = array<i32>} : memref<256x128xf32, #tpu.memory_space<vmem>>, vector<1x16xf32>,
      %get3A_1027 = vector.shape_cast %get3A_1026 : vector<1x16xf32> to vector<16xf32>
      %add3A_1028 = arith.addf %add3A_1019, %get3A_1027 : vector<16xf32>
      %mul3A_1029 = arith.constant 16 : i32
      %mul3A_1030 = arith.muli %scan3A_82, %mul3A_1029 : i32
      %add3A_1031 = arith.constant 7 : i32
      %add3A_1032 = arith.addi %mul3A_1030, %add3A_1031 : i32
      %get3A_1033 = arith.index_cast %add3A_1032 : i32 to index
      %get3A_1034 = arith.constant 96 : index
      %get3A_1035 = tpu.vector_load %arg6[%get3A_1033, %get3A_1034] {strides = array<i32>} : memref<256x128xf32, #tpu.memory_space<vmem>>, vector<1x16xf32>,
      %get3A_1036 = vector.shape_cast %get3A_1035 : vector<1x16xf32> to vector<16xf32>
      %add3A_1037 = arith.addf %add3A_1028, %get3A_1036 : vector<16xf32>
      %mul3A_1038 = arith.constant 16 : i32
      %mul3A_1039 = arith.muli %scan3A_82, %mul3A_1038 : i32
      %add3A_1040 = arith.constant 8 : i32
      %add3A_1041 = arith.addi %mul3A_1039, %add3A_1040 : i32
      %get3A_1042 = arith.index_cast %add3A_1041 : i32 to index
      %get3A_1043 = arith.constant 96 : index
      %get3A_1044 = tpu.vector_load %arg6[%get3A_1042, %get3A_1043] {strides = array<i32>} : memref<256x128xf32, #tpu.memory_space<vmem>>, vector<1x16xf32>,
      %get3A_1045 = vector.shape_cast %get3A_1044 : vector<1x16xf32> to vector<16xf32>
      %add3A_1046 = arith.addf %add3A_1037, %get3A_1045 : vector<16xf32>
      %mul3A_1047 = arith.constant 16 : i32
      %mul3A_1048 = arith.muli %scan3A_82, %mul3A_1047 : i32
      %add3A_1049 = arith.constant 9 : i32
      %add3A_1050 = arith.addi %mul3A_1048, %add3A_1049 : i32
      %get3A_1051 = arith.index_cast %add3A_1050 : i32 to index
      %get3A_1052 = arith.constant 96 : index
      %get3A_1053 = tpu.vector_load %arg6[%get3A_1051, %get3A_1052] {strides = array<i32>} : memref<256x128xf32, #tpu.memory_space<vmem>>, vector<1x16xf32>,
      %get3A_1054 = vector.shape_cast %get3A_1053 : vector<1x16xf32> to vector<16xf32>
      %add3A_1055 = arith.addf %add3A_1046, %get3A_1054 : vector<16xf32>
      %mul3A_1056 = arith.constant 16 : i32
      %mul3A_1057 = arith.muli %scan3A_82, %mul3A_1056 : i32
      %add3A_1058 = arith.constant 10 : i32
      %add3A_1059 = arith.addi %mul3A_1057, %add3A_1058 : i32
      %get3A_1060 = arith.index_cast %add3A_1059 : i32 to index
      %get3A_1061 = arith.constant 96 : index
      %get3A_1062 = tpu.vector_load %arg6[%get3A_1060, %get3A_1061] {strides = array<i32>} : memref<256x128xf32, #tpu.memory_space<vmem>>, vector<1x16xf32>,
      %get3A_1063 = vector.shape_cast %get3A_1062 : vector<1x16xf32> to vector<16xf32>
      %add3A_1064 = arith.addf %add3A_1055, %get3A_1063 : vector<16xf32>
      %mul3A_1065 = arith.constant 16 : i32
      %mul3A_1066 = arith.muli %scan3A_82, %mul3A_1065 : i32
      %add3A_1067 = arith.constant 11 : i32
      %add3A_1068 = arith.addi %mul3A_1066, %add3A_1067 : i32
      %get3A_1069 = arith.index_cast %add3A_1068 : i32 to index
      %get3A_1070 = arith.constant 96 : index
      %get3A_1071 = tpu.vector_load %arg6[%get3A_1069, %get3A_1070] {strides = array<i32>} : memref<256x128xf32, #tpu.memory_space<vmem>>, vector<1x16xf32>,
      %get3A_1072 = vector.shape_cast %get3A_1071 : vector<1x16xf32> to vector<16xf32>
      %add3A_1073 = arith.addf %add3A_1064, %get3A_1072 : vector<16xf32>
      %mul3A_1074 = arith.constant 16 : i32
      %mul3A_1075 = arith.muli %scan3A_82, %mul3A_1074 : i32
      %add3A_1076 = arith.constant 12 : i32
      %add3A_1077 = arith.addi %mul3A_1075, %add3A_1076 : i32
      %get3A_1078 = arith.index_cast %add3A_1077 : i32 to index
      %get3A_1079 = arith.constant 96 : index
      %get3A_1080 = tpu.vector_load %arg6[%get3A_1078, %get3A_1079] {strides = array<i32>} : memref<256x128xf32, #tpu.memory_space<vmem>>, vector<1x16xf32>,
      %get3A_1081 = vector.shape_cast %get3A_1080 : vector<1x16xf32> to vector<16xf32>
      %add3A_1082 = arith.addf %add3A_1073, %get3A_1081 : vector<16xf32>
      %mul3A_1083 = arith.constant 16 : i32
      %mul3A_1084 = arith.muli %scan3A_82, %mul3A_1083 : i32
      %add3A_1085 = arith.constant 13 : i32
      %add3A_1086 = arith.addi %mul3A_1084, %add3A_1085 : i32
      %get3A_1087 = arith.index_cast %add3A_1086 : i32 to index
      %get3A_1088 = arith.constant 96 : index
      %get3A_1089 = tpu.vector_load %arg6[%get3A_1087, %get3A_1088] {strides = array<i32>} : memref<256x128xf32, #tpu.memory_space<vmem>>, vector<1x16xf32>,
      %get3A_1090 = vector.shape_cast %get3A_1089 : vector<1x16xf32> to vector<16xf32>
      %add3A_1091 = arith.addf %add3A_1082, %get3A_1090 : vector<16xf32>
      %mul3A_1092 = arith.constant 16 : i32
      %mul3A_1093 = arith.muli %scan3A_82, %mul3A_1092 : i32
      %add3A_1094 = arith.constant 14 : i32
      %add3A_1095 = arith.addi %mul3A_1093, %add3A_1094 : i32
      %get3A_1096 = arith.index_cast %add3A_1095 : i32 to index
      %get3A_1097 = arith.constant 96 : index
      %get3A_1098 = tpu.vector_load %arg6[%get3A_1096, %get3A_1097] {strides = array<i32>} : memref<256x128xf32, #tpu.memory_space<vmem>>, vector<1x16xf32>,
      %get3A_1099 = vector.shape_cast %get3A_1098 : vector<1x16xf32> to vector<16xf32>
      %add3A_1100 = arith.addf %add3A_1091, %get3A_1099 : vector<16xf32>
      %mul3A_1101 = arith.constant 16 : i32
      %mul3A_1102 = arith.muli %scan3A_82, %mul3A_1101 : i32
      %add3A_1103 = arith.constant 15 : i32
      %add3A_1104 = arith.addi %mul3A_1102, %add3A_1103 : i32
      %get3A_1105 = arith.index_cast %add3A_1104 : i32 to index
      %get3A_1106 = arith.constant 96 : index
      %get3A_1107 = tpu.vector_load %arg6[%get3A_1105, %get3A_1106] {strides = array<i32>} : memref<256x128xf32, #tpu.memory_space<vmem>>, vector<1x16xf32>,
      %get3A_1108 = vector.shape_cast %get3A_1107 : vector<1x16xf32> to vector<16xf32>
      %add3A_1109 = arith.addf %add3A_1100, %get3A_1108 : vector<16xf32>
      %add3A_1110 = arith.constant 0 : i32
      %add3A_1111 = arith.addi %add3A_1110, %scan3A_82 : i32
      %swap3A_1112 = arith.index_cast %add3A_1111 : i32 to index
      %swap3A_1113 = arith.constant 96 : index
      %swap3A_1114 = tpu.vector_load %arg7[%swap3A_1112, %swap3A_1113] {strides = array<i32>} : memref<64x128xf32, #tpu.memory_space<vmem>>, vector<1x16xf32>,
      %swap3A_1115 = vector.shape_cast %swap3A_1114 : vector<1x16xf32> to vector<16xf32>
      %swap3A_1116 = vector.shape_cast %add3A_1109 : vector<16xf32> to vector<1x16xf32>
      tpu.vector_store %arg7[%swap3A_1112, %swap3A_1113], %swap3A_1116 {strides = array<i32>} : memref<64x128xf32, #tpu.memory_space<vmem>>, vector<1x16xf32>,
      %mul3A_1117 = arith.constant 16 : i32
      %mul3A_1118 = arith.muli %scan3A_82, %mul3A_1117 : i32
      %get3A_1119 = arith.index_cast %mul3A_1118 : i32 to index
      %get3A_1120 = arith.constant 112 : index
      %get3A_1121 = tpu.vector_load %arg6[%get3A_1119, %get3A_1120] {strides = array<i32>} : memref<256x128xf32, #tpu.memory_space<vmem>>, vector<1x16xf32>,
      %get3A_1122 = vector.shape_cast %get3A_1121 : vector<1x16xf32> to vector<16xf32>
      %mul3A_1123 = arith.constant 16 : i32
      %mul3A_1124 = arith.muli %scan3A_82, %mul3A_1123 : i32
      %add3A_1125 = arith.constant 1 : i32
      %add3A_1126 = arith.addi %mul3A_1124, %add3A_1125 : i32
      %get3A_1127 = arith.index_cast %add3A_1126 : i32 to index
      %get3A_1128 = arith.constant 112 : index
      %get3A_1129 = tpu.vector_load %arg6[%get3A_1127, %get3A_1128] {strides = array<i32>} : memref<256x128xf32, #tpu.memory_space<vmem>>, vector<1x16xf32>,
      %get3A_1130 = vector.shape_cast %get3A_1129 : vector<1x16xf32> to vector<16xf32>
      %add3A_1131 = arith.addf %get3A_1122, %get3A_1130 : vector<16xf32>
      %mul3A_1132 = arith.constant 16 : i32
      %mul3A_1133 = arith.muli %scan3A_82, %mul3A_1132 : i32
      %add3A_1134 = arith.constant 2 : i32
      %add3A_1135 = arith.addi %mul3A_1133, %add3A_1134 : i32
      %get3A_1136 = arith.index_cast %add3A_1135 : i32 to index
      %get3A_1137 = arith.constant 112 : index
      %get3A_1138 = tpu.vector_load %arg6[%get3A_1136, %get3A_1137] {strides = array<i32>} : memref<256x128xf32, #tpu.memory_space<vmem>>, vector<1x16xf32>,
      %get3A_1139 = vector.shape_cast %get3A_1138 : vector<1x16xf32> to vector<16xf32>
      %add3A_1140 = arith.addf %add3A_1131, %get3A_1139 : vector<16xf32>
      %mul3A_1141 = arith.constant 16 : i32
      %mul3A_1142 = arith.muli %scan3A_82, %mul3A_1141 : i32
      %add3A_1143 = arith.constant 3 : i32
      %add3A_1144 = arith.addi %mul3A_1142, %add3A_1143 : i32
      %get3A_1145 = arith.index_cast %add3A_1144 : i32 to index
      %get3A_1146 = arith.constant 112 : index
      %get3A_1147 = tpu.vector_load %arg6[%get3A_1145, %get3A_1146] {strides = array<i32>} : memref<256x128xf32, #tpu.memory_space<vmem>>, vector<1x16xf32>,
      %get3A_1148 = vector.shape_cast %get3A_1147 : vector<1x16xf32> to vector<16xf32>
      %add3A_1149 = arith.addf %add3A_1140, %get3A_1148 : vector<16xf32>
      %mul3A_1150 = arith.constant 16 : i32
      %mul3A_1151 = arith.muli %scan3A_82, %mul3A_1150 : i32
      %add3A_1152 = arith.constant 4 : i32
      %add3A_1153 = arith.addi %mul3A_1151, %add3A_1152 : i32
      %get3A_1154 = arith.index_cast %add3A_1153 : i32 to index
      %get3A_1155 = arith.constant 112 : index
      %get3A_1156 = tpu.vector_load %arg6[%get3A_1154, %get3A_1155] {strides = array<i32>} : memref<256x128xf32, #tpu.memory_space<vmem>>, vector<1x16xf32>,
      %get3A_1157 = vector.shape_cast %get3A_1156 : vector<1x16xf32> to vector<16xf32>
      %add3A_1158 = arith.addf %add3A_1149, %get3A_1157 : vector<16xf32>
      %mul3A_1159 = arith.constant 16 : i32
      %mul3A_1160 = arith.muli %scan3A_82, %mul3A_1159 : i32
      %add3A_1161 = arith.constant 5 : i32
      %add3A_1162 = arith.addi %mul3A_1160, %add3A_1161 : i32
      %get3A_1163 = arith.index_cast %add3A_1162 : i32 to index
      %get3A_1164 = arith.constant 112 : index
      %get3A_1165 = tpu.vector_load %arg6[%get3A_1163, %get3A_1164] {strides = array<i32>} : memref<256x128xf32, #tpu.memory_space<vmem>>, vector<1x16xf32>,
      %get3A_1166 = vector.shape_cast %get3A_1165 : vector<1x16xf32> to vector<16xf32>
      %add3A_1167 = arith.addf %add3A_1158, %get3A_1166 : vector<16xf32>
      %mul3A_1168 = arith.constant 16 : i32
      %mul3A_1169 = arith.muli %scan3A_82, %mul3A_1168 : i32
      %add3A_1170 = arith.constant 6 : i32
      %add3A_1171 = arith.addi %mul3A_1169, %add3A_1170 : i32
      %get3A_1172 = arith.index_cast %add3A_1171 : i32 to index
      %get3A_1173 = arith.constant 112 : index
      %get3A_1174 = tpu.vector_load %arg6[%get3A_1172, %get3A_1173] {strides = array<i32>} : memref<256x128xf32, #tpu.memory_space<vmem>>, vector<1x16xf32>,
      %get3A_1175 = vector.shape_cast %get3A_1174 : vector<1x16xf32> to vector<16xf32>
      %add3A_1176 = arith.addf %add3A_1167, %get3A_1175 : vector<16xf32>
      %mul3A_1177 = arith.constant 16 : i32
      %mul3A_1178 = arith.muli %scan3A_82, %mul3A_1177 : i32
      %add3A_1179 = arith.constant 7 : i32
      %add3A_1180 = arith.addi %mul3A_1178, %add3A_1179 : i32
      %get3A_1181 = arith.index_cast %add3A_1180 : i32 to index
      %get3A_1182 = arith.constant 112 : index
      %get3A_1183 = tpu.vector_load %arg6[%get3A_1181, %get3A_1182] {strides = array<i32>} : memref<256x128xf32, #tpu.memory_space<vmem>>, vector<1x16xf32>,
      %get3A_1184 = vector.shape_cast %get3A_1183 : vector<1x16xf32> to vector<16xf32>
      %add3A_1185 = arith.addf %add3A_1176, %get3A_1184 : vector<16xf32>
      %mul3A_1186 = arith.constant 16 : i32
      %mul3A_1187 = arith.muli %scan3A_82, %mul3A_1186 : i32
      %add3A_1188 = arith.constant 8 : i32
      %add3A_1189 = arith.addi %mul3A_1187, %add3A_1188 : i32
      %get3A_1190 = arith.index_cast %add3A_1189 : i32 to index
      %get3A_1191 = arith.constant 112 : index
      %get3A_1192 = tpu.vector_load %arg6[%get3A_1190, %get3A_1191] {strides = array<i32>} : memref<256x128xf32, #tpu.memory_space<vmem>>, vector<1x16xf32>,
      %get3A_1193 = vector.shape_cast %get3A_1192 : vector<1x16xf32> to vector<16xf32>
      %add3A_1194 = arith.addf %add3A_1185, %get3A_1193 : vector<16xf32>
      %mul3A_1195 = arith.constant 16 : i32
      %mul3A_1196 = arith.muli %scan3A_82, %mul3A_1195 : i32
      %add3A_1197 = arith.constant 9 : i32
      %add3A_1198 = arith.addi %mul3A_1196, %add3A_1197 : i32
      %get3A_1199 = arith.index_cast %add3A_1198 : i32 to index
      %get3A_1200 = arith.constant 112 : index
      %get3A_1201 = tpu.vector_load %arg6[%get3A_1199, %get3A_1200] {strides = array<i32>} : memref<256x128xf32, #tpu.memory_space<vmem>>, vector<1x16xf32>,
      %get3A_1202 = vector.shape_cast %get3A_1201 : vector<1x16xf32> to vector<16xf32>
      %add3A_1203 = arith.addf %add3A_1194, %get3A_1202 : vector<16xf32>
      %mul3A_1204 = arith.constant 16 : i32
      %mul3A_1205 = arith.muli %scan3A_82, %mul3A_1204 : i32
      %add3A_1206 = arith.constant 10 : i32
      %add3A_1207 = arith.addi %mul3A_1205, %add3A_1206 : i32
      %get3A_1208 = arith.index_cast %add3A_1207 : i32 to index
      %get3A_1209 = arith.constant 112 : index
      %get3A_1210 = tpu.vector_load %arg6[%get3A_1208, %get3A_1209] {strides = array<i32>} : memref<256x128xf32, #tpu.memory_space<vmem>>, vector<1x16xf32>,
      %get3A_1211 = vector.shape_cast %get3A_1210 : vector<1x16xf32> to vector<16xf32>
      %add3A_1212 = arith.addf %add3A_1203, %get3A_1211 : vector<16xf32>
      %mul3A_1213 = arith.constant 16 : i32
      %mul3A_1214 = arith.muli %scan3A_82, %mul3A_1213 : i32
      %add3A_1215 = arith.constant 11 : i32
      %add3A_1216 = arith.addi %mul3A_1214, %add3A_1215 : i32
      %get3A_1217 = arith.index_cast %add3A_1216 : i32 to index
      %get3A_1218 = arith.constant 112 : index
      %get3A_1219 = tpu.vector_load %arg6[%get3A_1217, %get3A_1218] {strides = array<i32>} : memref<256x128xf32, #tpu.memory_space<vmem>>, vector<1x16xf32>,
      %get3A_1220 = vector.shape_cast %get3A_1219 : vector<1x16xf32> to vector<16xf32>
      %add3A_1221 = arith.addf %add3A_1212, %get3A_1220 : vector<16xf32>
      %mul3A_1222 = arith.constant 16 : i32
      %mul3A_1223 = arith.muli %scan3A_82, %mul3A_1222 : i32
      %add3A_1224 = arith.constant 12 : i32
      %add3A_1225 = arith.addi %mul3A_1223, %add3A_1224 : i32
      %get3A_1226 = arith.index_cast %add3A_1225 : i32 to index
      %get3A_1227 = arith.constant 112 : index
      %get3A_1228 = tpu.vector_load %arg6[%get3A_1226, %get3A_1227] {strides = array<i32>} : memref<256x128xf32, #tpu.memory_space<vmem>>, vector<1x16xf32>,
      %get3A_1229 = vector.shape_cast %get3A_1228 : vector<1x16xf32> to vector<16xf32>
      %add3A_1230 = arith.addf %add3A_1221, %get3A_1229 : vector<16xf32>
      %mul3A_1231 = arith.constant 16 : i32
      %mul3A_1232 = arith.muli %scan3A_82, %mul3A_1231 : i32
      %add3A_1233 = arith.constant 13 : i32
      %add3A_1234 = arith.addi %mul3A_1232, %add3A_1233 : i32
      %get3A_1235 = arith.index_cast %add3A_1234 : i32 to index
      %get3A_1236 = arith.constant 112 : index
      %get3A_1237 = tpu.vector_load %arg6[%get3A_1235, %get3A_1236] {strides = array<i32>} : memref<256x128xf32, #tpu.memory_space<vmem>>, vector<1x16xf32>,
      %get3A_1238 = vector.shape_cast %get3A_1237 : vector<1x16xf32> to vector<16xf32>
      %add3A_1239 = arith.addf %add3A_1230, %get3A_1238 : vector<16xf32>
      %mul3A_1240 = arith.constant 16 : i32
      %mul3A_1241 = arith.muli %scan3A_82, %mul3A_1240 : i32
      %add3A_1242 = arith.constant 14 : i32
      %add3A_1243 = arith.addi %mul3A_1241, %add3A_1242 : i32
      %get3A_1244 = arith.index_cast %add3A_1243 : i32 to index
      %get3A_1245 = arith.constant 112 : index
      %get3A_1246 = tpu.vector_load %arg6[%get3A_1244, %get3A_1245] {strides = array<i32>} : memref<256x128xf32, #tpu.memory_space<vmem>>, vector<1x16xf32>,
      %get3A_1247 = vector.shape_cast %get3A_1246 : vector<1x16xf32> to vector<16xf32>
      %add3A_1248 = arith.addf %add3A_1239, %get3A_1247 : vector<16xf32>
      %mul3A_1249 = arith.constant 16 : i32
      %mul3A_1250 = arith.muli %scan3A_82, %mul3A_1249 : i32
      %add3A_1251 = arith.constant 15 : i32
      %add3A_1252 = arith.addi %mul3A_1250, %add3A_1251 : i32
      %get3A_1253 = arith.index_cast %add3A_1252 : i32 to index
      %get3A_1254 = arith.constant 112 : index
      %get3A_1255 = tpu.vector_load %arg6[%get3A_1253, %get3A_1254] {strides = array<i32>} : memref<256x128xf32, #tpu.memory_space<vmem>>, vector<1x16xf32>,
      %get3A_1256 = vector.shape_cast %get3A_1255 : vector<1x16xf32> to vector<16xf32>
      %add3A_1257 = arith.addf %add3A_1248, %get3A_1256 : vector<16xf32>
      %add3A_1258 = arith.constant 0 : i32
      %add3A_1259 = arith.addi %add3A_1258, %scan3A_82 : i32
      %swap3A_1260 = arith.index_cast %add3A_1259 : i32 to index
      %swap3A_1261 = arith.constant 112 : index
      %swap3A_1262 = tpu.vector_load %arg7[%swap3A_1260, %swap3A_1261] {strides = array<i32>} : memref<64x128xf32, #tpu.memory_space<vmem>>, vector<1x16xf32>,
      %swap3A_1263 = vector.shape_cast %swap3A_1262 : vector<1x16xf32> to vector<16xf32>
      %swap3A_1264 = vector.shape_cast %add3A_1257 : vector<16xf32> to vector<1x16xf32>
      tpu.vector_store %arg7[%swap3A_1260, %swap3A_1261], %swap3A_1264 {strides = array<i32>} : memref<64x128xf32, #tpu.memory_space<vmem>>, vector<1x16xf32>,
    }
    %scan3A_19 = arith.constant 16 : i32
    %dma_start3A_20 = arith.constant 1 : i32
    %dma_start3A_21 = arith.constant 0 : i32
    %dma_start3A_22 = tpu.memref_slice %arg5[%dma_start3A_20, %dma_start3A_21] : memref<4x256xi32, #tpu.memory_space<vmem>> -> memref<1x256xi32, #tpu.memory_space<vmem>>
    %dma_start3A_23 = tpu.memref_squeeze %dma_start3A_22 : memref<1x256xi32, #tpu.memory_space<vmem>> -> memref<256xi32, #tpu.memory_space<vmem>>
    %dma_start3A_24 = arith.constant 0 : i32
    %dma_start3A_25 = arith.constant 0 : i32
    %dma_start3A_26 = tpu.memref_slice %arg2[%dma_start3A_24, %dma_start3A_25] : memref<2048x128xf32, #tpu.memory_space<hbm>> -> memref<2048x128xf32, #tpu.memory_space<hbm>>
    tpu.enqueue_indirect_dma source(%dma_start3A_26 : memref<2048x128xf32, #tpu.memory_space<hbm>>) target(%arg6 : memref<256x128xf32, #tpu.memory_space<vmem>>) offsets(%dma_start3A_23 : memref<256xi32, #tpu.memory_space<vmem>>) semaphore(%arg8 : memref<!tpu.dma_semaphore, #tpu.memory_space<semaphore_mem>>)
    %dma_wait3A_27 = arith.constant 1 : i32
    %dma_wait3A_28 = arith.constant 0 : i32
    %dma_wait3A_29 = tpu.memref_slice %arg5[%dma_wait3A_27, %dma_wait3A_28] : memref<4x256xi32, #tpu.memory_space<vmem>> -> memref<1x256xi32, #tpu.memory_space<vmem>>
    %dma_wait3A_30 = tpu.memref_squeeze %dma_wait3A_29 : memref<1x256xi32, #tpu.memory_space<vmem>> -> memref<256xi32, #tpu.memory_space<vmem>>
    %dma_wait3A_31 = arith.constant 0 : i32
    %dma_wait3A_32 = arith.constant 0 : i32
    %dma_wait3A_33 = tpu.memref_slice %arg2[%dma_wait3A_31, %dma_wait3A_32] : memref<2048x128xf32, #tpu.memory_space<hbm>> -> memref<2048x128xf32, #tpu.memory_space<hbm>>
    tpu.wait_indirect_dma semaphore(%arg8 : memref<!tpu.dma_semaphore, #tpu.memory_space<semaphore_mem>>) src(%dma_wait3A_33 : memref<2048x128xf32, #tpu.memory_space<hbm>>) dst(%arg6 : memref<256x128xf32, #tpu.memory_space<vmem>>)
    %scan3A_34 = arith.constant 0 : i32
    %scan3A_35 = arith.constant 0 : i32
    %scan3A_36 = arith.constant 16 : i32
    %scan3A_37 = arith.addi %scan3A_35, %scan3A_36 : i32
    %scan3A_38 = arith.constant 1 : i32
    scf.for %scan3A_82 = %scan3A_35 to %scan3A_37 step %scan3A_38  : i32 {
      %mul3A_83 = arith.constant 16 : i32
      %mul3A_84 = arith.muli %scan3A_82, %mul3A_83 : i32
      %get3A = arith.index_cast %mul3A_84 : i32 to index
      %get3A_85 = arith.constant 0 : index
      %get3A_86 = tpu.vector_load %arg6[%get3A, %get3A_85] {strides = array<i32>} : memref<256x128xf32, #tpu.memory_space<vmem>>, vector<1x16xf32>,
      %get3A_87 = vector.shape_cast %get3A_86 : vector<1x16xf32> to vector<16xf32>
      %mul3A_88 = arith.constant 16 : i32
      %mul3A_89 = arith.muli %scan3A_82, %mul3A_88 : i32
      %add3A_90 = arith.constant 1 : i32
      %add3A_91 = arith.addi %mul3A_89, %add3A_90 : i32
      %get3A_92 = arith.index_cast %add3A_91 : i32 to index
      %get3A_93 = arith.constant 0 : index
      %get3A_94 = tpu.vector_load %arg6[%get3A_92, %get3A_93] {strides = array<i32>} : memref<256x128xf32, #tpu.memory_space<vmem>>, vector<1x16xf32>,
      %get3A_95 = vector.shape_cast %get3A_94 : vector<1x16xf32> to vector<16xf32>
      %add3A_96 = arith.addf %get3A_87, %get3A_95 : vector<16xf32>
      %mul3A_97 = arith.constant 16 : i32
      %mul3A_98 = arith.muli %scan3A_82, %mul3A_97 : i32
      %add3A_99 = arith.constant 2 : i32
      %add3A_100 = arith.addi %mul3A_98, %add3A_99 : i32
      %get3A_101 = arith.index_cast %add3A_100 : i32 to index
      %get3A_102 = arith.constant 0 : index
      %get3A_103 = tpu.vector_load %arg6[%get3A_101, %get3A_102] {strides = array<i32>} : memref<256x128xf32, #tpu.memory_space<vmem>>, vector<1x16xf32>,
      %get3A_104 = vector.shape_cast %get3A_103 : vector<1x16xf32> to vector<16xf32>
      %add3A_105 = arith.addf %add3A_96, %get3A_104 : vector<16xf32>
      %mul3A_106 = arith.constant 16 : i32
      %mul3A_107 = arith.muli %scan3A_82, %mul3A_106 : i32
      %add3A_108 = arith.constant 3 : i32
      %add3A_109 = arith.addi %mul3A_107, %add3A_108 : i32
      %get3A_110 = arith.index_cast %add3A_109 : i32 to index
      %get3A_111 = arith.constant 0 : index
      %get3A_112 = tpu.vector_load %arg6[%get3A_110, %get3A_111] {strides = array<i32>} : memref<256x128xf32, #tpu.memory_space<vmem>>, vector<1x16xf32>,
      %get3A_113 = vector.shape_cast %get3A_112 : vector<1x16xf32> to vector<16xf32>
      %add3A_114 = arith.addf %add3A_105, %get3A_113 : vector<16xf32>
      %mul3A_115 = arith.constant 16 : i32
      %mul3A_116 = arith.muli %scan3A_82, %mul3A_115 : i32
      %add3A_117 = arith.constant 4 : i32
      %add3A_118 = arith.addi %mul3A_116, %add3A_117 : i32
      %get3A_119 = arith.index_cast %add3A_118 : i32 to index
      %get3A_120 = arith.constant 0 : index
      %get3A_121 = tpu.vector_load %arg6[%get3A_119, %get3A_120] {strides = array<i32>} : memref<256x128xf32, #tpu.memory_space<vmem>>, vector<1x16xf32>,
      %get3A_122 = vector.shape_cast %get3A_121 : vector<1x16xf32> to vector<16xf32>
      %add3A_123 = arith.addf %add3A_114, %get3A_122 : vector<16xf32>
      %mul3A_124 = arith.constant 16 : i32
      %mul3A_125 = arith.muli %scan3A_82, %mul3A_124 : i32
      %add3A_126 = arith.constant 5 : i32
      %add3A_127 = arith.addi %mul3A_125, %add3A_126 : i32
      %get3A_128 = arith.index_cast %add3A_127 : i32 to index
      %get3A_129 = arith.constant 0 : index
      %get3A_130 = tpu.vector_load %arg6[%get3A_128, %get3A_129] {strides = array<i32>} : memref<256x128xf32, #tpu.memory_space<vmem>>, vector<1x16xf32>,
      %get3A_131 = vector.shape_cast %get3A_130 : vector<1x16xf32> to vector<16xf32>
      %add3A_132 = arith.addf %add3A_123, %get3A_131 : vector<16xf32>
      %mul3A_133 = arith.constant 16 : i32
      %mul3A_134 = arith.muli %scan3A_82, %mul3A_133 : i32
      %add3A_135 = arith.constant 6 : i32
      %add3A_136 = arith.addi %mul3A_134, %add3A_135 : i32
      %get3A_137 = arith.index_cast %add3A_136 : i32 to index
      %get3A_138 = arith.constant 0 : index
      %get3A_139 = tpu.vector_load %arg6[%get3A_137, %get3A_138] {strides = array<i32>} : memref<256x128xf32, #tpu.memory_space<vmem>>, vector<1x16xf32>,
      %get3A_140 = vector.shape_cast %get3A_139 : vector<1x16xf32> to vector<16xf32>
      %add3A_141 = arith.addf %add3A_132, %get3A_140 : vector<16xf32>
      %mul3A_142 = arith.constant 16 : i32
      %mul3A_143 = arith.muli %scan3A_82, %mul3A_142 : i32
      %add3A_144 = arith.constant 7 : i32
      %add3A_145 = arith.addi %mul3A_143, %add3A_144 : i32
      %get3A_146 = arith.index_cast %add3A_145 : i32 to index
      %get3A_147 = arith.constant 0 : index
      %get3A_148 = tpu.vector_load %arg6[%get3A_146, %get3A_147] {strides = array<i32>} : memref<256x128xf32, #tpu.memory_space<vmem>>, vector<1x16xf32>,
      %get3A_149 = vector.shape_cast %get3A_148 : vector<1x16xf32> to vector<16xf32>
      %add3A_150 = arith.addf %add3A_141, %get3A_149 : vector<16xf32>
      %mul3A_151 = arith.constant 16 : i32
      %mul3A_152 = arith.muli %scan3A_82, %mul3A_151 : i32
      %add3A_153 = arith.constant 8 : i32
      %add3A_154 = arith.addi %mul3A_152, %add3A_153 : i32
      %get3A_155 = arith.index_cast %add3A_154 : i32 to index
      %get3A_156 = arith.constant 0 : index
      %get3A_157 = tpu.vector_load %arg6[%get3A_155, %get3A_156] {strides = array<i32>} : memref<256x128xf32, #tpu.memory_space<vmem>>, vector<1x16xf32>,
      %get3A_158 = vector.shape_cast %get3A_157 : vector<1x16xf32> to vector<16xf32>
      %add3A_159 = arith.addf %add3A_150, %get3A_158 : vector<16xf32>
      %mul3A_160 = arith.constant 16 : i32
      %mul3A_161 = arith.muli %scan3A_82, %mul3A_160 : i32
      %add3A_162 = arith.constant 9 : i32
      %add3A_163 = arith.addi %mul3A_161, %add3A_162 : i32
      %get3A_164 = arith.index_cast %add3A_163 : i32 to index
      %get3A_165 = arith.constant 0 : index
      %get3A_166 = tpu.vector_load %arg6[%get3A_164, %get3A_165] {strides = array<i32>} : memref<256x128xf32, #tpu.memory_space<vmem>>, vector<1x16xf32>,
      %get3A_167 = vector.shape_cast %get3A_166 : vector<1x16xf32> to vector<16xf32>
      %add3A_168 = arith.addf %add3A_159, %get3A_167 : vector<16xf32>
      %mul3A_169 = arith.constant 16 : i32
      %mul3A_170 = arith.muli %scan3A_82, %mul3A_169 : i32
      %add3A_171 = arith.constant 10 : i32
      %add3A_172 = arith.addi %mul3A_170, %add3A_171 : i32
      %get3A_173 = arith.index_cast %add3A_172 : i32 to index
      %get3A_174 = arith.constant 0 : index
      %get3A_175 = tpu.vector_load %arg6[%get3A_173, %get3A_174] {strides = array<i32>} : memref<256x128xf32, #tpu.memory_space<vmem>>, vector<1x16xf32>,
      %get3A_176 = vector.shape_cast %get3A_175 : vector<1x16xf32> to vector<16xf32>
      %add3A_177 = arith.addf %add3A_168, %get3A_176 : vector<16xf32>
      %mul3A_178 = arith.constant 16 : i32
      %mul3A_179 = arith.muli %scan3A_82, %mul3A_178 : i32
      %add3A_180 = arith.constant 11 : i32
      %add3A_181 = arith.addi %mul3A_179, %add3A_180 : i32
      %get3A_182 = arith.index_cast %add3A_181 : i32 to index
      %get3A_183 = arith.constant 0 : index
      %get3A_184 = tpu.vector_load %arg6[%get3A_182, %get3A_183] {strides = array<i32>} : memref<256x128xf32, #tpu.memory_space<vmem>>, vector<1x16xf32>,
      %get3A_185 = vector.shape_cast %get3A_184 : vector<1x16xf32> to vector<16xf32>
      %add3A_186 = arith.addf %add3A_177, %get3A_185 : vector<16xf32>
      %mul3A_187 = arith.constant 16 : i32
      %mul3A_188 = arith.muli %scan3A_82, %mul3A_187 : i32
      %add3A_189 = arith.constant 12 : i32
      %add3A_190 = arith.addi %mul3A_188, %add3A_189 : i32
      %get3A_191 = arith.index_cast %add3A_190 : i32 to index
      %get3A_192 = arith.constant 0 : index
      %get3A_193 = tpu.vector_load %arg6[%get3A_191, %get3A_192] {strides = array<i32>} : memref<256x128xf32, #tpu.memory_space<vmem>>, vector<1x16xf32>,
      %get3A_194 = vector.shape_cast %get3A_193 : vector<1x16xf32> to vector<16xf32>
      %add3A_195 = arith.addf %add3A_186, %get3A_194 : vector<16xf32>
      %mul3A_196 = arith.constant 16 : i32
      %mul3A_197 = arith.muli %scan3A_82, %mul3A_196 : i32
      %add3A_198 = arith.constant 13 : i32
      %add3A_199 = arith.addi %mul3A_197, %add3A_198 : i32
      %get3A_200 = arith.index_cast %add3A_199 : i32 to index
      %get3A_201 = arith.constant 0 : index
      %get3A_202 = tpu.vector_load %arg6[%get3A_200, %get3A_201] {strides = array<i32>} : memref<256x128xf32, #tpu.memory_space<vmem>>, vector<1x16xf32>,
      %get3A_203 = vector.shape_cast %get3A_202 : vector<1x16xf32> to vector<16xf32>
      %add3A_204 = arith.addf %add3A_195, %get3A_203 : vector<16xf32>
      %mul3A_205 = arith.constant 16 : i32
      %mul3A_206 = arith.muli %scan3A_82, %mul3A_205 : i32
      %add3A_207 = arith.constant 14 : i32
      %add3A_208 = arith.addi %mul3A_206, %add3A_207 : i32
      %get3A_209 = arith.index_cast %add3A_208 : i32 to index
      %get3A_210 = arith.constant 0 : index
      %get3A_211 = tpu.vector_load %arg6[%get3A_209, %get3A_210] {strides = array<i32>} : memref<256x128xf32, #tpu.memory_space<vmem>>, vector<1x16xf32>,
      %get3A_212 = vector.shape_cast %get3A_211 : vector<1x16xf32> to vector<16xf32>
      %add3A_213 = arith.addf %add3A_204, %get3A_212 : vector<16xf32>
      %mul3A_214 = arith.constant 16 : i32
      %mul3A_215 = arith.muli %scan3A_82, %mul3A_214 : i32
      %add3A_216 = arith.constant 15 : i32
      %add3A_217 = arith.addi %mul3A_215, %add3A_216 : i32
      %get3A_218 = arith.index_cast %add3A_217 : i32 to index
      %get3A_219 = arith.constant 0 : index
      %get3A_220 = tpu.vector_load %arg6[%get3A_218, %get3A_219] {strides = array<i32>} : memref<256x128xf32, #tpu.memory_space<vmem>>, vector<1x16xf32>,
      %get3A_221 = vector.shape_cast %get3A_220 : vector<1x16xf32> to vector<16xf32>
      %add3A_222 = arith.addf %add3A_213, %get3A_221 : vector<16xf32>
      %add3A_223 = arith.constant 16 : i32
      %add3A_224 = arith.addi %add3A_223, %scan3A_82 : i32
      %swap3A = arith.index_cast %add3A_224 : i32 to index
      %swap3A_225 = arith.constant 0 : index
      %swap3A_226 = tpu.vector_load %arg7[%swap3A, %swap3A_225] {strides = array<i32>} : memref<64x128xf32, #tpu.memory_space<vmem>>, vector<1x16xf32>,
      %swap3A_227 = vector.shape_cast %swap3A_226 : vector<1x16xf32> to vector<16xf32>
      %swap3A_228 = vector.shape_cast %add3A_222 : vector<16xf32> to vector<1x16xf32>
      tpu.vector_store %arg7[%swap3A, %swap3A_225], %swap3A_228 {strides = array<i32>} : memref<64x128xf32, #tpu.memory_space<vmem>>, vector<1x16xf32>,
      %mul3A_229 = arith.constant 16 : i32
      %mul3A_230 = arith.muli %scan3A_82, %mul3A_229 : i32
      %get3A_231 = arith.index_cast %mul3A_230 : i32 to index
      %get3A_232 = arith.constant 16 : index
      %get3A_233 = tpu.vector_load %arg6[%get3A_231, %get3A_232] {strides = array<i32>} : memref<256x128xf32, #tpu.memory_space<vmem>>, vector<1x16xf32>,
      %get3A_234 = vector.shape_cast %get3A_233 : vector<1x16xf32> to vector<16xf32>
      %mul3A_235 = arith.constant 16 : i32
      %mul3A_236 = arith.muli %scan3A_82, %mul3A_235 : i32
      %add3A_237 = arith.constant 1 : i32
      %add3A_238 = arith.addi %mul3A_236, %add3A_237 : i32
      %get3A_239 = arith.index_cast %add3A_238 : i32 to index
      %get3A_240 = arith.constant 16 : index
      %get3A_241 = tpu.vector_load %arg6[%get3A_239, %get3A_240] {strides = array<i32>} : memref<256x128xf32, #tpu.memory_space<vmem>>, vector<1x16xf32>,
      %get3A_242 = vector.shape_cast %get3A_241 : vector<1x16xf32> to vector<16xf32>
      %add3A_243 = arith.addf %get3A_234, %get3A_242 : vector<16xf32>
      %mul3A_244 = arith.constant 16 : i32
      %mul3A_245 = arith.muli %scan3A_82, %mul3A_244 : i32
      %add3A_246 = arith.constant 2 : i32
      %add3A_247 = arith.addi %mul3A_245, %add3A_246 : i32
      %get3A_248 = arith.index_cast %add3A_247 : i32 to index
      %get3A_249 = arith.constant 16 : index
      %get3A_250 = tpu.vector_load %arg6[%get3A_248, %get3A_249] {strides = array<i32>} : memref<256x128xf32, #tpu.memory_space<vmem>>, vector<1x16xf32>,
      %get3A_251 = vector.shape_cast %get3A_250 : vector<1x16xf32> to vector<16xf32>
      %add3A_252 = arith.addf %add3A_243, %get3A_251 : vector<16xf32>
      %mul3A_253 = arith.constant 16 : i32
      %mul3A_254 = arith.muli %scan3A_82, %mul3A_253 : i32
      %add3A_255 = arith.constant 3 : i32
      %add3A_256 = arith.addi %mul3A_254, %add3A_255 : i32
      %get3A_257 = arith.index_cast %add3A_256 : i32 to index
      %get3A_258 = arith.constant 16 : index
      %get3A_259 = tpu.vector_load %arg6[%get3A_257, %get3A_258] {strides = array<i32>} : memref<256x128xf32, #tpu.memory_space<vmem>>, vector<1x16xf32>,
      %get3A_260 = vector.shape_cast %get3A_259 : vector<1x16xf32> to vector<16xf32>
      %add3A_261 = arith.addf %add3A_252, %get3A_260 : vector<16xf32>
      %mul3A_262 = arith.constant 16 : i32
      %mul3A_263 = arith.muli %scan3A_82, %mul3A_262 : i32
      %add3A_264 = arith.constant 4 : i32
      %add3A_265 = arith.addi %mul3A_263, %add3A_264 : i32
      %get3A_266 = arith.index_cast %add3A_265 : i32 to index
      %get3A_267 = arith.constant 16 : index
      %get3A_268 = tpu.vector_load %arg6[%get3A_266, %get3A_267] {strides = array<i32>} : memref<256x128xf32, #tpu.memory_space<vmem>>, vector<1x16xf32>,
      %get3A_269 = vector.shape_cast %get3A_268 : vector<1x16xf32> to vector<16xf32>
      %add3A_270 = arith.addf %add3A_261, %get3A_269 : vector<16xf32>
      %mul3A_271 = arith.constant 16 : i32
      %mul3A_272 = arith.muli %scan3A_82, %mul3A_271 : i32
      %add3A_273 = arith.constant 5 : i32
      %add3A_274 = arith.addi %mul3A_272, %add3A_273 : i32
      %get3A_275 = arith.index_cast %add3A_274 : i32 to index
      %get3A_276 = arith.constant 16 : index
      %get3A_277 = tpu.vector_load %arg6[%get3A_275, %get3A_276] {strides = array<i32>} : memref<256x128xf32, #tpu.memory_space<vmem>>, vector<1x16xf32>,
      %get3A_278 = vector.shape_cast %get3A_277 : vector<1x16xf32> to vector<16xf32>
      %add3A_279 = arith.addf %add3A_270, %get3A_278 : vector<16xf32>
      %mul3A_280 = arith.constant 16 : i32
      %mul3A_281 = arith.muli %scan3A_82, %mul3A_280 : i32
      %add3A_282 = arith.constant 6 : i32
      %add3A_283 = arith.addi %mul3A_281, %add3A_282 : i32
      %get3A_284 = arith.index_cast %add3A_283 : i32 to index
      %get3A_285 = arith.constant 16 : index
      %get3A_286 = tpu.vector_load %arg6[%get3A_284, %get3A_285] {strides = array<i32>} : memref<256x128xf32, #tpu.memory_space<vmem>>, vector<1x16xf32>,
      %get3A_287 = vector.shape_cast %get3A_286 : vector<1x16xf32> to vector<16xf32>
      %add3A_288 = arith.addf %add3A_279, %get3A_287 : vector<16xf32>
      %mul3A_289 = arith.constant 16 : i32
      %mul3A_290 = arith.muli %scan3A_82, %mul3A_289 : i32
      %add3A_291 = arith.constant 7 : i32
      %add3A_292 = arith.addi %mul3A_290, %add3A_291 : i32
      %get3A_293 = arith.index_cast %add3A_292 : i32 to index
      %get3A_294 = arith.constant 16 : index
      %get3A_295 = tpu.vector_load %arg6[%get3A_293, %get3A_294] {strides = array<i32>} : memref<256x128xf32, #tpu.memory_space<vmem>>, vector<1x16xf32>,
      %get3A_296 = vector.shape_cast %get3A_295 : vector<1x16xf32> to vector<16xf32>
      %add3A_297 = arith.addf %add3A_288, %get3A_296 : vector<16xf32>
      %mul3A_298 = arith.constant 16 : i32
      %mul3A_299 = arith.muli %scan3A_82, %mul3A_298 : i32
      %add3A_300 = arith.constant 8 : i32
      %add3A_301 = arith.addi %mul3A_299, %add3A_300 : i32
      %get3A_302 = arith.index_cast %add3A_301 : i32 to index
      %get3A_303 = arith.constant 16 : index
      %get3A_304 = tpu.vector_load %arg6[%get3A_302, %get3A_303] {strides = array<i32>} : memref<256x128xf32, #tpu.memory_space<vmem>>, vector<1x16xf32>,
      %get3A_305 = vector.shape_cast %get3A_304 : vector<1x16xf32> to vector<16xf32>
      %add3A_306 = arith.addf %add3A_297, %get3A_305 : vector<16xf32>
      %mul3A_307 = arith.constant 16 : i32
      %mul3A_308 = arith.muli %scan3A_82, %mul3A_307 : i32
      %add3A_309 = arith.constant 9 : i32
      %add3A_310 = arith.addi %mul3A_308, %add3A_309 : i32
      %get3A_311 = arith.index_cast %add3A_310 : i32 to index
      %get3A_312 = arith.constant 16 : index
      %get3A_313 = tpu.vector_load %arg6[%get3A_311, %get3A_312] {strides = array<i32>} : memref<256x128xf32, #tpu.memory_space<vmem>>, vector<1x16xf32>,
      %get3A_314 = vector.shape_cast %get3A_313 : vector<1x16xf32> to vector<16xf32>
      %add3A_315 = arith.addf %add3A_306, %get3A_314 : vector<16xf32>
      %mul3A_316 = arith.constant 16 : i32
      %mul3A_317 = arith.muli %scan3A_82, %mul3A_316 : i32
      %add3A_318 = arith.constant 10 : i32
      %add3A_319 = arith.addi %mul3A_317, %add3A_318 : i32
      %get3A_320 = arith.index_cast %add3A_319 : i32 to index
      %get3A_321 = arith.constant 16 : index
      %get3A_322 = tpu.vector_load %arg6[%get3A_320, %get3A_321] {strides = array<i32>} : memref<256x128xf32, #tpu.memory_space<vmem>>, vector<1x16xf32>,
      %get3A_323 = vector.shape_cast %get3A_322 : vector<1x16xf32> to vector<16xf32>
      %add3A_324 = arith.addf %add3A_315, %get3A_323 : vector<16xf32>
      %mul3A_325 = arith.constant 16 : i32
      %mul3A_326 = arith.muli %scan3A_82, %mul3A_325 : i32
      %add3A_327 = arith.constant 11 : i32
      %add3A_328 = arith.addi %mul3A_326, %add3A_327 : i32
      %get3A_329 = arith.index_cast %add3A_328 : i32 to index
      %get3A_330 = arith.constant 16 : index
      %get3A_331 = tpu.vector_load %arg6[%get3A_329, %get3A_330] {strides = array<i32>} : memref<256x128xf32, #tpu.memory_space<vmem>>, vector<1x16xf32>,
      %get3A_332 = vector.shape_cast %get3A_331 : vector<1x16xf32> to vector<16xf32>
      %add3A_333 = arith.addf %add3A_324, %get3A_332 : vector<16xf32>
      %mul3A_334 = arith.constant 16 : i32
      %mul3A_335 = arith.muli %scan3A_82, %mul3A_334 : i32
      %add3A_336 = arith.constant 12 : i32
      %add3A_337 = arith.addi %mul3A_335, %add3A_336 : i32
      %get3A_338 = arith.index_cast %add3A_337 : i32 to index
      %get3A_339 = arith.constant 16 : index
      %get3A_340 = tpu.vector_load %arg6[%get3A_338, %get3A_339] {strides = array<i32>} : memref<256x128xf32, #tpu.memory_space<vmem>>, vector<1x16xf32>,
      %get3A_341 = vector.shape_cast %get3A_340 : vector<1x16xf32> to vector<16xf32>
      %add3A_342 = arith.addf %add3A_333, %get3A_341 : vector<16xf32>
      %mul3A_343 = arith.constant 16 : i32
      %mul3A_344 = arith.muli %scan3A_82, %mul3A_343 : i32
      %add3A_345 = arith.constant 13 : i32
      %add3A_346 = arith.addi %mul3A_344, %add3A_345 : i32
      %get3A_347 = arith.index_cast %add3A_346 : i32 to index
      %get3A_348 = arith.constant 16 : index
      %get3A_349 = tpu.vector_load %arg6[%get3A_347, %get3A_348] {strides = array<i32>} : memref<256x128xf32, #tpu.memory_space<vmem>>, vector<1x16xf32>,
      %get3A_350 = vector.shape_cast %get3A_349 : vector<1x16xf32> to vector<16xf32>
      %add3A_351 = arith.addf %add3A_342, %get3A_350 : vector<16xf32>
      %mul3A_352 = arith.constant 16 : i32
      %mul3A_353 = arith.muli %scan3A_82, %mul3A_352 : i32
      %add3A_354 = arith.constant 14 : i32
      %add3A_355 = arith.addi %mul3A_353, %add3A_354 : i32
      %get3A_356 = arith.index_cast %add3A_355 : i32 to index
      %get3A_357 = arith.constant 16 : index
      %get3A_358 = tpu.vector_load %arg6[%get3A_356, %get3A_357] {strides = array<i32>} : memref<256x128xf32, #tpu.memory_space<vmem>>, vector<1x16xf32>,
      %get3A_359 = vector.shape_cast %get3A_358 : vector<1x16xf32> to vector<16xf32>
      %add3A_360 = arith.addf %add3A_351, %get3A_359 : vector<16xf32>
      %mul3A_361 = arith.constant 16 : i32
      %mul3A_362 = arith.muli %scan3A_82, %mul3A_361 : i32
      %add3A_363 = arith.constant 15 : i32
      %add3A_364 = arith.addi %mul3A_362, %add3A_363 : i32
      %get3A_365 = arith.index_cast %add3A_364 : i32 to index
      %get3A_366 = arith.constant 16 : index
      %get3A_367 = tpu.vector_load %arg6[%get3A_365, %get3A_366] {strides = array<i32>} : memref<256x128xf32, #tpu.memory_space<vmem>>, vector<1x16xf32>,
      %get3A_368 = vector.shape_cast %get3A_367 : vector<1x16xf32> to vector<16xf32>
      %add3A_369 = arith.addf %add3A_360, %get3A_368 : vector<16xf32>
      %add3A_370 = arith.constant 16 : i32
      %add3A_371 = arith.addi %add3A_370, %scan3A_82 : i32
      %swap3A_372 = arith.index_cast %add3A_371 : i32 to index
      %swap3A_373 = arith.constant 16 : index
      %swap3A_374 = tpu.vector_load %arg7[%swap3A_372, %swap3A_373] {strides = array<i32>} : memref<64x128xf32, #tpu.memory_space<vmem>>, vector<1x16xf32>,
      %swap3A_375 = vector.shape_cast %swap3A_374 : vector<1x16xf32> to vector<16xf32>
      %swap3A_376 = vector.shape_cast %add3A_369 : vector<16xf32> to vector<1x16xf32>
      tpu.vector_store %arg7[%swap3A_372, %swap3A_373], %swap3A_376 {strides = array<i32>} : memref<64x128xf32, #tpu.memory_space<vmem>>, vector<1x16xf32>,
      %mul3A_377 = arith.constant 16 : i32
      %mul3A_378 = arith.muli %scan3A_82, %mul3A_377 : i32
      %get3A_379 = arith.index_cast %mul3A_378 : i32 to index
      %get3A_380 = arith.constant 32 : index
      %get3A_381 = tpu.vector_load %arg6[%get3A_379, %get3A_380] {strides = array<i32>} : memref<256x128xf32, #tpu.memory_space<vmem>>, vector<1x16xf32>,
      %get3A_382 = vector.shape_cast %get3A_381 : vector<1x16xf32> to vector<16xf32>
      %mul3A_383 = arith.constant 16 : i32
      %mul3A_384 = arith.muli %scan3A_82, %mul3A_383 : i32
      %add3A_385 = arith.constant 1 : i32
      %add3A_386 = arith.addi %mul3A_384, %add3A_385 : i32
      %get3A_387 = arith.index_cast %add3A_386 : i32 to index
      %get3A_388 = arith.constant 32 : index
      %get3A_389 = tpu.vector_load %arg6[%get3A_387, %get3A_388] {strides = array<i32>} : memref<256x128xf32, #tpu.memory_space<vmem>>, vector<1x16xf32>,
      %get3A_390 = vector.shape_cast %get3A_389 : vector<1x16xf32> to vector<16xf32>
      %add3A_391 = arith.addf %get3A_382, %get3A_390 : vector<16xf32>
      %mul3A_392 = arith.constant 16 : i32
      %mul3A_393 = arith.muli %scan3A_82, %mul3A_392 : i32
      %add3A_394 = arith.constant 2 : i32
      %add3A_395 = arith.addi %mul3A_393, %add3A_394 : i32
      %get3A_396 = arith.index_cast %add3A_395 : i32 to index
      %get3A_397 = arith.constant 32 : index
      %get3A_398 = tpu.vector_load %arg6[%get3A_396, %get3A_397] {strides = array<i32>} : memref<256x128xf32, #tpu.memory_space<vmem>>, vector<1x16xf32>,
      %get3A_399 = vector.shape_cast %get3A_398 : vector<1x16xf32> to vector<16xf32>
      %add3A_400 = arith.addf %add3A_391, %get3A_399 : vector<16xf32>
      %mul3A_401 = arith.constant 16 : i32
      %mul3A_402 = arith.muli %scan3A_82, %mul3A_401 : i32
      %add3A_403 = arith.constant 3 : i32
      %add3A_404 = arith.addi %mul3A_402, %add3A_403 : i32
      %get3A_405 = arith.index_cast %add3A_404 : i32 to index
      %get3A_406 = arith.constant 32 : index
      %get3A_407 = tpu.vector_load %arg6[%get3A_405, %get3A_406] {strides = array<i32>} : memref<256x128xf32, #tpu.memory_space<vmem>>, vector<1x16xf32>,
      %get3A_408 = vector.shape_cast %get3A_407 : vector<1x16xf32> to vector<16xf32>
      %add3A_409 = arith.addf %add3A_400, %get3A_408 : vector<16xf32>
      %mul3A_410 = arith.constant 16 : i32
      %mul3A_411 = arith.muli %scan3A_82, %mul3A_410 : i32
      %add3A_412 = arith.constant 4 : i32
      %add3A_413 = arith.addi %mul3A_411, %add3A_412 : i32
      %get3A_414 = arith.index_cast %add3A_413 : i32 to index
      %get3A_415 = arith.constant 32 : index
      %get3A_416 = tpu.vector_load %arg6[%get3A_414, %get3A_415] {strides = array<i32>} : memref<256x128xf32, #tpu.memory_space<vmem>>, vector<1x16xf32>,
      %get3A_417 = vector.shape_cast %get3A_416 : vector<1x16xf32> to vector<16xf32>
      %add3A_418 = arith.addf %add3A_409, %get3A_417 : vector<16xf32>
      %mul3A_419 = arith.constant 16 : i32
      %mul3A_420 = arith.muli %scan3A_82, %mul3A_419 : i32
      %add3A_421 = arith.constant 5 : i32
      %add3A_422 = arith.addi %mul3A_420, %add3A_421 : i32
      %get3A_423 = arith.index_cast %add3A_422 : i32 to index
      %get3A_424 = arith.constant 32 : index
      %get3A_425 = tpu.vector_load %arg6[%get3A_423, %get3A_424] {strides = array<i32>} : memref<256x128xf32, #tpu.memory_space<vmem>>, vector<1x16xf32>,
      %get3A_426 = vector.shape_cast %get3A_425 : vector<1x16xf32> to vector<16xf32>
      %add3A_427 = arith.addf %add3A_418, %get3A_426 : vector<16xf32>
      %mul3A_428 = arith.constant 16 : i32
      %mul3A_429 = arith.muli %scan3A_82, %mul3A_428 : i32
      %add3A_430 = arith.constant 6 : i32
      %add3A_431 = arith.addi %mul3A_429, %add3A_430 : i32
      %get3A_432 = arith.index_cast %add3A_431 : i32 to index
      %get3A_433 = arith.constant 32 : index
      %get3A_434 = tpu.vector_load %arg6[%get3A_432, %get3A_433] {strides = array<i32>} : memref<256x128xf32, #tpu.memory_space<vmem>>, vector<1x16xf32>,
      %get3A_435 = vector.shape_cast %get3A_434 : vector<1x16xf32> to vector<16xf32>
      %add3A_436 = arith.addf %add3A_427, %get3A_435 : vector<16xf32>
      %mul3A_437 = arith.constant 16 : i32
      %mul3A_438 = arith.muli %scan3A_82, %mul3A_437 : i32
      %add3A_439 = arith.constant 7 : i32
      %add3A_440 = arith.addi %mul3A_438, %add3A_439 : i32
      %get3A_441 = arith.index_cast %add3A_440 : i32 to index
      %get3A_442 = arith.constant 32 : index
      %get3A_443 = tpu.vector_load %arg6[%get3A_441, %get3A_442] {strides = array<i32>} : memref<256x128xf32, #tpu.memory_space<vmem>>, vector<1x16xf32>,
      %get3A_444 = vector.shape_cast %get3A_443 : vector<1x16xf32> to vector<16xf32>
      %add3A_445 = arith.addf %add3A_436, %get3A_444 : vector<16xf32>
      %mul3A_446 = arith.constant 16 : i32
      %mul3A_447 = arith.muli %scan3A_82, %mul3A_446 : i32
      %add3A_448 = arith.constant 8 : i32
      %add3A_449 = arith.addi %mul3A_447, %add3A_448 : i32
      %get3A_450 = arith.index_cast %add3A_449 : i32 to index
      %get3A_451 = arith.constant 32 : index
      %get3A_452 = tpu.vector_load %arg6[%get3A_450, %get3A_451] {strides = array<i32>} : memref<256x128xf32, #tpu.memory_space<vmem>>, vector<1x16xf32>,
      %get3A_453 = vector.shape_cast %get3A_452 : vector<1x16xf32> to vector<16xf32>
      %add3A_454 = arith.addf %add3A_445, %get3A_453 : vector<16xf32>
      %mul3A_455 = arith.constant 16 : i32
      %mul3A_456 = arith.muli %scan3A_82, %mul3A_455 : i32
      %add3A_457 = arith.constant 9 : i32
      %add3A_458 = arith.addi %mul3A_456, %add3A_457 : i32
      %get3A_459 = arith.index_cast %add3A_458 : i32 to index
      %get3A_460 = arith.constant 32 : index
      %get3A_461 = tpu.vector_load %arg6[%get3A_459, %get3A_460] {strides = array<i32>} : memref<256x128xf32, #tpu.memory_space<vmem>>, vector<1x16xf32>,
      %get3A_462 = vector.shape_cast %get3A_461 : vector<1x16xf32> to vector<16xf32>
      %add3A_463 = arith.addf %add3A_454, %get3A_462 : vector<16xf32>
      %mul3A_464 = arith.constant 16 : i32
      %mul3A_465 = arith.muli %scan3A_82, %mul3A_464 : i32
      %add3A_466 = arith.constant 10 : i32
      %add3A_467 = arith.addi %mul3A_465, %add3A_466 : i32
      %get3A_468 = arith.index_cast %add3A_467 : i32 to index
      %get3A_469 = arith.constant 32 : index
      %get3A_470 = tpu.vector_load %arg6[%get3A_468, %get3A_469] {strides = array<i32>} : memref<256x128xf32, #tpu.memory_space<vmem>>, vector<1x16xf32>,
      %get3A_471 = vector.shape_cast %get3A_470 : vector<1x16xf32> to vector<16xf32>
      %add3A_472 = arith.addf %add3A_463, %get3A_471 : vector<16xf32>
      %mul3A_473 = arith.constant 16 : i32
      %mul3A_474 = arith.muli %scan3A_82, %mul3A_473 : i32
      %add3A_475 = arith.constant 11 : i32
      %add3A_476 = arith.addi %mul3A_474, %add3A_475 : i32
      %get3A_477 = arith.index_cast %add3A_476 : i32 to index
      %get3A_478 = arith.constant 32 : index
      %get3A_479 = tpu.vector_load %arg6[%get3A_477, %get3A_478] {strides = array<i32>} : memref<256x128xf32, #tpu.memory_space<vmem>>, vector<1x16xf32>,
      %get3A_480 = vector.shape_cast %get3A_479 : vector<1x16xf32> to vector<16xf32>
      %add3A_481 = arith.addf %add3A_472, %get3A_480 : vector<16xf32>
      %mul3A_482 = arith.constant 16 : i32
      %mul3A_483 = arith.muli %scan3A_82, %mul3A_482 : i32
      %add3A_484 = arith.constant 12 : i32
      %add3A_485 = arith.addi %mul3A_483, %add3A_484 : i32
      %get3A_486 = arith.index_cast %add3A_485 : i32 to index
      %get3A_487 = arith.constant 32 : index
      %get3A_488 = tpu.vector_load %arg6[%get3A_486, %get3A_487] {strides = array<i32>} : memref<256x128xf32, #tpu.memory_space<vmem>>, vector<1x16xf32>,
      %get3A_489 = vector.shape_cast %get3A_488 : vector<1x16xf32> to vector<16xf32>
      %add3A_490 = arith.addf %add3A_481, %get3A_489 : vector<16xf32>
      %mul3A_491 = arith.constant 16 : i32
      %mul3A_492 = arith.muli %scan3A_82, %mul3A_491 : i32
      %add3A_493 = arith.constant 13 : i32
      %add3A_494 = arith.addi %mul3A_492, %add3A_493 : i32
      %get3A_495 = arith.index_cast %add3A_494 : i32 to index
      %get3A_496 = arith.constant 32 : index
      %get3A_497 = tpu.vector_load %arg6[%get3A_495, %get3A_496] {strides = array<i32>} : memref<256x128xf32, #tpu.memory_space<vmem>>, vector<1x16xf32>,
      %get3A_498 = vector.shape_cast %get3A_497 : vector<1x16xf32> to vector<16xf32>
      %add3A_499 = arith.addf %add3A_490, %get3A_498 : vector<16xf32>
      %mul3A_500 = arith.constant 16 : i32
      %mul3A_501 = arith.muli %scan3A_82, %mul3A_500 : i32
      %add3A_502 = arith.constant 14 : i32
      %add3A_503 = arith.addi %mul3A_501, %add3A_502 : i32
      %get3A_504 = arith.index_cast %add3A_503 : i32 to index
      %get3A_505 = arith.constant 32 : index
      %get3A_506 = tpu.vector_load %arg6[%get3A_504, %get3A_505] {strides = array<i32>} : memref<256x128xf32, #tpu.memory_space<vmem>>, vector<1x16xf32>,
      %get3A_507 = vector.shape_cast %get3A_506 : vector<1x16xf32> to vector<16xf32>
      %add3A_508 = arith.addf %add3A_499, %get3A_507 : vector<16xf32>
      %mul3A_509 = arith.constant 16 : i32
      %mul3A_510 = arith.muli %scan3A_82, %mul3A_509 : i32
      %add3A_511 = arith.constant 15 : i32
      %add3A_512 = arith.addi %mul3A_510, %add3A_511 : i32
      %get3A_513 = arith.index_cast %add3A_512 : i32 to index
      %get3A_514 = arith.constant 32 : index
      %get3A_515 = tpu.vector_load %arg6[%get3A_513, %get3A_514] {strides = array<i32>} : memref<256x128xf32, #tpu.memory_space<vmem>>, vector<1x16xf32>,
      %get3A_516 = vector.shape_cast %get3A_515 : vector<1x16xf32> to vector<16xf32>
      %add3A_517 = arith.addf %add3A_508, %get3A_516 : vector<16xf32>
      %add3A_518 = arith.constant 16 : i32
      %add3A_519 = arith.addi %add3A_518, %scan3A_82 : i32
      %swap3A_520 = arith.index_cast %add3A_519 : i32 to index
      %swap3A_521 = arith.constant 32 : index
      %swap3A_522 = tpu.vector_load %arg7[%swap3A_520, %swap3A_521] {strides = array<i32>} : memref<64x128xf32, #tpu.memory_space<vmem>>, vector<1x16xf32>,
      %swap3A_523 = vector.shape_cast %swap3A_522 : vector<1x16xf32> to vector<16xf32>
      %swap3A_524 = vector.shape_cast %add3A_517 : vector<16xf32> to vector<1x16xf32>
      tpu.vector_store %arg7[%swap3A_520, %swap3A_521], %swap3A_524 {strides = array<i32>} : memref<64x128xf32, #tpu.memory_space<vmem>>, vector<1x16xf32>,
      %mul3A_525 = arith.constant 16 : i32
      %mul3A_526 = arith.muli %scan3A_82, %mul3A_525 : i32
      %get3A_527 = arith.index_cast %mul3A_526 : i32 to index
      %get3A_528 = arith.constant 48 : index
      %get3A_529 = tpu.vector_load %arg6[%get3A_527, %get3A_528] {strides = array<i32>} : memref<256x128xf32, #tpu.memory_space<vmem>>, vector<1x16xf32>,
      %get3A_530 = vector.shape_cast %get3A_529 : vector<1x16xf32> to vector<16xf32>
      %mul3A_531 = arith.constant 16 : i32
      %mul3A_532 = arith.muli %scan3A_82, %mul3A_531 : i32
      %add3A_533 = arith.constant 1 : i32
      %add3A_534 = arith.addi %mul3A_532, %add3A_533 : i32
      %get3A_535 = arith.index_cast %add3A_534 : i32 to index
      %get3A_536 = arith.constant 48 : index
      %get3A_537 = tpu.vector_load %arg6[%get3A_535, %get3A_536] {strides = array<i32>} : memref<256x128xf32, #tpu.memory_space<vmem>>, vector<1x16xf32>,
      %get3A_538 = vector.shape_cast %get3A_537 : vector<1x16xf32> to vector<16xf32>
      %add3A_539 = arith.addf %get3A_530, %get3A_538 : vector<16xf32>
      %mul3A_540 = arith.constant 16 : i32
      %mul3A_541 = arith.muli %scan3A_82, %mul3A_540 : i32
      %add3A_542 = arith.constant 2 : i32
      %add3A_543 = arith.addi %mul3A_541, %add3A_542 : i32
      %get3A_544 = arith.index_cast %add3A_543 : i32 to index
      %get3A_545 = arith.constant 48 : index
      %get3A_546 = tpu.vector_load %arg6[%get3A_544, %get3A_545] {strides = array<i32>} : memref<256x128xf32, #tpu.memory_space<vmem>>, vector<1x16xf32>,
      %get3A_547 = vector.shape_cast %get3A_546 : vector<1x16xf32> to vector<16xf32>
      %add3A_548 = arith.addf %add3A_539, %get3A_547 : vector<16xf32>
      %mul3A_549 = arith.constant 16 : i32
      %mul3A_550 = arith.muli %scan3A_82, %mul3A_549 : i32
      %add3A_551 = arith.constant 3 : i32
      %add3A_552 = arith.addi %mul3A_550, %add3A_551 : i32
      %get3A_553 = arith.index_cast %add3A_552 : i32 to index
      %get3A_554 = arith.constant 48 : index
      %get3A_555 = tpu.vector_load %arg6[%get3A_553, %get3A_554] {strides = array<i32>} : memref<256x128xf32, #tpu.memory_space<vmem>>, vector<1x16xf32>,
      %get3A_556 = vector.shape_cast %get3A_555 : vector<1x16xf32> to vector<16xf32>
      %add3A_557 = arith.addf %add3A_548, %get3A_556 : vector<16xf32>
      %mul3A_558 = arith.constant 16 : i32
      %mul3A_559 = arith.muli %scan3A_82, %mul3A_558 : i32
      %add3A_560 = arith.constant 4 : i32
      %add3A_561 = arith.addi %mul3A_559, %add3A_560 : i32
      %get3A_562 = arith.index_cast %add3A_561 : i32 to index
      %get3A_563 = arith.constant 48 : index
      %get3A_564 = tpu.vector_load %arg6[%get3A_562, %get3A_563] {strides = array<i32>} : memref<256x128xf32, #tpu.memory_space<vmem>>, vector<1x16xf32>,
      %get3A_565 = vector.shape_cast %get3A_564 : vector<1x16xf32> to vector<16xf32>
      %add3A_566 = arith.addf %add3A_557, %get3A_565 : vector<16xf32>
      %mul3A_567 = arith.constant 16 : i32
      %mul3A_568 = arith.muli %scan3A_82, %mul3A_567 : i32
      %add3A_569 = arith.constant 5 : i32
      %add3A_570 = arith.addi %mul3A_568, %add3A_569 : i32
      %get3A_571 = arith.index_cast %add3A_570 : i32 to index
      %get3A_572 = arith.constant 48 : index
      %get3A_573 = tpu.vector_load %arg6[%get3A_571, %get3A_572] {strides = array<i32>} : memref<256x128xf32, #tpu.memory_space<vmem>>, vector<1x16xf32>,
      %get3A_574 = vector.shape_cast %get3A_573 : vector<1x16xf32> to vector<16xf32>
      %add3A_575 = arith.addf %add3A_566, %get3A_574 : vector<16xf32>
      %mul3A_576 = arith.constant 16 : i32
      %mul3A_577 = arith.muli %scan3A_82, %mul3A_576 : i32
      %add3A_578 = arith.constant 6 : i32
      %add3A_579 = arith.addi %mul3A_577, %add3A_578 : i32
      %get3A_580 = arith.index_cast %add3A_579 : i32 to index
      %get3A_581 = arith.constant 48 : index
      %get3A_582 = tpu.vector_load %arg6[%get3A_580, %get3A_581] {strides = array<i32>} : memref<256x128xf32, #tpu.memory_space<vmem>>, vector<1x16xf32>,
      %get3A_583 = vector.shape_cast %get3A_582 : vector<1x16xf32> to vector<16xf32>
      %add3A_584 = arith.addf %add3A_575, %get3A_583 : vector<16xf32>
      %mul3A_585 = arith.constant 16 : i32
      %mul3A_586 = arith.muli %scan3A_82, %mul3A_585 : i32
      %add3A_587 = arith.constant 7 : i32
      %add3A_588 = arith.addi %mul3A_586, %add3A_587 : i32
      %get3A_589 = arith.index_cast %add3A_588 : i32 to index
      %get3A_590 = arith.constant 48 : index
      %get3A_591 = tpu.vector_load %arg6[%get3A_589, %get3A_590] {strides = array<i32>} : memref<256x128xf32, #tpu.memory_space<vmem>>, vector<1x16xf32>,
      %get3A_592 = vector.shape_cast %get3A_591 : vector<1x16xf32> to vector<16xf32>
      %add3A_593 = arith.addf %add3A_584, %get3A_592 : vector<16xf32>
      %mul3A_594 = arith.constant 16 : i32
      %mul3A_595 = arith.muli %scan3A_82, %mul3A_594 : i32
      %add3A_596 = arith.constant 8 : i32
      %add3A_597 = arith.addi %mul3A_595, %add3A_596 : i32
      %get3A_598 = arith.index_cast %add3A_597 : i32 to index
      %get3A_599 = arith.constant 48 : index
      %get3A_600 = tpu.vector_load %arg6[%get3A_598, %get3A_599] {strides = array<i32>} : memref<256x128xf32, #tpu.memory_space<vmem>>, vector<1x16xf32>,
      %get3A_601 = vector.shape_cast %get3A_600 : vector<1x16xf32> to vector<16xf32>
      %add3A_602 = arith.addf %add3A_593, %get3A_601 : vector<16xf32>
      %mul3A_603 = arith.constant 16 : i32
      %mul3A_604 = arith.muli %scan3A_82, %mul3A_603 : i32
      %add3A_605 = arith.constant 9 : i32
      %add3A_606 = arith.addi %mul3A_604, %add3A_605 : i32
      %get3A_607 = arith.index_cast %add3A_606 : i32 to index
      %get3A_608 = arith.constant 48 : index
      %get3A_609 = tpu.vector_load %arg6[%get3A_607, %get3A_608] {strides = array<i32>} : memref<256x128xf32, #tpu.memory_space<vmem>>, vector<1x16xf32>,
      %get3A_610 = vector.shape_cast %get3A_609 : vector<1x16xf32> to vector<16xf32>
      %add3A_611 = arith.addf %add3A_602, %get3A_610 : vector<16xf32>
      %mul3A_612 = arith.constant 16 : i32
      %mul3A_613 = arith.muli %scan3A_82, %mul3A_612 : i32
      %add3A_614 = arith.constant 10 : i32
      %add3A_615 = arith.addi %mul3A_613, %add3A_614 : i32
      %get3A_616 = arith.index_cast %add3A_615 : i32 to index
      %get3A_617 = arith.constant 48 : index
      %get3A_618 = tpu.vector_load %arg6[%get3A_616, %get3A_617] {strides = array<i32>} : memref<256x128xf32, #tpu.memory_space<vmem>>, vector<1x16xf32>,
      %get3A_619 = vector.shape_cast %get3A_618 : vector<1x16xf32> to vector<16xf32>
      %add3A_620 = arith.addf %add3A_611, %get3A_619 : vector<16xf32>
      %mul3A_621 = arith.constant 16 : i32
      %mul3A_622 = arith.muli %scan3A_82, %mul3A_621 : i32
      %add3A_623 = arith.constant 11 : i32
      %add3A_624 = arith.addi %mul3A_622, %add3A_623 : i32
      %get3A_625 = arith.index_cast %add3A_624 : i32 to index
      %get3A_626 = arith.constant 48 : index
      %get3A_627 = tpu.vector_load %arg6[%get3A_625, %get3A_626] {strides = array<i32>} : memref<256x128xf32, #tpu.memory_space<vmem>>, vector<1x16xf32>,
      %get3A_628 = vector.shape_cast %get3A_627 : vector<1x16xf32> to vector<16xf32>
      %add3A_629 = arith.addf %add3A_620, %get3A_628 : vector<16xf32>
      %mul3A_630 = arith.constant 16 : i32
      %mul3A_631 = arith.muli %scan3A_82, %mul3A_630 : i32
      %add3A_632 = arith.constant 12 : i32
      %add3A_633 = arith.addi %mul3A_631, %add3A_632 : i32
      %get3A_634 = arith.index_cast %add3A_633 : i32 to index
      %get3A_635 = arith.constant 48 : index
      %get3A_636 = tpu.vector_load %arg6[%get3A_634, %get3A_635] {strides = array<i32>} : memref<256x128xf32, #tpu.memory_space<vmem>>, vector<1x16xf32>,
      %get3A_637 = vector.shape_cast %get3A_636 : vector<1x16xf32> to vector<16xf32>
      %add3A_638 = arith.addf %add3A_629, %get3A_637 : vector<16xf32>
      %mul3A_639 = arith.constant 16 : i32
      %mul3A_640 = arith.muli %scan3A_82, %mul3A_639 : i32
      %add3A_641 = arith.constant 13 : i32
      %add3A_642 = arith.addi %mul3A_640, %add3A_641 : i32
      %get3A_643 = arith.index_cast %add3A_642 : i32 to index
      %get3A_644 = arith.constant 48 : index
      %get3A_645 = tpu.vector_load %arg6[%get3A_643, %get3A_644] {strides = array<i32>} : memref<256x128xf32, #tpu.memory_space<vmem>>, vector<1x16xf32>,
      %get3A_646 = vector.shape_cast %get3A_645 : vector<1x16xf32> to vector<16xf32>
      %add3A_647 = arith.addf %add3A_638, %get3A_646 : vector<16xf32>
      %mul3A_648 = arith.constant 16 : i32
      %mul3A_649 = arith.muli %scan3A_82, %mul3A_648 : i32
      %add3A_650 = arith.constant 14 : i32
      %add3A_651 = arith.addi %mul3A_649, %add3A_650 : i32
      %get3A_652 = arith.index_cast %add3A_651 : i32 to index
      %get3A_653 = arith.constant 48 : index
      %get3A_654 = tpu.vector_load %arg6[%get3A_652, %get3A_653] {strides = array<i32>} : memref<256x128xf32, #tpu.memory_space<vmem>>, vector<1x16xf32>,
      %get3A_655 = vector.shape_cast %get3A_654 : vector<1x16xf32> to vector<16xf32>
      %add3A_656 = arith.addf %add3A_647, %get3A_655 : vector<16xf32>
      %mul3A_657 = arith.constant 16 : i32
      %mul3A_658 = arith.muli %scan3A_82, %mul3A_657 : i32
      %add3A_659 = arith.constant 15 : i32
      %add3A_660 = arith.addi %mul3A_658, %add3A_659 : i32
      %get3A_661 = arith.index_cast %add3A_660 : i32 to index
      %get3A_662 = arith.constant 48 : index
      %get3A_663 = tpu.vector_load %arg6[%get3A_661, %get3A_662] {strides = array<i32>} : memref<256x128xf32, #tpu.memory_space<vmem>>, vector<1x16xf32>,
      %get3A_664 = vector.shape_cast %get3A_663 : vector<1x16xf32> to vector<16xf32>
      %add3A_665 = arith.addf %add3A_656, %get3A_664 : vector<16xf32>
      %add3A_666 = arith.constant 16 : i32
      %add3A_667 = arith.addi %add3A_666, %scan3A_82 : i32
      %swap3A_668 = arith.index_cast %add3A_667 : i32 to index
      %swap3A_669 = arith.constant 48 : index
      %swap3A_670 = tpu.vector_load %arg7[%swap3A_668, %swap3A_669] {strides = array<i32>} : memref<64x128xf32, #tpu.memory_space<vmem>>, vector<1x16xf32>,
      %swap3A_671 = vector.shape_cast %swap3A_670 : vector<1x16xf32> to vector<16xf32>
      %swap3A_672 = vector.shape_cast %add3A_665 : vector<16xf32> to vector<1x16xf32>
      tpu.vector_store %arg7[%swap3A_668, %swap3A_669], %swap3A_672 {strides = array<i32>} : memref<64x128xf32, #tpu.memory_space<vmem>>, vector<1x16xf32>,
      %mul3A_673 = arith.constant 16 : i32
      %mul3A_674 = arith.muli %scan3A_82, %mul3A_673 : i32
      %get3A_675 = arith.index_cast %mul3A_674 : i32 to index
      %get3A_676 = arith.constant 64 : index
      %get3A_677 = tpu.vector_load %arg6[%get3A_675, %get3A_676] {strides = array<i32>} : memref<256x128xf32, #tpu.memory_space<vmem>>, vector<1x16xf32>,
      %get3A_678 = vector.shape_cast %get3A_677 : vector<1x16xf32> to vector<16xf32>
      %mul3A_679 = arith.constant 16 : i32
      %mul3A_680 = arith.muli %scan3A_82, %mul3A_679 : i32
      %add3A_681 = arith.constant 1 : i32
      %add3A_682 = arith.addi %mul3A_680, %add3A_681 : i32
      %get3A_683 = arith.index_cast %add3A_682 : i32 to index
      %get3A_684 = arith.constant 64 : index
      %get3A_685 = tpu.vector_load %arg6[%get3A_683, %get3A_684] {strides = array<i32>} : memref<256x128xf32, #tpu.memory_space<vmem>>, vector<1x16xf32>,
      %get3A_686 = vector.shape_cast %get3A_685 : vector<1x16xf32> to vector<16xf32>
      %add3A_687 = arith.addf %get3A_678, %get3A_686 : vector<16xf32>
      %mul3A_688 = arith.constant 16 : i32
      %mul3A_689 = arith.muli %scan3A_82, %mul3A_688 : i32
      %add3A_690 = arith.constant 2 : i32
      %add3A_691 = arith.addi %mul3A_689, %add3A_690 : i32
      %get3A_692 = arith.index_cast %add3A_691 : i32 to index
      %get3A_693 = arith.constant 64 : index
      %get3A_694 = tpu.vector_load %arg6[%get3A_692, %get3A_693] {strides = array<i32>} : memref<256x128xf32, #tpu.memory_space<vmem>>, vector<1x16xf32>,
      %get3A_695 = vector.shape_cast %get3A_694 : vector<1x16xf32> to vector<16xf32>
      %add3A_696 = arith.addf %add3A_687, %get3A_695 : vector<16xf32>
      %mul3A_697 = arith.constant 16 : i32
      %mul3A_698 = arith.muli %scan3A_82, %mul3A_697 : i32
      %add3A_699 = arith.constant 3 : i32
      %add3A_700 = arith.addi %mul3A_698, %add3A_699 : i32
      %get3A_701 = arith.index_cast %add3A_700 : i32 to index
      %get3A_702 = arith.constant 64 : index
      %get3A_703 = tpu.vector_load %arg6[%get3A_701, %get3A_702] {strides = array<i32>} : memref<256x128xf32, #tpu.memory_space<vmem>>, vector<1x16xf32>,
      %get3A_704 = vector.shape_cast %get3A_703 : vector<1x16xf32> to vector<16xf32>
      %add3A_705 = arith.addf %add3A_696, %get3A_704 : vector<16xf32>
      %mul3A_706 = arith.constant 16 : i32
      %mul3A_707 = arith.muli %scan3A_82, %mul3A_706 : i32
      %add3A_708 = arith.constant 4 : i32
      %add3A_709 = arith.addi %mul3A_707, %add3A_708 : i32
      %get3A_710 = arith.index_cast %add3A_709 : i32 to index
      %get3A_711 = arith.constant 64 : index
      %get3A_712 = tpu.vector_load %arg6[%get3A_710, %get3A_711] {strides = array<i32>} : memref<256x128xf32, #tpu.memory_space<vmem>>, vector<1x16xf32>,
      %get3A_713 = vector.shape_cast %get3A_712 : vector<1x16xf32> to vector<16xf32>
      %add3A_714 = arith.addf %add3A_705, %get3A_713 : vector<16xf32>
      %mul3A_715 = arith.constant 16 : i32
      %mul3A_716 = arith.muli %scan3A_82, %mul3A_715 : i32
      %add3A_717 = arith.constant 5 : i32
      %add3A_718 = arith.addi %mul3A_716, %add3A_717 : i32
      %get3A_719 = arith.index_cast %add3A_718 : i32 to index
      %get3A_720 = arith.constant 64 : index
      %get3A_721 = tpu.vector_load %arg6[%get3A_719, %get3A_720] {strides = array<i32>} : memref<256x128xf32, #tpu.memory_space<vmem>>, vector<1x16xf32>,
      %get3A_722 = vector.shape_cast %get3A_721 : vector<1x16xf32> to vector<16xf32>
      %add3A_723 = arith.addf %add3A_714, %get3A_722 : vector<16xf32>
      %mul3A_724 = arith.constant 16 : i32
      %mul3A_725 = arith.muli %scan3A_82, %mul3A_724 : i32
      %add3A_726 = arith.constant 6 : i32
      %add3A_727 = arith.addi %mul3A_725, %add3A_726 : i32
      %get3A_728 = arith.index_cast %add3A_727 : i32 to index
      %get3A_729 = arith.constant 64 : index
      %get3A_730 = tpu.vector_load %arg6[%get3A_728, %get3A_729] {strides = array<i32>} : memref<256x128xf32, #tpu.memory_space<vmem>>, vector<1x16xf32>,
      %get3A_731 = vector.shape_cast %get3A_730 : vector<1x16xf32> to vector<16xf32>
      %add3A_732 = arith.addf %add3A_723, %get3A_731 : vector<16xf32>
      %mul3A_733 = arith.constant 16 : i32
      %mul3A_734 = arith.muli %scan3A_82, %mul3A_733 : i32
      %add3A_735 = arith.constant 7 : i32
      %add3A_736 = arith.addi %mul3A_734, %add3A_735 : i32
      %get3A_737 = arith.index_cast %add3A_736 : i32 to index
      %get3A_738 = arith.constant 64 : index
      %get3A_739 = tpu.vector_load %arg6[%get3A_737, %get3A_738] {strides = array<i32>} : memref<256x128xf32, #tpu.memory_space<vmem>>, vector<1x16xf32>,
      %get3A_740 = vector.shape_cast %get3A_739 : vector<1x16xf32> to vector<16xf32>
      %add3A_741 = arith.addf %add3A_732, %get3A_740 : vector<16xf32>
      %mul3A_742 = arith.constant 16 : i32
      %mul3A_743 = arith.muli %scan3A_82, %mul3A_742 : i32
      %add3A_744 = arith.constant 8 : i32
      %add3A_745 = arith.addi %mul3A_743, %add3A_744 : i32
      %get3A_746 = arith.index_cast %add3A_745 : i32 to index
      %get3A_747 = arith.constant 64 : index
      %get3A_748 = tpu.vector_load %arg6[%get3A_746, %get3A_747] {strides = array<i32>} : memref<256x128xf32, #tpu.memory_space<vmem>>, vector<1x16xf32>,
      %get3A_749 = vector.shape_cast %get3A_748 : vector<1x16xf32> to vector<16xf32>
      %add3A_750 = arith.addf %add3A_741, %get3A_749 : vector<16xf32>
      %mul3A_751 = arith.constant 16 : i32
      %mul3A_752 = arith.muli %scan3A_82, %mul3A_751 : i32
      %add3A_753 = arith.constant 9 : i32
      %add3A_754 = arith.addi %mul3A_752, %add3A_753 : i32
      %get3A_755 = arith.index_cast %add3A_754 : i32 to index
      %get3A_756 = arith.constant 64 : index
      %get3A_757 = tpu.vector_load %arg6[%get3A_755, %get3A_756] {strides = array<i32>} : memref<256x128xf32, #tpu.memory_space<vmem>>, vector<1x16xf32>,
      %get3A_758 = vector.shape_cast %get3A_757 : vector<1x16xf32> to vector<16xf32>
      %add3A_759 = arith.addf %add3A_750, %get3A_758 : vector<16xf32>
      %mul3A_760 = arith.constant 16 : i32
      %mul3A_761 = arith.muli %scan3A_82, %mul3A_760 : i32
      %add3A_762 = arith.constant 10 : i32
      %add3A_763 = arith.addi %mul3A_761, %add3A_762 : i32
      %get3A_764 = arith.index_cast %add3A_763 : i32 to index
      %get3A_765 = arith.constant 64 : index
      %get3A_766 = tpu.vector_load %arg6[%get3A_764, %get3A_765] {strides = array<i32>} : memref<256x128xf32, #tpu.memory_space<vmem>>, vector<1x16xf32>,
      %get3A_767 = vector.shape_cast %get3A_766 : vector<1x16xf32> to vector<16xf32>
      %add3A_768 = arith.addf %add3A_759, %get3A_767 : vector<16xf32>
      %mul3A_769 = arith.constant 16 : i32
      %mul3A_770 = arith.muli %scan3A_82, %mul3A_769 : i32
      %add3A_771 = arith.constant 11 : i32
      %add3A_772 = arith.addi %mul3A_770, %add3A_771 : i32
      %get3A_773 = arith.index_cast %add3A_772 : i32 to index
      %get3A_774 = arith.constant 64 : index
      %get3A_775 = tpu.vector_load %arg6[%get3A_773, %get3A_774] {strides = array<i32>} : memref<256x128xf32, #tpu.memory_space<vmem>>, vector<1x16xf32>,
      %get3A_776 = vector.shape_cast %get3A_775 : vector<1x16xf32> to vector<16xf32>
      %add3A_777 = arith.addf %add3A_768, %get3A_776 : vector<16xf32>
      %mul3A_778 = arith.constant 16 : i32
      %mul3A_779 = arith.muli %scan3A_82, %mul3A_778 : i32
      %add3A_780 = arith.constant 12 : i32
      %add3A_781 = arith.addi %mul3A_779, %add3A_780 : i32
      %get3A_782 = arith.index_cast %add3A_781 : i32 to index
      %get3A_783 = arith.constant 64 : index
      %get3A_784 = tpu.vector_load %arg6[%get3A_782, %get3A_783] {strides = array<i32>} : memref<256x128xf32, #tpu.memory_space<vmem>>, vector<1x16xf32>,
      %get3A_785 = vector.shape_cast %get3A_784 : vector<1x16xf32> to vector<16xf32>
      %add3A_786 = arith.addf %add3A_777, %get3A_785 : vector<16xf32>
      %mul3A_787 = arith.constant 16 : i32
      %mul3A_788 = arith.muli %scan3A_82, %mul3A_787 : i32
      %add3A_789 = arith.constant 13 : i32
      %add3A_790 = arith.addi %mul3A_788, %add3A_789 : i32
      %get3A_791 = arith.index_cast %add3A_790 : i32 to index
      %get3A_792 = arith.constant 64 : index
      %get3A_793 = tpu.vector_load %arg6[%get3A_791, %get3A_792] {strides = array<i32>} : memref<256x128xf32, #tpu.memory_space<vmem>>, vector<1x16xf32>,
      %get3A_794 = vector.shape_cast %get3A_793 : vector<1x16xf32> to vector<16xf32>
      %add3A_795 = arith.addf %add3A_786, %get3A_794 : vector<16xf32>
      %mul3A_796 = arith.constant 16 : i32
      %mul3A_797 = arith.muli %scan3A_82, %mul3A_796 : i32
      %add3A_798 = arith.constant 14 : i32
      %add3A_799 = arith.addi %mul3A_797, %add3A_798 : i32
      %get3A_800 = arith.index_cast %add3A_799 : i32 to index
      %get3A_801 = arith.constant 64 : index
      %get3A_802 = tpu.vector_load %arg6[%get3A_800, %get3A_801] {strides = array<i32>} : memref<256x128xf32, #tpu.memory_space<vmem>>, vector<1x16xf32>,
      %get3A_803 = vector.shape_cast %get3A_802 : vector<1x16xf32> to vector<16xf32>
      %add3A_804 = arith.addf %add3A_795, %get3A_803 : vector<16xf32>
      %mul3A_805 = arith.constant 16 : i32
      %mul3A_806 = arith.muli %scan3A_82, %mul3A_805 : i32
      %add3A_807 = arith.constant 15 : i32
      %add3A_808 = arith.addi %mul3A_806, %add3A_807 : i32
      %get3A_809 = arith.index_cast %add3A_808 : i32 to index
      %get3A_810 = arith.constant 64 : index
      %get3A_811 = tpu.vector_load %arg6[%get3A_809, %get3A_810] {strides = array<i32>} : memref<256x128xf32, #tpu.memory_space<vmem>>, vector<1x16xf32>,
      %get3A_812 = vector.shape_cast %get3A_811 : vector<1x16xf32> to vector<16xf32>
      %add3A_813 = arith.addf %add3A_804, %get3A_812 : vector<16xf32>
      %add3A_814 = arith.constant 16 : i32
      %add3A_815 = arith.addi %add3A_814, %scan3A_82 : i32
      %swap3A_816 = arith.index_cast %add3A_815 : i32 to index
      %swap3A_817 = arith.constant 64 : index
      %swap3A_818 = tpu.vector_load %arg7[%swap3A_816, %swap3A_817] {strides = array<i32>} : memref<64x128xf32, #tpu.memory_space<vmem>>, vector<1x16xf32>,
      %swap3A_819 = vector.shape_cast %swap3A_818 : vector<1x16xf32> to vector<16xf32>
      %swap3A_820 = vector.shape_cast %add3A_813 : vector<16xf32> to vector<1x16xf32>
      tpu.vector_store %arg7[%swap3A_816, %swap3A_817], %swap3A_820 {strides = array<i32>} : memref<64x128xf32, #tpu.memory_space<vmem>>, vector<1x16xf32>,
      %mul3A_821 = arith.constant 16 : i32
      %mul3A_822 = arith.muli %scan3A_82, %mul3A_821 : i32
      %get3A_823 = arith.index_cast %mul3A_822 : i32 to index
      %get3A_824 = arith.constant 80 : index
      %get3A_825 = tpu.vector_load %arg6[%get3A_823, %get3A_824] {strides = array<i32>} : memref<256x128xf32, #tpu.memory_space<vmem>>, vector<1x16xf32>,
      %get3A_826 = vector.shape_cast %get3A_825 : vector<1x16xf32> to vector<16xf32>
      %mul3A_827 = arith.constant 16 : i32
      %mul3A_828 = arith.muli %scan3A_82, %mul3A_827 : i32
      %add3A_829 = arith.constant 1 : i32
      %add3A_830 = arith.addi %mul3A_828, %add3A_829 : i32
      %get3A_831 = arith.index_cast %add3A_830 : i32 to index
      %get3A_832 = arith.constant 80 : index
      %get3A_833 = tpu.vector_load %arg6[%get3A_831, %get3A_832] {strides = array<i32>} : memref<256x128xf32, #tpu.memory_space<vmem>>, vector<1x16xf32>,
      %get3A_834 = vector.shape_cast %get3A_833 : vector<1x16xf32> to vector<16xf32>
      %add3A_835 = arith.addf %get3A_826, %get3A_834 : vector<16xf32>
      %mul3A_836 = arith.constant 16 : i32
      %mul3A_837 = arith.muli %scan3A_82, %mul3A_836 : i32
      %add3A_838 = arith.constant 2 : i32
      %add3A_839 = arith.addi %mul3A_837, %add3A_838 : i32
      %get3A_840 = arith.index_cast %add3A_839 : i32 to index
      %get3A_841 = arith.constant 80 : index
      %get3A_842 = tpu.vector_load %arg6[%get3A_840, %get3A_841] {strides = array<i32>} : memref<256x128xf32, #tpu.memory_space<vmem>>, vector<1x16xf32>,
      %get3A_843 = vector.shape_cast %get3A_842 : vector<1x16xf32> to vector<16xf32>
      %add3A_844 = arith.addf %add3A_835, %get3A_843 : vector<16xf32>
      %mul3A_845 = arith.constant 16 : i32
      %mul3A_846 = arith.muli %scan3A_82, %mul3A_845 : i32
      %add3A_847 = arith.constant 3 : i32
      %add3A_848 = arith.addi %mul3A_846, %add3A_847 : i32
      %get3A_849 = arith.index_cast %add3A_848 : i32 to index
      %get3A_850 = arith.constant 80 : index
      %get3A_851 = tpu.vector_load %arg6[%get3A_849, %get3A_850] {strides = array<i32>} : memref<256x128xf32, #tpu.memory_space<vmem>>, vector<1x16xf32>,
      %get3A_852 = vector.shape_cast %get3A_851 : vector<1x16xf32> to vector<16xf32>
      %add3A_853 = arith.addf %add3A_844, %get3A_852 : vector<16xf32>
      %mul3A_854 = arith.constant 16 : i32
      %mul3A_855 = arith.muli %scan3A_82, %mul3A_854 : i32
      %add3A_856 = arith.constant 4 : i32
      %add3A_857 = arith.addi %mul3A_855, %add3A_856 : i32
      %get3A_858 = arith.index_cast %add3A_857 : i32 to index
      %get3A_859 = arith.constant 80 : index
      %get3A_860 = tpu.vector_load %arg6[%get3A_858, %get3A_859] {strides = array<i32>} : memref<256x128xf32, #tpu.memory_space<vmem>>, vector<1x16xf32>,
      %get3A_861 = vector.shape_cast %get3A_860 : vector<1x16xf32> to vector<16xf32>
      %add3A_862 = arith.addf %add3A_853, %get3A_861 : vector<16xf32>
      %mul3A_863 = arith.constant 16 : i32
      %mul3A_864 = arith.muli %scan3A_82, %mul3A_863 : i32
      %add3A_865 = arith.constant 5 : i32
      %add3A_866 = arith.addi %mul3A_864, %add3A_865 : i32
      %get3A_867 = arith.index_cast %add3A_866 : i32 to index
      %get3A_868 = arith.constant 80 : index
      %get3A_869 = tpu.vector_load %arg6[%get3A_867, %get3A_868] {strides = array<i32>} : memref<256x128xf32, #tpu.memory_space<vmem>>, vector<1x16xf32>,
      %get3A_870 = vector.shape_cast %get3A_869 : vector<1x16xf32> to vector<16xf32>
      %add3A_871 = arith.addf %add3A_862, %get3A_870 : vector<16xf32>
      %mul3A_872 = arith.constant 16 : i32
      %mul3A_873 = arith.muli %scan3A_82, %mul3A_872 : i32
      %add3A_874 = arith.constant 6 : i32
      %add3A_875 = arith.addi %mul3A_873, %add3A_874 : i32
      %get3A_876 = arith.index_cast %add3A_875 : i32 to index
      %get3A_877 = arith.constant 80 : index
      %get3A_878 = tpu.vector_load %arg6[%get3A_876, %get3A_877] {strides = array<i32>} : memref<256x128xf32, #tpu.memory_space<vmem>>, vector<1x16xf32>,
      %get3A_879 = vector.shape_cast %get3A_878 : vector<1x16xf32> to vector<16xf32>
      %add3A_880 = arith.addf %add3A_871, %get3A_879 : vector<16xf32>
      %mul3A_881 = arith.constant 16 : i32
      %mul3A_882 = arith.muli %scan3A_82, %mul3A_881 : i32
      %add3A_883 = arith.constant 7 : i32
      %add3A_884 = arith.addi %mul3A_882, %add3A_883 : i32
      %get3A_885 = arith.index_cast %add3A_884 : i32 to index
      %get3A_886 = arith.constant 80 : index
      %get3A_887 = tpu.vector_load %arg6[%get3A_885, %get3A_886] {strides = array<i32>} : memref<256x128xf32, #tpu.memory_space<vmem>>, vector<1x16xf32>,
      %get3A_888 = vector.shape_cast %get3A_887 : vector<1x16xf32> to vector<16xf32>
      %add3A_889 = arith.addf %add3A_880, %get3A_888 : vector<16xf32>
      %mul3A_890 = arith.constant 16 : i32
      %mul3A_891 = arith.muli %scan3A_82, %mul3A_890 : i32
      %add3A_892 = arith.constant 8 : i32
      %add3A_893 = arith.addi %mul3A_891, %add3A_892 : i32
      %get3A_894 = arith.index_cast %add3A_893 : i32 to index
      %get3A_895 = arith.constant 80 : index
      %get3A_896 = tpu.vector_load %arg6[%get3A_894, %get3A_895] {strides = array<i32>} : memref<256x128xf32, #tpu.memory_space<vmem>>, vector<1x16xf32>,
      %get3A_897 = vector.shape_cast %get3A_896 : vector<1x16xf32> to vector<16xf32>
      %add3A_898 = arith.addf %add3A_889, %get3A_897 : vector<16xf32>
      %mul3A_899 = arith.constant 16 : i32
      %mul3A_900 = arith.muli %scan3A_82, %mul3A_899 : i32
      %add3A_901 = arith.constant 9 : i32
      %add3A_902 = arith.addi %mul3A_900, %add3A_901 : i32
      %get3A_903 = arith.index_cast %add3A_902 : i32 to index
      %get3A_904 = arith.constant 80 : index
      %get3A_905 = tpu.vector_load %arg6[%get3A_903, %get3A_904] {strides = array<i32>} : memref<256x128xf32, #tpu.memory_space<vmem>>, vector<1x16xf32>,
      %get3A_906 = vector.shape_cast %get3A_905 : vector<1x16xf32> to vector<16xf32>
      %add3A_907 = arith.addf %add3A_898, %get3A_906 : vector<16xf32>
      %mul3A_908 = arith.constant 16 : i32
      %mul3A_909 = arith.muli %scan3A_82, %mul3A_908 : i32
      %add3A_910 = arith.constant 10 : i32
      %add3A_911 = arith.addi %mul3A_909, %add3A_910 : i32
      %get3A_912 = arith.index_cast %add3A_911 : i32 to index
      %get3A_913 = arith.constant 80 : index
      %get3A_914 = tpu.vector_load %arg6[%get3A_912, %get3A_913] {strides = array<i32>} : memref<256x128xf32, #tpu.memory_space<vmem>>, vector<1x16xf32>,
      %get3A_915 = vector.shape_cast %get3A_914 : vector<1x16xf32> to vector<16xf32>
      %add3A_916 = arith.addf %add3A_907, %get3A_915 : vector<16xf32>
      %mul3A_917 = arith.constant 16 : i32
      %mul3A_918 = arith.muli %scan3A_82, %mul3A_917 : i32
      %add3A_919 = arith.constant 11 : i32
      %add3A_920 = arith.addi %mul3A_918, %add3A_919 : i32
      %get3A_921 = arith.index_cast %add3A_920 : i32 to index
      %get3A_922 = arith.constant 80 : index
      %get3A_923 = tpu.vector_load %arg6[%get3A_921, %get3A_922] {strides = array<i32>} : memref<256x128xf32, #tpu.memory_space<vmem>>, vector<1x16xf32>,
      %get3A_924 = vector.shape_cast %get3A_923 : vector<1x16xf32> to vector<16xf32>
      %add3A_925 = arith.addf %add3A_916, %get3A_924 : vector<16xf32>
      %mul3A_926 = arith.constant 16 : i32
      %mul3A_927 = arith.muli %scan3A_82, %mul3A_926 : i32
      %add3A_928 = arith.constant 12 : i32
      %add3A_929 = arith.addi %mul3A_927, %add3A_928 : i32
      %get3A_930 = arith.index_cast %add3A_929 : i32 to index
      %get3A_931 = arith.constant 80 : index
      %get3A_932 = tpu.vector_load %arg6[%get3A_930, %get3A_931] {strides = array<i32>} : memref<256x128xf32, #tpu.memory_space<vmem>>, vector<1x16xf32>,
      %get3A_933 = vector.shape_cast %get3A_932 : vector<1x16xf32> to vector<16xf32>
      %add3A_934 = arith.addf %add3A_925, %get3A_933 : vector<16xf32>
      %mul3A_935 = arith.constant 16 : i32
      %mul3A_936 = arith.muli %scan3A_82, %mul3A_935 : i32
      %add3A_937 = arith.constant 13 : i32
      %add3A_938 = arith.addi %mul3A_936, %add3A_937 : i32
      %get3A_939 = arith.index_cast %add3A_938 : i32 to index
      %get3A_940 = arith.constant 80 : index
      %get3A_941 = tpu.vector_load %arg6[%get3A_939, %get3A_940] {strides = array<i32>} : memref<256x128xf32, #tpu.memory_space<vmem>>, vector<1x16xf32>,
      %get3A_942 = vector.shape_cast %get3A_941 : vector<1x16xf32> to vector<16xf32>
      %add3A_943 = arith.addf %add3A_934, %get3A_942 : vector<16xf32>
      %mul3A_944 = arith.constant 16 : i32
      %mul3A_945 = arith.muli %scan3A_82, %mul3A_944 : i32
      %add3A_946 = arith.constant 14 : i32
      %add3A_947 = arith.addi %mul3A_945, %add3A_946 : i32
      %get3A_948 = arith.index_cast %add3A_947 : i32 to index
      %get3A_949 = arith.constant 80 : index
      %get3A_950 = tpu.vector_load %arg6[%get3A_948, %get3A_949] {strides = array<i32>} : memref<256x128xf32, #tpu.memory_space<vmem>>, vector<1x16xf32>,
      %get3A_951 = vector.shape_cast %get3A_950 : vector<1x16xf32> to vector<16xf32>
      %add3A_952 = arith.addf %add3A_943, %get3A_951 : vector<16xf32>
      %mul3A_953 = arith.constant 16 : i32
      %mul3A_954 = arith.muli %scan3A_82, %mul3A_953 : i32
      %add3A_955 = arith.constant 15 : i32
      %add3A_956 = arith.addi %mul3A_954, %add3A_955 : i32
      %get3A_957 = arith.index_cast %add3A_956 : i32 to index
      %get3A_958 = arith.constant 80 : index
      %get3A_959 = tpu.vector_load %arg6[%get3A_957, %get3A_958] {strides = array<i32>} : memref<256x128xf32, #tpu.memory_space<vmem>>, vector<1x16xf32>,
      %get3A_960 = vector.shape_cast %get3A_959 : vector<1x16xf32> to vector<16xf32>
      %add3A_961 = arith.addf %add3A_952, %get3A_960 : vector<16xf32>
      %add3A_962 = arith.constant 16 : i32
      %add3A_963 = arith.addi %add3A_962, %scan3A_82 : i32
      %swap3A_964 = arith.index_cast %add3A_963 : i32 to index
      %swap3A_965 = arith.constant 80 : index
      %swap3A_966 = tpu.vector_load %arg7[%swap3A_964, %swap3A_965] {strides = array<i32>} : memref<64x128xf32, #tpu.memory_space<vmem>>, vector<1x16xf32>,
      %swap3A_967 = vector.shape_cast %swap3A_966 : vector<1x16xf32> to vector<16xf32>
      %swap3A_968 = vector.shape_cast %add3A_961 : vector<16xf32> to vector<1x16xf32>
      tpu.vector_store %arg7[%swap3A_964, %swap3A_965], %swap3A_968 {strides = array<i32>} : memref<64x128xf32, #tpu.memory_space<vmem>>, vector<1x16xf32>,
      %mul3A_969 = arith.constant 16 : i32
      %mul3A_970 = arith.muli %scan3A_82, %mul3A_969 : i32
      %get3A_971 = arith.index_cast %mul3A_970 : i32 to index
      %get3A_972 = arith.constant 96 : index
      %get3A_973 = tpu.vector_load %arg6[%get3A_971, %get3A_972] {strides = array<i32>} : memref<256x128xf32, #tpu.memory_space<vmem>>, vector<1x16xf32>,
      %get3A_974 = vector.shape_cast %get3A_973 : vector<1x16xf32> to vector<16xf32>
      %mul3A_975 = arith.constant 16 : i32
      %mul3A_976 = arith.muli %scan3A_82, %mul3A_975 : i32
      %add3A_977 = arith.constant 1 : i32
      %add3A_978 = arith.addi %mul3A_976, %add3A_977 : i32
      %get3A_979 = arith.index_cast %add3A_978 : i32 to index
      %get3A_980 = arith.constant 96 : index
      %get3A_981 = tpu.vector_load %arg6[%get3A_979, %get3A_980] {strides = array<i32>} : memref<256x128xf32, #tpu.memory_space<vmem>>, vector<1x16xf32>,
      %get3A_982 = vector.shape_cast %get3A_981 : vector<1x16xf32> to vector<16xf32>
      %add3A_983 = arith.addf %get3A_974, %get3A_982 : vector<16xf32>
      %mul3A_984 = arith.constant 16 : i32
      %mul3A_985 = arith.muli %scan3A_82, %mul3A_984 : i32
      %add3A_986 = arith.constant 2 : i32
      %add3A_987 = arith.addi %mul3A_985, %add3A_986 : i32
      %get3A_988 = arith.index_cast %add3A_987 : i32 to index
      %get3A_989 = arith.constant 96 : index
      %get3A_990 = tpu.vector_load %arg6[%get3A_988, %get3A_989] {strides = array<i32>} : memref<256x128xf32, #tpu.memory_space<vmem>>, vector<1x16xf32>,
      %get3A_991 = vector.shape_cast %get3A_990 : vector<1x16xf32> to vector<16xf32>
      %add3A_992 = arith.addf %add3A_983, %get3A_991 : vector<16xf32>
      %mul3A_993 = arith.constant 16 : i32
      %mul3A_994 = arith.muli %scan3A_82, %mul3A_993 : i32
      %add3A_995 = arith.constant 3 : i32
      %add3A_996 = arith.addi %mul3A_994, %add3A_995 : i32
      %get3A_997 = arith.index_cast %add3A_996 : i32 to index
      %get3A_998 = arith.constant 96 : index
      %get3A_999 = tpu.vector_load %arg6[%get3A_997, %get3A_998] {strides = array<i32>} : memref<256x128xf32, #tpu.memory_space<vmem>>, vector<1x16xf32>,
      %get3A_1000 = vector.shape_cast %get3A_999 : vector<1x16xf32> to vector<16xf32>
      %add3A_1001 = arith.addf %add3A_992, %get3A_1000 : vector<16xf32>
      %mul3A_1002 = arith.constant 16 : i32
      %mul3A_1003 = arith.muli %scan3A_82, %mul3A_1002 : i32
      %add3A_1004 = arith.constant 4 : i32
      %add3A_1005 = arith.addi %mul3A_1003, %add3A_1004 : i32
      %get3A_1006 = arith.index_cast %add3A_1005 : i32 to index
      %get3A_1007 = arith.constant 96 : index
      %get3A_1008 = tpu.vector_load %arg6[%get3A_1006, %get3A_1007] {strides = array<i32>} : memref<256x128xf32, #tpu.memory_space<vmem>>, vector<1x16xf32>,
      %get3A_1009 = vector.shape_cast %get3A_1008 : vector<1x16xf32> to vector<16xf32>
      %add3A_1010 = arith.addf %add3A_1001, %get3A_1009 : vector<16xf32>
      %mul3A_1011 = arith.constant 16 : i32
      %mul3A_1012 = arith.muli %scan3A_82, %mul3A_1011 : i32
      %add3A_1013 = arith.constant 5 : i32
      %add3A_1014 = arith.addi %mul3A_1012, %add3A_1013 : i32
      %get3A_1015 = arith.index_cast %add3A_1014 : i32 to index
      %get3A_1016 = arith.constant 96 : index
      %get3A_1017 = tpu.vector_load %arg6[%get3A_1015, %get3A_1016] {strides = array<i32>} : memref<256x128xf32, #tpu.memory_space<vmem>>, vector<1x16xf32>,
      %get3A_1018 = vector.shape_cast %get3A_1017 : vector<1x16xf32> to vector<16xf32>
      %add3A_1019 = arith.addf %add3A_1010, %get3A_1018 : vector<16xf32>
      %mul3A_1020 = arith.constant 16 : i32
      %mul3A_1021 = arith.muli %scan3A_82, %mul3A_1020 : i32
      %add3A_1022 = arith.constant 6 : i32
      %add3A_1023 = arith.addi %mul3A_1021, %add3A_1022 : i32
      %get3A_1024 = arith.index_cast %add3A_1023 : i32 to index
      %get3A_1025 = arith.constant 96 : index
      %get3A_1026 = tpu.vector_load %arg6[%get3A_1024, %get3A_1025] {strides = array<i32>} : memref<256x128xf32, #tpu.memory_space<vmem>>, vector<1x16xf32>,
      %get3A_1027 = vector.shape_cast %get3A_1026 : vector<1x16xf32> to vector<16xf32>
      %add3A_1028 = arith.addf %add3A_1019, %get3A_1027 : vector<16xf32>
      %mul3A_1029 = arith.constant 16 : i32
      %mul3A_1030 = arith.muli %scan3A_82, %mul3A_1029 : i32
      %add3A_1031 = arith.constant 7 : i32
      %add3A_1032 = arith.addi %mul3A_1030, %add3A_1031 : i32
      %get3A_1033 = arith.index_cast %add3A_1032 : i32 to index
      %get3A_1034 = arith.constant 96 : index
      %get3A_1035 = tpu.vector_load %arg6[%get3A_1033, %get3A_1034] {strides = array<i32>} : memref<256x128xf32, #tpu.memory_space<vmem>>, vector<1x16xf32>,
      %get3A_1036 = vector.shape_cast %get3A_1035 : vector<1x16xf32> to vector<16xf32>
      %add3A_1037 = arith.addf %add3A_1028, %get3A_1036 : vector<16xf32>
      %mul3A_1038 = arith.constant 16 : i32
      %mul3A_1039 = arith.muli %scan3A_82, %mul3A_1038 : i32
      %add3A_1040 = arith.constant 8 : i32
      %add3A_1041 = arith.addi %mul3A_1039, %add3A_1040 : i32
      %get3A_1042 = arith.index_cast %add3A_1041 : i32 to index
      %get3A_1043 = arith.constant 96 : index
      %get3A_1044 = tpu.vector_load %arg6[%get3A_1042, %get3A_1043] {strides = array<i32>} : memref<256x128xf32, #tpu.memory_space<vmem>>, vector<1x16xf32>,
      %get3A_1045 = vector.shape_cast %get3A_1044 : vector<1x16xf32> to vector<16xf32>
      %add3A_1046 = arith.addf %add3A_1037, %get3A_1045 : vector<16xf32>
      %mul3A_1047 = arith.constant 16 : i32
      %mul3A_1048 = arith.muli %scan3A_82, %mul3A_1047 : i32
      %add3A_1049 = arith.constant 9 : i32
      %add3A_1050 = arith.addi %mul3A_1048, %add3A_1049 : i32
      %get3A_1051 = arith.index_cast %add3A_1050 : i32 to index
      %get3A_1052 = arith.constant 96 : index
      %get3A_1053 = tpu.vector_load %arg6[%get3A_1051, %get3A_1052] {strides = array<i32>} : memref<256x128xf32, #tpu.memory_space<vmem>>, vector<1x16xf32>,
      %get3A_1054 = vector.shape_cast %get3A_1053 : vector<1x16xf32> to vector<16xf32>
      %add3A_1055 = arith.addf %add3A_1046, %get3A_1054 : vector<16xf32>
      %mul3A_1056 = arith.constant 16 : i32
      %mul3A_1057 = arith.muli %scan3A_82, %mul3A_1056 : i32
      %add3A_1058 = arith.constant 10 : i32
      %add3A_1059 = arith.addi %mul3A_1057, %add3A_1058 : i32
      %get3A_1060 = arith.index_cast %add3A_1059 : i32 to index
      %get3A_1061 = arith.constant 96 : index
      %get3A_1062 = tpu.vector_load %arg6[%get3A_1060, %get3A_1061] {strides = array<i32>} : memref<256x128xf32, #tpu.memory_space<vmem>>, vector<1x16xf32>,
      %get3A_1063 = vector.shape_cast %get3A_1062 : vector<1x16xf32> to vector<16xf32>
      %add3A_1064 = arith.addf %add3A_1055, %get3A_1063 : vector<16xf32>
      %mul3A_1065 = arith.constant 16 : i32
      %mul3A_1066 = arith.muli %scan3A_82, %mul3A_1065 : i32
      %add3A_1067 = arith.constant 11 : i32
      %add3A_1068 = arith.addi %mul3A_1066, %add3A_1067 : i32
      %get3A_1069 = arith.index_cast %add3A_1068 : i32 to index
      %get3A_1070 = arith.constant 96 : index
      %get3A_1071 = tpu.vector_load %arg6[%get3A_1069, %get3A_1070] {strides = array<i32>} : memref<256x128xf32, #tpu.memory_space<vmem>>, vector<1x16xf32>,
      %get3A_1072 = vector.shape_cast %get3A_1071 : vector<1x16xf32> to vector<16xf32>
      %add3A_1073 = arith.addf %add3A_1064, %get3A_1072 : vector<16xf32>
      %mul3A_1074 = arith.constant 16 : i32
      %mul3A_1075 = arith.muli %scan3A_82, %mul3A_1074 : i32
      %add3A_1076 = arith.constant 12 : i32
      %add3A_1077 = arith.addi %mul3A_1075, %add3A_1076 : i32
      %get3A_1078 = arith.index_cast %add3A_1077 : i32 to index
      %get3A_1079 = arith.constant 96 : index
      %get3A_1080 = tpu.vector_load %arg6[%get3A_1078, %get3A_1079] {strides = array<i32>} : memref<256x128xf32, #tpu.memory_space<vmem>>, vector<1x16xf32>,
      %get3A_1081 = vector.shape_cast %get3A_1080 : vector<1x16xf32> to vector<16xf32>
      %add3A_1082 = arith.addf %add3A_1073, %get3A_1081 : vector<16xf32>
      %mul3A_1083 = arith.constant 16 : i32
      %mul3A_1084 = arith.muli %scan3A_82, %mul3A_1083 : i32
      %add3A_1085 = arith.constant 13 : i32
      %add3A_1086 = arith.addi %mul3A_1084, %add3A_1085 : i32
      %get3A_1087 = arith.index_cast %add3A_1086 : i32 to index
      %get3A_1088 = arith.constant 96 : index
      %get3A_1089 = tpu.vector_load %arg6[%get3A_1087, %get3A_1088] {strides = array<i32>} : memref<256x128xf32, #tpu.memory_space<vmem>>, vector<1x16xf32>,
      %get3A_1090 = vector.shape_cast %get3A_1089 : vector<1x16xf32> to vector<16xf32>
      %add3A_1091 = arith.addf %add3A_1082, %get3A_1090 : vector<16xf32>
      %mul3A_1092 = arith.constant 16 : i32
      %mul3A_1093 = arith.muli %scan3A_82, %mul3A_1092 : i32
      %add3A_1094 = arith.constant 14 : i32
      %add3A_1095 = arith.addi %mul3A_1093, %add3A_1094 : i32
      %get3A_1096 = arith.index_cast %add3A_1095 : i32 to index
      %get3A_1097 = arith.constant 96 : index
      %get3A_1098 = tpu.vector_load %arg6[%get3A_1096, %get3A_1097] {strides = array<i32>} : memref<256x128xf32, #tpu.memory_space<vmem>>, vector<1x16xf32>,
      %get3A_1099 = vector.shape_cast %get3A_1098 : vector<1x16xf32> to vector<16xf32>
      %add3A_1100 = arith.addf %add3A_1091, %get3A_1099 : vector<16xf32>
      %mul3A_1101 = arith.constant 16 : i32
      %mul3A_1102 = arith.muli %scan3A_82, %mul3A_1101 : i32
      %add3A_1103 = arith.constant 15 : i32
      %add3A_1104 = arith.addi %mul3A_1102, %add3A_1103 : i32
      %get3A_1105 = arith.index_cast %add3A_1104 : i32 to index
      %get3A_1106 = arith.constant 96 : index
      %get3A_1107 = tpu.vector_load %arg6[%get3A_1105, %get3A_1106] {strides = array<i32>} : memref<256x128xf32, #tpu.memory_space<vmem>>, vector<1x16xf32>,
      %get3A_1108 = vector.shape_cast %get3A_1107 : vector<1x16xf32> to vector<16xf32>
      %add3A_1109 = arith.addf %add3A_1100, %get3A_1108 : vector<16xf32>
      %add3A_1110 = arith.constant 16 : i32
      %add3A_1111 = arith.addi %add3A_1110, %scan3A_82 : i32
      %swap3A_1112 = arith.index_cast %add3A_1111 : i32 to index
      %swap3A_1113 = arith.constant 96 : index
      %swap3A_1114 = tpu.vector_load %arg7[%swap3A_1112, %swap3A_1113] {strides = array<i32>} : memref<64x128xf32, #tpu.memory_space<vmem>>, vector<1x16xf32>,
      %swap3A_1115 = vector.shape_cast %swap3A_1114 : vector<1x16xf32> to vector<16xf32>
      %swap3A_1116 = vector.shape_cast %add3A_1109 : vector<16xf32> to vector<1x16xf32>
      tpu.vector_store %arg7[%swap3A_1112, %swap3A_1113], %swap3A_1116 {strides = array<i32>} : memref<64x128xf32, #tpu.memory_space<vmem>>, vector<1x16xf32>,
      %mul3A_1117 = arith.constant 16 : i32
      %mul3A_1118 = arith.muli %scan3A_82, %mul3A_1117 : i32
      %get3A_1119 = arith.index_cast %mul3A_1118 : i32 to index
      %get3A_1120 = arith.constant 112 : index
      %get3A_1121 = tpu.vector_load %arg6[%get3A_1119, %get3A_1120] {strides = array<i32>} : memref<256x128xf32, #tpu.memory_space<vmem>>, vector<1x16xf32>,
      %get3A_1122 = vector.shape_cast %get3A_1121 : vector<1x16xf32> to vector<16xf32>
      %mul3A_1123 = arith.constant 16 : i32
      %mul3A_1124 = arith.muli %scan3A_82, %mul3A_1123 : i32
      %add3A_1125 = arith.constant 1 : i32
      %add3A_1126 = arith.addi %mul3A_1124, %add3A_1125 : i32
      %get3A_1127 = arith.index_cast %add3A_1126 : i32 to index
      %get3A_1128 = arith.constant 112 : index
      %get3A_1129 = tpu.vector_load %arg6[%get3A_1127, %get3A_1128] {strides = array<i32>} : memref<256x128xf32, #tpu.memory_space<vmem>>, vector<1x16xf32>,
      %get3A_1130 = vector.shape_cast %get3A_1129 : vector<1x16xf32> to vector<16xf32>
      %add3A_1131 = arith.addf %get3A_1122, %get3A_1130 : vector<16xf32>
      %mul3A_1132 = arith.constant 16 : i32
      %mul3A_1133 = arith.muli %scan3A_82, %mul3A_1132 : i32
      %add3A_1134 = arith.constant 2 : i32
      %add3A_1135 = arith.addi %mul3A_1133, %add3A_1134 : i32
      %get3A_1136 = arith.index_cast %add3A_1135 : i32 to index
      %get3A_1137 = arith.constant 112 : index
      %get3A_1138 = tpu.vector_load %arg6[%get3A_1136, %get3A_1137] {strides = array<i32>} : memref<256x128xf32, #tpu.memory_space<vmem>>, vector<1x16xf32>,
      %get3A_1139 = vector.shape_cast %get3A_1138 : vector<1x16xf32> to vector<16xf32>
      %add3A_1140 = arith.addf %add3A_1131, %get3A_1139 : vector<16xf32>
      %mul3A_1141 = arith.constant 16 : i32
      %mul3A_1142 = arith.muli %scan3A_82, %mul3A_1141 : i32
      %add3A_1143 = arith.constant 3 : i32
      %add3A_1144 = arith.addi %mul3A_1142, %add3A_1143 : i32
      %get3A_1145 = arith.index_cast %add3A_1144 : i32 to index
      %get3A_1146 = arith.constant 112 : index
      %get3A_1147 = tpu.vector_load %arg6[%get3A_1145, %get3A_1146] {strides = array<i32>} : memref<256x128xf32, #tpu.memory_space<vmem>>, vector<1x16xf32>,
      %get3A_1148 = vector.shape_cast %get3A_1147 : vector<1x16xf32> to vector<16xf32>
      %add3A_1149 = arith.addf %add3A_1140, %get3A_1148 : vector<16xf32>
      %mul3A_1150 = arith.constant 16 : i32
      %mul3A_1151 = arith.muli %scan3A_82, %mul3A_1150 : i32
      %add3A_1152 = arith.constant 4 : i32
      %add3A_1153 = arith.addi %mul3A_1151, %add3A_1152 : i32
      %get3A_1154 = arith.index_cast %add3A_1153 : i32 to index
      %get3A_1155 = arith.constant 112 : index
      %get3A_1156 = tpu.vector_load %arg6[%get3A_1154, %get3A_1155] {strides = array<i32>} : memref<256x128xf32, #tpu.memory_space<vmem>>, vector<1x16xf32>,
      %get3A_1157 = vector.shape_cast %get3A_1156 : vector<1x16xf32> to vector<16xf32>
      %add3A_1158 = arith.addf %add3A_1149, %get3A_1157 : vector<16xf32>
      %mul3A_1159 = arith.constant 16 : i32
      %mul3A_1160 = arith.muli %scan3A_82, %mul3A_1159 : i32
      %add3A_1161 = arith.constant 5 : i32
      %add3A_1162 = arith.addi %mul3A_1160, %add3A_1161 : i32
      %get3A_1163 = arith.index_cast %add3A_1162 : i32 to index
      %get3A_1164 = arith.constant 112 : index
      %get3A_1165 = tpu.vector_load %arg6[%get3A_1163, %get3A_1164] {strides = array<i32>} : memref<256x128xf32, #tpu.memory_space<vmem>>, vector<1x16xf32>,
      %get3A_1166 = vector.shape_cast %get3A_1165 : vector<1x16xf32> to vector<16xf32>
      %add3A_1167 = arith.addf %add3A_1158, %get3A_1166 : vector<16xf32>
      %mul3A_1168 = arith.constant 16 : i32
      %mul3A_1169 = arith.muli %scan3A_82, %mul3A_1168 : i32
      %add3A_1170 = arith.constant 6 : i32
      %add3A_1171 = arith.addi %mul3A_1169, %add3A_1170 : i32
      %get3A_1172 = arith.index_cast %add3A_1171 : i32 to index
      %get3A_1173 = arith.constant 112 : index
      %get3A_1174 = tpu.vector_load %arg6[%get3A_1172, %get3A_1173] {strides = array<i32>} : memref<256x128xf32, #tpu.memory_space<vmem>>, vector<1x16xf32>,
      %get3A_1175 = vector.shape_cast %get3A_1174 : vector<1x16xf32> to vector<16xf32>
      %add3A_1176 = arith.addf %add3A_1167, %get3A_1175 : vector<16xf32>
      %mul3A_1177 = arith.constant 16 : i32
      %mul3A_1178 = arith.muli %scan3A_82, %mul3A_1177 : i32
      %add3A_1179 = arith.constant 7 : i32
      %add3A_1180 = arith.addi %mul3A_1178, %add3A_1179 : i32
      %get3A_1181 = arith.index_cast %add3A_1180 : i32 to index
      %get3A_1182 = arith.constant 112 : index
      %get3A_1183 = tpu.vector_load %arg6[%get3A_1181, %get3A_1182] {strides = array<i32>} : memref<256x128xf32, #tpu.memory_space<vmem>>, vector<1x16xf32>,
      %get3A_1184 = vector.shape_cast %get3A_1183 : vector<1x16xf32> to vector<16xf32>
      %add3A_1185 = arith.addf %add3A_1176, %get3A_1184 : vector<16xf32>
      %mul3A_1186 = arith.constant 16 : i32
      %mul3A_1187 = arith.muli %scan3A_82, %mul3A_1186 : i32
      %add3A_1188 = arith.constant 8 : i32
      %add3A_1189 = arith.addi %mul3A_1187, %add3A_1188 : i32
      %get3A_1190 = arith.index_cast %add3A_1189 : i32 to index
      %get3A_1191 = arith.constant 112 : index
      %get3A_1192 = tpu.vector_load %arg6[%get3A_1190, %get3A_1191] {strides = array<i32>} : memref<256x128xf32, #tpu.memory_space<vmem>>, vector<1x16xf32>,
      %get3A_1193 = vector.shape_cast %get3A_1192 : vector<1x16xf32> to vector<16xf32>
      %add3A_1194 = arith.addf %add3A_1185, %get3A_1193 : vector<16xf32>
      %mul3A_1195 = arith.constant 16 : i32
      %mul3A_1196 = arith.muli %scan3A_82, %mul3A_1195 : i32
      %add3A_1197 = arith.constant 9 : i32
      %add3A_1198 = arith.addi %mul3A_1196, %add3A_1197 : i32
      %get3A_1199 = arith.index_cast %add3A_1198 : i32 to index
      %get3A_1200 = arith.constant 112 : index
      %get3A_1201 = tpu.vector_load %arg6[%get3A_1199, %get3A_1200] {strides = array<i32>} : memref<256x128xf32, #tpu.memory_space<vmem>>, vector<1x16xf32>,
      %get3A_1202 = vector.shape_cast %get3A_1201 : vector<1x16xf32> to vector<16xf32>
      %add3A_1203 = arith.addf %add3A_1194, %get3A_1202 : vector<16xf32>
      %mul3A_1204 = arith.constant 16 : i32
      %mul3A_1205 = arith.muli %scan3A_82, %mul3A_1204 : i32
      %add3A_1206 = arith.constant 10 : i32
      %add3A_1207 = arith.addi %mul3A_1205, %add3A_1206 : i32
      %get3A_1208 = arith.index_cast %add3A_1207 : i32 to index
      %get3A_1209 = arith.constant 112 : index
      %get3A_1210 = tpu.vector_load %arg6[%get3A_1208, %get3A_1209] {strides = array<i32>} : memref<256x128xf32, #tpu.memory_space<vmem>>, vector<1x16xf32>,
      %get3A_1211 = vector.shape_cast %get3A_1210 : vector<1x16xf32> to vector<16xf32>
      %add3A_1212 = arith.addf %add3A_1203, %get3A_1211 : vector<16xf32>
      %mul3A_1213 = arith.constant 16 : i32
      %mul3A_1214 = arith.muli %scan3A_82, %mul3A_1213 : i32
      %add3A_1215 = arith.constant 11 : i32
      %add3A_1216 = arith.addi %mul3A_1214, %add3A_1215 : i32
      %get3A_1217 = arith.index_cast %add3A_1216 : i32 to index
      %get3A_1218 = arith.constant 112 : index
      %get3A_1219 = tpu.vector_load %arg6[%get3A_1217, %get3A_1218] {strides = array<i32>} : memref<256x128xf32, #tpu.memory_space<vmem>>, vector<1x16xf32>,
      %get3A_1220 = vector.shape_cast %get3A_1219 : vector<1x16xf32> to vector<16xf32>
      %add3A_1221 = arith.addf %add3A_1212, %get3A_1220 : vector<16xf32>
      %mul3A_1222 = arith.constant 16 : i32
      %mul3A_1223 = arith.muli %scan3A_82, %mul3A_1222 : i32
      %add3A_1224 = arith.constant 12 : i32
      %add3A_1225 = arith.addi %mul3A_1223, %add3A_1224 : i32
      %get3A_1226 = arith.index_cast %add3A_1225 : i32 to index
      %get3A_1227 = arith.constant 112 : index
      %get3A_1228 = tpu.vector_load %arg6[%get3A_1226, %get3A_1227] {strides = array<i32>} : memref<256x128xf32, #tpu.memory_space<vmem>>, vector<1x16xf32>,
      %get3A_1229 = vector.shape_cast %get3A_1228 : vector<1x16xf32> to vector<16xf32>
      %add3A_1230 = arith.addf %add3A_1221, %get3A_1229 : vector<16xf32>
      %mul3A_1231 = arith.constant 16 : i32
      %mul3A_1232 = arith.muli %scan3A_82, %mul3A_1231 : i32
      %add3A_1233 = arith.constant 13 : i32
      %add3A_1234 = arith.addi %mul3A_1232, %add3A_1233 : i32
      %get3A_1235 = arith.index_cast %add3A_1234 : i32 to index
      %get3A_1236 = arith.constant 112 : index
      %get3A_1237 = tpu.vector_load %arg6[%get3A_1235, %get3A_1236] {strides = array<i32>} : memref<256x128xf32, #tpu.memory_space<vmem>>, vector<1x16xf32>,
      %get3A_1238 = vector.shape_cast %get3A_1237 : vector<1x16xf32> to vector<16xf32>
      %add3A_1239 = arith.addf %add3A_1230, %get3A_1238 : vector<16xf32>
      %mul3A_1240 = arith.constant 16 : i32
      %mul3A_1241 = arith.muli %scan3A_82, %mul3A_1240 : i32
      %add3A_1242 = arith.constant 14 : i32
      %add3A_1243 = arith.addi %mul3A_1241, %add3A_1242 : i32
      %get3A_1244 = arith.index_cast %add3A_1243 : i32 to index
      %get3A_1245 = arith.constant 112 : index
      %get3A_1246 = tpu.vector_load %arg6[%get3A_1244, %get3A_1245] {strides = array<i32>} : memref<256x128xf32, #tpu.memory_space<vmem>>, vector<1x16xf32>,
      %get3A_1247 = vector.shape_cast %get3A_1246 : vector<1x16xf32> to vector<16xf32>
      %add3A_1248 = arith.addf %add3A_1239, %get3A_1247 : vector<16xf32>
      %mul3A_1249 = arith.constant 16 : i32
      %mul3A_1250 = arith.muli %scan3A_82, %mul3A_1249 : i32
      %add3A_1251 = arith.constant 15 : i32
      %add3A_1252 = arith.addi %mul3A_1250, %add3A_1251 : i32
      %get3A_1253 = arith.index_cast %add3A_1252 : i32 to index
      %get3A_1254 = arith.constant 112 : index
      %get3A_1255 = tpu.vector_load %arg6[%get3A_1253, %get3A_1254] {strides = array<i32>} : memref<256x128xf32, #tpu.memory_space<vmem>>, vector<1x16xf32>,
      %get3A_1256 = vector.shape_cast %get3A_1255 : vector<1x16xf32> to vector<16xf32>
      %add3A_1257 = arith.addf %add3A_1248, %get3A_1256 : vector<16xf32>
      %add3A_1258 = arith.constant 16 : i32
      %add3A_1259 = arith.addi %add3A_1258, %scan3A_82 : i32
      %swap3A_1260 = arith.index_cast %add3A_1259 : i32 to index
      %swap3A_1261 = arith.constant 112 : index
      %swap3A_1262 = tpu.vector_load %arg7[%swap3A_1260, %swap3A_1261] {strides = array<i32>} : memref<64x128xf32, #tpu.memory_space<vmem>>, vector<1x16xf32>,
      %swap3A_1263 = vector.shape_cast %swap3A_1262 : vector<1x16xf32> to vector<16xf32>
      %swap3A_1264 = vector.shape_cast %add3A_1257 : vector<16xf32> to vector<1x16xf32>
      tpu.vector_store %arg7[%swap3A_1260, %swap3A_1261], %swap3A_1264 {strides = array<i32>} : memref<64x128xf32, #tpu.memory_space<vmem>>, vector<1x16xf32>,
    }
    %scan3A_39 = arith.constant 16 : i32
    %dma_start3A_40 = arith.constant 2 : i32
    %dma_start3A_41 = arith.constant 0 : i32
    %dma_start3A_42 = tpu.memref_slice %arg5[%dma_start3A_40, %dma_start3A_41] : memref<4x256xi32, #tpu.memory_space<vmem>> -> memref<1x256xi32, #tpu.memory_space<vmem>>
    %dma_start3A_43 = tpu.memref_squeeze %dma_start3A_42 : memref<1x256xi32, #tpu.memory_space<vmem>> -> memref<256xi32, #tpu.memory_space<vmem>>
    %dma_start3A_44 = arith.constant 0 : i32
    %dma_start3A_45 = arith.constant 0 : i32
    %dma_start3A_46 = tpu.memref_slice %arg2[%dma_start3A_44, %dma_start3A_45] : memref<2048x128xf32, #tpu.memory_space<hbm>> -> memref<2048x128xf32, #tpu.memory_space<hbm>>
    tpu.enqueue_indirect_dma source(%dma_start3A_46 : memref<2048x128xf32, #tpu.memory_space<hbm>>) target(%arg6 : memref<256x128xf32, #tpu.memory_space<vmem>>) offsets(%dma_start3A_43 : memref<256xi32, #tpu.memory_space<vmem>>) semaphore(%arg8 : memref<!tpu.dma_semaphore, #tpu.memory_space<semaphore_mem>>)
    %dma_wait3A_47 = arith.constant 2 : i32
    %dma_wait3A_48 = arith.constant 0 : i32
    %dma_wait3A_49 = tpu.memref_slice %arg5[%dma_wait3A_47, %dma_wait3A_48] : memref<4x256xi32, #tpu.memory_space<vmem>> -> memref<1x256xi32, #tpu.memory_space<vmem>>
    %dma_wait3A_50 = tpu.memref_squeeze %dma_wait3A_49 : memref<1x256xi32, #tpu.memory_space<vmem>> -> memref<256xi32, #tpu.memory_space<vmem>>
    %dma_wait3A_51 = arith.constant 0 : i32
    %dma_wait3A_52 = arith.constant 0 : i32
    %dma_wait3A_53 = tpu.memref_slice %arg2[%dma_wait3A_51, %dma_wait3A_52] : memref<2048x128xf32, #tpu.memory_space<hbm>> -> memref<2048x128xf32, #tpu.memory_space<hbm>>
    tpu.wait_indirect_dma semaphore(%arg8 : memref<!tpu.dma_semaphore, #tpu.memory_space<semaphore_mem>>) src(%dma_wait3A_53 : memref<2048x128xf32, #tpu.memory_space<hbm>>) dst(%arg6 : memref<256x128xf32, #tpu.memory_space<vmem>>)
    %scan3A_54 = arith.constant 0 : i32
    %scan3A_55 = arith.constant 0 : i32
    %scan3A_56 = arith.constant 16 : i32
    %scan3A_57 = arith.addi %scan3A_55, %scan3A_56 : i32
    %scan3A_58 = arith.constant 1 : i32
    scf.for %scan3A_82 = %scan3A_55 to %scan3A_57 step %scan3A_58  : i32 {
      %mul3A_83 = arith.constant 16 : i32
      %mul3A_84 = arith.muli %scan3A_82, %mul3A_83 : i32
      %get3A = arith.index_cast %mul3A_84 : i32 to index
      %get3A_85 = arith.constant 0 : index
      %get3A_86 = tpu.vector_load %arg6[%get3A, %get3A_85] {strides = array<i32>} : memref<256x128xf32, #tpu.memory_space<vmem>>, vector<1x16xf32>,
      %get3A_87 = vector.shape_cast %get3A_86 : vector<1x16xf32> to vector<16xf32>
      %mul3A_88 = arith.constant 16 : i32
      %mul3A_89 = arith.muli %scan3A_82, %mul3A_88 : i32
      %add3A_90 = arith.constant 1 : i32
      %add3A_91 = arith.addi %mul3A_89, %add3A_90 : i32
      %get3A_92 = arith.index_cast %add3A_91 : i32 to index
      %get3A_93 = arith.constant 0 : index
      %get3A_94 = tpu.vector_load %arg6[%get3A_92, %get3A_93] {strides = array<i32>} : memref<256x128xf32, #tpu.memory_space<vmem>>, vector<1x16xf32>,
      %get3A_95 = vector.shape_cast %get3A_94 : vector<1x16xf32> to vector<16xf32>
      %add3A_96 = arith.addf %get3A_87, %get3A_95 : vector<16xf32>
      %mul3A_97 = arith.constant 16 : i32
      %mul3A_98 = arith.muli %scan3A_82, %mul3A_97 : i32
      %add3A_99 = arith.constant 2 : i32
      %add3A_100 = arith.addi %mul3A_98, %add3A_99 : i32
      %get3A_101 = arith.index_cast %add3A_100 : i32 to index
      %get3A_102 = arith.constant 0 : index
      %get3A_103 = tpu.vector_load %arg6[%get3A_101, %get3A_102] {strides = array<i32>} : memref<256x128xf32, #tpu.memory_space<vmem>>, vector<1x16xf32>,
      %get3A_104 = vector.shape_cast %get3A_103 : vector<1x16xf32> to vector<16xf32>
      %add3A_105 = arith.addf %add3A_96, %get3A_104 : vector<16xf32>
      %mul3A_106 = arith.constant 16 : i32
      %mul3A_107 = arith.muli %scan3A_82, %mul3A_106 : i32
      %add3A_108 = arith.constant 3 : i32
      %add3A_109 = arith.addi %mul3A_107, %add3A_108 : i32
      %get3A_110 = arith.index_cast %add3A_109 : i32 to index
      %get3A_111 = arith.constant 0 : index
      %get3A_112 = tpu.vector_load %arg6[%get3A_110, %get3A_111] {strides = array<i32>} : memref<256x128xf32, #tpu.memory_space<vmem>>, vector<1x16xf32>,
      %get3A_113 = vector.shape_cast %get3A_112 : vector<1x16xf32> to vector<16xf32>
      %add3A_114 = arith.addf %add3A_105, %get3A_113 : vector<16xf32>
      %mul3A_115 = arith.constant 16 : i32
      %mul3A_116 = arith.muli %scan3A_82, %mul3A_115 : i32
      %add3A_117 = arith.constant 4 : i32
      %add3A_118 = arith.addi %mul3A_116, %add3A_117 : i32
      %get3A_119 = arith.index_cast %add3A_118 : i32 to index
      %get3A_120 = arith.constant 0 : index
      %get3A_121 = tpu.vector_load %arg6[%get3A_119, %get3A_120] {strides = array<i32>} : memref<256x128xf32, #tpu.memory_space<vmem>>, vector<1x16xf32>,
      %get3A_122 = vector.shape_cast %get3A_121 : vector<1x16xf32> to vector<16xf32>
      %add3A_123 = arith.addf %add3A_114, %get3A_122 : vector<16xf32>
      %mul3A_124 = arith.constant 16 : i32
      %mul3A_125 = arith.muli %scan3A_82, %mul3A_124 : i32
      %add3A_126 = arith.constant 5 : i32
      %add3A_127 = arith.addi %mul3A_125, %add3A_126 : i32
      %get3A_128 = arith.index_cast %add3A_127 : i32 to index
      %get3A_129 = arith.constant 0 : index
      %get3A_130 = tpu.vector_load %arg6[%get3A_128, %get3A_129] {strides = array<i32>} : memref<256x128xf32, #tpu.memory_space<vmem>>, vector<1x16xf32>,
      %get3A_131 = vector.shape_cast %get3A_130 : vector<1x16xf32> to vector<16xf32>
      %add3A_132 = arith.addf %add3A_123, %get3A_131 : vector<16xf32>
      %mul3A_133 = arith.constant 16 : i32
      %mul3A_134 = arith.muli %scan3A_82, %mul3A_133 : i32
      %add3A_135 = arith.constant 6 : i32
      %add3A_136 = arith.addi %mul3A_134, %add3A_135 : i32
      %get3A_137 = arith.index_cast %add3A_136 : i32 to index
      %get3A_138 = arith.constant 0 : index
      %get3A_139 = tpu.vector_load %arg6[%get3A_137, %get3A_138] {strides = array<i32>} : memref<256x128xf32, #tpu.memory_space<vmem>>, vector<1x16xf32>,
      %get3A_140 = vector.shape_cast %get3A_139 : vector<1x16xf32> to vector<16xf32>
      %add3A_141 = arith.addf %add3A_132, %get3A_140 : vector<16xf32>
      %mul3A_142 = arith.constant 16 : i32
      %mul3A_143 = arith.muli %scan3A_82, %mul3A_142 : i32
      %add3A_144 = arith.constant 7 : i32
      %add3A_145 = arith.addi %mul3A_143, %add3A_144 : i32
      %get3A_146 = arith.index_cast %add3A_145 : i32 to index
      %get3A_147 = arith.constant 0 : index
      %get3A_148 = tpu.vector_load %arg6[%get3A_146, %get3A_147] {strides = array<i32>} : memref<256x128xf32, #tpu.memory_space<vmem>>, vector<1x16xf32>,
      %get3A_149 = vector.shape_cast %get3A_148 : vector<1x16xf32> to vector<16xf32>
      %add3A_150 = arith.addf %add3A_141, %get3A_149 : vector<16xf32>
      %mul3A_151 = arith.constant 16 : i32
      %mul3A_152 = arith.muli %scan3A_82, %mul3A_151 : i32
      %add3A_153 = arith.constant 8 : i32
      %add3A_154 = arith.addi %mul3A_152, %add3A_153 : i32
      %get3A_155 = arith.index_cast %add3A_154 : i32 to index
      %get3A_156 = arith.constant 0 : index
      %get3A_157 = tpu.vector_load %arg6[%get3A_155, %get3A_156] {strides = array<i32>} : memref<256x128xf32, #tpu.memory_space<vmem>>, vector<1x16xf32>,
      %get3A_158 = vector.shape_cast %get3A_157 : vector<1x16xf32> to vector<16xf32>
      %add3A_159 = arith.addf %add3A_150, %get3A_158 : vector<16xf32>
      %mul3A_160 = arith.constant 16 : i32
      %mul3A_161 = arith.muli %scan3A_82, %mul3A_160 : i32
      %add3A_162 = arith.constant 9 : i32
      %add3A_163 = arith.addi %mul3A_161, %add3A_162 : i32
      %get3A_164 = arith.index_cast %add3A_163 : i32 to index
      %get3A_165 = arith.constant 0 : index
      %get3A_166 = tpu.vector_load %arg6[%get3A_164, %get3A_165] {strides = array<i32>} : memref<256x128xf32, #tpu.memory_space<vmem>>, vector<1x16xf32>,
      %get3A_167 = vector.shape_cast %get3A_166 : vector<1x16xf32> to vector<16xf32>
      %add3A_168 = arith.addf %add3A_159, %get3A_167 : vector<16xf32>
      %mul3A_169 = arith.constant 16 : i32
      %mul3A_170 = arith.muli %scan3A_82, %mul3A_169 : i32
      %add3A_171 = arith.constant 10 : i32
      %add3A_172 = arith.addi %mul3A_170, %add3A_171 : i32
      %get3A_173 = arith.index_cast %add3A_172 : i32 to index
      %get3A_174 = arith.constant 0 : index
      %get3A_175 = tpu.vector_load %arg6[%get3A_173, %get3A_174] {strides = array<i32>} : memref<256x128xf32, #tpu.memory_space<vmem>>, vector<1x16xf32>,
      %get3A_176 = vector.shape_cast %get3A_175 : vector<1x16xf32> to vector<16xf32>
      %add3A_177 = arith.addf %add3A_168, %get3A_176 : vector<16xf32>
      %mul3A_178 = arith.constant 16 : i32
      %mul3A_179 = arith.muli %scan3A_82, %mul3A_178 : i32
      %add3A_180 = arith.constant 11 : i32
      %add3A_181 = arith.addi %mul3A_179, %add3A_180 : i32
      %get3A_182 = arith.index_cast %add3A_181 : i32 to index
      %get3A_183 = arith.constant 0 : index
      %get3A_184 = tpu.vector_load %arg6[%get3A_182, %get3A_183] {strides = array<i32>} : memref<256x128xf32, #tpu.memory_space<vmem>>, vector<1x16xf32>,
      %get3A_185 = vector.shape_cast %get3A_184 : vector<1x16xf32> to vector<16xf32>
      %add3A_186 = arith.addf %add3A_177, %get3A_185 : vector<16xf32>
      %mul3A_187 = arith.constant 16 : i32
      %mul3A_188 = arith.muli %scan3A_82, %mul3A_187 : i32
      %add3A_189 = arith.constant 12 : i32
      %add3A_190 = arith.addi %mul3A_188, %add3A_189 : i32
      %get3A_191 = arith.index_cast %add3A_190 : i32 to index
      %get3A_192 = arith.constant 0 : index
      %get3A_193 = tpu.vector_load %arg6[%get3A_191, %get3A_192] {strides = array<i32>} : memref<256x128xf32, #tpu.memory_space<vmem>>, vector<1x16xf32>,
      %get3A_194 = vector.shape_cast %get3A_193 : vector<1x16xf32> to vector<16xf32>
      %add3A_195 = arith.addf %add3A_186, %get3A_194 : vector<16xf32>
      %mul3A_196 = arith.constant 16 : i32
      %mul3A_197 = arith.muli %scan3A_82, %mul3A_196 : i32
      %add3A_198 = arith.constant 13 : i32
      %add3A_199 = arith.addi %mul3A_197, %add3A_198 : i32
      %get3A_200 = arith.index_cast %add3A_199 : i32 to index
      %get3A_201 = arith.constant 0 : index
      %get3A_202 = tpu.vector_load %arg6[%get3A_200, %get3A_201] {strides = array<i32>} : memref<256x128xf32, #tpu.memory_space<vmem>>, vector<1x16xf32>,
      %get3A_203 = vector.shape_cast %get3A_202 : vector<1x16xf32> to vector<16xf32>
      %add3A_204 = arith.addf %add3A_195, %get3A_203 : vector<16xf32>
      %mul3A_205 = arith.constant 16 : i32
      %mul3A_206 = arith.muli %scan3A_82, %mul3A_205 : i32
      %add3A_207 = arith.constant 14 : i32
      %add3A_208 = arith.addi %mul3A_206, %add3A_207 : i32
      %get3A_209 = arith.index_cast %add3A_208 : i32 to index
      %get3A_210 = arith.constant 0 : index
      %get3A_211 = tpu.vector_load %arg6[%get3A_209, %get3A_210] {strides = array<i32>} : memref<256x128xf32, #tpu.memory_space<vmem>>, vector<1x16xf32>,
      %get3A_212 = vector.shape_cast %get3A_211 : vector<1x16xf32> to vector<16xf32>
      %add3A_213 = arith.addf %add3A_204, %get3A_212 : vector<16xf32>
      %mul3A_214 = arith.constant 16 : i32
      %mul3A_215 = arith.muli %scan3A_82, %mul3A_214 : i32
      %add3A_216 = arith.constant 15 : i32
      %add3A_217 = arith.addi %mul3A_215, %add3A_216 : i32
      %get3A_218 = arith.index_cast %add3A_217 : i32 to index
      %get3A_219 = arith.constant 0 : index
      %get3A_220 = tpu.vector_load %arg6[%get3A_218, %get3A_219] {strides = array<i32>} : memref<256x128xf32, #tpu.memory_space<vmem>>, vector<1x16xf32>,
      %get3A_221 = vector.shape_cast %get3A_220 : vector<1x16xf32> to vector<16xf32>
      %add3A_222 = arith.addf %add3A_213, %get3A_221 : vector<16xf32>
      %add3A_223 = arith.constant 32 : i32
      %add3A_224 = arith.addi %add3A_223, %scan3A_82 : i32
      %swap3A = arith.index_cast %add3A_224 : i32 to index
      %swap3A_225 = arith.constant 0 : index
      %swap3A_226 = tpu.vector_load %arg7[%swap3A, %swap3A_225] {strides = array<i32>} : memref<64x128xf32, #tpu.memory_space<vmem>>, vector<1x16xf32>,
      %swap3A_227 = vector.shape_cast %swap3A_226 : vector<1x16xf32> to vector<16xf32>
      %swap3A_228 = vector.shape_cast %add3A_222 : vector<16xf32> to vector<1x16xf32>
      tpu.vector_store %arg7[%swap3A, %swap3A_225], %swap3A_228 {strides = array<i32>} : memref<64x128xf32, #tpu.memory_space<vmem>>, vector<1x16xf32>,
      %mul3A_229 = arith.constant 16 : i32
      %mul3A_230 = arith.muli %scan3A_82, %mul3A_229 : i32
      %get3A_231 = arith.index_cast %mul3A_230 : i32 to index
      %get3A_232 = arith.constant 16 : index
      %get3A_233 = tpu.vector_load %arg6[%get3A_231, %get3A_232] {strides = array<i32>} : memref<256x128xf32, #tpu.memory_space<vmem>>, vector<1x16xf32>,
      %get3A_234 = vector.shape_cast %get3A_233 : vector<1x16xf32> to vector<16xf32>
      %mul3A_235 = arith.constant 16 : i32
      %mul3A_236 = arith.muli %scan3A_82, %mul3A_235 : i32
      %add3A_237 = arith.constant 1 : i32
      %add3A_238 = arith.addi %mul3A_236, %add3A_237 : i32
      %get3A_239 = arith.index_cast %add3A_238 : i32 to index
      %get3A_240 = arith.constant 16 : index
      %get3A_241 = tpu.vector_load %arg6[%get3A_239, %get3A_240] {strides = array<i32>} : memref<256x128xf32, #tpu.memory_space<vmem>>, vector<1x16xf32>,
      %get3A_242 = vector.shape_cast %get3A_241 : vector<1x16xf32> to vector<16xf32>
      %add3A_243 = arith.addf %get3A_234, %get3A_242 : vector<16xf32>
      %mul3A_244 = arith.constant 16 : i32
      %mul3A_245 = arith.muli %scan3A_82, %mul3A_244 : i32
      %add3A_246 = arith.constant 2 : i32
      %add3A_247 = arith.addi %mul3A_245, %add3A_246 : i32
      %get3A_248 = arith.index_cast %add3A_247 : i32 to index
      %get3A_249 = arith.constant 16 : index
      %get3A_250 = tpu.vector_load %arg6[%get3A_248, %get3A_249] {strides = array<i32>} : memref<256x128xf32, #tpu.memory_space<vmem>>, vector<1x16xf32>,
      %get3A_251 = vector.shape_cast %get3A_250 : vector<1x16xf32> to vector<16xf32>
      %add3A_252 = arith.addf %add3A_243, %get3A_251 : vector<16xf32>
      %mul3A_253 = arith.constant 16 : i32
      %mul3A_254 = arith.muli %scan3A_82, %mul3A_253 : i32
      %add3A_255 = arith.constant 3 : i32
      %add3A_256 = arith.addi %mul3A_254, %add3A_255 : i32
      %get3A_257 = arith.index_cast %add3A_256 : i32 to index
      %get3A_258 = arith.constant 16 : index
      %get3A_259 = tpu.vector_load %arg6[%get3A_257, %get3A_258] {strides = array<i32>} : memref<256x128xf32, #tpu.memory_space<vmem>>, vector<1x16xf32>,
      %get3A_260 = vector.shape_cast %get3A_259 : vector<1x16xf32> to vector<16xf32>
      %add3A_261 = arith.addf %add3A_252, %get3A_260 : vector<16xf32>
      %mul3A_262 = arith.constant 16 : i32
      %mul3A_263 = arith.muli %scan3A_82, %mul3A_262 : i32
      %add3A_264 = arith.constant 4 : i32
      %add3A_265 = arith.addi %mul3A_263, %add3A_264 : i32
      %get3A_266 = arith.index_cast %add3A_265 : i32 to index
      %get3A_267 = arith.constant 16 : index
      %get3A_268 = tpu.vector_load %arg6[%get3A_266, %get3A_267] {strides = array<i32>} : memref<256x128xf32, #tpu.memory_space<vmem>>, vector<1x16xf32>,
      %get3A_269 = vector.shape_cast %get3A_268 : vector<1x16xf32> to vector<16xf32>
      %add3A_270 = arith.addf %add3A_261, %get3A_269 : vector<16xf32>
      %mul3A_271 = arith.constant 16 : i32
      %mul3A_272 = arith.muli %scan3A_82, %mul3A_271 : i32
      %add3A_273 = arith.constant 5 : i32
      %add3A_274 = arith.addi %mul3A_272, %add3A_273 : i32
      %get3A_275 = arith.index_cast %add3A_274 : i32 to index
      %get3A_276 = arith.constant 16 : index
      %get3A_277 = tpu.vector_load %arg6[%get3A_275, %get3A_276] {strides = array<i32>} : memref<256x128xf32, #tpu.memory_space<vmem>>, vector<1x16xf32>,
      %get3A_278 = vector.shape_cast %get3A_277 : vector<1x16xf32> to vector<16xf32>
      %add3A_279 = arith.addf %add3A_270, %get3A_278 : vector<16xf32>
      %mul3A_280 = arith.constant 16 : i32
      %mul3A_281 = arith.muli %scan3A_82, %mul3A_280 : i32
      %add3A_282 = arith.constant 6 : i32
      %add3A_283 = arith.addi %mul3A_281, %add3A_282 : i32
      %get3A_284 = arith.index_cast %add3A_283 : i32 to index
      %get3A_285 = arith.constant 16 : index
      %get3A_286 = tpu.vector_load %arg6[%get3A_284, %get3A_285] {strides = array<i32>} : memref<256x128xf32, #tpu.memory_space<vmem>>, vector<1x16xf32>,
      %get3A_287 = vector.shape_cast %get3A_286 : vector<1x16xf32> to vector<16xf32>
      %add3A_288 = arith.addf %add3A_279, %get3A_287 : vector<16xf32>
      %mul3A_289 = arith.constant 16 : i32
      %mul3A_290 = arith.muli %scan3A_82, %mul3A_289 : i32
      %add3A_291 = arith.constant 7 : i32
      %add3A_292 = arith.addi %mul3A_290, %add3A_291 : i32
      %get3A_293 = arith.index_cast %add3A_292 : i32 to index
      %get3A_294 = arith.constant 16 : index
      %get3A_295 = tpu.vector_load %arg6[%get3A_293, %get3A_294] {strides = array<i32>} : memref<256x128xf32, #tpu.memory_space<vmem>>, vector<1x16xf32>,
      %get3A_296 = vector.shape_cast %get3A_295 : vector<1x16xf32> to vector<16xf32>
      %add3A_297 = arith.addf %add3A_288, %get3A_296 : vector<16xf32>
      %mul3A_298 = arith.constant 16 : i32
      %mul3A_299 = arith.muli %scan3A_82, %mul3A_298 : i32
      %add3A_300 = arith.constant 8 : i32
      %add3A_301 = arith.addi %mul3A_299, %add3A_300 : i32
      %get3A_302 = arith.index_cast %add3A_301 : i32 to index
      %get3A_303 = arith.constant 16 : index
      %get3A_304 = tpu.vector_load %arg6[%get3A_302, %get3A_303] {strides = array<i32>} : memref<256x128xf32, #tpu.memory_space<vmem>>, vector<1x16xf32>,
      %get3A_305 = vector.shape_cast %get3A_304 : vector<1x16xf32> to vector<16xf32>
      %add3A_306 = arith.addf %add3A_297, %get3A_305 : vector<16xf32>
      %mul3A_307 = arith.constant 16 : i32
      %mul3A_308 = arith.muli %scan3A_82, %mul3A_307 : i32
      %add3A_309 = arith.constant 9 : i32
      %add3A_310 = arith.addi %mul3A_308, %add3A_309 : i32
      %get3A_311 = arith.index_cast %add3A_310 : i32 to index
      %get3A_312 = arith.constant 16 : index
      %get3A_313 = tpu.vector_load %arg6[%get3A_311, %get3A_312] {strides = array<i32>} : memref<256x128xf32, #tpu.memory_space<vmem>>, vector<1x16xf32>,
      %get3A_314 = vector.shape_cast %get3A_313 : vector<1x16xf32> to vector<16xf32>
      %add3A_315 = arith.addf %add3A_306, %get3A_314 : vector<16xf32>
      %mul3A_316 = arith.constant 16 : i32
      %mul3A_317 = arith.muli %scan3A_82, %mul3A_316 : i32
      %add3A_318 = arith.constant 10 : i32
      %add3A_319 = arith.addi %mul3A_317, %add3A_318 : i32
      %get3A_320 = arith.index_cast %add3A_319 : i32 to index
      %get3A_321 = arith.constant 16 : index
      %get3A_322 = tpu.vector_load %arg6[%get3A_320, %get3A_321] {strides = array<i32>} : memref<256x128xf32, #tpu.memory_space<vmem>>, vector<1x16xf32>,
      %get3A_323 = vector.shape_cast %get3A_322 : vector<1x16xf32> to vector<16xf32>
      %add3A_324 = arith.addf %add3A_315, %get3A_323 : vector<16xf32>
      %mul3A_325 = arith.constant 16 : i32
      %mul3A_326 = arith.muli %scan3A_82, %mul3A_325 : i32
      %add3A_327 = arith.constant 11 : i32
      %add3A_328 = arith.addi %mul3A_326, %add3A_327 : i32
      %get3A_329 = arith.index_cast %add3A_328 : i32 to index
      %get3A_330 = arith.constant 16 : index
      %get3A_331 = tpu.vector_load %arg6[%get3A_329, %get3A_330] {strides = array<i32>} : memref<256x128xf32, #tpu.memory_space<vmem>>, vector<1x16xf32>,
      %get3A_332 = vector.shape_cast %get3A_331 : vector<1x16xf32> to vector<16xf32>
      %add3A_333 = arith.addf %add3A_324, %get3A_332 : vector<16xf32>
      %mul3A_334 = arith.constant 16 : i32
      %mul3A_335 = arith.muli %scan3A_82, %mul3A_334 : i32
      %add3A_336 = arith.constant 12 : i32
      %add3A_337 = arith.addi %mul3A_335, %add3A_336 : i32
      %get3A_338 = arith.index_cast %add3A_337 : i32 to index
      %get3A_339 = arith.constant 16 : index
      %get3A_340 = tpu.vector_load %arg6[%get3A_338, %get3A_339] {strides = array<i32>} : memref<256x128xf32, #tpu.memory_space<vmem>>, vector<1x16xf32>,
      %get3A_341 = vector.shape_cast %get3A_340 : vector<1x16xf32> to vector<16xf32>
      %add3A_342 = arith.addf %add3A_333, %get3A_341 : vector<16xf32>
      %mul3A_343 = arith.constant 16 : i32
      %mul3A_344 = arith.muli %scan3A_82, %mul3A_343 : i32
      %add3A_345 = arith.constant 13 : i32
      %add3A_346 = arith.addi %mul3A_344, %add3A_345 : i32
      %get3A_347 = arith.index_cast %add3A_346 : i32 to index
      %get3A_348 = arith.constant 16 : index
      %get3A_349 = tpu.vector_load %arg6[%get3A_347, %get3A_348] {strides = array<i32>} : memref<256x128xf32, #tpu.memory_space<vmem>>, vector<1x16xf32>,
      %get3A_350 = vector.shape_cast %get3A_349 : vector<1x16xf32> to vector<16xf32>
      %add3A_351 = arith.addf %add3A_342, %get3A_350 : vector<16xf32>
      %mul3A_352 = arith.constant 16 : i32
      %mul3A_353 = arith.muli %scan3A_82, %mul3A_352 : i32
      %add3A_354 = arith.constant 14 : i32
      %add3A_355 = arith.addi %mul3A_353, %add3A_354 : i32
      %get3A_356 = arith.index_cast %add3A_355 : i32 to index
      %get3A_357 = arith.constant 16 : index
      %get3A_358 = tpu.vector_load %arg6[%get3A_356, %get3A_357] {strides = array<i32>} : memref<256x128xf32, #tpu.memory_space<vmem>>, vector<1x16xf32>,
      %get3A_359 = vector.shape_cast %get3A_358 : vector<1x16xf32> to vector<16xf32>
      %add3A_360 = arith.addf %add3A_351, %get3A_359 : vector<16xf32>
      %mul3A_361 = arith.constant 16 : i32
      %mul3A_362 = arith.muli %scan3A_82, %mul3A_361 : i32
      %add3A_363 = arith.constant 15 : i32
      %add3A_364 = arith.addi %mul3A_362, %add3A_363 : i32
      %get3A_365 = arith.index_cast %add3A_364 : i32 to index
      %get3A_366 = arith.constant 16 : index
      %get3A_367 = tpu.vector_load %arg6[%get3A_365, %get3A_366] {strides = array<i32>} : memref<256x128xf32, #tpu.memory_space<vmem>>, vector<1x16xf32>,
      %get3A_368 = vector.shape_cast %get3A_367 : vector<1x16xf32> to vector<16xf32>
      %add3A_369 = arith.addf %add3A_360, %get3A_368 : vector<16xf32>
      %add3A_370 = arith.constant 32 : i32
      %add3A_371 = arith.addi %add3A_370, %scan3A_82 : i32
      %swap3A_372 = arith.index_cast %add3A_371 : i32 to index
      %swap3A_373 = arith.constant 16 : index
      %swap3A_374 = tpu.vector_load %arg7[%swap3A_372, %swap3A_373] {strides = array<i32>} : memref<64x128xf32, #tpu.memory_space<vmem>>, vector<1x16xf32>,
      %swap3A_375 = vector.shape_cast %swap3A_374 : vector<1x16xf32> to vector<16xf32>
      %swap3A_376 = vector.shape_cast %add3A_369 : vector<16xf32> to vector<1x16xf32>
      tpu.vector_store %arg7[%swap3A_372, %swap3A_373], %swap3A_376 {strides = array<i32>} : memref<64x128xf32, #tpu.memory_space<vmem>>, vector<1x16xf32>,
      %mul3A_377 = arith.constant 16 : i32
      %mul3A_378 = arith.muli %scan3A_82, %mul3A_377 : i32
      %get3A_379 = arith.index_cast %mul3A_378 : i32 to index
      %get3A_380 = arith.constant 32 : index
      %get3A_381 = tpu.vector_load %arg6[%get3A_379, %get3A_380] {strides = array<i32>} : memref<256x128xf32, #tpu.memory_space<vmem>>, vector<1x16xf32>,
      %get3A_382 = vector.shape_cast %get3A_381 : vector<1x16xf32> to vector<16xf32>
      %mul3A_383 = arith.constant 16 : i32
      %mul3A_384 = arith.muli %scan3A_82, %mul3A_383 : i32
      %add3A_385 = arith.constant 1 : i32
      %add3A_386 = arith.addi %mul3A_384, %add3A_385 : i32
      %get3A_387 = arith.index_cast %add3A_386 : i32 to index
      %get3A_388 = arith.constant 32 : index
      %get3A_389 = tpu.vector_load %arg6[%get3A_387, %get3A_388] {strides = array<i32>} : memref<256x128xf32, #tpu.memory_space<vmem>>, vector<1x16xf32>,
      %get3A_390 = vector.shape_cast %get3A_389 : vector<1x16xf32> to vector<16xf32>
      %add3A_391 = arith.addf %get3A_382, %get3A_390 : vector<16xf32>
      %mul3A_392 = arith.constant 16 : i32
      %mul3A_393 = arith.muli %scan3A_82, %mul3A_392 : i32
      %add3A_394 = arith.constant 2 : i32
      %add3A_395 = arith.addi %mul3A_393, %add3A_394 : i32
      %get3A_396 = arith.index_cast %add3A_395 : i32 to index
      %get3A_397 = arith.constant 32 : index
      %get3A_398 = tpu.vector_load %arg6[%get3A_396, %get3A_397] {strides = array<i32>} : memref<256x128xf32, #tpu.memory_space<vmem>>, vector<1x16xf32>,
      %get3A_399 = vector.shape_cast %get3A_398 : vector<1x16xf32> to vector<16xf32>
      %add3A_400 = arith.addf %add3A_391, %get3A_399 : vector<16xf32>
      %mul3A_401 = arith.constant 16 : i32
      %mul3A_402 = arith.muli %scan3A_82, %mul3A_401 : i32
      %add3A_403 = arith.constant 3 : i32
      %add3A_404 = arith.addi %mul3A_402, %add3A_403 : i32
      %get3A_405 = arith.index_cast %add3A_404 : i32 to index
      %get3A_406 = arith.constant 32 : index
      %get3A_407 = tpu.vector_load %arg6[%get3A_405, %get3A_406] {strides = array<i32>} : memref<256x128xf32, #tpu.memory_space<vmem>>, vector<1x16xf32>,
      %get3A_408 = vector.shape_cast %get3A_407 : vector<1x16xf32> to vector<16xf32>
      %add3A_409 = arith.addf %add3A_400, %get3A_408 : vector<16xf32>
      %mul3A_410 = arith.constant 16 : i32
      %mul3A_411 = arith.muli %scan3A_82, %mul3A_410 : i32
      %add3A_412 = arith.constant 4 : i32
      %add3A_413 = arith.addi %mul3A_411, %add3A_412 : i32
      %get3A_414 = arith.index_cast %add3A_413 : i32 to index
      %get3A_415 = arith.constant 32 : index
      %get3A_416 = tpu.vector_load %arg6[%get3A_414, %get3A_415] {strides = array<i32>} : memref<256x128xf32, #tpu.memory_space<vmem>>, vector<1x16xf32>,
      %get3A_417 = vector.shape_cast %get3A_416 : vector<1x16xf32> to vector<16xf32>
      %add3A_418 = arith.addf %add3A_409, %get3A_417 : vector<16xf32>
      %mul3A_419 = arith.constant 16 : i32
      %mul3A_420 = arith.muli %scan3A_82, %mul3A_419 : i32
      %add3A_421 = arith.constant 5 : i32
      %add3A_422 = arith.addi %mul3A_420, %add3A_421 : i32
      %get3A_423 = arith.index_cast %add3A_422 : i32 to index
      %get3A_424 = arith.constant 32 : index
      %get3A_425 = tpu.vector_load %arg6[%get3A_423, %get3A_424] {strides = array<i32>} : memref<256x128xf32, #tpu.memory_space<vmem>>, vector<1x16xf32>,
      %get3A_426 = vector.shape_cast %get3A_425 : vector<1x16xf32> to vector<16xf32>
      %add3A_427 = arith.addf %add3A_418, %get3A_426 : vector<16xf32>
      %mul3A_428 = arith.constant 16 : i32
      %mul3A_429 = arith.muli %scan3A_82, %mul3A_428 : i32
      %add3A_430 = arith.constant 6 : i32
      %add3A_431 = arith.addi %mul3A_429, %add3A_430 : i32
      %get3A_432 = arith.index_cast %add3A_431 : i32 to index
      %get3A_433 = arith.constant 32 : index
      %get3A_434 = tpu.vector_load %arg6[%get3A_432, %get3A_433] {strides = array<i32>} : memref<256x128xf32, #tpu.memory_space<vmem>>, vector<1x16xf32>,
      %get3A_435 = vector.shape_cast %get3A_434 : vector<1x16xf32> to vector<16xf32>
      %add3A_436 = arith.addf %add3A_427, %get3A_435 : vector<16xf32>
      %mul3A_437 = arith.constant 16 : i32
      %mul3A_438 = arith.muli %scan3A_82, %mul3A_437 : i32
      %add3A_439 = arith.constant 7 : i32
      %add3A_440 = arith.addi %mul3A_438, %add3A_439 : i32
      %get3A_441 = arith.index_cast %add3A_440 : i32 to index
      %get3A_442 = arith.constant 32 : index
      %get3A_443 = tpu.vector_load %arg6[%get3A_441, %get3A_442] {strides = array<i32>} : memref<256x128xf32, #tpu.memory_space<vmem>>, vector<1x16xf32>,
      %get3A_444 = vector.shape_cast %get3A_443 : vector<1x16xf32> to vector<16xf32>
      %add3A_445 = arith.addf %add3A_436, %get3A_444 : vector<16xf32>
      %mul3A_446 = arith.constant 16 : i32
      %mul3A_447 = arith.muli %scan3A_82, %mul3A_446 : i32
      %add3A_448 = arith.constant 8 : i32
      %add3A_449 = arith.addi %mul3A_447, %add3A_448 : i32
      %get3A_450 = arith.index_cast %add3A_449 : i32 to index
      %get3A_451 = arith.constant 32 : index
      %get3A_452 = tpu.vector_load %arg6[%get3A_450, %get3A_451] {strides = array<i32>} : memref<256x128xf32, #tpu.memory_space<vmem>>, vector<1x16xf32>,
      %get3A_453 = vector.shape_cast %get3A_452 : vector<1x16xf32> to vector<16xf32>
      %add3A_454 = arith.addf %add3A_445, %get3A_453 : vector<16xf32>
      %mul3A_455 = arith.constant 16 : i32
      %mul3A_456 = arith.muli %scan3A_82, %mul3A_455 : i32
      %add3A_457 = arith.constant 9 : i32
      %add3A_458 = arith.addi %mul3A_456, %add3A_457 : i32
      %get3A_459 = arith.index_cast %add3A_458 : i32 to index
      %get3A_460 = arith.constant 32 : index
      %get3A_461 = tpu.vector_load %arg6[%get3A_459, %get3A_460] {strides = array<i32>} : memref<256x128xf32, #tpu.memory_space<vmem>>, vector<1x16xf32>,
      %get3A_462 = vector.shape_cast %get3A_461 : vector<1x16xf32> to vector<16xf32>
      %add3A_463 = arith.addf %add3A_454, %get3A_462 : vector<16xf32>
      %mul3A_464 = arith.constant 16 : i32
      %mul3A_465 = arith.muli %scan3A_82, %mul3A_464 : i32
      %add3A_466 = arith.constant 10 : i32
      %add3A_467 = arith.addi %mul3A_465, %add3A_466 : i32
      %get3A_468 = arith.index_cast %add3A_467 : i32 to index
      %get3A_469 = arith.constant 32 : index
      %get3A_470 = tpu.vector_load %arg6[%get3A_468, %get3A_469] {strides = array<i32>} : memref<256x128xf32, #tpu.memory_space<vmem>>, vector<1x16xf32>,
      %get3A_471 = vector.shape_cast %get3A_470 : vector<1x16xf32> to vector<16xf32>
      %add3A_472 = arith.addf %add3A_463, %get3A_471 : vector<16xf32>
      %mul3A_473 = arith.constant 16 : i32
      %mul3A_474 = arith.muli %scan3A_82, %mul3A_473 : i32
      %add3A_475 = arith.constant 11 : i32
      %add3A_476 = arith.addi %mul3A_474, %add3A_475 : i32
      %get3A_477 = arith.index_cast %add3A_476 : i32 to index
      %get3A_478 = arith.constant 32 : index
      %get3A_479 = tpu.vector_load %arg6[%get3A_477, %get3A_478] {strides = array<i32>} : memref<256x128xf32, #tpu.memory_space<vmem>>, vector<1x16xf32>,
      %get3A_480 = vector.shape_cast %get3A_479 : vector<1x16xf32> to vector<16xf32>
      %add3A_481 = arith.addf %add3A_472, %get3A_480 : vector<16xf32>
      %mul3A_482 = arith.constant 16 : i32
      %mul3A_483 = arith.muli %scan3A_82, %mul3A_482 : i32
      %add3A_484 = arith.constant 12 : i32
      %add3A_485 = arith.addi %mul3A_483, %add3A_484 : i32
      %get3A_486 = arith.index_cast %add3A_485 : i32 to index
      %get3A_487 = arith.constant 32 : index
      %get3A_488 = tpu.vector_load %arg6[%get3A_486, %get3A_487] {strides = array<i32>} : memref<256x128xf32, #tpu.memory_space<vmem>>, vector<1x16xf32>,
      %get3A_489 = vector.shape_cast %get3A_488 : vector<1x16xf32> to vector<16xf32>
      %add3A_490 = arith.addf %add3A_481, %get3A_489 : vector<16xf32>
      %mul3A_491 = arith.constant 16 : i32
      %mul3A_492 = arith.muli %scan3A_82, %mul3A_491 : i32
      %add3A_493 = arith.constant 13 : i32
      %add3A_494 = arith.addi %mul3A_492, %add3A_493 : i32
      %get3A_495 = arith.index_cast %add3A_494 : i32 to index
      %get3A_496 = arith.constant 32 : index
      %get3A_497 = tpu.vector_load %arg6[%get3A_495, %get3A_496] {strides = array<i32>} : memref<256x128xf32, #tpu.memory_space<vmem>>, vector<1x16xf32>,
      %get3A_498 = vector.shape_cast %get3A_497 : vector<1x16xf32> to vector<16xf32>
      %add3A_499 = arith.addf %add3A_490, %get3A_498 : vector<16xf32>
      %mul3A_500 = arith.constant 16 : i32
      %mul3A_501 = arith.muli %scan3A_82, %mul3A_500 : i32
      %add3A_502 = arith.constant 14 : i32
      %add3A_503 = arith.addi %mul3A_501, %add3A_502 : i32
      %get3A_504 = arith.index_cast %add3A_503 : i32 to index
      %get3A_505 = arith.constant 32 : index
      %get3A_506 = tpu.vector_load %arg6[%get3A_504, %get3A_505] {strides = array<i32>} : memref<256x128xf32, #tpu.memory_space<vmem>>, vector<1x16xf32>,
      %get3A_507 = vector.shape_cast %get3A_506 : vector<1x16xf32> to vector<16xf32>
      %add3A_508 = arith.addf %add3A_499, %get3A_507 : vector<16xf32>
      %mul3A_509 = arith.constant 16 : i32
      %mul3A_510 = arith.muli %scan3A_82, %mul3A_509 : i32
      %add3A_511 = arith.constant 15 : i32
      %add3A_512 = arith.addi %mul3A_510, %add3A_511 : i32
      %get3A_513 = arith.index_cast %add3A_512 : i32 to index
      %get3A_514 = arith.constant 32 : index
      %get3A_515 = tpu.vector_load %arg6[%get3A_513, %get3A_514] {strides = array<i32>} : memref<256x128xf32, #tpu.memory_space<vmem>>, vector<1x16xf32>,
      %get3A_516 = vector.shape_cast %get3A_515 : vector<1x16xf32> to vector<16xf32>
      %add3A_517 = arith.addf %add3A_508, %get3A_516 : vector<16xf32>
      %add3A_518 = arith.constant 32 : i32
      %add3A_519 = arith.addi %add3A_518, %scan3A_82 : i32
      %swap3A_520 = arith.index_cast %add3A_519 : i32 to index
      %swap3A_521 = arith.constant 32 : index
      %swap3A_522 = tpu.vector_load %arg7[%swap3A_520, %swap3A_521] {strides = array<i32>} : memref<64x128xf32, #tpu.memory_space<vmem>>, vector<1x16xf32>,
      %swap3A_523 = vector.shape_cast %swap3A_522 : vector<1x16xf32> to vector<16xf32>
      %swap3A_524 = vector.shape_cast %add3A_517 : vector<16xf32> to vector<1x16xf32>
      tpu.vector_store %arg7[%swap3A_520, %swap3A_521], %swap3A_524 {strides = array<i32>} : memref<64x128xf32, #tpu.memory_space<vmem>>, vector<1x16xf32>,
      %mul3A_525 = arith.constant 16 : i32
      %mul3A_526 = arith.muli %scan3A_82, %mul3A_525 : i32
      %get3A_527 = arith.index_cast %mul3A_526 : i32 to index
      %get3A_528 = arith.constant 48 : index
      %get3A_529 = tpu.vector_load %arg6[%get3A_527, %get3A_528] {strides = array<i32>} : memref<256x128xf32, #tpu.memory_space<vmem>>, vector<1x16xf32>,
      %get3A_530 = vector.shape_cast %get3A_529 : vector<1x16xf32> to vector<16xf32>
      %mul3A_531 = arith.constant 16 : i32
      %mul3A_532 = arith.muli %scan3A_82, %mul3A_531 : i32
      %add3A_533 = arith.constant 1 : i32
      %add3A_534 = arith.addi %mul3A_532, %add3A_533 : i32
      %get3A_535 = arith.index_cast %add3A_534 : i32 to index
      %get3A_536 = arith.constant 48 : index
      %get3A_537 = tpu.vector_load %arg6[%get3A_535, %get3A_536] {strides = array<i32>} : memref<256x128xf32, #tpu.memory_space<vmem>>, vector<1x16xf32>,
      %get3A_538 = vector.shape_cast %get3A_537 : vector<1x16xf32> to vector<16xf32>
      %add3A_539 = arith.addf %get3A_530, %get3A_538 : vector<16xf32>
      %mul3A_540 = arith.constant 16 : i32
      %mul3A_541 = arith.muli %scan3A_82, %mul3A_540 : i32
      %add3A_542 = arith.constant 2 : i32
      %add3A_543 = arith.addi %mul3A_541, %add3A_542 : i32
      %get3A_544 = arith.index_cast %add3A_543 : i32 to index
      %get3A_545 = arith.constant 48 : index
      %get3A_546 = tpu.vector_load %arg6[%get3A_544, %get3A_545] {strides = array<i32>} : memref<256x128xf32, #tpu.memory_space<vmem>>, vector<1x16xf32>,
      %get3A_547 = vector.shape_cast %get3A_546 : vector<1x16xf32> to vector<16xf32>
      %add3A_548 = arith.addf %add3A_539, %get3A_547 : vector<16xf32>
      %mul3A_549 = arith.constant 16 : i32
      %mul3A_550 = arith.muli %scan3A_82, %mul3A_549 : i32
      %add3A_551 = arith.constant 3 : i32
      %add3A_552 = arith.addi %mul3A_550, %add3A_551 : i32
      %get3A_553 = arith.index_cast %add3A_552 : i32 to index
      %get3A_554 = arith.constant 48 : index
      %get3A_555 = tpu.vector_load %arg6[%get3A_553, %get3A_554] {strides = array<i32>} : memref<256x128xf32, #tpu.memory_space<vmem>>, vector<1x16xf32>,
      %get3A_556 = vector.shape_cast %get3A_555 : vector<1x16xf32> to vector<16xf32>
      %add3A_557 = arith.addf %add3A_548, %get3A_556 : vector<16xf32>
      %mul3A_558 = arith.constant 16 : i32
      %mul3A_559 = arith.muli %scan3A_82, %mul3A_558 : i32
      %add3A_560 = arith.constant 4 : i32
      %add3A_561 = arith.addi %mul3A_559, %add3A_560 : i32
      %get3A_562 = arith.index_cast %add3A_561 : i32 to index
      %get3A_563 = arith.constant 48 : index
      %get3A_564 = tpu.vector_load %arg6[%get3A_562, %get3A_563] {strides = array<i32>} : memref<256x128xf32, #tpu.memory_space<vmem>>, vector<1x16xf32>,
      %get3A_565 = vector.shape_cast %get3A_564 : vector<1x16xf32> to vector<16xf32>
      %add3A_566 = arith.addf %add3A_557, %get3A_565 : vector<16xf32>
      %mul3A_567 = arith.constant 16 : i32
      %mul3A_568 = arith.muli %scan3A_82, %mul3A_567 : i32
      %add3A_569 = arith.constant 5 : i32
      %add3A_570 = arith.addi %mul3A_568, %add3A_569 : i32
      %get3A_571 = arith.index_cast %add3A_570 : i32 to index
      %get3A_572 = arith.constant 48 : index
      %get3A_573 = tpu.vector_load %arg6[%get3A_571, %get3A_572] {strides = array<i32>} : memref<256x128xf32, #tpu.memory_space<vmem>>, vector<1x16xf32>,
      %get3A_574 = vector.shape_cast %get3A_573 : vector<1x16xf32> to vector<16xf32>
      %add3A_575 = arith.addf %add3A_566, %get3A_574 : vector<16xf32>
      %mul3A_576 = arith.constant 16 : i32
      %mul3A_577 = arith.muli %scan3A_82, %mul3A_576 : i32
      %add3A_578 = arith.constant 6 : i32
      %add3A_579 = arith.addi %mul3A_577, %add3A_578 : i32
      %get3A_580 = arith.index_cast %add3A_579 : i32 to index
      %get3A_581 = arith.constant 48 : index
      %get3A_582 = tpu.vector_load %arg6[%get3A_580, %get3A_581] {strides = array<i32>} : memref<256x128xf32, #tpu.memory_space<vmem>>, vector<1x16xf32>,
      %get3A_583 = vector.shape_cast %get3A_582 : vector<1x16xf32> to vector<16xf32>
      %add3A_584 = arith.addf %add3A_575, %get3A_583 : vector<16xf32>
      %mul3A_585 = arith.constant 16 : i32
      %mul3A_586 = arith.muli %scan3A_82, %mul3A_585 : i32
      %add3A_587 = arith.constant 7 : i32
      %add3A_588 = arith.addi %mul3A_586, %add3A_587 : i32
      %get3A_589 = arith.index_cast %add3A_588 : i32 to index
      %get3A_590 = arith.constant 48 : index
      %get3A_591 = tpu.vector_load %arg6[%get3A_589, %get3A_590] {strides = array<i32>} : memref<256x128xf32, #tpu.memory_space<vmem>>, vector<1x16xf32>,
      %get3A_592 = vector.shape_cast %get3A_591 : vector<1x16xf32> to vector<16xf32>
      %add3A_593 = arith.addf %add3A_584, %get3A_592 : vector<16xf32>
      %mul3A_594 = arith.constant 16 : i32
      %mul3A_595 = arith.muli %scan3A_82, %mul3A_594 : i32
      %add3A_596 = arith.constant 8 : i32
      %add3A_597 = arith.addi %mul3A_595, %add3A_596 : i32
      %get3A_598 = arith.index_cast %add3A_597 : i32 to index
      %get3A_599 = arith.constant 48 : index
      %get3A_600 = tpu.vector_load %arg6[%get3A_598, %get3A_599] {strides = array<i32>} : memref<256x128xf32, #tpu.memory_space<vmem>>, vector<1x16xf32>,
      %get3A_601 = vector.shape_cast %get3A_600 : vector<1x16xf32> to vector<16xf32>
      %add3A_602 = arith.addf %add3A_593, %get3A_601 : vector<16xf32>
      %mul3A_603 = arith.constant 16 : i32
      %mul3A_604 = arith.muli %scan3A_82, %mul3A_603 : i32
      %add3A_605 = arith.constant 9 : i32
      %add3A_606 = arith.addi %mul3A_604, %add3A_605 : i32
      %get3A_607 = arith.index_cast %add3A_606 : i32 to index
      %get3A_608 = arith.constant 48 : index
      %get3A_609 = tpu.vector_load %arg6[%get3A_607, %get3A_608] {strides = array<i32>} : memref<256x128xf32, #tpu.memory_space<vmem>>, vector<1x16xf32>,
      %get3A_610 = vector.shape_cast %get3A_609 : vector<1x16xf32> to vector<16xf32>
      %add3A_611 = arith.addf %add3A_602, %get3A_610 : vector<16xf32>
      %mul3A_612 = arith.constant 16 : i32
      %mul3A_613 = arith.muli %scan3A_82, %mul3A_612 : i32
      %add3A_614 = arith.constant 10 : i32
      %add3A_615 = arith.addi %mul3A_613, %add3A_614 : i32
      %get3A_616 = arith.index_cast %add3A_615 : i32 to index
      %get3A_617 = arith.constant 48 : index
      %get3A_618 = tpu.vector_load %arg6[%get3A_616, %get3A_617] {strides = array<i32>} : memref<256x128xf32, #tpu.memory_space<vmem>>, vector<1x16xf32>,
      %get3A_619 = vector.shape_cast %get3A_618 : vector<1x16xf32> to vector<16xf32>
      %add3A_620 = arith.addf %add3A_611, %get3A_619 : vector<16xf32>
      %mul3A_621 = arith.constant 16 : i32
      %mul3A_622 = arith.muli %scan3A_82, %mul3A_621 : i32
      %add3A_623 = arith.constant 11 : i32
      %add3A_624 = arith.addi %mul3A_622, %add3A_623 : i32
      %get3A_625 = arith.index_cast %add3A_624 : i32 to index
      %get3A_626 = arith.constant 48 : index
      %get3A_627 = tpu.vector_load %arg6[%get3A_625, %get3A_626] {strides = array<i32>} : memref<256x128xf32, #tpu.memory_space<vmem>>, vector<1x16xf32>,
      %get3A_628 = vector.shape_cast %get3A_627 : vector<1x16xf32> to vector<16xf32>
      %add3A_629 = arith.addf %add3A_620, %get3A_628 : vector<16xf32>
      %mul3A_630 = arith.constant 16 : i32
      %mul3A_631 = arith.muli %scan3A_82, %mul3A_630 : i32
      %add3A_632 = arith.constant 12 : i32
      %add3A_633 = arith.addi %mul3A_631, %add3A_632 : i32
      %get3A_634 = arith.index_cast %add3A_633 : i32 to index
      %get3A_635 = arith.constant 48 : index
      %get3A_636 = tpu.vector_load %arg6[%get3A_634, %get3A_635] {strides = array<i32>} : memref<256x128xf32, #tpu.memory_space<vmem>>, vector<1x16xf32>,
      %get3A_637 = vector.shape_cast %get3A_636 : vector<1x16xf32> to vector<16xf32>
      %add3A_638 = arith.addf %add3A_629, %get3A_637 : vector<16xf32>
      %mul3A_639 = arith.constant 16 : i32
      %mul3A_640 = arith.muli %scan3A_82, %mul3A_639 : i32
      %add3A_641 = arith.constant 13 : i32
      %add3A_642 = arith.addi %mul3A_640, %add3A_641 : i32
      %get3A_643 = arith.index_cast %add3A_642 : i32 to index
      %get3A_644 = arith.constant 48 : index
      %get3A_645 = tpu.vector_load %arg6[%get3A_643, %get3A_644] {strides = array<i32>} : memref<256x128xf32, #tpu.memory_space<vmem>>, vector<1x16xf32>,
      %get3A_646 = vector.shape_cast %get3A_645 : vector<1x16xf32> to vector<16xf32>
      %add3A_647 = arith.addf %add3A_638, %get3A_646 : vector<16xf32>
      %mul3A_648 = arith.constant 16 : i32
      %mul3A_649 = arith.muli %scan3A_82, %mul3A_648 : i32
      %add3A_650 = arith.constant 14 : i32
      %add3A_651 = arith.addi %mul3A_649, %add3A_650 : i32
      %get3A_652 = arith.index_cast %add3A_651 : i32 to index
      %get3A_653 = arith.constant 48 : index
      %get3A_654 = tpu.vector_load %arg6[%get3A_652, %get3A_653] {strides = array<i32>} : memref<256x128xf32, #tpu.memory_space<vmem>>, vector<1x16xf32>,
      %get3A_655 = vector.shape_cast %get3A_654 : vector<1x16xf32> to vector<16xf32>
      %add3A_656 = arith.addf %add3A_647, %get3A_655 : vector<16xf32>
      %mul3A_657 = arith.constant 16 : i32
      %mul3A_658 = arith.muli %scan3A_82, %mul3A_657 : i32
      %add3A_659 = arith.constant 15 : i32
      %add3A_660 = arith.addi %mul3A_658, %add3A_659 : i32
      %get3A_661 = arith.index_cast %add3A_660 : i32 to index
      %get3A_662 = arith.constant 48 : index
      %get3A_663 = tpu.vector_load %arg6[%get3A_661, %get3A_662] {strides = array<i32>} : memref<256x128xf32, #tpu.memory_space<vmem>>, vector<1x16xf32>,
      %get3A_664 = vector.shape_cast %get3A_663 : vector<1x16xf32> to vector<16xf32>
      %add3A_665 = arith.addf %add3A_656, %get3A_664 : vector<16xf32>
      %add3A_666 = arith.constant 32 : i32
      %add3A_667 = arith.addi %add3A_666, %scan3A_82 : i32
      %swap3A_668 = arith.index_cast %add3A_667 : i32 to index
      %swap3A_669 = arith.constant 48 : index
      %swap3A_670 = tpu.vector_load %arg7[%swap3A_668, %swap3A_669] {strides = array<i32>} : memref<64x128xf32, #tpu.memory_space<vmem>>, vector<1x16xf32>,
      %swap3A_671 = vector.shape_cast %swap3A_670 : vector<1x16xf32> to vector<16xf32>
      %swap3A_672 = vector.shape_cast %add3A_665 : vector<16xf32> to vector<1x16xf32>
      tpu.vector_store %arg7[%swap3A_668, %swap3A_669], %swap3A_672 {strides = array<i32>} : memref<64x128xf32, #tpu.memory_space<vmem>>, vector<1x16xf32>,
      %mul3A_673 = arith.constant 16 : i32
      %mul3A_674 = arith.muli %scan3A_82, %mul3A_673 : i32
      %get3A_675 = arith.index_cast %mul3A_674 : i32 to index
      %get3A_676 = arith.constant 64 : index
      %get3A_677 = tpu.vector_load %arg6[%get3A_675, %get3A_676] {strides = array<i32>} : memref<256x128xf32, #tpu.memory_space<vmem>>, vector<1x16xf32>,
      %get3A_678 = vector.shape_cast %get3A_677 : vector<1x16xf32> to vector<16xf32>
      %mul3A_679 = arith.constant 16 : i32
      %mul3A_680 = arith.muli %scan3A_82, %mul3A_679 : i32
      %add3A_681 = arith.constant 1 : i32
      %add3A_682 = arith.addi %mul3A_680, %add3A_681 : i32
      %get3A_683 = arith.index_cast %add3A_682 : i32 to index
      %get3A_684 = arith.constant 64 : index
      %get3A_685 = tpu.vector_load %arg6[%get3A_683, %get3A_684] {strides = array<i32>} : memref<256x128xf32, #tpu.memory_space<vmem>>, vector<1x16xf32>,
      %get3A_686 = vector.shape_cast %get3A_685 : vector<1x16xf32> to vector<16xf32>
      %add3A_687 = arith.addf %get3A_678, %get3A_686 : vector<16xf32>
      %mul3A_688 = arith.constant 16 : i32
      %mul3A_689 = arith.muli %scan3A_82, %mul3A_688 : i32
      %add3A_690 = arith.constant 2 : i32
      %add3A_691 = arith.addi %mul3A_689, %add3A_690 : i32
      %get3A_692 = arith.index_cast %add3A_691 : i32 to index
      %get3A_693 = arith.constant 64 : index
      %get3A_694 = tpu.vector_load %arg6[%get3A_692, %get3A_693] {strides = array<i32>} : memref<256x128xf32, #tpu.memory_space<vmem>>, vector<1x16xf32>,
      %get3A_695 = vector.shape_cast %get3A_694 : vector<1x16xf32> to vector<16xf32>
      %add3A_696 = arith.addf %add3A_687, %get3A_695 : vector<16xf32>
      %mul3A_697 = arith.constant 16 : i32
      %mul3A_698 = arith.muli %scan3A_82, %mul3A_697 : i32
      %add3A_699 = arith.constant 3 : i32
      %add3A_700 = arith.addi %mul3A_698, %add3A_699 : i32
      %get3A_701 = arith.index_cast %add3A_700 : i32 to index
      %get3A_702 = arith.constant 64 : index
      %get3A_703 = tpu.vector_load %arg6[%get3A_701, %get3A_702] {strides = array<i32>} : memref<256x128xf32, #tpu.memory_space<vmem>>, vector<1x16xf32>,
      %get3A_704 = vector.shape_cast %get3A_703 : vector<1x16xf32> to vector<16xf32>
      %add3A_705 = arith.addf %add3A_696, %get3A_704 : vector<16xf32>
      %mul3A_706 = arith.constant 16 : i32
      %mul3A_707 = arith.muli %scan3A_82, %mul3A_706 : i32
      %add3A_708 = arith.constant 4 : i32
      %add3A_709 = arith.addi %mul3A_707, %add3A_708 : i32
      %get3A_710 = arith.index_cast %add3A_709 : i32 to index
      %get3A_711 = arith.constant 64 : index
      %get3A_712 = tpu.vector_load %arg6[%get3A_710, %get3A_711] {strides = array<i32>} : memref<256x128xf32, #tpu.memory_space<vmem>>, vector<1x16xf32>,
      %get3A_713 = vector.shape_cast %get3A_712 : vector<1x16xf32> to vector<16xf32>
      %add3A_714 = arith.addf %add3A_705, %get3A_713 : vector<16xf32>
      %mul3A_715 = arith.constant 16 : i32
      %mul3A_716 = arith.muli %scan3A_82, %mul3A_715 : i32
      %add3A_717 = arith.constant 5 : i32
      %add3A_718 = arith.addi %mul3A_716, %add3A_717 : i32
      %get3A_719 = arith.index_cast %add3A_718 : i32 to index
      %get3A_720 = arith.constant 64 : index
      %get3A_721 = tpu.vector_load %arg6[%get3A_719, %get3A_720] {strides = array<i32>} : memref<256x128xf32, #tpu.memory_space<vmem>>, vector<1x16xf32>,
      %get3A_722 = vector.shape_cast %get3A_721 : vector<1x16xf32> to vector<16xf32>
      %add3A_723 = arith.addf %add3A_714, %get3A_722 : vector<16xf32>
      %mul3A_724 = arith.constant 16 : i32
      %mul3A_725 = arith.muli %scan3A_82, %mul3A_724 : i32
      %add3A_726 = arith.constant 6 : i32
      %add3A_727 = arith.addi %mul3A_725, %add3A_726 : i32
      %get3A_728 = arith.index_cast %add3A_727 : i32 to index
      %get3A_729 = arith.constant 64 : index
      %get3A_730 = tpu.vector_load %arg6[%get3A_728, %get3A_729] {strides = array<i32>} : memref<256x128xf32, #tpu.memory_space<vmem>>, vector<1x16xf32>,
      %get3A_731 = vector.shape_cast %get3A_730 : vector<1x16xf32> to vector<16xf32>
      %add3A_732 = arith.addf %add3A_723, %get3A_731 : vector<16xf32>
      %mul3A_733 = arith.constant 16 : i32
      %mul3A_734 = arith.muli %scan3A_82, %mul3A_733 : i32
      %add3A_735 = arith.constant 7 : i32
      %add3A_736 = arith.addi %mul3A_734, %add3A_735 : i32
      %get3A_737 = arith.index_cast %add3A_736 : i32 to index
      %get3A_738 = arith.constant 64 : index
      %get3A_739 = tpu.vector_load %arg6[%get3A_737, %get3A_738] {strides = array<i32>} : memref<256x128xf32, #tpu.memory_space<vmem>>, vector<1x16xf32>,
      %get3A_740 = vector.shape_cast %get3A_739 : vector<1x16xf32> to vector<16xf32>
      %add3A_741 = arith.addf %add3A_732, %get3A_740 : vector<16xf32>
      %mul3A_742 = arith.constant 16 : i32
      %mul3A_743 = arith.muli %scan3A_82, %mul3A_742 : i32
      %add3A_744 = arith.constant 8 : i32
      %add3A_745 = arith.addi %mul3A_743, %add3A_744 : i32
      %get3A_746 = arith.index_cast %add3A_745 : i32 to index
      %get3A_747 = arith.constant 64 : index
      %get3A_748 = tpu.vector_load %arg6[%get3A_746, %get3A_747] {strides = array<i32>} : memref<256x128xf32, #tpu.memory_space<vmem>>, vector<1x16xf32>,
      %get3A_749 = vector.shape_cast %get3A_748 : vector<1x16xf32> to vector<16xf32>
      %add3A_750 = arith.addf %add3A_741, %get3A_749 : vector<16xf32>
      %mul3A_751 = arith.constant 16 : i32
      %mul3A_752 = arith.muli %scan3A_82, %mul3A_751 : i32
      %add3A_753 = arith.constant 9 : i32
      %add3A_754 = arith.addi %mul3A_752, %add3A_753 : i32
      %get3A_755 = arith.index_cast %add3A_754 : i32 to index
      %get3A_756 = arith.constant 64 : index
      %get3A_757 = tpu.vector_load %arg6[%get3A_755, %get3A_756] {strides = array<i32>} : memref<256x128xf32, #tpu.memory_space<vmem>>, vector<1x16xf32>,
      %get3A_758 = vector.shape_cast %get3A_757 : vector<1x16xf32> to vector<16xf32>
      %add3A_759 = arith.addf %add3A_750, %get3A_758 : vector<16xf32>
      %mul3A_760 = arith.constant 16 : i32
      %mul3A_761 = arith.muli %scan3A_82, %mul3A_760 : i32
      %add3A_762 = arith.constant 10 : i32
      %add3A_763 = arith.addi %mul3A_761, %add3A_762 : i32
      %get3A_764 = arith.index_cast %add3A_763 : i32 to index
      %get3A_765 = arith.constant 64 : index
      %get3A_766 = tpu.vector_load %arg6[%get3A_764, %get3A_765] {strides = array<i32>} : memref<256x128xf32, #tpu.memory_space<vmem>>, vector<1x16xf32>,
      %get3A_767 = vector.shape_cast %get3A_766 : vector<1x16xf32> to vector<16xf32>
      %add3A_768 = arith.addf %add3A_759, %get3A_767 : vector<16xf32>
      %mul3A_769 = arith.constant 16 : i32
      %mul3A_770 = arith.muli %scan3A_82, %mul3A_769 : i32
      %add3A_771 = arith.constant 11 : i32
      %add3A_772 = arith.addi %mul3A_770, %add3A_771 : i32
      %get3A_773 = arith.index_cast %add3A_772 : i32 to index
      %get3A_774 = arith.constant 64 : index
      %get3A_775 = tpu.vector_load %arg6[%get3A_773, %get3A_774] {strides = array<i32>} : memref<256x128xf32, #tpu.memory_space<vmem>>, vector<1x16xf32>,
      %get3A_776 = vector.shape_cast %get3A_775 : vector<1x16xf32> to vector<16xf32>
      %add3A_777 = arith.addf %add3A_768, %get3A_776 : vector<16xf32>
      %mul3A_778 = arith.constant 16 : i32
      %mul3A_779 = arith.muli %scan3A_82, %mul3A_778 : i32
      %add3A_780 = arith.constant 12 : i32
      %add3A_781 = arith.addi %mul3A_779, %add3A_780 : i32
      %get3A_782 = arith.index_cast %add3A_781 : i32 to index
      %get3A_783 = arith.constant 64 : index
      %get3A_784 = tpu.vector_load %arg6[%get3A_782, %get3A_783] {strides = array<i32>} : memref<256x128xf32, #tpu.memory_space<vmem>>, vector<1x16xf32>,
      %get3A_785 = vector.shape_cast %get3A_784 : vector<1x16xf32> to vector<16xf32>
      %add3A_786 = arith.addf %add3A_777, %get3A_785 : vector<16xf32>
      %mul3A_787 = arith.constant 16 : i32
      %mul3A_788 = arith.muli %scan3A_82, %mul3A_787 : i32
      %add3A_789 = arith.constant 13 : i32
      %add3A_790 = arith.addi %mul3A_788, %add3A_789 : i32
      %get3A_791 = arith.index_cast %add3A_790 : i32 to index
      %get3A_792 = arith.constant 64 : index
      %get3A_793 = tpu.vector_load %arg6[%get3A_791, %get3A_792] {strides = array<i32>} : memref<256x128xf32, #tpu.memory_space<vmem>>, vector<1x16xf32>,
      %get3A_794 = vector.shape_cast %get3A_793 : vector<1x16xf32> to vector<16xf32>
      %add3A_795 = arith.addf %add3A_786, %get3A_794 : vector<16xf32>
      %mul3A_796 = arith.constant 16 : i32
      %mul3A_797 = arith.muli %scan3A_82, %mul3A_796 : i32
      %add3A_798 = arith.constant 14 : i32
      %add3A_799 = arith.addi %mul3A_797, %add3A_798 : i32
      %get3A_800 = arith.index_cast %add3A_799 : i32 to index
      %get3A_801 = arith.constant 64 : index
      %get3A_802 = tpu.vector_load %arg6[%get3A_800, %get3A_801] {strides = array<i32>} : memref<256x128xf32, #tpu.memory_space<vmem>>, vector<1x16xf32>,
      %get3A_803 = vector.shape_cast %get3A_802 : vector<1x16xf32> to vector<16xf32>
      %add3A_804 = arith.addf %add3A_795, %get3A_803 : vector<16xf32>
      %mul3A_805 = arith.constant 16 : i32
      %mul3A_806 = arith.muli %scan3A_82, %mul3A_805 : i32
      %add3A_807 = arith.constant 15 : i32
      %add3A_808 = arith.addi %mul3A_806, %add3A_807 : i32
      %get3A_809 = arith.index_cast %add3A_808 : i32 to index
      %get3A_810 = arith.constant 64 : index
      %get3A_811 = tpu.vector_load %arg6[%get3A_809, %get3A_810] {strides = array<i32>} : memref<256x128xf32, #tpu.memory_space<vmem>>, vector<1x16xf32>,
      %get3A_812 = vector.shape_cast %get3A_811 : vector<1x16xf32> to vector<16xf32>
      %add3A_813 = arith.addf %add3A_804, %get3A_812 : vector<16xf32>
      %add3A_814 = arith.constant 32 : i32
      %add3A_815 = arith.addi %add3A_814, %scan3A_82 : i32
      %swap3A_816 = arith.index_cast %add3A_815 : i32 to index
      %swap3A_817 = arith.constant 64 : index
      %swap3A_818 = tpu.vector_load %arg7[%swap3A_816, %swap3A_817] {strides = array<i32>} : memref<64x128xf32, #tpu.memory_space<vmem>>, vector<1x16xf32>,
      %swap3A_819 = vector.shape_cast %swap3A_818 : vector<1x16xf32> to vector<16xf32>
      %swap3A_820 = vector.shape_cast %add3A_813 : vector<16xf32> to vector<1x16xf32>
      tpu.vector_store %arg7[%swap3A_816, %swap3A_817], %swap3A_820 {strides = array<i32>} : memref<64x128xf32, #tpu.memory_space<vmem>>, vector<1x16xf32>,
      %mul3A_821 = arith.constant 16 : i32
      %mul3A_822 = arith.muli %scan3A_82, %mul3A_821 : i32
      %get3A_823 = arith.index_cast %mul3A_822 : i32 to index
      %get3A_824 = arith.constant 80 : index
      %get3A_825 = tpu.vector_load %arg6[%get3A_823, %get3A_824] {strides = array<i32>} : memref<256x128xf32, #tpu.memory_space<vmem>>, vector<1x16xf32>,
      %get3A_826 = vector.shape_cast %get3A_825 : vector<1x16xf32> to vector<16xf32>
      %mul3A_827 = arith.constant 16 : i32
      %mul3A_828 = arith.muli %scan3A_82, %mul3A_827 : i32
      %add3A_829 = arith.constant 1 : i32
      %add3A_830 = arith.addi %mul3A_828, %add3A_829 : i32
      %get3A_831 = arith.index_cast %add3A_830 : i32 to index
      %get3A_832 = arith.constant 80 : index
      %get3A_833 = tpu.vector_load %arg6[%get3A_831, %get3A_832] {strides = array<i32>} : memref<256x128xf32, #tpu.memory_space<vmem>>, vector<1x16xf32>,
      %get3A_834 = vector.shape_cast %get3A_833 : vector<1x16xf32> to vector<16xf32>
      %add3A_835 = arith.addf %get3A_826, %get3A_834 : vector<16xf32>
      %mul3A_836 = arith.constant 16 : i32
      %mul3A_837 = arith.muli %scan3A_82, %mul3A_836 : i32
      %add3A_838 = arith.constant 2 : i32
      %add3A_839 = arith.addi %mul3A_837, %add3A_838 : i32
      %get3A_840 = arith.index_cast %add3A_839 : i32 to index
      %get3A_841 = arith.constant 80 : index
      %get3A_842 = tpu.vector_load %arg6[%get3A_840, %get3A_841] {strides = array<i32>} : memref<256x128xf32, #tpu.memory_space<vmem>>, vector<1x16xf32>,
      %get3A_843 = vector.shape_cast %get3A_842 : vector<1x16xf32> to vector<16xf32>
      %add3A_844 = arith.addf %add3A_835, %get3A_843 : vector<16xf32>
      %mul3A_845 = arith.constant 16 : i32
      %mul3A_846 = arith.muli %scan3A_82, %mul3A_845 : i32
      %add3A_847 = arith.constant 3 : i32
      %add3A_848 = arith.addi %mul3A_846, %add3A_847 : i32
      %get3A_849 = arith.index_cast %add3A_848 : i32 to index
      %get3A_850 = arith.constant 80 : index
      %get3A_851 = tpu.vector_load %arg6[%get3A_849, %get3A_850] {strides = array<i32>} : memref<256x128xf32, #tpu.memory_space<vmem>>, vector<1x16xf32>,
      %get3A_852 = vector.shape_cast %get3A_851 : vector<1x16xf32> to vector<16xf32>
      %add3A_853 = arith.addf %add3A_844, %get3A_852 : vector<16xf32>
      %mul3A_854 = arith.constant 16 : i32
      %mul3A_855 = arith.muli %scan3A_82, %mul3A_854 : i32
      %add3A_856 = arith.constant 4 : i32
      %add3A_857 = arith.addi %mul3A_855, %add3A_856 : i32
      %get3A_858 = arith.index_cast %add3A_857 : i32 to index
      %get3A_859 = arith.constant 80 : index
      %get3A_860 = tpu.vector_load %arg6[%get3A_858, %get3A_859] {strides = array<i32>} : memref<256x128xf32, #tpu.memory_space<vmem>>, vector<1x16xf32>,
      %get3A_861 = vector.shape_cast %get3A_860 : vector<1x16xf32> to vector<16xf32>
      %add3A_862 = arith.addf %add3A_853, %get3A_861 : vector<16xf32>
      %mul3A_863 = arith.constant 16 : i32
      %mul3A_864 = arith.muli %scan3A_82, %mul3A_863 : i32
      %add3A_865 = arith.constant 5 : i32
      %add3A_866 = arith.addi %mul3A_864, %add3A_865 : i32
      %get3A_867 = arith.index_cast %add3A_866 : i32 to index
      %get3A_868 = arith.constant 80 : index
      %get3A_869 = tpu.vector_load %arg6[%get3A_867, %get3A_868] {strides = array<i32>} : memref<256x128xf32, #tpu.memory_space<vmem>>, vector<1x16xf32>,
      %get3A_870 = vector.shape_cast %get3A_869 : vector<1x16xf32> to vector<16xf32>
      %add3A_871 = arith.addf %add3A_862, %get3A_870 : vector<16xf32>
      %mul3A_872 = arith.constant 16 : i32
      %mul3A_873 = arith.muli %scan3A_82, %mul3A_872 : i32
      %add3A_874 = arith.constant 6 : i32
      %add3A_875 = arith.addi %mul3A_873, %add3A_874 : i32
      %get3A_876 = arith.index_cast %add3A_875 : i32 to index
      %get3A_877 = arith.constant 80 : index
      %get3A_878 = tpu.vector_load %arg6[%get3A_876, %get3A_877] {strides = array<i32>} : memref<256x128xf32, #tpu.memory_space<vmem>>, vector<1x16xf32>,
      %get3A_879 = vector.shape_cast %get3A_878 : vector<1x16xf32> to vector<16xf32>
      %add3A_880 = arith.addf %add3A_871, %get3A_879 : vector<16xf32>
      %mul3A_881 = arith.constant 16 : i32
      %mul3A_882 = arith.muli %scan3A_82, %mul3A_881 : i32
      %add3A_883 = arith.constant 7 : i32
      %add3A_884 = arith.addi %mul3A_882, %add3A_883 : i32
      %get3A_885 = arith.index_cast %add3A_884 : i32 to index
      %get3A_886 = arith.constant 80 : index
      %get3A_887 = tpu.vector_load %arg6[%get3A_885, %get3A_886] {strides = array<i32>} : memref<256x128xf32, #tpu.memory_space<vmem>>, vector<1x16xf32>,
      %get3A_888 = vector.shape_cast %get3A_887 : vector<1x16xf32> to vector<16xf32>
      %add3A_889 = arith.addf %add3A_880, %get3A_888 : vector<16xf32>
      %mul3A_890 = arith.constant 16 : i32
      %mul3A_891 = arith.muli %scan3A_82, %mul3A_890 : i32
      %add3A_892 = arith.constant 8 : i32
      %add3A_893 = arith.addi %mul3A_891, %add3A_892 : i32
      %get3A_894 = arith.index_cast %add3A_893 : i32 to index
      %get3A_895 = arith.constant 80 : index
      %get3A_896 = tpu.vector_load %arg6[%get3A_894, %get3A_895] {strides = array<i32>} : memref<256x128xf32, #tpu.memory_space<vmem>>, vector<1x16xf32>,
      %get3A_897 = vector.shape_cast %get3A_896 : vector<1x16xf32> to vector<16xf32>
      %add3A_898 = arith.addf %add3A_889, %get3A_897 : vector<16xf32>
      %mul3A_899 = arith.constant 16 : i32
      %mul3A_900 = arith.muli %scan3A_82, %mul3A_899 : i32
      %add3A_901 = arith.constant 9 : i32
      %add3A_902 = arith.addi %mul3A_900, %add3A_901 : i32
      %get3A_903 = arith.index_cast %add3A_902 : i32 to index
      %get3A_904 = arith.constant 80 : index
      %get3A_905 = tpu.vector_load %arg6[%get3A_903, %get3A_904] {strides = array<i32>} : memref<256x128xf32, #tpu.memory_space<vmem>>, vector<1x16xf32>,
      %get3A_906 = vector.shape_cast %get3A_905 : vector<1x16xf32> to vector<16xf32>
      %add3A_907 = arith.addf %add3A_898, %get3A_906 : vector<16xf32>
      %mul3A_908 = arith.constant 16 : i32
      %mul3A_909 = arith.muli %scan3A_82, %mul3A_908 : i32
      %add3A_910 = arith.constant 10 : i32
      %add3A_911 = arith.addi %mul3A_909, %add3A_910 : i32
      %get3A_912 = arith.index_cast %add3A_911 : i32 to index
      %get3A_913 = arith.constant 80 : index
      %get3A_914 = tpu.vector_load %arg6[%get3A_912, %get3A_913] {strides = array<i32>} : memref<256x128xf32, #tpu.memory_space<vmem>>, vector<1x16xf32>,
      %get3A_915 = vector.shape_cast %get3A_914 : vector<1x16xf32> to vector<16xf32>
      %add3A_916 = arith.addf %add3A_907, %get3A_915 : vector<16xf32>
      %mul3A_917 = arith.constant 16 : i32
      %mul3A_918 = arith.muli %scan3A_82, %mul3A_917 : i32
      %add3A_919 = arith.constant 11 : i32
      %add3A_920 = arith.addi %mul3A_918, %add3A_919 : i32
      %get3A_921 = arith.index_cast %add3A_920 : i32 to index
      %get3A_922 = arith.constant 80 : index
      %get3A_923 = tpu.vector_load %arg6[%get3A_921, %get3A_922] {strides = array<i32>} : memref<256x128xf32, #tpu.memory_space<vmem>>, vector<1x16xf32>,
      %get3A_924 = vector.shape_cast %get3A_923 : vector<1x16xf32> to vector<16xf32>
      %add3A_925 = arith.addf %add3A_916, %get3A_924 : vector<16xf32>
      %mul3A_926 = arith.constant 16 : i32
      %mul3A_927 = arith.muli %scan3A_82, %mul3A_926 : i32
      %add3A_928 = arith.constant 12 : i32
      %add3A_929 = arith.addi %mul3A_927, %add3A_928 : i32
      %get3A_930 = arith.index_cast %add3A_929 : i32 to index
      %get3A_931 = arith.constant 80 : index
      %get3A_932 = tpu.vector_load %arg6[%get3A_930, %get3A_931] {strides = array<i32>} : memref<256x128xf32, #tpu.memory_space<vmem>>, vector<1x16xf32>,
      %get3A_933 = vector.shape_cast %get3A_932 : vector<1x16xf32> to vector<16xf32>
      %add3A_934 = arith.addf %add3A_925, %get3A_933 : vector<16xf32>
      %mul3A_935 = arith.constant 16 : i32
      %mul3A_936 = arith.muli %scan3A_82, %mul3A_935 : i32
      %add3A_937 = arith.constant 13 : i32
      %add3A_938 = arith.addi %mul3A_936, %add3A_937 : i32
      %get3A_939 = arith.index_cast %add3A_938 : i32 to index
      %get3A_940 = arith.constant 80 : index
      %get3A_941 = tpu.vector_load %arg6[%get3A_939, %get3A_940] {strides = array<i32>} : memref<256x128xf32, #tpu.memory_space<vmem>>, vector<1x16xf32>,
      %get3A_942 = vector.shape_cast %get3A_941 : vector<1x16xf32> to vector<16xf32>
      %add3A_943 = arith.addf %add3A_934, %get3A_942 : vector<16xf32>
      %mul3A_944 = arith.constant 16 : i32
      %mul3A_945 = arith.muli %scan3A_82, %mul3A_944 : i32
      %add3A_946 = arith.constant 14 : i32
      %add3A_947 = arith.addi %mul3A_945, %add3A_946 : i32
      %get3A_948 = arith.index_cast %add3A_947 : i32 to index
      %get3A_949 = arith.constant 80 : index
      %get3A_950 = tpu.vector_load %arg6[%get3A_948, %get3A_949] {strides = array<i32>} : memref<256x128xf32, #tpu.memory_space<vmem>>, vector<1x16xf32>,
      %get3A_951 = vector.shape_cast %get3A_950 : vector<1x16xf32> to vector<16xf32>
      %add3A_952 = arith.addf %add3A_943, %get3A_951 : vector<16xf32>
      %mul3A_953 = arith.constant 16 : i32
      %mul3A_954 = arith.muli %scan3A_82, %mul3A_953 : i32
      %add3A_955 = arith.constant 15 : i32
      %add3A_956 = arith.addi %mul3A_954, %add3A_955 : i32
      %get3A_957 = arith.index_cast %add3A_956 : i32 to index
      %get3A_958 = arith.constant 80 : index
      %get3A_959 = tpu.vector_load %arg6[%get3A_957, %get3A_958] {strides = array<i32>} : memref<256x128xf32, #tpu.memory_space<vmem>>, vector<1x16xf32>,
      %get3A_960 = vector.shape_cast %get3A_959 : vector<1x16xf32> to vector<16xf32>
      %add3A_961 = arith.addf %add3A_952, %get3A_960 : vector<16xf32>
      %add3A_962 = arith.constant 32 : i32
      %add3A_963 = arith.addi %add3A_962, %scan3A_82 : i32
      %swap3A_964 = arith.index_cast %add3A_963 : i32 to index
      %swap3A_965 = arith.constant 80 : index
      %swap3A_966 = tpu.vector_load %arg7[%swap3A_964, %swap3A_965] {strides = array<i32>} : memref<64x128xf32, #tpu.memory_space<vmem>>, vector<1x16xf32>,
      %swap3A_967 = vector.shape_cast %swap3A_966 : vector<1x16xf32> to vector<16xf32>
      %swap3A_968 = vector.shape_cast %add3A_961 : vector<16xf32> to vector<1x16xf32>
      tpu.vector_store %arg7[%swap3A_964, %swap3A_965], %swap3A_968 {strides = array<i32>} : memref<64x128xf32, #tpu.memory_space<vmem>>, vector<1x16xf32>,
      %mul3A_969 = arith.constant 16 : i32
      %mul3A_970 = arith.muli %scan3A_82, %mul3A_969 : i32
      %get3A_971 = arith.index_cast %mul3A_970 : i32 to index
      %get3A_972 = arith.constant 96 : index
      %get3A_973 = tpu.vector_load %arg6[%get3A_971, %get3A_972] {strides = array<i32>} : memref<256x128xf32, #tpu.memory_space<vmem>>, vector<1x16xf32>,
      %get3A_974 = vector.shape_cast %get3A_973 : vector<1x16xf32> to vector<16xf32>
      %mul3A_975 = arith.constant 16 : i32
      %mul3A_976 = arith.muli %scan3A_82, %mul3A_975 : i32
      %add3A_977 = arith.constant 1 : i32
      %add3A_978 = arith.addi %mul3A_976, %add3A_977 : i32
      %get3A_979 = arith.index_cast %add3A_978 : i32 to index
      %get3A_980 = arith.constant 96 : index
      %get3A_981 = tpu.vector_load %arg6[%get3A_979, %get3A_980] {strides = array<i32>} : memref<256x128xf32, #tpu.memory_space<vmem>>, vector<1x16xf32>,
      %get3A_982 = vector.shape_cast %get3A_981 : vector<1x16xf32> to vector<16xf32>
      %add3A_983 = arith.addf %get3A_974, %get3A_982 : vector<16xf32>
      %mul3A_984 = arith.constant 16 : i32
      %mul3A_985 = arith.muli %scan3A_82, %mul3A_984 : i32
      %add3A_986 = arith.constant 2 : i32
      %add3A_987 = arith.addi %mul3A_985, %add3A_986 : i32
      %get3A_988 = arith.index_cast %add3A_987 : i32 to index
      %get3A_989 = arith.constant 96 : index
      %get3A_990 = tpu.vector_load %arg6[%get3A_988, %get3A_989] {strides = array<i32>} : memref<256x128xf32, #tpu.memory_space<vmem>>, vector<1x16xf32>,
      %get3A_991 = vector.shape_cast %get3A_990 : vector<1x16xf32> to vector<16xf32>
      %add3A_992 = arith.addf %add3A_983, %get3A_991 : vector<16xf32>
      %mul3A_993 = arith.constant 16 : i32
      %mul3A_994 = arith.muli %scan3A_82, %mul3A_993 : i32
      %add3A_995 = arith.constant 3 : i32
      %add3A_996 = arith.addi %mul3A_994, %add3A_995 : i32
      %get3A_997 = arith.index_cast %add3A_996 : i32 to index
      %get3A_998 = arith.constant 96 : index
      %get3A_999 = tpu.vector_load %arg6[%get3A_997, %get3A_998] {strides = array<i32>} : memref<256x128xf32, #tpu.memory_space<vmem>>, vector<1x16xf32>,
      %get3A_1000 = vector.shape_cast %get3A_999 : vector<1x16xf32> to vector<16xf32>
      %add3A_1001 = arith.addf %add3A_992, %get3A_1000 : vector<16xf32>
      %mul3A_1002 = arith.constant 16 : i32
      %mul3A_1003 = arith.muli %scan3A_82, %mul3A_1002 : i32
      %add3A_1004 = arith.constant 4 : i32
      %add3A_1005 = arith.addi %mul3A_1003, %add3A_1004 : i32
      %get3A_1006 = arith.index_cast %add3A_1005 : i32 to index
      %get3A_1007 = arith.constant 96 : index
      %get3A_1008 = tpu.vector_load %arg6[%get3A_1006, %get3A_1007] {strides = array<i32>} : memref<256x128xf32, #tpu.memory_space<vmem>>, vector<1x16xf32>,
      %get3A_1009 = vector.shape_cast %get3A_1008 : vector<1x16xf32> to vector<16xf32>
      %add3A_1010 = arith.addf %add3A_1001, %get3A_1009 : vector<16xf32>
      %mul3A_1011 = arith.constant 16 : i32
      %mul3A_1012 = arith.muli %scan3A_82, %mul3A_1011 : i32
      %add3A_1013 = arith.constant 5 : i32
      %add3A_1014 = arith.addi %mul3A_1012, %add3A_1013 : i32
      %get3A_1015 = arith.index_cast %add3A_1014 : i32 to index
      %get3A_1016 = arith.constant 96 : index
      %get3A_1017 = tpu.vector_load %arg6[%get3A_1015, %get3A_1016] {strides = array<i32>} : memref<256x128xf32, #tpu.memory_space<vmem>>, vector<1x16xf32>,
      %get3A_1018 = vector.shape_cast %get3A_1017 : vector<1x16xf32> to vector<16xf32>
      %add3A_1019 = arith.addf %add3A_1010, %get3A_1018 : vector<16xf32>
      %mul3A_1020 = arith.constant 16 : i32
      %mul3A_1021 = arith.muli %scan3A_82, %mul3A_1020 : i32
      %add3A_1022 = arith.constant 6 : i32
      %add3A_1023 = arith.addi %mul3A_1021, %add3A_1022 : i32
      %get3A_1024 = arith.index_cast %add3A_1023 : i32 to index
      %get3A_1025 = arith.constant 96 : index
      %get3A_1026 = tpu.vector_load %arg6[%get3A_1024, %get3A_1025] {strides = array<i32>} : memref<256x128xf32, #tpu.memory_space<vmem>>, vector<1x16xf32>,
      %get3A_1027 = vector.shape_cast %get3A_1026 : vector<1x16xf32> to vector<16xf32>
      %add3A_1028 = arith.addf %add3A_1019, %get3A_1027 : vector<16xf32>
      %mul3A_1029 = arith.constant 16 : i32
      %mul3A_1030 = arith.muli %scan3A_82, %mul3A_1029 : i32
      %add3A_1031 = arith.constant 7 : i32
      %add3A_1032 = arith.addi %mul3A_1030, %add3A_1031 : i32
      %get3A_1033 = arith.index_cast %add3A_1032 : i32 to index
      %get3A_1034 = arith.constant 96 : index
      %get3A_1035 = tpu.vector_load %arg6[%get3A_1033, %get3A_1034] {strides = array<i32>} : memref<256x128xf32, #tpu.memory_space<vmem>>, vector<1x16xf32>,
      %get3A_1036 = vector.shape_cast %get3A_1035 : vector<1x16xf32> to vector<16xf32>
      %add3A_1037 = arith.addf %add3A_1028, %get3A_1036 : vector<16xf32>
      %mul3A_1038 = arith.constant 16 : i32
      %mul3A_1039 = arith.muli %scan3A_82, %mul3A_1038 : i32
      %add3A_1040 = arith.constant 8 : i32
      %add3A_1041 = arith.addi %mul3A_1039, %add3A_1040 : i32
      %get3A_1042 = arith.index_cast %add3A_1041 : i32 to index
      %get3A_1043 = arith.constant 96 : index
      %get3A_1044 = tpu.vector_load %arg6[%get3A_1042, %get3A_1043] {strides = array<i32>} : memref<256x128xf32, #tpu.memory_space<vmem>>, vector<1x16xf32>,
      %get3A_1045 = vector.shape_cast %get3A_1044 : vector<1x16xf32> to vector<16xf32>
      %add3A_1046 = arith.addf %add3A_1037, %get3A_1045 : vector<16xf32>
      %mul3A_1047 = arith.constant 16 : i32
      %mul3A_1048 = arith.muli %scan3A_82, %mul3A_1047 : i32
      %add3A_1049 = arith.constant 9 : i32
      %add3A_1050 = arith.addi %mul3A_1048, %add3A_1049 : i32
      %get3A_1051 = arith.index_cast %add3A_1050 : i32 to index
      %get3A_1052 = arith.constant 96 : index
      %get3A_1053 = tpu.vector_load %arg6[%get3A_1051, %get3A_1052] {strides = array<i32>} : memref<256x128xf32, #tpu.memory_space<vmem>>, vector<1x16xf32>,
      %get3A_1054 = vector.shape_cast %get3A_1053 : vector<1x16xf32> to vector<16xf32>
      %add3A_1055 = arith.addf %add3A_1046, %get3A_1054 : vector<16xf32>
      %mul3A_1056 = arith.constant 16 : i32
      %mul3A_1057 = arith.muli %scan3A_82, %mul3A_1056 : i32
      %add3A_1058 = arith.constant 10 : i32
      %add3A_1059 = arith.addi %mul3A_1057, %add3A_1058 : i32
      %get3A_1060 = arith.index_cast %add3A_1059 : i32 to index
      %get3A_1061 = arith.constant 96 : index
      %get3A_1062 = tpu.vector_load %arg6[%get3A_1060, %get3A_1061] {strides = array<i32>} : memref<256x128xf32, #tpu.memory_space<vmem>>, vector<1x16xf32>,
      %get3A_1063 = vector.shape_cast %get3A_1062 : vector<1x16xf32> to vector<16xf32>
      %add3A_1064 = arith.addf %add3A_1055, %get3A_1063 : vector<16xf32>
      %mul3A_1065 = arith.constant 16 : i32
      %mul3A_1066 = arith.muli %scan3A_82, %mul3A_1065 : i32
      %add3A_1067 = arith.constant 11 : i32
      %add3A_1068 = arith.addi %mul3A_1066, %add3A_1067 : i32
      %get3A_1069 = arith.index_cast %add3A_1068 : i32 to index
      %get3A_1070 = arith.constant 96 : index
      %get3A_1071 = tpu.vector_load %arg6[%get3A_1069, %get3A_1070] {strides = array<i32>} : memref<256x128xf32, #tpu.memory_space<vmem>>, vector<1x16xf32>,
      %get3A_1072 = vector.shape_cast %get3A_1071 : vector<1x16xf32> to vector<16xf32>
      %add3A_1073 = arith.addf %add3A_1064, %get3A_1072 : vector<16xf32>
      %mul3A_1074 = arith.constant 16 : i32
      %mul3A_1075 = arith.muli %scan3A_82, %mul3A_1074 : i32
      %add3A_1076 = arith.constant 12 : i32
      %add3A_1077 = arith.addi %mul3A_1075, %add3A_1076 : i32
      %get3A_1078 = arith.index_cast %add3A_1077 : i32 to index
      %get3A_1079 = arith.constant 96 : index
      %get3A_1080 = tpu.vector_load %arg6[%get3A_1078, %get3A_1079] {strides = array<i32>} : memref<256x128xf32, #tpu.memory_space<vmem>>, vector<1x16xf32>,
      %get3A_1081 = vector.shape_cast %get3A_1080 : vector<1x16xf32> to vector<16xf32>
      %add3A_1082 = arith.addf %add3A_1073, %get3A_1081 : vector<16xf32>
      %mul3A_1083 = arith.constant 16 : i32
      %mul3A_1084 = arith.muli %scan3A_82, %mul3A_1083 : i32
      %add3A_1085 = arith.constant 13 : i32
      %add3A_1086 = arith.addi %mul3A_1084, %add3A_1085 : i32
      %get3A_1087 = arith.index_cast %add3A_1086 : i32 to index
      %get3A_1088 = arith.constant 96 : index
      %get3A_1089 = tpu.vector_load %arg6[%get3A_1087, %get3A_1088] {strides = array<i32>} : memref<256x128xf32, #tpu.memory_space<vmem>>, vector<1x16xf32>,
      %get3A_1090 = vector.shape_cast %get3A_1089 : vector<1x16xf32> to vector<16xf32>
      %add3A_1091 = arith.addf %add3A_1082, %get3A_1090 : vector<16xf32>
      %mul3A_1092 = arith.constant 16 : i32
      %mul3A_1093 = arith.muli %scan3A_82, %mul3A_1092 : i32
      %add3A_1094 = arith.constant 14 : i32
      %add3A_1095 = arith.addi %mul3A_1093, %add3A_1094 : i32
      %get3A_1096 = arith.index_cast %add3A_1095 : i32 to index
      %get3A_1097 = arith.constant 96 : index
      %get3A_1098 = tpu.vector_load %arg6[%get3A_1096, %get3A_1097] {strides = array<i32>} : memref<256x128xf32, #tpu.memory_space<vmem>>, vector<1x16xf32>,
      %get3A_1099 = vector.shape_cast %get3A_1098 : vector<1x16xf32> to vector<16xf32>
      %add3A_1100 = arith.addf %add3A_1091, %get3A_1099 : vector<16xf32>
      %mul3A_1101 = arith.constant 16 : i32
      %mul3A_1102 = arith.muli %scan3A_82, %mul3A_1101 : i32
      %add3A_1103 = arith.constant 15 : i32
      %add3A_1104 = arith.addi %mul3A_1102, %add3A_1103 : i32
      %get3A_1105 = arith.index_cast %add3A_1104 : i32 to index
      %get3A_1106 = arith.constant 96 : index
      %get3A_1107 = tpu.vector_load %arg6[%get3A_1105, %get3A_1106] {strides = array<i32>} : memref<256x128xf32, #tpu.memory_space<vmem>>, vector<1x16xf32>,
      %get3A_1108 = vector.shape_cast %get3A_1107 : vector<1x16xf32> to vector<16xf32>
      %add3A_1109 = arith.addf %add3A_1100, %get3A_1108 : vector<16xf32>
      %add3A_1110 = arith.constant 32 : i32
      %add3A_1111 = arith.addi %add3A_1110, %scan3A_82 : i32
      %swap3A_1112 = arith.index_cast %add3A_1111 : i32 to index
      %swap3A_1113 = arith.constant 96 : index
      %swap3A_1114 = tpu.vector_load %arg7[%swap3A_1112, %swap3A_1113] {strides = array<i32>} : memref<64x128xf32, #tpu.memory_space<vmem>>, vector<1x16xf32>,
      %swap3A_1115 = vector.shape_cast %swap3A_1114 : vector<1x16xf32> to vector<16xf32>
      %swap3A_1116 = vector.shape_cast %add3A_1109 : vector<16xf32> to vector<1x16xf32>
      tpu.vector_store %arg7[%swap3A_1112, %swap3A_1113], %swap3A_1116 {strides = array<i32>} : memref<64x128xf32, #tpu.memory_space<vmem>>, vector<1x16xf32>,
      %mul3A_1117 = arith.constant 16 : i32
      %mul3A_1118 = arith.muli %scan3A_82, %mul3A_1117 : i32
      %get3A_1119 = arith.index_cast %mul3A_1118 : i32 to index
      %get3A_1120 = arith.constant 112 : index
      %get3A_1121 = tpu.vector_load %arg6[%get3A_1119, %get3A_1120] {strides = array<i32>} : memref<256x128xf32, #tpu.memory_space<vmem>>, vector<1x16xf32>,
      %get3A_1122 = vector.shape_cast %get3A_1121 : vector<1x16xf32> to vector<16xf32>
      %mul3A_1123 = arith.constant 16 : i32
      %mul3A_1124 = arith.muli %scan3A_82, %mul3A_1123 : i32
      %add3A_1125 = arith.constant 1 : i32
      %add3A_1126 = arith.addi %mul3A_1124, %add3A_1125 : i32
      %get3A_1127 = arith.index_cast %add3A_1126 : i32 to index
      %get3A_1128 = arith.constant 112 : index
      %get3A_1129 = tpu.vector_load %arg6[%get3A_1127, %get3A_1128] {strides = array<i32>} : memref<256x128xf32, #tpu.memory_space<vmem>>, vector<1x16xf32>,
      %get3A_1130 = vector.shape_cast %get3A_1129 : vector<1x16xf32> to vector<16xf32>
      %add3A_1131 = arith.addf %get3A_1122, %get3A_1130 : vector<16xf32>
      %mul3A_1132 = arith.constant 16 : i32
      %mul3A_1133 = arith.muli %scan3A_82, %mul3A_1132 : i32
      %add3A_1134 = arith.constant 2 : i32
      %add3A_1135 = arith.addi %mul3A_1133, %add3A_1134 : i32
      %get3A_1136 = arith.index_cast %add3A_1135 : i32 to index
      %get3A_1137 = arith.constant 112 : index
      %get3A_1138 = tpu.vector_load %arg6[%get3A_1136, %get3A_1137] {strides = array<i32>} : memref<256x128xf32, #tpu.memory_space<vmem>>, vector<1x16xf32>,
      %get3A_1139 = vector.shape_cast %get3A_1138 : vector<1x16xf32> to vector<16xf32>
      %add3A_1140 = arith.addf %add3A_1131, %get3A_1139 : vector<16xf32>
      %mul3A_1141 = arith.constant 16 : i32
      %mul3A_1142 = arith.muli %scan3A_82, %mul3A_1141 : i32
      %add3A_1143 = arith.constant 3 : i32
      %add3A_1144 = arith.addi %mul3A_1142, %add3A_1143 : i32
      %get3A_1145 = arith.index_cast %add3A_1144 : i32 to index
      %get3A_1146 = arith.constant 112 : index
      %get3A_1147 = tpu.vector_load %arg6[%get3A_1145, %get3A_1146] {strides = array<i32>} : memref<256x128xf32, #tpu.memory_space<vmem>>, vector<1x16xf32>,
      %get3A_1148 = vector.shape_cast %get3A_1147 : vector<1x16xf32> to vector<16xf32>
      %add3A_1149 = arith.addf %add3A_1140, %get3A_1148 : vector<16xf32>
      %mul3A_1150 = arith.constant 16 : i32
      %mul3A_1151 = arith.muli %scan3A_82, %mul3A_1150 : i32
      %add3A_1152 = arith.constant 4 : i32
      %add3A_1153 = arith.addi %mul3A_1151, %add3A_1152 : i32
      %get3A_1154 = arith.index_cast %add3A_1153 : i32 to index
      %get3A_1155 = arith.constant 112 : index
      %get3A_1156 = tpu.vector_load %arg6[%get3A_1154, %get3A_1155] {strides = array<i32>} : memref<256x128xf32, #tpu.memory_space<vmem>>, vector<1x16xf32>,
      %get3A_1157 = vector.shape_cast %get3A_1156 : vector<1x16xf32> to vector<16xf32>
      %add3A_1158 = arith.addf %add3A_1149, %get3A_1157 : vector<16xf32>
      %mul3A_1159 = arith.constant 16 : i32
      %mul3A_1160 = arith.muli %scan3A_82, %mul3A_1159 : i32
      %add3A_1161 = arith.constant 5 : i32
      %add3A_1162 = arith.addi %mul3A_1160, %add3A_1161 : i32
      %get3A_1163 = arith.index_cast %add3A_1162 : i32 to index
      %get3A_1164 = arith.constant 112 : index
      %get3A_1165 = tpu.vector_load %arg6[%get3A_1163, %get3A_1164] {strides = array<i32>} : memref<256x128xf32, #tpu.memory_space<vmem>>, vector<1x16xf32>,
      %get3A_1166 = vector.shape_cast %get3A_1165 : vector<1x16xf32> to vector<16xf32>
      %add3A_1167 = arith.addf %add3A_1158, %get3A_1166 : vector<16xf32>
      %mul3A_1168 = arith.constant 16 : i32
      %mul3A_1169 = arith.muli %scan3A_82, %mul3A_1168 : i32
      %add3A_1170 = arith.constant 6 : i32
      %add3A_1171 = arith.addi %mul3A_1169, %add3A_1170 : i32
      %get3A_1172 = arith.index_cast %add3A_1171 : i32 to index
      %get3A_1173 = arith.constant 112 : index
      %get3A_1174 = tpu.vector_load %arg6[%get3A_1172, %get3A_1173] {strides = array<i32>} : memref<256x128xf32, #tpu.memory_space<vmem>>, vector<1x16xf32>,
      %get3A_1175 = vector.shape_cast %get3A_1174 : vector<1x16xf32> to vector<16xf32>
      %add3A_1176 = arith.addf %add3A_1167, %get3A_1175 : vector<16xf32>
      %mul3A_1177 = arith.constant 16 : i32
      %mul3A_1178 = arith.muli %scan3A_82, %mul3A_1177 : i32
      %add3A_1179 = arith.constant 7 : i32
      %add3A_1180 = arith.addi %mul3A_1178, %add3A_1179 : i32
      %get3A_1181 = arith.index_cast %add3A_1180 : i32 to index
      %get3A_1182 = arith.constant 112 : index
      %get3A_1183 = tpu.vector_load %arg6[%get3A_1181, %get3A_1182] {strides = array<i32>} : memref<256x128xf32, #tpu.memory_space<vmem>>, vector<1x16xf32>,
      %get3A_1184 = vector.shape_cast %get3A_1183 : vector<1x16xf32> to vector<16xf32>
      %add3A_1185 = arith.addf %add3A_1176, %get3A_1184 : vector<16xf32>
      %mul3A_1186 = arith.constant 16 : i32
      %mul3A_1187 = arith.muli %scan3A_82, %mul3A_1186 : i32
      %add3A_1188 = arith.constant 8 : i32
      %add3A_1189 = arith.addi %mul3A_1187, %add3A_1188 : i32
      %get3A_1190 = arith.index_cast %add3A_1189 : i32 to index
      %get3A_1191 = arith.constant 112 : index
      %get3A_1192 = tpu.vector_load %arg6[%get3A_1190, %get3A_1191] {strides = array<i32>} : memref<256x128xf32, #tpu.memory_space<vmem>>, vector<1x16xf32>,
      %get3A_1193 = vector.shape_cast %get3A_1192 : vector<1x16xf32> to vector<16xf32>
      %add3A_1194 = arith.addf %add3A_1185, %get3A_1193 : vector<16xf32>
      %mul3A_1195 = arith.constant 16 : i32
      %mul3A_1196 = arith.muli %scan3A_82, %mul3A_1195 : i32
      %add3A_1197 = arith.constant 9 : i32
      %add3A_1198 = arith.addi %mul3A_1196, %add3A_1197 : i32
      %get3A_1199 = arith.index_cast %add3A_1198 : i32 to index
      %get3A_1200 = arith.constant 112 : index
      %get3A_1201 = tpu.vector_load %arg6[%get3A_1199, %get3A_1200] {strides = array<i32>} : memref<256x128xf32, #tpu.memory_space<vmem>>, vector<1x16xf32>,
      %get3A_1202 = vector.shape_cast %get3A_1201 : vector<1x16xf32> to vector<16xf32>
      %add3A_1203 = arith.addf %add3A_1194, %get3A_1202 : vector<16xf32>
      %mul3A_1204 = arith.constant 16 : i32
      %mul3A_1205 = arith.muli %scan3A_82, %mul3A_1204 : i32
      %add3A_1206 = arith.constant 10 : i32
      %add3A_1207 = arith.addi %mul3A_1205, %add3A_1206 : i32
      %get3A_1208 = arith.index_cast %add3A_1207 : i32 to index
      %get3A_1209 = arith.constant 112 : index
      %get3A_1210 = tpu.vector_load %arg6[%get3A_1208, %get3A_1209] {strides = array<i32>} : memref<256x128xf32, #tpu.memory_space<vmem>>, vector<1x16xf32>,
      %get3A_1211 = vector.shape_cast %get3A_1210 : vector<1x16xf32> to vector<16xf32>
      %add3A_1212 = arith.addf %add3A_1203, %get3A_1211 : vector<16xf32>
      %mul3A_1213 = arith.constant 16 : i32
      %mul3A_1214 = arith.muli %scan3A_82, %mul3A_1213 : i32
      %add3A_1215 = arith.constant 11 : i32
      %add3A_1216 = arith.addi %mul3A_1214, %add3A_1215 : i32
      %get3A_1217 = arith.index_cast %add3A_1216 : i32 to index
      %get3A_1218 = arith.constant 112 : index
      %get3A_1219 = tpu.vector_load %arg6[%get3A_1217, %get3A_1218] {strides = array<i32>} : memref<256x128xf32, #tpu.memory_space<vmem>>, vector<1x16xf32>,
      %get3A_1220 = vector.shape_cast %get3A_1219 : vector<1x16xf32> to vector<16xf32>
      %add3A_1221 = arith.addf %add3A_1212, %get3A_1220 : vector<16xf32>
      %mul3A_1222 = arith.constant 16 : i32
      %mul3A_1223 = arith.muli %scan3A_82, %mul3A_1222 : i32
      %add3A_1224 = arith.constant 12 : i32
      %add3A_1225 = arith.addi %mul3A_1223, %add3A_1224 : i32
      %get3A_1226 = arith.index_cast %add3A_1225 : i32 to index
      %get3A_1227 = arith.constant 112 : index
      %get3A_1228 = tpu.vector_load %arg6[%get3A_1226, %get3A_1227] {strides = array<i32>} : memref<256x128xf32, #tpu.memory_space<vmem>>, vector<1x16xf32>,
      %get3A_1229 = vector.shape_cast %get3A_1228 : vector<1x16xf32> to vector<16xf32>
      %add3A_1230 = arith.addf %add3A_1221, %get3A_1229 : vector<16xf32>
      %mul3A_1231 = arith.constant 16 : i32
      %mul3A_1232 = arith.muli %scan3A_82, %mul3A_1231 : i32
      %add3A_1233 = arith.constant 13 : i32
      %add3A_1234 = arith.addi %mul3A_1232, %add3A_1233 : i32
      %get3A_1235 = arith.index_cast %add3A_1234 : i32 to index
      %get3A_1236 = arith.constant 112 : index
      %get3A_1237 = tpu.vector_load %arg6[%get3A_1235, %get3A_1236] {strides = array<i32>} : memref<256x128xf32, #tpu.memory_space<vmem>>, vector<1x16xf32>,
      %get3A_1238 = vector.shape_cast %get3A_1237 : vector<1x16xf32> to vector<16xf32>
      %add3A_1239 = arith.addf %add3A_1230, %get3A_1238 : vector<16xf32>
      %mul3A_1240 = arith.constant 16 : i32
      %mul3A_1241 = arith.muli %scan3A_82, %mul3A_1240 : i32
      %add3A_1242 = arith.constant 14 : i32
      %add3A_1243 = arith.addi %mul3A_1241, %add3A_1242 : i32
      %get3A_1244 = arith.index_cast %add3A_1243 : i32 to index
      %get3A_1245 = arith.constant 112 : index
      %get3A_1246 = tpu.vector_load %arg6[%get3A_1244, %get3A_1245] {strides = array<i32>} : memref<256x128xf32, #tpu.memory_space<vmem>>, vector<1x16xf32>,
      %get3A_1247 = vector.shape_cast %get3A_1246 : vector<1x16xf32> to vector<16xf32>
      %add3A_1248 = arith.addf %add3A_1239, %get3A_1247 : vector<16xf32>
      %mul3A_1249 = arith.constant 16 : i32
      %mul3A_1250 = arith.muli %scan3A_82, %mul3A_1249 : i32
      %add3A_1251 = arith.constant 15 : i32
      %add3A_1252 = arith.addi %mul3A_1250, %add3A_1251 : i32
      %get3A_1253 = arith.index_cast %add3A_1252 : i32 to index
      %get3A_1254 = arith.constant 112 : index
      %get3A_1255 = tpu.vector_load %arg6[%get3A_1253, %get3A_1254] {strides = array<i32>} : memref<256x128xf32, #tpu.memory_space<vmem>>, vector<1x16xf32>,
      %get3A_1256 = vector.shape_cast %get3A_1255 : vector<1x16xf32> to vector<16xf32>
      %add3A_1257 = arith.addf %add3A_1248, %get3A_1256 : vector<16xf32>
      %add3A_1258 = arith.constant 32 : i32
      %add3A_1259 = arith.addi %add3A_1258, %scan3A_82 : i32
      %swap3A_1260 = arith.index_cast %add3A_1259 : i32 to index
      %swap3A_1261 = arith.constant 112 : index
      %swap3A_1262 = tpu.vector_load %arg7[%swap3A_1260, %swap3A_1261] {strides = array<i32>} : memref<64x128xf32, #tpu.memory_space<vmem>>, vector<1x16xf32>,
      %swap3A_1263 = vector.shape_cast %swap3A_1262 : vector<1x16xf32> to vector<16xf32>
      %swap3A_1264 = vector.shape_cast %add3A_1257 : vector<16xf32> to vector<1x16xf32>
      tpu.vector_store %arg7[%swap3A_1260, %swap3A_1261], %swap3A_1264 {strides = array<i32>} : memref<64x128xf32, #tpu.memory_space<vmem>>, vector<1x16xf32>,
    }
    %scan3A_59 = arith.constant 16 : i32
    %dma_start3A_60 = arith.constant 3 : i32
    %dma_start3A_61 = arith.constant 0 : i32
    %dma_start3A_62 = tpu.memref_slice %arg5[%dma_start3A_60, %dma_start3A_61] : memref<4x256xi32, #tpu.memory_space<vmem>> -> memref<1x256xi32, #tpu.memory_space<vmem>>
    %dma_start3A_63 = tpu.memref_squeeze %dma_start3A_62 : memref<1x256xi32, #tpu.memory_space<vmem>> -> memref<256xi32, #tpu.memory_space<vmem>>
    %dma_start3A_64 = arith.constant 0 : i32
    %dma_start3A_65 = arith.constant 0 : i32
    %dma_start3A_66 = tpu.memref_slice %arg2[%dma_start3A_64, %dma_start3A_65] : memref<2048x128xf32, #tpu.memory_space<hbm>> -> memref<2048x128xf32, #tpu.memory_space<hbm>>
    tpu.enqueue_indirect_dma source(%dma_start3A_66 : memref<2048x128xf32, #tpu.memory_space<hbm>>) target(%arg6 : memref<256x128xf32, #tpu.memory_space<vmem>>) offsets(%dma_start3A_63 : memref<256xi32, #tpu.memory_space<vmem>>) semaphore(%arg8 : memref<!tpu.dma_semaphore, #tpu.memory_space<semaphore_mem>>)
    %dma_wait3A_67 = arith.constant 3 : i32
    %dma_wait3A_68 = arith.constant 0 : i32
    %dma_wait3A_69 = tpu.memref_slice %arg5[%dma_wait3A_67, %dma_wait3A_68] : memref<4x256xi32, #tpu.memory_space<vmem>> -> memref<1x256xi32, #tpu.memory_space<vmem>>
    %dma_wait3A_70 = tpu.memref_squeeze %dma_wait3A_69 : memref<1x256xi32, #tpu.memory_space<vmem>> -> memref<256xi32, #tpu.memory_space<vmem>>
    %dma_wait3A_71 = arith.constant 0 : i32
    %dma_wait3A_72 = arith.constant 0 : i32
    %dma_wait3A_73 = tpu.memref_slice %arg2[%dma_wait3A_71, %dma_wait3A_72] : memref<2048x128xf32, #tpu.memory_space<hbm>> -> memref<2048x128xf32, #tpu.memory_space<hbm>>
    tpu.wait_indirect_dma semaphore(%arg8 : memref<!tpu.dma_semaphore, #tpu.memory_space<semaphore_mem>>) src(%dma_wait3A_73 : memref<2048x128xf32, #tpu.memory_space<hbm>>) dst(%arg6 : memref<256x128xf32, #tpu.memory_space<vmem>>)
    %scan3A_74 = arith.constant 0 : i32
    %scan3A_75 = arith.constant 0 : i32
    %scan3A_76 = arith.constant 16 : i32
    %scan3A_77 = arith.addi %scan3A_75, %scan3A_76 : i32
    %scan3A_78 = arith.constant 1 : i32
    scf.for %scan3A_82 = %scan3A_75 to %scan3A_77 step %scan3A_78  : i32 {
      %mul3A_83 = arith.constant 16 : i32
      %mul3A_84 = arith.muli %scan3A_82, %mul3A_83 : i32
      %get3A = arith.index_cast %mul3A_84 : i32 to index
      %get3A_85 = arith.constant 0 : index
      %get3A_86 = tpu.vector_load %arg6[%get3A, %get3A_85] {strides = array<i32>} : memref<256x128xf32, #tpu.memory_space<vmem>>, vector<1x16xf32>,
      %get3A_87 = vector.shape_cast %get3A_86 : vector<1x16xf32> to vector<16xf32>
      %mul3A_88 = arith.constant 16 : i32
      %mul3A_89 = arith.muli %scan3A_82, %mul3A_88 : i32
      %add3A_90 = arith.constant 1 : i32
      %add3A_91 = arith.addi %mul3A_89, %add3A_90 : i32
      %get3A_92 = arith.index_cast %add3A_91 : i32 to index
      %get3A_93 = arith.constant 0 : index
      %get3A_94 = tpu.vector_load %arg6[%get3A_92, %get3A_93] {strides = array<i32>} : memref<256x128xf32, #tpu.memory_space<vmem>>, vector<1x16xf32>,
      %get3A_95 = vector.shape_cast %get3A_94 : vector<1x16xf32> to vector<16xf32>
      %add3A_96 = arith.addf %get3A_87, %get3A_95 : vector<16xf32>
      %mul3A_97 = arith.constant 16 : i32
      %mul3A_98 = arith.muli %scan3A_82, %mul3A_97 : i32
      %add3A_99 = arith.constant 2 : i32
      %add3A_100 = arith.addi %mul3A_98, %add3A_99 : i32
      %get3A_101 = arith.index_cast %add3A_100 : i32 to index
      %get3A_102 = arith.constant 0 : index
      %get3A_103 = tpu.vector_load %arg6[%get3A_101, %get3A_102] {strides = array<i32>} : memref<256x128xf32, #tpu.memory_space<vmem>>, vector<1x16xf32>,
      %get3A_104 = vector.shape_cast %get3A_103 : vector<1x16xf32> to vector<16xf32>
      %add3A_105 = arith.addf %add3A_96, %get3A_104 : vector<16xf32>
      %mul3A_106 = arith.constant 16 : i32
      %mul3A_107 = arith.muli %scan3A_82, %mul3A_106 : i32
      %add3A_108 = arith.constant 3 : i32
      %add3A_109 = arith.addi %mul3A_107, %add3A_108 : i32
      %get3A_110 = arith.index_cast %add3A_109 : i32 to index
      %get3A_111 = arith.constant 0 : index
      %get3A_112 = tpu.vector_load %arg6[%get3A_110, %get3A_111] {strides = array<i32>} : memref<256x128xf32, #tpu.memory_space<vmem>>, vector<1x16xf32>,
      %get3A_113 = vector.shape_cast %get3A_112 : vector<1x16xf32> to vector<16xf32>
      %add3A_114 = arith.addf %add3A_105, %get3A_113 : vector<16xf32>
      %mul3A_115 = arith.constant 16 : i32
      %mul3A_116 = arith.muli %scan3A_82, %mul3A_115 : i32
      %add3A_117 = arith.constant 4 : i32
      %add3A_118 = arith.addi %mul3A_116, %add3A_117 : i32
      %get3A_119 = arith.index_cast %add3A_118 : i32 to index
      %get3A_120 = arith.constant 0 : index
      %get3A_121 = tpu.vector_load %arg6[%get3A_119, %get3A_120] {strides = array<i32>} : memref<256x128xf32, #tpu.memory_space<vmem>>, vector<1x16xf32>,
      %get3A_122 = vector.shape_cast %get3A_121 : vector<1x16xf32> to vector<16xf32>
      %add3A_123 = arith.addf %add3A_114, %get3A_122 : vector<16xf32>
      %mul3A_124 = arith.constant 16 : i32
      %mul3A_125 = arith.muli %scan3A_82, %mul3A_124 : i32
      %add3A_126 = arith.constant 5 : i32
      %add3A_127 = arith.addi %mul3A_125, %add3A_126 : i32
      %get3A_128 = arith.index_cast %add3A_127 : i32 to index
      %get3A_129 = arith.constant 0 : index
      %get3A_130 = tpu.vector_load %arg6[%get3A_128, %get3A_129] {strides = array<i32>} : memref<256x128xf32, #tpu.memory_space<vmem>>, vector<1x16xf32>,
      %get3A_131 = vector.shape_cast %get3A_130 : vector<1x16xf32> to vector<16xf32>
      %add3A_132 = arith.addf %add3A_123, %get3A_131 : vector<16xf32>
      %mul3A_133 = arith.constant 16 : i32
      %mul3A_134 = arith.muli %scan3A_82, %mul3A_133 : i32
      %add3A_135 = arith.constant 6 : i32
      %add3A_136 = arith.addi %mul3A_134, %add3A_135 : i32
      %get3A_137 = arith.index_cast %add3A_136 : i32 to index
      %get3A_138 = arith.constant 0 : index
      %get3A_139 = tpu.vector_load %arg6[%get3A_137, %get3A_138] {strides = array<i32>} : memref<256x128xf32, #tpu.memory_space<vmem>>, vector<1x16xf32>,
      %get3A_140 = vector.shape_cast %get3A_139 : vector<1x16xf32> to vector<16xf32>
      %add3A_141 = arith.addf %add3A_132, %get3A_140 : vector<16xf32>
      %mul3A_142 = arith.constant 16 : i32
      %mul3A_143 = arith.muli %scan3A_82, %mul3A_142 : i32
      %add3A_144 = arith.constant 7 : i32
      %add3A_145 = arith.addi %mul3A_143, %add3A_144 : i32
      %get3A_146 = arith.index_cast %add3A_145 : i32 to index
      %get3A_147 = arith.constant 0 : index
      %get3A_148 = tpu.vector_load %arg6[%get3A_146, %get3A_147] {strides = array<i32>} : memref<256x128xf32, #tpu.memory_space<vmem>>, vector<1x16xf32>,
      %get3A_149 = vector.shape_cast %get3A_148 : vector<1x16xf32> to vector<16xf32>
      %add3A_150 = arith.addf %add3A_141, %get3A_149 : vector<16xf32>
      %mul3A_151 = arith.constant 16 : i32
      %mul3A_152 = arith.muli %scan3A_82, %mul3A_151 : i32
      %add3A_153 = arith.constant 8 : i32
      %add3A_154 = arith.addi %mul3A_152, %add3A_153 : i32
      %get3A_155 = arith.index_cast %add3A_154 : i32 to index
      %get3A_156 = arith.constant 0 : index
      %get3A_157 = tpu.vector_load %arg6[%get3A_155, %get3A_156] {strides = array<i32>} : memref<256x128xf32, #tpu.memory_space<vmem>>, vector<1x16xf32>,
      %get3A_158 = vector.shape_cast %get3A_157 : vector<1x16xf32> to vector<16xf32>
      %add3A_159 = arith.addf %add3A_150, %get3A_158 : vector<16xf32>
      %mul3A_160 = arith.constant 16 : i32
      %mul3A_161 = arith.muli %scan3A_82, %mul3A_160 : i32
      %add3A_162 = arith.constant 9 : i32
      %add3A_163 = arith.addi %mul3A_161, %add3A_162 : i32
      %get3A_164 = arith.index_cast %add3A_163 : i32 to index
      %get3A_165 = arith.constant 0 : index
      %get3A_166 = tpu.vector_load %arg6[%get3A_164, %get3A_165] {strides = array<i32>} : memref<256x128xf32, #tpu.memory_space<vmem>>, vector<1x16xf32>,
      %get3A_167 = vector.shape_cast %get3A_166 : vector<1x16xf32> to vector<16xf32>
      %add3A_168 = arith.addf %add3A_159, %get3A_167 : vector<16xf32>
      %mul3A_169 = arith.constant 16 : i32
      %mul3A_170 = arith.muli %scan3A_82, %mul3A_169 : i32
      %add3A_171 = arith.constant 10 : i32
      %add3A_172 = arith.addi %mul3A_170, %add3A_171 : i32
      %get3A_173 = arith.index_cast %add3A_172 : i32 to index
      %get3A_174 = arith.constant 0 : index
      %get3A_175 = tpu.vector_load %arg6[%get3A_173, %get3A_174] {strides = array<i32>} : memref<256x128xf32, #tpu.memory_space<vmem>>, vector<1x16xf32>,
      %get3A_176 = vector.shape_cast %get3A_175 : vector<1x16xf32> to vector<16xf32>
      %add3A_177 = arith.addf %add3A_168, %get3A_176 : vector<16xf32>
      %mul3A_178 = arith.constant 16 : i32
      %mul3A_179 = arith.muli %scan3A_82, %mul3A_178 : i32
      %add3A_180 = arith.constant 11 : i32
      %add3A_181 = arith.addi %mul3A_179, %add3A_180 : i32
      %get3A_182 = arith.index_cast %add3A_181 : i32 to index
      %get3A_183 = arith.constant 0 : index
      %get3A_184 = tpu.vector_load %arg6[%get3A_182, %get3A_183] {strides = array<i32>} : memref<256x128xf32, #tpu.memory_space<vmem>>, vector<1x16xf32>,
      %get3A_185 = vector.shape_cast %get3A_184 : vector<1x16xf32> to vector<16xf32>
      %add3A_186 = arith.addf %add3A_177, %get3A_185 : vector<16xf32>
      %mul3A_187 = arith.constant 16 : i32
      %mul3A_188 = arith.muli %scan3A_82, %mul3A_187 : i32
      %add3A_189 = arith.constant 12 : i32
      %add3A_190 = arith.addi %mul3A_188, %add3A_189 : i32
      %get3A_191 = arith.index_cast %add3A_190 : i32 to index
      %get3A_192 = arith.constant 0 : index
      %get3A_193 = tpu.vector_load %arg6[%get3A_191, %get3A_192] {strides = array<i32>} : memref<256x128xf32, #tpu.memory_space<vmem>>, vector<1x16xf32>,
      %get3A_194 = vector.shape_cast %get3A_193 : vector<1x16xf32> to vector<16xf32>
      %add3A_195 = arith.addf %add3A_186, %get3A_194 : vector<16xf32>
      %mul3A_196 = arith.constant 16 : i32
      %mul3A_197 = arith.muli %scan3A_82, %mul3A_196 : i32
      %add3A_198 = arith.constant 13 : i32
      %add3A_199 = arith.addi %mul3A_197, %add3A_198 : i32
      %get3A_200 = arith.index_cast %add3A_199 : i32 to index
      %get3A_201 = arith.constant 0 : index
      %get3A_202 = tpu.vector_load %arg6[%get3A_200, %get3A_201] {strides = array<i32>} : memref<256x128xf32, #tpu.memory_space<vmem>>, vector<1x16xf32>,
      %get3A_203 = vector.shape_cast %get3A_202 : vector<1x16xf32> to vector<16xf32>
      %add3A_204 = arith.addf %add3A_195, %get3A_203 : vector<16xf32>
      %mul3A_205 = arith.constant 16 : i32
      %mul3A_206 = arith.muli %scan3A_82, %mul3A_205 : i32
      %add3A_207 = arith.constant 14 : i32
      %add3A_208 = arith.addi %mul3A_206, %add3A_207 : i32
      %get3A_209 = arith.index_cast %add3A_208 : i32 to index
      %get3A_210 = arith.constant 0 : index
      %get3A_211 = tpu.vector_load %arg6[%get3A_209, %get3A_210] {strides = array<i32>} : memref<256x128xf32, #tpu.memory_space<vmem>>, vector<1x16xf32>,
      %get3A_212 = vector.shape_cast %get3A_211 : vector<1x16xf32> to vector<16xf32>
      %add3A_213 = arith.addf %add3A_204, %get3A_212 : vector<16xf32>
      %mul3A_214 = arith.constant 16 : i32
      %mul3A_215 = arith.muli %scan3A_82, %mul3A_214 : i32
      %add3A_216 = arith.constant 15 : i32
      %add3A_217 = arith.addi %mul3A_215, %add3A_216 : i32
      %get3A_218 = arith.index_cast %add3A_217 : i32 to index
      %get3A_219 = arith.constant 0 : index
      %get3A_220 = tpu.vector_load %arg6[%get3A_218, %get3A_219] {strides = array<i32>} : memref<256x128xf32, #tpu.memory_space<vmem>>, vector<1x16xf32>,
      %get3A_221 = vector.shape_cast %get3A_220 : vector<1x16xf32> to vector<16xf32>
      %add3A_222 = arith.addf %add3A_213, %get3A_221 : vector<16xf32>
      %add3A_223 = arith.constant 48 : i32
      %add3A_224 = arith.addi %add3A_223, %scan3A_82 : i32
      %swap3A = arith.index_cast %add3A_224 : i32 to index
      %swap3A_225 = arith.constant 0 : index
      %swap3A_226 = tpu.vector_load %arg7[%swap3A, %swap3A_225] {strides = array<i32>} : memref<64x128xf32, #tpu.memory_space<vmem>>, vector<1x16xf32>,
      %swap3A_227 = vector.shape_cast %swap3A_226 : vector<1x16xf32> to vector<16xf32>
      %swap3A_228 = vector.shape_cast %add3A_222 : vector<16xf32> to vector<1x16xf32>
      tpu.vector_store %arg7[%swap3A, %swap3A_225], %swap3A_228 {strides = array<i32>} : memref<64x128xf32, #tpu.memory_space<vmem>>, vector<1x16xf32>,
      %mul3A_229 = arith.constant 16 : i32
      %mul3A_230 = arith.muli %scan3A_82, %mul3A_229 : i32
      %get3A_231 = arith.index_cast %mul3A_230 : i32 to index
      %get3A_232 = arith.constant 16 : index
      %get3A_233 = tpu.vector_load %arg6[%get3A_231, %get3A_232] {strides = array<i32>} : memref<256x128xf32, #tpu.memory_space<vmem>>, vector<1x16xf32>,
      %get3A_234 = vector.shape_cast %get3A_233 : vector<1x16xf32> to vector<16xf32>
      %mul3A_235 = arith.constant 16 : i32
      %mul3A_236 = arith.muli %scan3A_82, %mul3A_235 : i32
      %add3A_237 = arith.constant 1 : i32
      %add3A_238 = arith.addi %mul3A_236, %add3A_237 : i32
      %get3A_239 = arith.index_cast %add3A_238 : i32 to index
      %get3A_240 = arith.constant 16 : index
      %get3A_241 = tpu.vector_load %arg6[%get3A_239, %get3A_240] {strides = array<i32>} : memref<256x128xf32, #tpu.memory_space<vmem>>, vector<1x16xf32>,
      %get3A_242 = vector.shape_cast %get3A_241 : vector<1x16xf32> to vector<16xf32>
      %add3A_243 = arith.addf %get3A_234, %get3A_242 : vector<16xf32>
      %mul3A_244 = arith.constant 16 : i32
      %mul3A_245 = arith.muli %scan3A_82, %mul3A_244 : i32
      %add3A_246 = arith.constant 2 : i32
      %add3A_247 = arith.addi %mul3A_245, %add3A_246 : i32
      %get3A_248 = arith.index_cast %add3A_247 : i32 to index
      %get3A_249 = arith.constant 16 : index
      %get3A_250 = tpu.vector_load %arg6[%get3A_248, %get3A_249] {strides = array<i32>} : memref<256x128xf32, #tpu.memory_space<vmem>>, vector<1x16xf32>,
      %get3A_251 = vector.shape_cast %get3A_250 : vector<1x16xf32> to vector<16xf32>
      %add3A_252 = arith.addf %add3A_243, %get3A_251 : vector<16xf32>
      %mul3A_253 = arith.constant 16 : i32
      %mul3A_254 = arith.muli %scan3A_82, %mul3A_253 : i32
      %add3A_255 = arith.constant 3 : i32
      %add3A_256 = arith.addi %mul3A_254, %add3A_255 : i32
      %get3A_257 = arith.index_cast %add3A_256 : i32 to index
      %get3A_258 = arith.constant 16 : index
      %get3A_259 = tpu.vector_load %arg6[%get3A_257, %get3A_258] {strides = array<i32>} : memref<256x128xf32, #tpu.memory_space<vmem>>, vector<1x16xf32>,
      %get3A_260 = vector.shape_cast %get3A_259 : vector<1x16xf32> to vector<16xf32>
      %add3A_261 = arith.addf %add3A_252, %get3A_260 : vector<16xf32>
      %mul3A_262 = arith.constant 16 : i32
      %mul3A_263 = arith.muli %scan3A_82, %mul3A_262 : i32
      %add3A_264 = arith.constant 4 : i32
      %add3A_265 = arith.addi %mul3A_263, %add3A_264 : i32
      %get3A_266 = arith.index_cast %add3A_265 : i32 to index
      %get3A_267 = arith.constant 16 : index
      %get3A_268 = tpu.vector_load %arg6[%get3A_266, %get3A_267] {strides = array<i32>} : memref<256x128xf32, #tpu.memory_space<vmem>>, vector<1x16xf32>,
      %get3A_269 = vector.shape_cast %get3A_268 : vector<1x16xf32> to vector<16xf32>
      %add3A_270 = arith.addf %add3A_261, %get3A_269 : vector<16xf32>
      %mul3A_271 = arith.constant 16 : i32
      %mul3A_272 = arith.muli %scan3A_82, %mul3A_271 : i32
      %add3A_273 = arith.constant 5 : i32
      %add3A_274 = arith.addi %mul3A_272, %add3A_273 : i32
      %get3A_275 = arith.index_cast %add3A_274 : i32 to index
      %get3A_276 = arith.constant 16 : index
      %get3A_277 = tpu.vector_load %arg6[%get3A_275, %get3A_276] {strides = array<i32>} : memref<256x128xf32, #tpu.memory_space<vmem>>, vector<1x16xf32>,
      %get3A_278 = vector.shape_cast %get3A_277 : vector<1x16xf32> to vector<16xf32>
      %add3A_279 = arith.addf %add3A_270, %get3A_278 : vector<16xf32>
      %mul3A_280 = arith.constant 16 : i32
      %mul3A_281 = arith.muli %scan3A_82, %mul3A_280 : i32
      %add3A_282 = arith.constant 6 : i32
      %add3A_283 = arith.addi %mul3A_281, %add3A_282 : i32
      %get3A_284 = arith.index_cast %add3A_283 : i32 to index
      %get3A_285 = arith.constant 16 : index
      %get3A_286 = tpu.vector_load %arg6[%get3A_284, %get3A_285] {strides = array<i32>} : memref<256x128xf32, #tpu.memory_space<vmem>>, vector<1x16xf32>,
      %get3A_287 = vector.shape_cast %get3A_286 : vector<1x16xf32> to vector<16xf32>
      %add3A_288 = arith.addf %add3A_279, %get3A_287 : vector<16xf32>
      %mul3A_289 = arith.constant 16 : i32
      %mul3A_290 = arith.muli %scan3A_82, %mul3A_289 : i32
      %add3A_291 = arith.constant 7 : i32
      %add3A_292 = arith.addi %mul3A_290, %add3A_291 : i32
      %get3A_293 = arith.index_cast %add3A_292 : i32 to index
      %get3A_294 = arith.constant 16 : index
      %get3A_295 = tpu.vector_load %arg6[%get3A_293, %get3A_294] {strides = array<i32>} : memref<256x128xf32, #tpu.memory_space<vmem>>, vector<1x16xf32>,
      %get3A_296 = vector.shape_cast %get3A_295 : vector<1x16xf32> to vector<16xf32>
      %add3A_297 = arith.addf %add3A_288, %get3A_296 : vector<16xf32>
      %mul3A_298 = arith.constant 16 : i32
      %mul3A_299 = arith.muli %scan3A_82, %mul3A_298 : i32
      %add3A_300 = arith.constant 8 : i32
      %add3A_301 = arith.addi %mul3A_299, %add3A_300 : i32
      %get3A_302 = arith.index_cast %add3A_301 : i32 to index
      %get3A_303 = arith.constant 16 : index
      %get3A_304 = tpu.vector_load %arg6[%get3A_302, %get3A_303] {strides = array<i32>} : memref<256x128xf32, #tpu.memory_space<vmem>>, vector<1x16xf32>,
      %get3A_305 = vector.shape_cast %get3A_304 : vector<1x16xf32> to vector<16xf32>
      %add3A_306 = arith.addf %add3A_297, %get3A_305 : vector<16xf32>
      %mul3A_307 = arith.constant 16 : i32
      %mul3A_308 = arith.muli %scan3A_82, %mul3A_307 : i32
      %add3A_309 = arith.constant 9 : i32
      %add3A_310 = arith.addi %mul3A_308, %add3A_309 : i32
      %get3A_311 = arith.index_cast %add3A_310 : i32 to index
      %get3A_312 = arith.constant 16 : index
      %get3A_313 = tpu.vector_load %arg6[%get3A_311, %get3A_312] {strides = array<i32>} : memref<256x128xf32, #tpu.memory_space<vmem>>, vector<1x16xf32>,
      %get3A_314 = vector.shape_cast %get3A_313 : vector<1x16xf32> to vector<16xf32>
      %add3A_315 = arith.addf %add3A_306, %get3A_314 : vector<16xf32>
      %mul3A_316 = arith.constant 16 : i32
      %mul3A_317 = arith.muli %scan3A_82, %mul3A_316 : i32
      %add3A_318 = arith.constant 10 : i32
      %add3A_319 = arith.addi %mul3A_317, %add3A_318 : i32
      %get3A_320 = arith.index_cast %add3A_319 : i32 to index
      %get3A_321 = arith.constant 16 : index
      %get3A_322 = tpu.vector_load %arg6[%get3A_320, %get3A_321] {strides = array<i32>} : memref<256x128xf32, #tpu.memory_space<vmem>>, vector<1x16xf32>,
      %get3A_323 = vector.shape_cast %get3A_322 : vector<1x16xf32> to vector<16xf32>
      %add3A_324 = arith.addf %add3A_315, %get3A_323 : vector<16xf32>
      %mul3A_325 = arith.constant 16 : i32
      %mul3A_326 = arith.muli %scan3A_82, %mul3A_325 : i32
      %add3A_327 = arith.constant 11 : i32
      %add3A_328 = arith.addi %mul3A_326, %add3A_327 : i32
      %get3A_329 = arith.index_cast %add3A_328 : i32 to index
      %get3A_330 = arith.constant 16 : index
      %get3A_331 = tpu.vector_load %arg6[%get3A_329, %get3A_330] {strides = array<i32>} : memref<256x128xf32, #tpu.memory_space<vmem>>, vector<1x16xf32>,
      %get3A_332 = vector.shape_cast %get3A_331 : vector<1x16xf32> to vector<16xf32>
      %add3A_333 = arith.addf %add3A_324, %get3A_332 : vector<16xf32>
      %mul3A_334 = arith.constant 16 : i32
      %mul3A_335 = arith.muli %scan3A_82, %mul3A_334 : i32
      %add3A_336 = arith.constant 12 : i32
      %add3A_337 = arith.addi %mul3A_335, %add3A_336 : i32
      %get3A_338 = arith.index_cast %add3A_337 : i32 to index
      %get3A_339 = arith.constant 16 : index
      %get3A_340 = tpu.vector_load %arg6[%get3A_338, %get3A_339] {strides = array<i32>} : memref<256x128xf32, #tpu.memory_space<vmem>>, vector<1x16xf32>,
      %get3A_341 = vector.shape_cast %get3A_340 : vector<1x16xf32> to vector<16xf32>
      %add3A_342 = arith.addf %add3A_333, %get3A_341 : vector<16xf32>
      %mul3A_343 = arith.constant 16 : i32
      %mul3A_344 = arith.muli %scan3A_82, %mul3A_343 : i32
      %add3A_345 = arith.constant 13 : i32
      %add3A_346 = arith.addi %mul3A_344, %add3A_345 : i32
      %get3A_347 = arith.index_cast %add3A_346 : i32 to index
      %get3A_348 = arith.constant 16 : index
      %get3A_349 = tpu.vector_load %arg6[%get3A_347, %get3A_348] {strides = array<i32>} : memref<256x128xf32, #tpu.memory_space<vmem>>, vector<1x16xf32>,
      %get3A_350 = vector.shape_cast %get3A_349 : vector<1x16xf32> to vector<16xf32>
      %add3A_351 = arith.addf %add3A_342, %get3A_350 : vector<16xf32>
      %mul3A_352 = arith.constant 16 : i32
      %mul3A_353 = arith.muli %scan3A_82, %mul3A_352 : i32
      %add3A_354 = arith.constant 14 : i32
      %add3A_355 = arith.addi %mul3A_353, %add3A_354 : i32
      %get3A_356 = arith.index_cast %add3A_355 : i32 to index
      %get3A_357 = arith.constant 16 : index
      %get3A_358 = tpu.vector_load %arg6[%get3A_356, %get3A_357] {strides = array<i32>} : memref<256x128xf32, #tpu.memory_space<vmem>>, vector<1x16xf32>,
      %get3A_359 = vector.shape_cast %get3A_358 : vector<1x16xf32> to vector<16xf32>
      %add3A_360 = arith.addf %add3A_351, %get3A_359 : vector<16xf32>
      %mul3A_361 = arith.constant 16 : i32
      %mul3A_362 = arith.muli %scan3A_82, %mul3A_361 : i32
      %add3A_363 = arith.constant 15 : i32
      %add3A_364 = arith.addi %mul3A_362, %add3A_363 : i32
      %get3A_365 = arith.index_cast %add3A_364 : i32 to index
      %get3A_366 = arith.constant 16 : index
      %get3A_367 = tpu.vector_load %arg6[%get3A_365, %get3A_366] {strides = array<i32>} : memref<256x128xf32, #tpu.memory_space<vmem>>, vector<1x16xf32>,
      %get3A_368 = vector.shape_cast %get3A_367 : vector<1x16xf32> to vector<16xf32>
      %add3A_369 = arith.addf %add3A_360, %get3A_368 : vector<16xf32>
      %add3A_370 = arith.constant 48 : i32
      %add3A_371 = arith.addi %add3A_370, %scan3A_82 : i32
      %swap3A_372 = arith.index_cast %add3A_371 : i32 to index
      %swap3A_373 = arith.constant 16 : index
      %swap3A_374 = tpu.vector_load %arg7[%swap3A_372, %swap3A_373] {strides = array<i32>} : memref<64x128xf32, #tpu.memory_space<vmem>>, vector<1x16xf32>,
      %swap3A_375 = vector.shape_cast %swap3A_374 : vector<1x16xf32> to vector<16xf32>
      %swap3A_376 = vector.shape_cast %add3A_369 : vector<16xf32> to vector<1x16xf32>
      tpu.vector_store %arg7[%swap3A_372, %swap3A_373], %swap3A_376 {strides = array<i32>} : memref<64x128xf32, #tpu.memory_space<vmem>>, vector<1x16xf32>,
      %mul3A_377 = arith.constant 16 : i32
      %mul3A_378 = arith.muli %scan3A_82, %mul3A_377 : i32
      %get3A_379 = arith.index_cast %mul3A_378 : i32 to index
      %get3A_380 = arith.constant 32 : index
      %get3A_381 = tpu.vector_load %arg6[%get3A_379, %get3A_380] {strides = array<i32>} : memref<256x128xf32, #tpu.memory_space<vmem>>, vector<1x16xf32>,
      %get3A_382 = vector.shape_cast %get3A_381 : vector<1x16xf32> to vector<16xf32>
      %mul3A_383 = arith.constant 16 : i32
      %mul3A_384 = arith.muli %scan3A_82, %mul3A_383 : i32
      %add3A_385 = arith.constant 1 : i32
      %add3A_386 = arith.addi %mul3A_384, %add3A_385 : i32
      %get3A_387 = arith.index_cast %add3A_386 : i32 to index
      %get3A_388 = arith.constant 32 : index
      %get3A_389 = tpu.vector_load %arg6[%get3A_387, %get3A_388] {strides = array<i32>} : memref<256x128xf32, #tpu.memory_space<vmem>>, vector<1x16xf32>,
      %get3A_390 = vector.shape_cast %get3A_389 : vector<1x16xf32> to vector<16xf32>
      %add3A_391 = arith.addf %get3A_382, %get3A_390 : vector<16xf32>
      %mul3A_392 = arith.constant 16 : i32
      %mul3A_393 = arith.muli %scan3A_82, %mul3A_392 : i32
      %add3A_394 = arith.constant 2 : i32
      %add3A_395 = arith.addi %mul3A_393, %add3A_394 : i32
      %get3A_396 = arith.index_cast %add3A_395 : i32 to index
      %get3A_397 = arith.constant 32 : index
      %get3A_398 = tpu.vector_load %arg6[%get3A_396, %get3A_397] {strides = array<i32>} : memref<256x128xf32, #tpu.memory_space<vmem>>, vector<1x16xf32>,
      %get3A_399 = vector.shape_cast %get3A_398 : vector<1x16xf32> to vector<16xf32>
      %add3A_400 = arith.addf %add3A_391, %get3A_399 : vector<16xf32>
      %mul3A_401 = arith.constant 16 : i32
      %mul3A_402 = arith.muli %scan3A_82, %mul3A_401 : i32
      %add3A_403 = arith.constant 3 : i32
      %add3A_404 = arith.addi %mul3A_402, %add3A_403 : i32
      %get3A_405 = arith.index_cast %add3A_404 : i32 to index
      %get3A_406 = arith.constant 32 : index
      %get3A_407 = tpu.vector_load %arg6[%get3A_405, %get3A_406] {strides = array<i32>} : memref<256x128xf32, #tpu.memory_space<vmem>>, vector<1x16xf32>,
      %get3A_408 = vector.shape_cast %get3A_407 : vector<1x16xf32> to vector<16xf32>
      %add3A_409 = arith.addf %add3A_400, %get3A_408 : vector<16xf32>
      %mul3A_410 = arith.constant 16 : i32
      %mul3A_411 = arith.muli %scan3A_82, %mul3A_410 : i32
      %add3A_412 = arith.constant 4 : i32
      %add3A_413 = arith.addi %mul3A_411, %add3A_412 : i32
      %get3A_414 = arith.index_cast %add3A_413 : i32 to index
      %get3A_415 = arith.constant 32 : index
      %get3A_416 = tpu.vector_load %arg6[%get3A_414, %get3A_415] {strides = array<i32>} : memref<256x128xf32, #tpu.memory_space<vmem>>, vector<1x16xf32>,
      %get3A_417 = vector.shape_cast %get3A_416 : vector<1x16xf32> to vector<16xf32>
      %add3A_418 = arith.addf %add3A_409, %get3A_417 : vector<16xf32>
      %mul3A_419 = arith.constant 16 : i32
      %mul3A_420 = arith.muli %scan3A_82, %mul3A_419 : i32
      %add3A_421 = arith.constant 5 : i32
      %add3A_422 = arith.addi %mul3A_420, %add3A_421 : i32
      %get3A_423 = arith.index_cast %add3A_422 : i32 to index
      %get3A_424 = arith.constant 32 : index
      %get3A_425 = tpu.vector_load %arg6[%get3A_423, %get3A_424] {strides = array<i32>} : memref<256x128xf32, #tpu.memory_space<vmem>>, vector<1x16xf32>,
      %get3A_426 = vector.shape_cast %get3A_425 : vector<1x16xf32> to vector<16xf32>
      %add3A_427 = arith.addf %add3A_418, %get3A_426 : vector<16xf32>
      %mul3A_428 = arith.constant 16 : i32
      %mul3A_429 = arith.muli %scan3A_82, %mul3A_428 : i32
      %add3A_430 = arith.constant 6 : i32
      %add3A_431 = arith.addi %mul3A_429, %add3A_430 : i32
      %get3A_432 = arith.index_cast %add3A_431 : i32 to index
      %get3A_433 = arith.constant 32 : index
      %get3A_434 = tpu.vector_load %arg6[%get3A_432, %get3A_433] {strides = array<i32>} : memref<256x128xf32, #tpu.memory_space<vmem>>, vector<1x16xf32>,
      %get3A_435 = vector.shape_cast %get3A_434 : vector<1x16xf32> to vector<16xf32>
      %add3A_436 = arith.addf %add3A_427, %get3A_435 : vector<16xf32>
      %mul3A_437 = arith.constant 16 : i32
      %mul3A_438 = arith.muli %scan3A_82, %mul3A_437 : i32
      %add3A_439 = arith.constant 7 : i32
      %add3A_440 = arith.addi %mul3A_438, %add3A_439 : i32
      %get3A_441 = arith.index_cast %add3A_440 : i32 to index
      %get3A_442 = arith.constant 32 : index
      %get3A_443 = tpu.vector_load %arg6[%get3A_441, %get3A_442] {strides = array<i32>} : memref<256x128xf32, #tpu.memory_space<vmem>>, vector<1x16xf32>,
      %get3A_444 = vector.shape_cast %get3A_443 : vector<1x16xf32> to vector<16xf32>
      %add3A_445 = arith.addf %add3A_436, %get3A_444 : vector<16xf32>
      %mul3A_446 = arith.constant 16 : i32
      %mul3A_447 = arith.muli %scan3A_82, %mul3A_446 : i32
      %add3A_448 = arith.constant 8 : i32
      %add3A_449 = arith.addi %mul3A_447, %add3A_448 : i32
      %get3A_450 = arith.index_cast %add3A_449 : i32 to index
      %get3A_451 = arith.constant 32 : index
      %get3A_452 = tpu.vector_load %arg6[%get3A_450, %get3A_451] {strides = array<i32>} : memref<256x128xf32, #tpu.memory_space<vmem>>, vector<1x16xf32>,
      %get3A_453 = vector.shape_cast %get3A_452 : vector<1x16xf32> to vector<16xf32>
      %add3A_454 = arith.addf %add3A_445, %get3A_453 : vector<16xf32>
      %mul3A_455 = arith.constant 16 : i32
      %mul3A_456 = arith.muli %scan3A_82, %mul3A_455 : i32
      %add3A_457 = arith.constant 9 : i32
      %add3A_458 = arith.addi %mul3A_456, %add3A_457 : i32
      %get3A_459 = arith.index_cast %add3A_458 : i32 to index
      %get3A_460 = arith.constant 32 : index
      %get3A_461 = tpu.vector_load %arg6[%get3A_459, %get3A_460] {strides = array<i32>} : memref<256x128xf32, #tpu.memory_space<vmem>>, vector<1x16xf32>,
      %get3A_462 = vector.shape_cast %get3A_461 : vector<1x16xf32> to vector<16xf32>
      %add3A_463 = arith.addf %add3A_454, %get3A_462 : vector<16xf32>
      %mul3A_464 = arith.constant 16 : i32
      %mul3A_465 = arith.muli %scan3A_82, %mul3A_464 : i32
      %add3A_466 = arith.constant 10 : i32
      %add3A_467 = arith.addi %mul3A_465, %add3A_466 : i32
      %get3A_468 = arith.index_cast %add3A_467 : i32 to index
      %get3A_469 = arith.constant 32 : index
      %get3A_470 = tpu.vector_load %arg6[%get3A_468, %get3A_469] {strides = array<i32>} : memref<256x128xf32, #tpu.memory_space<vmem>>, vector<1x16xf32>,
      %get3A_471 = vector.shape_cast %get3A_470 : vector<1x16xf32> to vector<16xf32>
      %add3A_472 = arith.addf %add3A_463, %get3A_471 : vector<16xf32>
      %mul3A_473 = arith.constant 16 : i32
      %mul3A_474 = arith.muli %scan3A_82, %mul3A_473 : i32
      %add3A_475 = arith.constant 11 : i32
      %add3A_476 = arith.addi %mul3A_474, %add3A_475 : i32
      %get3A_477 = arith.index_cast %add3A_476 : i32 to index
      %get3A_478 = arith.constant 32 : index
      %get3A_479 = tpu.vector_load %arg6[%get3A_477, %get3A_478] {strides = array<i32>} : memref<256x128xf32, #tpu.memory_space<vmem>>, vector<1x16xf32>,
      %get3A_480 = vector.shape_cast %get3A_479 : vector<1x16xf32> to vector<16xf32>
      %add3A_481 = arith.addf %add3A_472, %get3A_480 : vector<16xf32>
      %mul3A_482 = arith.constant 16 : i32
      %mul3A_483 = arith.muli %scan3A_82, %mul3A_482 : i32
      %add3A_484 = arith.constant 12 : i32
      %add3A_485 = arith.addi %mul3A_483, %add3A_484 : i32
      %get3A_486 = arith.index_cast %add3A_485 : i32 to index
      %get3A_487 = arith.constant 32 : index
      %get3A_488 = tpu.vector_load %arg6[%get3A_486, %get3A_487] {strides = array<i32>} : memref<256x128xf32, #tpu.memory_space<vmem>>, vector<1x16xf32>,
      %get3A_489 = vector.shape_cast %get3A_488 : vector<1x16xf32> to vector<16xf32>
      %add3A_490 = arith.addf %add3A_481, %get3A_489 : vector<16xf32>
      %mul3A_491 = arith.constant 16 : i32
      %mul3A_492 = arith.muli %scan3A_82, %mul3A_491 : i32
      %add3A_493 = arith.constant 13 : i32
      %add3A_494 = arith.addi %mul3A_492, %add3A_493 : i32
      %get3A_495 = arith.index_cast %add3A_494 : i32 to index
      %get3A_496 = arith.constant 32 : index
      %get3A_497 = tpu.vector_load %arg6[%get3A_495, %get3A_496] {strides = array<i32>} : memref<256x128xf32, #tpu.memory_space<vmem>>, vector<1x16xf32>,
      %get3A_498 = vector.shape_cast %get3A_497 : vector<1x16xf32> to vector<16xf32>
      %add3A_499 = arith.addf %add3A_490, %get3A_498 : vector<16xf32>
      %mul3A_500 = arith.constant 16 : i32
      %mul3A_501 = arith.muli %scan3A_82, %mul3A_500 : i32
      %add3A_502 = arith.constant 14 : i32
      %add3A_503 = arith.addi %mul3A_501, %add3A_502 : i32
      %get3A_504 = arith.index_cast %add3A_503 : i32 to index
      %get3A_505 = arith.constant 32 : index
      %get3A_506 = tpu.vector_load %arg6[%get3A_504, %get3A_505] {strides = array<i32>} : memref<256x128xf32, #tpu.memory_space<vmem>>, vector<1x16xf32>,
      %get3A_507 = vector.shape_cast %get3A_506 : vector<1x16xf32> to vector<16xf32>
      %add3A_508 = arith.addf %add3A_499, %get3A_507 : vector<16xf32>
      %mul3A_509 = arith.constant 16 : i32
      %mul3A_510 = arith.muli %scan3A_82, %mul3A_509 : i32
      %add3A_511 = arith.constant 15 : i32
      %add3A_512 = arith.addi %mul3A_510, %add3A_511 : i32
      %get3A_513 = arith.index_cast %add3A_512 : i32 to index
      %get3A_514 = arith.constant 32 : index
      %get3A_515 = tpu.vector_load %arg6[%get3A_513, %get3A_514] {strides = array<i32>} : memref<256x128xf32, #tpu.memory_space<vmem>>, vector<1x16xf32>,
      %get3A_516 = vector.shape_cast %get3A_515 : vector<1x16xf32> to vector<16xf32>
      %add3A_517 = arith.addf %add3A_508, %get3A_516 : vector<16xf32>
      %add3A_518 = arith.constant 48 : i32
      %add3A_519 = arith.addi %add3A_518, %scan3A_82 : i32
      %swap3A_520 = arith.index_cast %add3A_519 : i32 to index
      %swap3A_521 = arith.constant 32 : index
      %swap3A_522 = tpu.vector_load %arg7[%swap3A_520, %swap3A_521] {strides = array<i32>} : memref<64x128xf32, #tpu.memory_space<vmem>>, vector<1x16xf32>,
      %swap3A_523 = vector.shape_cast %swap3A_522 : vector<1x16xf32> to vector<16xf32>
      %swap3A_524 = vector.shape_cast %add3A_517 : vector<16xf32> to vector<1x16xf32>
      tpu.vector_store %arg7[%swap3A_520, %swap3A_521], %swap3A_524 {strides = array<i32>} : memref<64x128xf32, #tpu.memory_space<vmem>>, vector<1x16xf32>,
      %mul3A_525 = arith.constant 16 : i32
      %mul3A_526 = arith.muli %scan3A_82, %mul3A_525 : i32
      %get3A_527 = arith.index_cast %mul3A_526 : i32 to index
      %get3A_528 = arith.constant 48 : index
      %get3A_529 = tpu.vector_load %arg6[%get3A_527, %get3A_528] {strides = array<i32>} : memref<256x128xf32, #tpu.memory_space<vmem>>, vector<1x16xf32>,
      %get3A_530 = vector.shape_cast %get3A_529 : vector<1x16xf32> to vector<16xf32>
      %mul3A_531 = arith.constant 16 : i32
      %mul3A_532 = arith.muli %scan3A_82, %mul3A_531 : i32
      %add3A_533 = arith.constant 1 : i32
      %add3A_534 = arith.addi %mul3A_532, %add3A_533 : i32
      %get3A_535 = arith.index_cast %add3A_534 : i32 to index
      %get3A_536 = arith.constant 48 : index
      %get3A_537 = tpu.vector_load %arg6[%get3A_535, %get3A_536] {strides = array<i32>} : memref<256x128xf32, #tpu.memory_space<vmem>>, vector<1x16xf32>,
      %get3A_538 = vector.shape_cast %get3A_537 : vector<1x16xf32> to vector<16xf32>
      %add3A_539 = arith.addf %get3A_530, %get3A_538 : vector<16xf32>
      %mul3A_540 = arith.constant 16 : i32
      %mul3A_541 = arith.muli %scan3A_82, %mul3A_540 : i32
      %add3A_542 = arith.constant 2 : i32
      %add3A_543 = arith.addi %mul3A_541, %add3A_542 : i32
      %get3A_544 = arith.index_cast %add3A_543 : i32 to index
      %get3A_545 = arith.constant 48 : index
      %get3A_546 = tpu.vector_load %arg6[%get3A_544, %get3A_545] {strides = array<i32>} : memref<256x128xf32, #tpu.memory_space<vmem>>, vector<1x16xf32>,
      %get3A_547 = vector.shape_cast %get3A_546 : vector<1x16xf32> to vector<16xf32>
      %add3A_548 = arith.addf %add3A_539, %get3A_547 : vector<16xf32>
      %mul3A_549 = arith.constant 16 : i32
      %mul3A_550 = arith.muli %scan3A_82, %mul3A_549 : i32
      %add3A_551 = arith.constant 3 : i32
      %add3A_552 = arith.addi %mul3A_550, %add3A_551 : i32
      %get3A_553 = arith.index_cast %add3A_552 : i32 to index
      %get3A_554 = arith.constant 48 : index
      %get3A_555 = tpu.vector_load %arg6[%get3A_553, %get3A_554] {strides = array<i32>} : memref<256x128xf32, #tpu.memory_space<vmem>>, vector<1x16xf32>,
      %get3A_556 = vector.shape_cast %get3A_555 : vector<1x16xf32> to vector<16xf32>
      %add3A_557 = arith.addf %add3A_548, %get3A_556 : vector<16xf32>
      %mul3A_558 = arith.constant 16 : i32
      %mul3A_559 = arith.muli %scan3A_82, %mul3A_558 : i32
      %add3A_560 = arith.constant 4 : i32
      %add3A_561 = arith.addi %mul3A_559, %add3A_560 : i32
      %get3A_562 = arith.index_cast %add3A_561 : i32 to index
      %get3A_563 = arith.constant 48 : index
      %get3A_564 = tpu.vector_load %arg6[%get3A_562, %get3A_563] {strides = array<i32>} : memref<256x128xf32, #tpu.memory_space<vmem>>, vector<1x16xf32>,
      %get3A_565 = vector.shape_cast %get3A_564 : vector<1x16xf32> to vector<16xf32>
      %add3A_566 = arith.addf %add3A_557, %get3A_565 : vector<16xf32>
      %mul3A_567 = arith.constant 16 : i32
      %mul3A_568 = arith.muli %scan3A_82, %mul3A_567 : i32
      %add3A_569 = arith.constant 5 : i32
      %add3A_570 = arith.addi %mul3A_568, %add3A_569 : i32
      %get3A_571 = arith.index_cast %add3A_570 : i32 to index
      %get3A_572 = arith.constant 48 : index
      %get3A_573 = tpu.vector_load %arg6[%get3A_571, %get3A_572] {strides = array<i32>} : memref<256x128xf32, #tpu.memory_space<vmem>>, vector<1x16xf32>,
      %get3A_574 = vector.shape_cast %get3A_573 : vector<1x16xf32> to vector<16xf32>
      %add3A_575 = arith.addf %add3A_566, %get3A_574 : vector<16xf32>
      %mul3A_576 = arith.constant 16 : i32
      %mul3A_577 = arith.muli %scan3A_82, %mul3A_576 : i32
      %add3A_578 = arith.constant 6 : i32
      %add3A_579 = arith.addi %mul3A_577, %add3A_578 : i32
      %get3A_580 = arith.index_cast %add3A_579 : i32 to index
      %get3A_581 = arith.constant 48 : index
      %get3A_582 = tpu.vector_load %arg6[%get3A_580, %get3A_581] {strides = array<i32>} : memref<256x128xf32, #tpu.memory_space<vmem>>, vector<1x16xf32>,
      %get3A_583 = vector.shape_cast %get3A_582 : vector<1x16xf32> to vector<16xf32>
      %add3A_584 = arith.addf %add3A_575, %get3A_583 : vector<16xf32>
      %mul3A_585 = arith.constant 16 : i32
      %mul3A_586 = arith.muli %scan3A_82, %mul3A_585 : i32
      %add3A_587 = arith.constant 7 : i32
      %add3A_588 = arith.addi %mul3A_586, %add3A_587 : i32
      %get3A_589 = arith.index_cast %add3A_588 : i32 to index
      %get3A_590 = arith.constant 48 : index
      %get3A_591 = tpu.vector_load %arg6[%get3A_589, %get3A_590] {strides = array<i32>} : memref<256x128xf32, #tpu.memory_space<vmem>>, vector<1x16xf32>,
      %get3A_592 = vector.shape_cast %get3A_591 : vector<1x16xf32> to vector<16xf32>
      %add3A_593 = arith.addf %add3A_584, %get3A_592 : vector<16xf32>
      %mul3A_594 = arith.constant 16 : i32
      %mul3A_595 = arith.muli %scan3A_82, %mul3A_594 : i32
      %add3A_596 = arith.constant 8 : i32
      %add3A_597 = arith.addi %mul3A_595, %add3A_596 : i32
      %get3A_598 = arith.index_cast %add3A_597 : i32 to index
      %get3A_599 = arith.constant 48 : index
      %get3A_600 = tpu.vector_load %arg6[%get3A_598, %get3A_599] {strides = array<i32>} : memref<256x128xf32, #tpu.memory_space<vmem>>, vector<1x16xf32>,
      %get3A_601 = vector.shape_cast %get3A_600 : vector<1x16xf32> to vector<16xf32>
      %add3A_602 = arith.addf %add3A_593, %get3A_601 : vector<16xf32>
      %mul3A_603 = arith.constant 16 : i32
      %mul3A_604 = arith.muli %scan3A_82, %mul3A_603 : i32
      %add3A_605 = arith.constant 9 : i32
      %add3A_606 = arith.addi %mul3A_604, %add3A_605 : i32
      %get3A_607 = arith.index_cast %add3A_606 : i32 to index
      %get3A_608 = arith.constant 48 : index
      %get3A_609 = tpu.vector_load %arg6[%get3A_607, %get3A_608] {strides = array<i32>} : memref<256x128xf32, #tpu.memory_space<vmem>>, vector<1x16xf32>,
      %get3A_610 = vector.shape_cast %get3A_609 : vector<1x16xf32> to vector<16xf32>
      %add3A_611 = arith.addf %add3A_602, %get3A_610 : vector<16xf32>
      %mul3A_612 = arith.constant 16 : i32
      %mul3A_613 = arith.muli %scan3A_82, %mul3A_612 : i32
      %add3A_614 = arith.constant 10 : i32
      %add3A_615 = arith.addi %mul3A_613, %add3A_614 : i32
      %get3A_616 = arith.index_cast %add3A_615 : i32 to index
      %get3A_617 = arith.constant 48 : index
      %get3A_618 = tpu.vector_load %arg6[%get3A_616, %get3A_617] {strides = array<i32>} : memref<256x128xf32, #tpu.memory_space<vmem>>, vector<1x16xf32>,
      %get3A_619 = vector.shape_cast %get3A_618 : vector<1x16xf32> to vector<16xf32>
      %add3A_620 = arith.addf %add3A_611, %get3A_619 : vector<16xf32>
      %mul3A_621 = arith.constant 16 : i32
      %mul3A_622 = arith.muli %scan3A_82, %mul3A_621 : i32
      %add3A_623 = arith.constant 11 : i32
      %add3A_624 = arith.addi %mul3A_622, %add3A_623 : i32
      %get3A_625 = arith.index_cast %add3A_624 : i32 to index
      %get3A_626 = arith.constant 48 : index
      %get3A_627 = tpu.vector_load %arg6[%get3A_625, %get3A_626] {strides = array<i32>} : memref<256x128xf32, #tpu.memory_space<vmem>>, vector<1x16xf32>,
      %get3A_628 = vector.shape_cast %get3A_627 : vector<1x16xf32> to vector<16xf32>
      %add3A_629 = arith.addf %add3A_620, %get3A_628 : vector<16xf32>
      %mul3A_630 = arith.constant 16 : i32
      %mul3A_631 = arith.muli %scan3A_82, %mul3A_630 : i32
      %add3A_632 = arith.constant 12 : i32
      %add3A_633 = arith.addi %mul3A_631, %add3A_632 : i32
      %get3A_634 = arith.index_cast %add3A_633 : i32 to index
      %get3A_635 = arith.constant 48 : index
      %get3A_636 = tpu.vector_load %arg6[%get3A_634, %get3A_635] {strides = array<i32>} : memref<256x128xf32, #tpu.memory_space<vmem>>, vector<1x16xf32>,
      %get3A_637 = vector.shape_cast %get3A_636 : vector<1x16xf32> to vector<16xf32>
      %add3A_638 = arith.addf %add3A_629, %get3A_637 : vector<16xf32>
      %mul3A_639 = arith.constant 16 : i32
      %mul3A_640 = arith.muli %scan3A_82, %mul3A_639 : i32
      %add3A_641 = arith.constant 13 : i32
      %add3A_642 = arith.addi %mul3A_640, %add3A_641 : i32
      %get3A_643 = arith.index_cast %add3A_642 : i32 to index
      %get3A_644 = arith.constant 48 : index
      %get3A_645 = tpu.vector_load %arg6[%get3A_643, %get3A_644] {strides = array<i32>} : memref<256x128xf32, #tpu.memory_space<vmem>>, vector<1x16xf32>,
      %get3A_646 = vector.shape_cast %get3A_645 : vector<1x16xf32> to vector<16xf32>
      %add3A_647 = arith.addf %add3A_638, %get3A_646 : vector<16xf32>
      %mul3A_648 = arith.constant 16 : i32
      %mul3A_649 = arith.muli %scan3A_82, %mul3A_648 : i32
      %add3A_650 = arith.constant 14 : i32
      %add3A_651 = arith.addi %mul3A_649, %add3A_650 : i32
      %get3A_652 = arith.index_cast %add3A_651 : i32 to index
      %get3A_653 = arith.constant 48 : index
      %get3A_654 = tpu.vector_load %arg6[%get3A_652, %get3A_653] {strides = array<i32>} : memref<256x128xf32, #tpu.memory_space<vmem>>, vector<1x16xf32>,
      %get3A_655 = vector.shape_cast %get3A_654 : vector<1x16xf32> to vector<16xf32>
      %add3A_656 = arith.addf %add3A_647, %get3A_655 : vector<16xf32>
      %mul3A_657 = arith.constant 16 : i32
      %mul3A_658 = arith.muli %scan3A_82, %mul3A_657 : i32
      %add3A_659 = arith.constant 15 : i32
      %add3A_660 = arith.addi %mul3A_658, %add3A_659 : i32
      %get3A_661 = arith.index_cast %add3A_660 : i32 to index
      %get3A_662 = arith.constant 48 : index
      %get3A_663 = tpu.vector_load %arg6[%get3A_661, %get3A_662] {strides = array<i32>} : memref<256x128xf32, #tpu.memory_space<vmem>>, vector<1x16xf32>,
      %get3A_664 = vector.shape_cast %get3A_663 : vector<1x16xf32> to vector<16xf32>
      %add3A_665 = arith.addf %add3A_656, %get3A_664 : vector<16xf32>
      %add3A_666 = arith.constant 48 : i32
      %add3A_667 = arith.addi %add3A_666, %scan3A_82 : i32
      %swap3A_668 = arith.index_cast %add3A_667 : i32 to index
      %swap3A_669 = arith.constant 48 : index
      %swap3A_670 = tpu.vector_load %arg7[%swap3A_668, %swap3A_669] {strides = array<i32>} : memref<64x128xf32, #tpu.memory_space<vmem>>, vector<1x16xf32>,
      %swap3A_671 = vector.shape_cast %swap3A_670 : vector<1x16xf32> to vector<16xf32>
      %swap3A_672 = vector.shape_cast %add3A_665 : vector<16xf32> to vector<1x16xf32>
      tpu.vector_store %arg7[%swap3A_668, %swap3A_669], %swap3A_672 {strides = array<i32>} : memref<64x128xf32, #tpu.memory_space<vmem>>, vector<1x16xf32>,
      %mul3A_673 = arith.constant 16 : i32
      %mul3A_674 = arith.muli %scan3A_82, %mul3A_673 : i32
      %get3A_675 = arith.index_cast %mul3A_674 : i32 to index
      %get3A_676 = arith.constant 64 : index
      %get3A_677 = tpu.vector_load %arg6[%get3A_675, %get3A_676] {strides = array<i32>} : memref<256x128xf32, #tpu.memory_space<vmem>>, vector<1x16xf32>,
      %get3A_678 = vector.shape_cast %get3A_677 : vector<1x16xf32> to vector<16xf32>
      %mul3A_679 = arith.constant 16 : i32
      %mul3A_680 = arith.muli %scan3A_82, %mul3A_679 : i32
      %add3A_681 = arith.constant 1 : i32
      %add3A_682 = arith.addi %mul3A_680, %add3A_681 : i32
      %get3A_683 = arith.index_cast %add3A_682 : i32 to index
      %get3A_684 = arith.constant 64 : index
      %get3A_685 = tpu.vector_load %arg6[%get3A_683, %get3A_684] {strides = array<i32>} : memref<256x128xf32, #tpu.memory_space<vmem>>, vector<1x16xf32>,
      %get3A_686 = vector.shape_cast %get3A_685 : vector<1x16xf32> to vector<16xf32>
      %add3A_687 = arith.addf %get3A_678, %get3A_686 : vector<16xf32>
      %mul3A_688 = arith.constant 16 : i32
      %mul3A_689 = arith.muli %scan3A_82, %mul3A_688 : i32
      %add3A_690 = arith.constant 2 : i32
      %add3A_691 = arith.addi %mul3A_689, %add3A_690 : i32
      %get3A_692 = arith.index_cast %add3A_691 : i32 to index
      %get3A_693 = arith.constant 64 : index
      %get3A_694 = tpu.vector_load %arg6[%get3A_692, %get3A_693] {strides = array<i32>} : memref<256x128xf32, #tpu.memory_space<vmem>>, vector<1x16xf32>,
      %get3A_695 = vector.shape_cast %get3A_694 : vector<1x16xf32> to vector<16xf32>
      %add3A_696 = arith.addf %add3A_687, %get3A_695 : vector<16xf32>
      %mul3A_697 = arith.constant 16 : i32
      %mul3A_698 = arith.muli %scan3A_82, %mul3A_697 : i32
      %add3A_699 = arith.constant 3 : i32
      %add3A_700 = arith.addi %mul3A_698, %add3A_699 : i32
      %get3A_701 = arith.index_cast %add3A_700 : i32 to index
      %get3A_702 = arith.constant 64 : index
      %get3A_703 = tpu.vector_load %arg6[%get3A_701, %get3A_702] {strides = array<i32>} : memref<256x128xf32, #tpu.memory_space<vmem>>, vector<1x16xf32>,
      %get3A_704 = vector.shape_cast %get3A_703 : vector<1x16xf32> to vector<16xf32>
      %add3A_705 = arith.addf %add3A_696, %get3A_704 : vector<16xf32>
      %mul3A_706 = arith.constant 16 : i32
      %mul3A_707 = arith.muli %scan3A_82, %mul3A_706 : i32
      %add3A_708 = arith.constant 4 : i32
      %add3A_709 = arith.addi %mul3A_707, %add3A_708 : i32
      %get3A_710 = arith.index_cast %add3A_709 : i32 to index
      %get3A_711 = arith.constant 64 : index
      %get3A_712 = tpu.vector_load %arg6[%get3A_710, %get3A_711] {strides = array<i32>} : memref<256x128xf32, #tpu.memory_space<vmem>>, vector<1x16xf32>,
      %get3A_713 = vector.shape_cast %get3A_712 : vector<1x16xf32> to vector<16xf32>
      %add3A_714 = arith.addf %add3A_705, %get3A_713 : vector<16xf32>
      %mul3A_715 = arith.constant 16 : i32
      %mul3A_716 = arith.muli %scan3A_82, %mul3A_715 : i32
      %add3A_717 = arith.constant 5 : i32
      %add3A_718 = arith.addi %mul3A_716, %add3A_717 : i32
      %get3A_719 = arith.index_cast %add3A_718 : i32 to index
      %get3A_720 = arith.constant 64 : index
      %get3A_721 = tpu.vector_load %arg6[%get3A_719, %get3A_720] {strides = array<i32>} : memref<256x128xf32, #tpu.memory_space<vmem>>, vector<1x16xf32>,
      %get3A_722 = vector.shape_cast %get3A_721 : vector<1x16xf32> to vector<16xf32>
      %add3A_723 = arith.addf %add3A_714, %get3A_722 : vector<16xf32>
      %mul3A_724 = arith.constant 16 : i32
      %mul3A_725 = arith.muli %scan3A_82, %mul3A_724 : i32
      %add3A_726 = arith.constant 6 : i32
      %add3A_727 = arith.addi %mul3A_725, %add3A_726 : i32
      %get3A_728 = arith.index_cast %add3A_727 : i32 to index
      %get3A_729 = arith.constant 64 : index
      %get3A_730 = tpu.vector_load %arg6[%get3A_728, %get3A_729] {strides = array<i32>} : memref<256x128xf32, #tpu.memory_space<vmem>>, vector<1x16xf32>,
      %get3A_731 = vector.shape_cast %get3A_730 : vector<1x16xf32> to vector<16xf32>
      %add3A_732 = arith.addf %add3A_723, %get3A_731 : vector<16xf32>
      %mul3A_733 = arith.constant 16 : i32
      %mul3A_734 = arith.muli %scan3A_82, %mul3A_733 : i32
      %add3A_735 = arith.constant 7 : i32
      %add3A_736 = arith.addi %mul3A_734, %add3A_735 : i32
      %get3A_737 = arith.index_cast %add3A_736 : i32 to index
      %get3A_738 = arith.constant 64 : index
      %get3A_739 = tpu.vector_load %arg6[%get3A_737, %get3A_738] {strides = array<i32>} : memref<256x128xf32, #tpu.memory_space<vmem>>, vector<1x16xf32>,
      %get3A_740 = vector.shape_cast %get3A_739 : vector<1x16xf32> to vector<16xf32>
      %add3A_741 = arith.addf %add3A_732, %get3A_740 : vector<16xf32>
      %mul3A_742 = arith.constant 16 : i32
      %mul3A_743 = arith.muli %scan3A_82, %mul3A_742 : i32
      %add3A_744 = arith.constant 8 : i32
      %add3A_745 = arith.addi %mul3A_743, %add3A_744 : i32
      %get3A_746 = arith.index_cast %add3A_745 : i32 to index
      %get3A_747 = arith.constant 64 : index
      %get3A_748 = tpu.vector_load %arg6[%get3A_746, %get3A_747] {strides = array<i32>} : memref<256x128xf32, #tpu.memory_space<vmem>>, vector<1x16xf32>,
      %get3A_749 = vector.shape_cast %get3A_748 : vector<1x16xf32> to vector<16xf32>
      %add3A_750 = arith.addf %add3A_741, %get3A_749 : vector<16xf32>
      %mul3A_751 = arith.constant 16 : i32
      %mul3A_752 = arith.muli %scan3A_82, %mul3A_751 : i32
      %add3A_753 = arith.constant 9 : i32
      %add3A_754 = arith.addi %mul3A_752, %add3A_753 : i32
      %get3A_755 = arith.index_cast %add3A_754 : i32 to index
      %get3A_756 = arith.constant 64 : index
      %get3A_757 = tpu.vector_load %arg6[%get3A_755, %get3A_756] {strides = array<i32>} : memref<256x128xf32, #tpu.memory_space<vmem>>, vector<1x16xf32>,
      %get3A_758 = vector.shape_cast %get3A_757 : vector<1x16xf32> to vector<16xf32>
      %add3A_759 = arith.addf %add3A_750, %get3A_758 : vector<16xf32>
      %mul3A_760 = arith.constant 16 : i32
      %mul3A_761 = arith.muli %scan3A_82, %mul3A_760 : i32
      %add3A_762 = arith.constant 10 : i32
      %add3A_763 = arith.addi %mul3A_761, %add3A_762 : i32
      %get3A_764 = arith.index_cast %add3A_763 : i32 to index
      %get3A_765 = arith.constant 64 : index
      %get3A_766 = tpu.vector_load %arg6[%get3A_764, %get3A_765] {strides = array<i32>} : memref<256x128xf32, #tpu.memory_space<vmem>>, vector<1x16xf32>,
      %get3A_767 = vector.shape_cast %get3A_766 : vector<1x16xf32> to vector<16xf32>
      %add3A_768 = arith.addf %add3A_759, %get3A_767 : vector<16xf32>
      %mul3A_769 = arith.constant 16 : i32
      %mul3A_770 = arith.muli %scan3A_82, %mul3A_769 : i32
      %add3A_771 = arith.constant 11 : i32
      %add3A_772 = arith.addi %mul3A_770, %add3A_771 : i32
      %get3A_773 = arith.index_cast %add3A_772 : i32 to index
      %get3A_774 = arith.constant 64 : index
      %get3A_775 = tpu.vector_load %arg6[%get3A_773, %get3A_774] {strides = array<i32>} : memref<256x128xf32, #tpu.memory_space<vmem>>, vector<1x16xf32>,
      %get3A_776 = vector.shape_cast %get3A_775 : vector<1x16xf32> to vector<16xf32>
      %add3A_777 = arith.addf %add3A_768, %get3A_776 : vector<16xf32>
      %mul3A_778 = arith.constant 16 : i32
      %mul3A_779 = arith.muli %scan3A_82, %mul3A_778 : i32
      %add3A_780 = arith.constant 12 : i32
      %add3A_781 = arith.addi %mul3A_779, %add3A_780 : i32
      %get3A_782 = arith.index_cast %add3A_781 : i32 to index
      %get3A_783 = arith.constant 64 : index
      %get3A_784 = tpu.vector_load %arg6[%get3A_782, %get3A_783] {strides = array<i32>} : memref<256x128xf32, #tpu.memory_space<vmem>>, vector<1x16xf32>,
      %get3A_785 = vector.shape_cast %get3A_784 : vector<1x16xf32> to vector<16xf32>
      %add3A_786 = arith.addf %add3A_777, %get3A_785 : vector<16xf32>
      %mul3A_787 = arith.constant 16 : i32
      %mul3A_788 = arith.muli %scan3A_82, %mul3A_787 : i32
      %add3A_789 = arith.constant 13 : i32
      %add3A_790 = arith.addi %mul3A_788, %add3A_789 : i32
      %get3A_791 = arith.index_cast %add3A_790 : i32 to index
      %get3A_792 = arith.constant 64 : index
      %get3A_793 = tpu.vector_load %arg6[%get3A_791, %get3A_792] {strides = array<i32>} : memref<256x128xf32, #tpu.memory_space<vmem>>, vector<1x16xf32>,
      %get3A_794 = vector.shape_cast %get3A_793 : vector<1x16xf32> to vector<16xf32>
      %add3A_795 = arith.addf %add3A_786, %get3A_794 : vector<16xf32>
      %mul3A_796 = arith.constant 16 : i32
      %mul3A_797 = arith.muli %scan3A_82, %mul3A_796 : i32
      %add3A_798 = arith.constant 14 : i32
      %add3A_799 = arith.addi %mul3A_797, %add3A_798 : i32
      %get3A_800 = arith.index_cast %add3A_799 : i32 to index
      %get3A_801 = arith.constant 64 : index
      %get3A_802 = tpu.vector_load %arg6[%get3A_800, %get3A_801] {strides = array<i32>} : memref<256x128xf32, #tpu.memory_space<vmem>>, vector<1x16xf32>,
      %get3A_803 = vector.shape_cast %get3A_802 : vector<1x16xf32> to vector<16xf32>
      %add3A_804 = arith.addf %add3A_795, %get3A_803 : vector<16xf32>
      %mul3A_805 = arith.constant 16 : i32
      %mul3A_806 = arith.muli %scan3A_82, %mul3A_805 : i32
      %add3A_807 = arith.constant 15 : i32
      %add3A_808 = arith.addi %mul3A_806, %add3A_807 : i32
      %get3A_809 = arith.index_cast %add3A_808 : i32 to index
      %get3A_810 = arith.constant 64 : index
      %get3A_811 = tpu.vector_load %arg6[%get3A_809, %get3A_810] {strides = array<i32>} : memref<256x128xf32, #tpu.memory_space<vmem>>, vector<1x16xf32>,
      %get3A_812 = vector.shape_cast %get3A_811 : vector<1x16xf32> to vector<16xf32>
      %add3A_813 = arith.addf %add3A_804, %get3A_812 : vector<16xf32>
      %add3A_814 = arith.constant 48 : i32
      %add3A_815 = arith.addi %add3A_814, %scan3A_82 : i32
      %swap3A_816 = arith.index_cast %add3A_815 : i32 to index
      %swap3A_817 = arith.constant 64 : index
      %swap3A_818 = tpu.vector_load %arg7[%swap3A_816, %swap3A_817] {strides = array<i32>} : memref<64x128xf32, #tpu.memory_space<vmem>>, vector<1x16xf32>,
      %swap3A_819 = vector.shape_cast %swap3A_818 : vector<1x16xf32> to vector<16xf32>
      %swap3A_820 = vector.shape_cast %add3A_813 : vector<16xf32> to vector<1x16xf32>
      tpu.vector_store %arg7[%swap3A_816, %swap3A_817], %swap3A_820 {strides = array<i32>} : memref<64x128xf32, #tpu.memory_space<vmem>>, vector<1x16xf32>,
      %mul3A_821 = arith.constant 16 : i32
      %mul3A_822 = arith.muli %scan3A_82, %mul3A_821 : i32
      %get3A_823 = arith.index_cast %mul3A_822 : i32 to index
      %get3A_824 = arith.constant 80 : index
      %get3A_825 = tpu.vector_load %arg6[%get3A_823, %get3A_824] {strides = array<i32>} : memref<256x128xf32, #tpu.memory_space<vmem>>, vector<1x16xf32>,
      %get3A_826 = vector.shape_cast %get3A_825 : vector<1x16xf32> to vector<16xf32>
      %mul3A_827 = arith.constant 16 : i32
      %mul3A_828 = arith.muli %scan3A_82, %mul3A_827 : i32
      %add3A_829 = arith.constant 1 : i32
      %add3A_830 = arith.addi %mul3A_828, %add3A_829 : i32
      %get3A_831 = arith.index_cast %add3A_830 : i32 to index
      %get3A_832 = arith.constant 80 : index
      %get3A_833 = tpu.vector_load %arg6[%get3A_831, %get3A_832] {strides = array<i32>} : memref<256x128xf32, #tpu.memory_space<vmem>>, vector<1x16xf32>,
      %get3A_834 = vector.shape_cast %get3A_833 : vector<1x16xf32> to vector<16xf32>
      %add3A_835 = arith.addf %get3A_826, %get3A_834 : vector<16xf32>
      %mul3A_836 = arith.constant 16 : i32
      %mul3A_837 = arith.muli %scan3A_82, %mul3A_836 : i32
      %add3A_838 = arith.constant 2 : i32
      %add3A_839 = arith.addi %mul3A_837, %add3A_838 : i32
      %get3A_840 = arith.index_cast %add3A_839 : i32 to index
      %get3A_841 = arith.constant 80 : index
      %get3A_842 = tpu.vector_load %arg6[%get3A_840, %get3A_841] {strides = array<i32>} : memref<256x128xf32, #tpu.memory_space<vmem>>, vector<1x16xf32>,
      %get3A_843 = vector.shape_cast %get3A_842 : vector<1x16xf32> to vector<16xf32>
      %add3A_844 = arith.addf %add3A_835, %get3A_843 : vector<16xf32>
      %mul3A_845 = arith.constant 16 : i32
      %mul3A_846 = arith.muli %scan3A_82, %mul3A_845 : i32
      %add3A_847 = arith.constant 3 : i32
      %add3A_848 = arith.addi %mul3A_846, %add3A_847 : i32
      %get3A_849 = arith.index_cast %add3A_848 : i32 to index
      %get3A_850 = arith.constant 80 : index
      %get3A_851 = tpu.vector_load %arg6[%get3A_849, %get3A_850] {strides = array<i32>} : memref<256x128xf32, #tpu.memory_space<vmem>>, vector<1x16xf32>,
      %get3A_852 = vector.shape_cast %get3A_851 : vector<1x16xf32> to vector<16xf32>
      %add3A_853 = arith.addf %add3A_844, %get3A_852 : vector<16xf32>
      %mul3A_854 = arith.constant 16 : i32
      %mul3A_855 = arith.muli %scan3A_82, %mul3A_854 : i32
      %add3A_856 = arith.constant 4 : i32
      %add3A_857 = arith.addi %mul3A_855, %add3A_856 : i32
      %get3A_858 = arith.index_cast %add3A_857 : i32 to index
      %get3A_859 = arith.constant 80 : index
      %get3A_860 = tpu.vector_load %arg6[%get3A_858, %get3A_859] {strides = array<i32>} : memref<256x128xf32, #tpu.memory_space<vmem>>, vector<1x16xf32>,
      %get3A_861 = vector.shape_cast %get3A_860 : vector<1x16xf32> to vector<16xf32>
      %add3A_862 = arith.addf %add3A_853, %get3A_861 : vector<16xf32>
      %mul3A_863 = arith.constant 16 : i32
      %mul3A_864 = arith.muli %scan3A_82, %mul3A_863 : i32
      %add3A_865 = arith.constant 5 : i32
      %add3A_866 = arith.addi %mul3A_864, %add3A_865 : i32
      %get3A_867 = arith.index_cast %add3A_866 : i32 to index
      %get3A_868 = arith.constant 80 : index
      %get3A_869 = tpu.vector_load %arg6[%get3A_867, %get3A_868] {strides = array<i32>} : memref<256x128xf32, #tpu.memory_space<vmem>>, vector<1x16xf32>,
      %get3A_870 = vector.shape_cast %get3A_869 : vector<1x16xf32> to vector<16xf32>
      %add3A_871 = arith.addf %add3A_862, %get3A_870 : vector<16xf32>
      %mul3A_872 = arith.constant 16 : i32
      %mul3A_873 = arith.muli %scan3A_82, %mul3A_872 : i32
      %add3A_874 = arith.constant 6 : i32
      %add3A_875 = arith.addi %mul3A_873, %add3A_874 : i32
      %get3A_876 = arith.index_cast %add3A_875 : i32 to index
      %get3A_877 = arith.constant 80 : index
      %get3A_878 = tpu.vector_load %arg6[%get3A_876, %get3A_877] {strides = array<i32>} : memref<256x128xf32, #tpu.memory_space<vmem>>, vector<1x16xf32>,
      %get3A_879 = vector.shape_cast %get3A_878 : vector<1x16xf32> to vector<16xf32>
      %add3A_880 = arith.addf %add3A_871, %get3A_879 : vector<16xf32>
      %mul3A_881 = arith.constant 16 : i32
      %mul3A_882 = arith.muli %scan3A_82, %mul3A_881 : i32
      %add3A_883 = arith.constant 7 : i32
      %add3A_884 = arith.addi %mul3A_882, %add3A_883 : i32
      %get3A_885 = arith.index_cast %add3A_884 : i32 to index
      %get3A_886 = arith.constant 80 : index
      %get3A_887 = tpu.vector_load %arg6[%get3A_885, %get3A_886] {strides = array<i32>} : memref<256x128xf32, #tpu.memory_space<vmem>>, vector<1x16xf32>,
      %get3A_888 = vector.shape_cast %get3A_887 : vector<1x16xf32> to vector<16xf32>
      %add3A_889 = arith.addf %add3A_880, %get3A_888 : vector<16xf32>
      %mul3A_890 = arith.constant 16 : i32
      %mul3A_891 = arith.muli %scan3A_82, %mul3A_890 : i32
      %add3A_892 = arith.constant 8 : i32
      %add3A_893 = arith.addi %mul3A_891, %add3A_892 : i32
      %get3A_894 = arith.index_cast %add3A_893 : i32 to index
      %get3A_895 = arith.constant 80 : index
      %get3A_896 = tpu.vector_load %arg6[%get3A_894, %get3A_895] {strides = array<i32>} : memref<256x128xf32, #tpu.memory_space<vmem>>, vector<1x16xf32>,
      %get3A_897 = vector.shape_cast %get3A_896 : vector<1x16xf32> to vector<16xf32>
      %add3A_898 = arith.addf %add3A_889, %get3A_897 : vector<16xf32>
      %mul3A_899 = arith.constant 16 : i32
      %mul3A_900 = arith.muli %scan3A_82, %mul3A_899 : i32
      %add3A_901 = arith.constant 9 : i32
      %add3A_902 = arith.addi %mul3A_900, %add3A_901 : i32
      %get3A_903 = arith.index_cast %add3A_902 : i32 to index
      %get3A_904 = arith.constant 80 : index
      %get3A_905 = tpu.vector_load %arg6[%get3A_903, %get3A_904] {strides = array<i32>} : memref<256x128xf32, #tpu.memory_space<vmem>>, vector<1x16xf32>,
      %get3A_906 = vector.shape_cast %get3A_905 : vector<1x16xf32> to vector<16xf32>
      %add3A_907 = arith.addf %add3A_898, %get3A_906 : vector<16xf32>
      %mul3A_908 = arith.constant 16 : i32
      %mul3A_909 = arith.muli %scan3A_82, %mul3A_908 : i32
      %add3A_910 = arith.constant 10 : i32
      %add3A_911 = arith.addi %mul3A_909, %add3A_910 : i32
      %get3A_912 = arith.index_cast %add3A_911 : i32 to index
      %get3A_913 = arith.constant 80 : index
      %get3A_914 = tpu.vector_load %arg6[%get3A_912, %get3A_913] {strides = array<i32>} : memref<256x128xf32, #tpu.memory_space<vmem>>, vector<1x16xf32>,
      %get3A_915 = vector.shape_cast %get3A_914 : vector<1x16xf32> to vector<16xf32>
      %add3A_916 = arith.addf %add3A_907, %get3A_915 : vector<16xf32>
      %mul3A_917 = arith.constant 16 : i32
      %mul3A_918 = arith.muli %scan3A_82, %mul3A_917 : i32
      %add3A_919 = arith.constant 11 : i32
      %add3A_920 = arith.addi %mul3A_918, %add3A_919 : i32
      %get3A_921 = arith.index_cast %add3A_920 : i32 to index
      %get3A_922 = arith.constant 80 : index
      %get3A_923 = tpu.vector_load %arg6[%get3A_921, %get3A_922] {strides = array<i32>} : memref<256x128xf32, #tpu.memory_space<vmem>>, vector<1x16xf32>,
      %get3A_924 = vector.shape_cast %get3A_923 : vector<1x16xf32> to vector<16xf32>
      %add3A_925 = arith.addf %add3A_916, %get3A_924 : vector<16xf32>
      %mul3A_926 = arith.constant 16 : i32
      %mul3A_927 = arith.muli %scan3A_82, %mul3A_926 : i32
      %add3A_928 = arith.constant 12 : i32
      %add3A_929 = arith.addi %mul3A_927, %add3A_928 : i32
      %get3A_930 = arith.index_cast %add3A_929 : i32 to index
      %get3A_931 = arith.constant 80 : index
      %get3A_932 = tpu.vector_load %arg6[%get3A_930, %get3A_931] {strides = array<i32>} : memref<256x128xf32, #tpu.memory_space<vmem>>, vector<1x16xf32>,
      %get3A_933 = vector.shape_cast %get3A_932 : vector<1x16xf32> to vector<16xf32>
      %add3A_934 = arith.addf %add3A_925, %get3A_933 : vector<16xf32>
      %mul3A_935 = arith.constant 16 : i32
      %mul3A_936 = arith.muli %scan3A_82, %mul3A_935 : i32
      %add3A_937 = arith.constant 13 : i32
      %add3A_938 = arith.addi %mul3A_936, %add3A_937 : i32
      %get3A_939 = arith.index_cast %add3A_938 : i32 to index
      %get3A_940 = arith.constant 80 : index
      %get3A_941 = tpu.vector_load %arg6[%get3A_939, %get3A_940] {strides = array<i32>} : memref<256x128xf32, #tpu.memory_space<vmem>>, vector<1x16xf32>,
      %get3A_942 = vector.shape_cast %get3A_941 : vector<1x16xf32> to vector<16xf32>
      %add3A_943 = arith.addf %add3A_934, %get3A_942 : vector<16xf32>
      %mul3A_944 = arith.constant 16 : i32
      %mul3A_945 = arith.muli %scan3A_82, %mul3A_944 : i32
      %add3A_946 = arith.constant 14 : i32
      %add3A_947 = arith.addi %mul3A_945, %add3A_946 : i32
      %get3A_948 = arith.index_cast %add3A_947 : i32 to index
      %get3A_949 = arith.constant 80 : index
      %get3A_950 = tpu.vector_load %arg6[%get3A_948, %get3A_949] {strides = array<i32>} : memref<256x128xf32, #tpu.memory_space<vmem>>, vector<1x16xf32>,
      %get3A_951 = vector.shape_cast %get3A_950 : vector<1x16xf32> to vector<16xf32>
      %add3A_952 = arith.addf %add3A_943, %get3A_951 : vector<16xf32>
      %mul3A_953 = arith.constant 16 : i32
      %mul3A_954 = arith.muli %scan3A_82, %mul3A_953 : i32
      %add3A_955 = arith.constant 15 : i32
      %add3A_956 = arith.addi %mul3A_954, %add3A_955 : i32
      %get3A_957 = arith.index_cast %add3A_956 : i32 to index
      %get3A_958 = arith.constant 80 : index
      %get3A_959 = tpu.vector_load %arg6[%get3A_957, %get3A_958] {strides = array<i32>} : memref<256x128xf32, #tpu.memory_space<vmem>>, vector<1x16xf32>,
      %get3A_960 = vector.shape_cast %get3A_959 : vector<1x16xf32> to vector<16xf32>
      %add3A_961 = arith.addf %add3A_952, %get3A_960 : vector<16xf32>
      %add3A_962 = arith.constant 48 : i32
      %add3A_963 = arith.addi %add3A_962, %scan3A_82 : i32
      %swap3A_964 = arith.index_cast %add3A_963 : i32 to index
      %swap3A_965 = arith.constant 80 : index
      %swap3A_966 = tpu.vector_load %arg7[%swap3A_964, %swap3A_965] {strides = array<i32>} : memref<64x128xf32, #tpu.memory_space<vmem>>, vector<1x16xf32>,
      %swap3A_967 = vector.shape_cast %swap3A_966 : vector<1x16xf32> to vector<16xf32>
      %swap3A_968 = vector.shape_cast %add3A_961 : vector<16xf32> to vector<1x16xf32>
      tpu.vector_store %arg7[%swap3A_964, %swap3A_965], %swap3A_968 {strides = array<i32>} : memref<64x128xf32, #tpu.memory_space<vmem>>, vector<1x16xf32>,
      %mul3A_969 = arith.constant 16 : i32
      %mul3A_970 = arith.muli %scan3A_82, %mul3A_969 : i32
      %get3A_971 = arith.index_cast %mul3A_970 : i32 to index
      %get3A_972 = arith.constant 96 : index
      %get3A_973 = tpu.vector_load %arg6[%get3A_971, %get3A_972] {strides = array<i32>} : memref<256x128xf32, #tpu.memory_space<vmem>>, vector<1x16xf32>,
      %get3A_974 = vector.shape_cast %get3A_973 : vector<1x16xf32> to vector<16xf32>
      %mul3A_975 = arith.constant 16 : i32
      %mul3A_976 = arith.muli %scan3A_82, %mul3A_975 : i32
      %add3A_977 = arith.constant 1 : i32
      %add3A_978 = arith.addi %mul3A_976, %add3A_977 : i32
      %get3A_979 = arith.index_cast %add3A_978 : i32 to index
      %get3A_980 = arith.constant 96 : index
      %get3A_981 = tpu.vector_load %arg6[%get3A_979, %get3A_980] {strides = array<i32>} : memref<256x128xf32, #tpu.memory_space<vmem>>, vector<1x16xf32>,
      %get3A_982 = vector.shape_cast %get3A_981 : vector<1x16xf32> to vector<16xf32>
      %add3A_983 = arith.addf %get3A_974, %get3A_982 : vector<16xf32>
      %mul3A_984 = arith.constant 16 : i32
      %mul3A_985 = arith.muli %scan3A_82, %mul3A_984 : i32
      %add3A_986 = arith.constant 2 : i32
      %add3A_987 = arith.addi %mul3A_985, %add3A_986 : i32
      %get3A_988 = arith.index_cast %add3A_987 : i32 to index
      %get3A_989 = arith.constant 96 : index
      %get3A_990 = tpu.vector_load %arg6[%get3A_988, %get3A_989] {strides = array<i32>} : memref<256x128xf32, #tpu.memory_space<vmem>>, vector<1x16xf32>,
      %get3A_991 = vector.shape_cast %get3A_990 : vector<1x16xf32> to vector<16xf32>
      %add3A_992 = arith.addf %add3A_983, %get3A_991 : vector<16xf32>
      %mul3A_993 = arith.constant 16 : i32
      %mul3A_994 = arith.muli %scan3A_82, %mul3A_993 : i32
      %add3A_995 = arith.constant 3 : i32
      %add3A_996 = arith.addi %mul3A_994, %add3A_995 : i32
      %get3A_997 = arith.index_cast %add3A_996 : i32 to index
      %get3A_998 = arith.constant 96 : index
      %get3A_999 = tpu.vector_load %arg6[%get3A_997, %get3A_998] {strides = array<i32>} : memref<256x128xf32, #tpu.memory_space<vmem>>, vector<1x16xf32>,
      %get3A_1000 = vector.shape_cast %get3A_999 : vector<1x16xf32> to vector<16xf32>
      %add3A_1001 = arith.addf %add3A_992, %get3A_1000 : vector<16xf32>
      %mul3A_1002 = arith.constant 16 : i32
      %mul3A_1003 = arith.muli %scan3A_82, %mul3A_1002 : i32
      %add3A_1004 = arith.constant 4 : i32
      %add3A_1005 = arith.addi %mul3A_1003, %add3A_1004 : i32
      %get3A_1006 = arith.index_cast %add3A_1005 : i32 to index
      %get3A_1007 = arith.constant 96 : index
      %get3A_1008 = tpu.vector_load %arg6[%get3A_1006, %get3A_1007] {strides = array<i32>} : memref<256x128xf32, #tpu.memory_space<vmem>>, vector<1x16xf32>,
      %get3A_1009 = vector.shape_cast %get3A_1008 : vector<1x16xf32> to vector<16xf32>
      %add3A_1010 = arith.addf %add3A_1001, %get3A_1009 : vector<16xf32>
      %mul3A_1011 = arith.constant 16 : i32
      %mul3A_1012 = arith.muli %scan3A_82, %mul3A_1011 : i32
      %add3A_1013 = arith.constant 5 : i32
      %add3A_1014 = arith.addi %mul3A_1012, %add3A_1013 : i32
      %get3A_1015 = arith.index_cast %add3A_1014 : i32 to index
      %get3A_1016 = arith.constant 96 : index
      %get3A_1017 = tpu.vector_load %arg6[%get3A_1015, %get3A_1016] {strides = array<i32>} : memref<256x128xf32, #tpu.memory_space<vmem>>, vector<1x16xf32>,
      %get3A_1018 = vector.shape_cast %get3A_1017 : vector<1x16xf32> to vector<16xf32>
      %add3A_1019 = arith.addf %add3A_1010, %get3A_1018 : vector<16xf32>
      %mul3A_1020 = arith.constant 16 : i32
      %mul3A_1021 = arith.muli %scan3A_82, %mul3A_1020 : i32
      %add3A_1022 = arith.constant 6 : i32
      %add3A_1023 = arith.addi %mul3A_1021, %add3A_1022 : i32
      %get3A_1024 = arith.index_cast %add3A_1023 : i32 to index
      %get3A_1025 = arith.constant 96 : index
      %get3A_1026 = tpu.vector_load %arg6[%get3A_1024, %get3A_1025] {strides = array<i32>} : memref<256x128xf32, #tpu.memory_space<vmem>>, vector<1x16xf32>,
      %get3A_1027 = vector.shape_cast %get3A_1026 : vector<1x16xf32> to vector<16xf32>
      %add3A_1028 = arith.addf %add3A_1019, %get3A_1027 : vector<16xf32>
      %mul3A_1029 = arith.constant 16 : i32
      %mul3A_1030 = arith.muli %scan3A_82, %mul3A_1029 : i32
      %add3A_1031 = arith.constant 7 : i32
      %add3A_1032 = arith.addi %mul3A_1030, %add3A_1031 : i32
      %get3A_1033 = arith.index_cast %add3A_1032 : i32 to index
      %get3A_1034 = arith.constant 96 : index
      %get3A_1035 = tpu.vector_load %arg6[%get3A_1033, %get3A_1034] {strides = array<i32>} : memref<256x128xf32, #tpu.memory_space<vmem>>, vector<1x16xf32>,
      %get3A_1036 = vector.shape_cast %get3A_1035 : vector<1x16xf32> to vector<16xf32>
      %add3A_1037 = arith.addf %add3A_1028, %get3A_1036 : vector<16xf32>
      %mul3A_1038 = arith.constant 16 : i32
      %mul3A_1039 = arith.muli %scan3A_82, %mul3A_1038 : i32
      %add3A_1040 = arith.constant 8 : i32
      %add3A_1041 = arith.addi %mul3A_1039, %add3A_1040 : i32
      %get3A_1042 = arith.index_cast %add3A_1041 : i32 to index
      %get3A_1043 = arith.constant 96 : index
      %get3A_1044 = tpu.vector_load %arg6[%get3A_1042, %get3A_1043] {strides = array<i32>} : memref<256x128xf32, #tpu.memory_space<vmem>>, vector<1x16xf32>,
      %get3A_1045 = vector.shape_cast %get3A_1044 : vector<1x16xf32> to vector<16xf32>
      %add3A_1046 = arith.addf %add3A_1037, %get3A_1045 : vector<16xf32>
      %mul3A_1047 = arith.constant 16 : i32
      %mul3A_1048 = arith.muli %scan3A_82, %mul3A_1047 : i32
      %add3A_1049 = arith.constant 9 : i32
      %add3A_1050 = arith.addi %mul3A_1048, %add3A_1049 : i32
      %get3A_1051 = arith.index_cast %add3A_1050 : i32 to index
      %get3A_1052 = arith.constant 96 : index
      %get3A_1053 = tpu.vector_load %arg6[%get3A_1051, %get3A_1052] {strides = array<i32>} : memref<256x128xf32, #tpu.memory_space<vmem>>, vector<1x16xf32>,
      %get3A_1054 = vector.shape_cast %get3A_1053 : vector<1x16xf32> to vector<16xf32>
      %add3A_1055 = arith.addf %add3A_1046, %get3A_1054 : vector<16xf32>
      %mul3A_1056 = arith.constant 16 : i32
      %mul3A_1057 = arith.muli %scan3A_82, %mul3A_1056 : i32
      %add3A_1058 = arith.constant 10 : i32
      %add3A_1059 = arith.addi %mul3A_1057, %add3A_1058 : i32
      %get3A_1060 = arith.index_cast %add3A_1059 : i32 to index
      %get3A_1061 = arith.constant 96 : index
      %get3A_1062 = tpu.vector_load %arg6[%get3A_1060, %get3A_1061] {strides = array<i32>} : memref<256x128xf32, #tpu.memory_space<vmem>>, vector<1x16xf32>,
      %get3A_1063 = vector.shape_cast %get3A_1062 : vector<1x16xf32> to vector<16xf32>
      %add3A_1064 = arith.addf %add3A_1055, %get3A_1063 : vector<16xf32>
      %mul3A_1065 = arith.constant 16 : i32
      %mul3A_1066 = arith.muli %scan3A_82, %mul3A_1065 : i32
      %add3A_1067 = arith.constant 11 : i32
      %add3A_1068 = arith.addi %mul3A_1066, %add3A_1067 : i32
      %get3A_1069 = arith.index_cast %add3A_1068 : i32 to index
      %get3A_1070 = arith.constant 96 : index
      %get3A_1071 = tpu.vector_load %arg6[%get3A_1069, %get3A_1070] {strides = array<i32>} : memref<256x128xf32, #tpu.memory_space<vmem>>, vector<1x16xf32>,
      %get3A_1072 = vector.shape_cast %get3A_1071 : vector<1x16xf32> to vector<16xf32>
      %add3A_1073 = arith.addf %add3A_1064, %get3A_1072 : vector<16xf32>
      %mul3A_1074 = arith.constant 16 : i32
      %mul3A_1075 = arith.muli %scan3A_82, %mul3A_1074 : i32
      %add3A_1076 = arith.constant 12 : i32
      %add3A_1077 = arith.addi %mul3A_1075, %add3A_1076 : i32
      %get3A_1078 = arith.index_cast %add3A_1077 : i32 to index
      %get3A_1079 = arith.constant 96 : index
      %get3A_1080 = tpu.vector_load %arg6[%get3A_1078, %get3A_1079] {strides = array<i32>} : memref<256x128xf32, #tpu.memory_space<vmem>>, vector<1x16xf32>,
      %get3A_1081 = vector.shape_cast %get3A_1080 : vector<1x16xf32> to vector<16xf32>
      %add3A_1082 = arith.addf %add3A_1073, %get3A_1081 : vector<16xf32>
      %mul3A_1083 = arith.constant 16 : i32
      %mul3A_1084 = arith.muli %scan3A_82, %mul3A_1083 : i32
      %add3A_1085 = arith.constant 13 : i32
      %add3A_1086 = arith.addi %mul3A_1084, %add3A_1085 : i32
      %get3A_1087 = arith.index_cast %add3A_1086 : i32 to index
      %get3A_1088 = arith.constant 96 : index
      %get3A_1089 = tpu.vector_load %arg6[%get3A_1087, %get3A_1088] {strides = array<i32>} : memref<256x128xf32, #tpu.memory_space<vmem>>, vector<1x16xf32>,
      %get3A_1090 = vector.shape_cast %get3A_1089 : vector<1x16xf32> to vector<16xf32>
      %add3A_1091 = arith.addf %add3A_1082, %get3A_1090 : vector<16xf32>
      %mul3A_1092 = arith.constant 16 : i32
      %mul3A_1093 = arith.muli %scan3A_82, %mul3A_1092 : i32
      %add3A_1094 = arith.constant 14 : i32
      %add3A_1095 = arith.addi %mul3A_1093, %add3A_1094 : i32
      %get3A_1096 = arith.index_cast %add3A_1095 : i32 to index
      %get3A_1097 = arith.constant 96 : index
      %get3A_1098 = tpu.vector_load %arg6[%get3A_1096, %get3A_1097] {strides = array<i32>} : memref<256x128xf32, #tpu.memory_space<vmem>>, vector<1x16xf32>,
      %get3A_1099 = vector.shape_cast %get3A_1098 : vector<1x16xf32> to vector<16xf32>
      %add3A_1100 = arith.addf %add3A_1091, %get3A_1099 : vector<16xf32>
      %mul3A_1101 = arith.constant 16 : i32
      %mul3A_1102 = arith.muli %scan3A_82, %mul3A_1101 : i32
      %add3A_1103 = arith.constant 15 : i32
      %add3A_1104 = arith.addi %mul3A_1102, %add3A_1103 : i32
      %get3A_1105 = arith.index_cast %add3A_1104 : i32 to index
      %get3A_1106 = arith.constant 96 : index
      %get3A_1107 = tpu.vector_load %arg6[%get3A_1105, %get3A_1106] {strides = array<i32>} : memref<256x128xf32, #tpu.memory_space<vmem>>, vector<1x16xf32>,
      %get3A_1108 = vector.shape_cast %get3A_1107 : vector<1x16xf32> to vector<16xf32>
      %add3A_1109 = arith.addf %add3A_1100, %get3A_1108 : vector<16xf32>
      %add3A_1110 = arith.constant 48 : i32
      %add3A_1111 = arith.addi %add3A_1110, %scan3A_82 : i32
      %swap3A_1112 = arith.index_cast %add3A_1111 : i32 to index
      %swap3A_1113 = arith.constant 96 : index
      %swap3A_1114 = tpu.vector_load %arg7[%swap3A_1112, %swap3A_1113] {strides = array<i32>} : memref<64x128xf32, #tpu.memory_space<vmem>>, vector<1x16xf32>,
      %swap3A_1115 = vector.shape_cast %swap3A_1114 : vector<1x16xf32> to vector<16xf32>
      %swap3A_1116 = vector.shape_cast %add3A_1109 : vector<16xf32> to vector<1x16xf32>
      tpu.vector_store %arg7[%swap3A_1112, %swap3A_1113], %swap3A_1116 {strides = array<i32>} : memref<64x128xf32, #tpu.memory_space<vmem>>, vector<1x16xf32>,
      %mul3A_1117 = arith.constant 16 : i32
      %mul3A_1118 = arith.muli %scan3A_82, %mul3A_1117 : i32
      %get3A_1119 = arith.index_cast %mul3A_1118 : i32 to index
      %get3A_1120 = arith.constant 112 : index
      %get3A_1121 = tpu.vector_load %arg6[%get3A_1119, %get3A_1120] {strides = array<i32>} : memref<256x128xf32, #tpu.memory_space<vmem>>, vector<1x16xf32>,
      %get3A_1122 = vector.shape_cast %get3A_1121 : vector<1x16xf32> to vector<16xf32>
      %mul3A_1123 = arith.constant 16 : i32
      %mul3A_1124 = arith.muli %scan3A_82, %mul3A_1123 : i32
      %add3A_1125 = arith.constant 1 : i32
      %add3A_1126 = arith.addi %mul3A_1124, %add3A_1125 : i32
      %get3A_1127 = arith.index_cast %add3A_1126 : i32 to index
      %get3A_1128 = arith.constant 112 : index
      %get3A_1129 = tpu.vector_load %arg6[%get3A_1127, %get3A_1128] {strides = array<i32>} : memref<256x128xf32, #tpu.memory_space<vmem>>, vector<1x16xf32>,
      %get3A_1130 = vector.shape_cast %get3A_1129 : vector<1x16xf32> to vector<16xf32>
      %add3A_1131 = arith.addf %get3A_1122, %get3A_1130 : vector<16xf32>
      %mul3A_1132 = arith.constant 16 : i32
      %mul3A_1133 = arith.muli %scan3A_82, %mul3A_1132 : i32
      %add3A_1134 = arith.constant 2 : i32
      %add3A_1135 = arith.addi %mul3A_1133, %add3A_1134 : i32
      %get3A_1136 = arith.index_cast %add3A_1135 : i32 to index
      %get3A_1137 = arith.constant 112 : index
      %get3A_1138 = tpu.vector_load %arg6[%get3A_1136, %get3A_1137] {strides = array<i32>} : memref<256x128xf32, #tpu.memory_space<vmem>>, vector<1x16xf32>,
      %get3A_1139 = vector.shape_cast %get3A_1138 : vector<1x16xf32> to vector<16xf32>
      %add3A_1140 = arith.addf %add3A_1131, %get3A_1139 : vector<16xf32>
      %mul3A_1141 = arith.constant 16 : i32
      %mul3A_1142 = arith.muli %scan3A_82, %mul3A_1141 : i32
      %add3A_1143 = arith.constant 3 : i32
      %add3A_1144 = arith.addi %mul3A_1142, %add3A_1143 : i32
      %get3A_1145 = arith.index_cast %add3A_1144 : i32 to index
      %get3A_1146 = arith.constant 112 : index
      %get3A_1147 = tpu.vector_load %arg6[%get3A_1145, %get3A_1146] {strides = array<i32>} : memref<256x128xf32, #tpu.memory_space<vmem>>, vector<1x16xf32>,
      %get3A_1148 = vector.shape_cast %get3A_1147 : vector<1x16xf32> to vector<16xf32>
      %add3A_1149 = arith.addf %add3A_1140, %get3A_1148 : vector<16xf32>
      %mul3A_1150 = arith.constant 16 : i32
      %mul3A_1151 = arith.muli %scan3A_82, %mul3A_1150 : i32
      %add3A_1152 = arith.constant 4 : i32
      %add3A_1153 = arith.addi %mul3A_1151, %add3A_1152 : i32
      %get3A_1154 = arith.index_cast %add3A_1153 : i32 to index
      %get3A_1155 = arith.constant 112 : index
      %get3A_1156 = tpu.vector_load %arg6[%get3A_1154, %get3A_1155] {strides = array<i32>} : memref<256x128xf32, #tpu.memory_space<vmem>>, vector<1x16xf32>,
      %get3A_1157 = vector.shape_cast %get3A_1156 : vector<1x16xf32> to vector<16xf32>
      %add3A_1158 = arith.addf %add3A_1149, %get3A_1157 : vector<16xf32>
      %mul3A_1159 = arith.constant 16 : i32
      %mul3A_1160 = arith.muli %scan3A_82, %mul3A_1159 : i32
      %add3A_1161 = arith.constant 5 : i32
      %add3A_1162 = arith.addi %mul3A_1160, %add3A_1161 : i32
      %get3A_1163 = arith.index_cast %add3A_1162 : i32 to index
      %get3A_1164 = arith.constant 112 : index
      %get3A_1165 = tpu.vector_load %arg6[%get3A_1163, %get3A_1164] {strides = array<i32>} : memref<256x128xf32, #tpu.memory_space<vmem>>, vector<1x16xf32>,
      %get3A_1166 = vector.shape_cast %get3A_1165 : vector<1x16xf32> to vector<16xf32>
      %add3A_1167 = arith.addf %add3A_1158, %get3A_1166 : vector<16xf32>
      %mul3A_1168 = arith.constant 16 : i32
      %mul3A_1169 = arith.muli %scan3A_82, %mul3A_1168 : i32
      %add3A_1170 = arith.constant 6 : i32
      %add3A_1171 = arith.addi %mul3A_1169, %add3A_1170 : i32
      %get3A_1172 = arith.index_cast %add3A_1171 : i32 to index
      %get3A_1173 = arith.constant 112 : index
      %get3A_1174 = tpu.vector_load %arg6[%get3A_1172, %get3A_1173] {strides = array<i32>} : memref<256x128xf32, #tpu.memory_space<vmem>>, vector<1x16xf32>,
      %get3A_1175 = vector.shape_cast %get3A_1174 : vector<1x16xf32> to vector<16xf32>
      %add3A_1176 = arith.addf %add3A_1167, %get3A_1175 : vector<16xf32>
      %mul3A_1177 = arith.constant 16 : i32
      %mul3A_1178 = arith.muli %scan3A_82, %mul3A_1177 : i32
      %add3A_1179 = arith.constant 7 : i32
      %add3A_1180 = arith.addi %mul3A_1178, %add3A_1179 : i32
      %get3A_1181 = arith.index_cast %add3A_1180 : i32 to index
      %get3A_1182 = arith.constant 112 : index
      %get3A_1183 = tpu.vector_load %arg6[%get3A_1181, %get3A_1182] {strides = array<i32>} : memref<256x128xf32, #tpu.memory_space<vmem>>, vector<1x16xf32>,
      %get3A_1184 = vector.shape_cast %get3A_1183 : vector<1x16xf32> to vector<16xf32>
      %add3A_1185 = arith.addf %add3A_1176, %get3A_1184 : vector<16xf32>
      %mul3A_1186 = arith.constant 16 : i32
      %mul3A_1187 = arith.muli %scan3A_82, %mul3A_1186 : i32
      %add3A_1188 = arith.constant 8 : i32
      %add3A_1189 = arith.addi %mul3A_1187, %add3A_1188 : i32
      %get3A_1190 = arith.index_cast %add3A_1189 : i32 to index
      %get3A_1191 = arith.constant 112 : index
      %get3A_1192 = tpu.vector_load %arg6[%get3A_1190, %get3A_1191] {strides = array<i32>} : memref<256x128xf32, #tpu.memory_space<vmem>>, vector<1x16xf32>,
      %get3A_1193 = vector.shape_cast %get3A_1192 : vector<1x16xf32> to vector<16xf32>
      %add3A_1194 = arith.addf %add3A_1185, %get3A_1193 : vector<16xf32>
      %mul3A_1195 = arith.constant 16 : i32
      %mul3A_1196 = arith.muli %scan3A_82, %mul3A_1195 : i32
      %add3A_1197 = arith.constant 9 : i32
      %add3A_1198 = arith.addi %mul3A_1196, %add3A_1197 : i32
      %get3A_1199 = arith.index_cast %add3A_1198 : i32 to index
      %get3A_1200 = arith.constant 112 : index
      %get3A_1201 = tpu.vector_load %arg6[%get3A_1199, %get3A_1200] {strides = array<i32>} : memref<256x128xf32, #tpu.memory_space<vmem>>, vector<1x16xf32>,
      %get3A_1202 = vector.shape_cast %get3A_1201 : vector<1x16xf32> to vector<16xf32>
      %add3A_1203 = arith.addf %add3A_1194, %get3A_1202 : vector<16xf32>
      %mul3A_1204 = arith.constant 16 : i32
      %mul3A_1205 = arith.muli %scan3A_82, %mul3A_1204 : i32
      %add3A_1206 = arith.constant 10 : i32
      %add3A_1207 = arith.addi %mul3A_1205, %add3A_1206 : i32
      %get3A_1208 = arith.index_cast %add3A_1207 : i32 to index
      %get3A_1209 = arith.constant 112 : index
      %get3A_1210 = tpu.vector_load %arg6[%get3A_1208, %get3A_1209] {strides = array<i32>} : memref<256x128xf32, #tpu.memory_space<vmem>>, vector<1x16xf32>,
      %get3A_1211 = vector.shape_cast %get3A_1210 : vector<1x16xf32> to vector<16xf32>
      %add3A_1212 = arith.addf %add3A_1203, %get3A_1211 : vector<16xf32>
      %mul3A_1213 = arith.constant 16 : i32
      %mul3A_1214 = arith.muli %scan3A_82, %mul3A_1213 : i32
      %add3A_1215 = arith.constant 11 : i32
      %add3A_1216 = arith.addi %mul3A_1214, %add3A_1215 : i32
      %get3A_1217 = arith.index_cast %add3A_1216 : i32 to index
      %get3A_1218 = arith.constant 112 : index
      %get3A_1219 = tpu.vector_load %arg6[%get3A_1217, %get3A_1218] {strides = array<i32>} : memref<256x128xf32, #tpu.memory_space<vmem>>, vector<1x16xf32>,
      %get3A_1220 = vector.shape_cast %get3A_1219 : vector<1x16xf32> to vector<16xf32>
      %add3A_1221 = arith.addf %add3A_1212, %get3A_1220 : vector<16xf32>
      %mul3A_1222 = arith.constant 16 : i32
      %mul3A_1223 = arith.muli %scan3A_82, %mul3A_1222 : i32
      %add3A_1224 = arith.constant 12 : i32
      %add3A_1225 = arith.addi %mul3A_1223, %add3A_1224 : i32
      %get3A_1226 = arith.index_cast %add3A_1225 : i32 to index
      %get3A_1227 = arith.constant 112 : index
      %get3A_1228 = tpu.vector_load %arg6[%get3A_1226, %get3A_1227] {strides = array<i32>} : memref<256x128xf32, #tpu.memory_space<vmem>>, vector<1x16xf32>,
      %get3A_1229 = vector.shape_cast %get3A_1228 : vector<1x16xf32> to vector<16xf32>
      %add3A_1230 = arith.addf %add3A_1221, %get3A_1229 : vector<16xf32>
      %mul3A_1231 = arith.constant 16 : i32
      %mul3A_1232 = arith.muli %scan3A_82, %mul3A_1231 : i32
      %add3A_1233 = arith.constant 13 : i32
      %add3A_1234 = arith.addi %mul3A_1232, %add3A_1233 : i32
      %get3A_1235 = arith.index_cast %add3A_1234 : i32 to index
      %get3A_1236 = arith.constant 112 : index
      %get3A_1237 = tpu.vector_load %arg6[%get3A_1235, %get3A_1236] {strides = array<i32>} : memref<256x128xf32, #tpu.memory_space<vmem>>, vector<1x16xf32>,
      %get3A_1238 = vector.shape_cast %get3A_1237 : vector<1x16xf32> to vector<16xf32>
      %add3A_1239 = arith.addf %add3A_1230, %get3A_1238 : vector<16xf32>
      %mul3A_1240 = arith.constant 16 : i32
      %mul3A_1241 = arith.muli %scan3A_82, %mul3A_1240 : i32
      %add3A_1242 = arith.constant 14 : i32
      %add3A_1243 = arith.addi %mul3A_1241, %add3A_1242 : i32
      %get3A_1244 = arith.index_cast %add3A_1243 : i32 to index
      %get3A_1245 = arith.constant 112 : index
      %get3A_1246 = tpu.vector_load %arg6[%get3A_1244, %get3A_1245] {strides = array<i32>} : memref<256x128xf32, #tpu.memory_space<vmem>>, vector<1x16xf32>,
      %get3A_1247 = vector.shape_cast %get3A_1246 : vector<1x16xf32> to vector<16xf32>
      %add3A_1248 = arith.addf %add3A_1239, %get3A_1247 : vector<16xf32>
      %mul3A_1249 = arith.constant 16 : i32
      %mul3A_1250 = arith.muli %scan3A_82, %mul3A_1249 : i32
      %add3A_1251 = arith.constant 15 : i32
      %add3A_1252 = arith.addi %mul3A_1250, %add3A_1251 : i32
      %get3A_1253 = arith.index_cast %add3A_1252 : i32 to index
      %get3A_1254 = arith.constant 112 : index
      %get3A_1255 = tpu.vector_load %arg6[%get3A_1253, %get3A_1254] {strides = array<i32>} : memref<256x128xf32, #tpu.memory_space<vmem>>, vector<1x16xf32>,
      %get3A_1256 = vector.shape_cast %get3A_1255 : vector<1x16xf32> to vector<16xf32>
      %add3A_1257 = arith.addf %add3A_1248, %get3A_1256 : vector<16xf32>
      %add3A_1258 = arith.constant 48 : i32
      %add3A_1259 = arith.addi %add3A_1258, %scan3A_82 : i32
      %swap3A_1260 = arith.index_cast %add3A_1259 : i32 to index
      %swap3A_1261 = arith.constant 112 : index
      %swap3A_1262 = tpu.vector_load %arg7[%swap3A_1260, %swap3A_1261] {strides = array<i32>} : memref<64x128xf32, #tpu.memory_space<vmem>>, vector<1x16xf32>,
      %swap3A_1263 = vector.shape_cast %swap3A_1262 : vector<1x16xf32> to vector<16xf32>
      %swap3A_1264 = vector.shape_cast %add3A_1257 : vector<16xf32> to vector<1x16xf32>
      tpu.vector_store %arg7[%swap3A_1260, %swap3A_1261], %swap3A_1264 {strides = array<i32>} : memref<64x128xf32, #tpu.memory_space<vmem>>, vector<1x16xf32>,
    }
    %scan3A_79 = arith.constant 16 : i32
    %mul3A_80 = arith.constant 64 : i32
    %mul3A_81 = arith.muli %add3A, %mul3A_80 : i32
    "tpu.region"() ({
      %run_scoped3A = tpu.sem_alloc : memref<!tpu.dma_semaphore, #tpu.memory_space<semaphore_mem>>
      %dma_start3A_82 = arith.constant 0 : i32
      %dma_start3A_83 = tpu.memref_slice %arg4[%mul3A_81, %dma_start3A_82] : memref<2048x128xf32, #tpu.memory_space<hbm>> -> memref<64x128xf32, #tpu.memory_space<hbm>>
      %dma_start3A_84 = arith.constant 0 : i32
      %dma_start3A_85 = tpu.memref_slice %arg4[%mul3A_81, %dma_start3A_84] : memref<2048x128xf32, #tpu.memory_space<hbm>> -> memref<64x128xf32, #tpu.memory_space<hbm>>
      tpu.enqueue_dma source(%arg7 : memref<64x128xf32, #tpu.memory_space<vmem>>) target(%dma_start3A_85 : memref<64x128xf32, #tpu.memory_space<hbm>>) target_semaphore(%run_scoped3A : memref<!tpu.dma_semaphore, #tpu.memory_space<semaphore_mem>>)
      %dma_wait3A_86 = arith.constant 0 : i32
      %dma_wait3A_87 = tpu.memref_slice %arg4[%mul3A_81, %dma_wait3A_86] : memref<2048x128xf32, #tpu.memory_space<hbm>> -> memref<64x128xf32, #tpu.memory_space<hbm>>
      %dma_wait3A_88 = arith.constant 0 : i32
      %dma_wait3A_89 = tpu.memref_slice %arg4[%mul3A_81, %dma_wait3A_88] : memref<2048x128xf32, #tpu.memory_space<hbm>> -> memref<64x128xf32, #tpu.memory_space<hbm>>
      tpu.wait_dma2 semaphore(%run_scoped3A : memref<!tpu.dma_semaphore, #tpu.memory_space<semaphore_mem>>) src(%arg7 : memref<64x128xf32, #tpu.memory_space<vmem>>) dst(%dma_wait3A_89 : memref<64x128xf32, #tpu.memory_space<hbm>>)
      tpu.yield
    }) : () -> ()
    return
  }
}

module attributes {stable_mosaic.version = 14 : i64} {
  func.func @_lstm_body(%arg0: i32, %arg1: memref<1x2048x128xbf16, #tpu.memory_space<vmem>>, %arg2: memref<512x128xbf16, #tpu.memory_space<vmem>>, %arg3: memref<512x128xbf16, #tpu.memory_space<vmem>>, %arg4: memref<1x512xf32, #tpu.memory_space<vmem>>, %arg5: memref<1x512xf32, #tpu.memory_space<vmem>>, %arg6: memref<2048x128xf32, #tpu.memory_space<vmem>>, %arg7: memref<2048x128xf32, #tpu.memory_space<vmem>>, %arg8: memref<2048x128xf32, #tpu.memory_space<vmem>>, %arg9: memref<2048x512xf32, #tpu.memory_space<vmem>>) attributes {dimension_semantics = [#tpu.dimension_semantics<arbitrary>], iteration_bounds = array<i64: 32>, scalar_prefetch = 0 : i64, scratch_operands = 3 : i64, tpu.core_type = #tpu.core_type<tc>, window_params = [{transform_indices = @transform_0, window_bounds = array<i64: 1, 2048, 128>}, {pipeline_mode = #tpu.pipeline_mode<synchronous>, transform_indices = @transform_1, window_bounds = array<i64: 512, 128>}, {pipeline_mode = #tpu.pipeline_mode<synchronous>, transform_indices = @transform_2, window_bounds = array<i64: 512, 128>}, {pipeline_mode = #tpu.pipeline_mode<synchronous>, transform_indices = @transform_3, window_bounds = array<i64: 1, 512>}, {pipeline_mode = #tpu.pipeline_mode<synchronous>, transform_indices = @transform_4, window_bounds = array<i64: 1, 512>}, {pipeline_mode = #tpu.pipeline_mode<synchronous>, transform_indices = @transform_5, window_bounds = array<i64: 2048, 128>}]} {
    %eq3A = arith.constant 0 : i32
    %eq3A_0 = arith.cmpi eq, %arg0, %eq3A : i32
    %convert_element_type3A = arith.extui %eq3A_0 : i1 to i32
    %cond3A = arith.constant 0 : i32
    %cond3A_1 = arith.cmpi ne, %convert_element_type3A, %cond3A : i32
    scf.if %cond3A_1 {
      %broadcast_in_dim3A = arith.constant 0.000000e+00 : f32
      %broadcast_in_dim3A_78 = vector.broadcast %broadcast_in_dim3A : f32 to vector<2048x128xf32>
      %swap3A_79 = arith.constant 0 : index
      %swap3A_80 = arith.constant 0 : index
      %swap3A_81 = vector.load %arg7[%swap3A_79, %swap3A_80] : memref<2048x128xf32, #tpu.memory_space<vmem>>, vector<2048x128xf32>
      tpu.vector_store %arg7[%swap3A_79, %swap3A_80], %broadcast_in_dim3A_78 {strides = array<i32>} : memref<2048x128xf32, #tpu.memory_space<vmem>>, vector<2048x128xf32>,
      %broadcast_in_dim3A_82 = arith.constant 0.000000e+00 : f32
      %broadcast_in_dim3A_83 = vector.broadcast %broadcast_in_dim3A_82 : f32 to vector<2048x128xf32>
      %swap3A_84 = arith.constant 0 : index
      %swap3A_85 = arith.constant 0 : index
      %swap3A_86 = vector.load %arg8[%swap3A_84, %swap3A_85] : memref<2048x128xf32, #tpu.memory_space<vmem>>, vector<2048x128xf32>
      tpu.vector_store %arg8[%swap3A_84, %swap3A_85], %broadcast_in_dim3A_83 {strides = array<i32>} : memref<2048x128xf32, #tpu.memory_space<vmem>>, vector<2048x128xf32>,
    } else {
    }
    %get3A = arith.constant 0 : index
    %get3A_2 = arith.constant 0 : index
    %get3A_3 = arith.constant 0 : index
    %get3A_4 = vector.load %arg1[%get3A, %get3A_2, %get3A_3] : memref<1x2048x128xbf16, #tpu.memory_space<vmem>>, vector<1x2048x128xbf16>
    %get3A_5 = vector.shape_cast %get3A_4 : vector<1x2048x128xbf16> to vector<2048x128xbf16>
    %get3A_6 = arith.constant 0 : index
    %get3A_7 = arith.constant 0 : index
    %get3A_8 = vector.load %arg7[%get3A_6, %get3A_7] : memref<2048x128xf32, #tpu.memory_space<vmem>>, vector<2048x128xf32>
    %convert_element_type3A_9 = arith.truncf %get3A_8 : vector<2048x128xf32> to vector<2048x128xbf16>
    %get3A_10 = arith.constant 0 : index
    %get3A_11 = arith.constant 0 : index
    %get3A_12 = vector.load %arg2[%get3A_10, %get3A_11] : memref<512x128xbf16, #tpu.memory_space<vmem>>, vector<512x128xbf16>
    %dot_general3A = arith.constant dense<0.000000e+00> : vector<2048x512xf32>
    %dot_general3A_13 = tpu.matmul %get3A_5, %get3A_12, %dot_general3A {dimension_numbers = #tpu.dot_dimension_numbers<[1], [1], [0], [0], [0, 0, 1, 0], [], []>, transpose_lhs_hint = false} : vector<2048x128xbf16>, vector<512x128xbf16>, vector<2048x512xf32> -> vector<2048x512xf32>
    %get3A_14 = arith.constant 0 : index
    %get3A_15 = arith.constant 0 : index
    %get3A_16 = vector.load %arg4[%get3A_14, %get3A_15] : memref<1x512xf32, #tpu.memory_space<vmem>>, vector<1x512xf32>
    %add3A = vector.broadcast %get3A_16 : vector<1x512xf32> to vector<2048x512xf32>
    %add3A_17 = arith.addf %dot_general3A_13, %add3A : vector<2048x512xf32>
    %swap3A = arith.constant 0 : index
    %swap3A_18 = arith.constant 0 : index
    %swap3A_19 = vector.load %arg9[%swap3A, %swap3A_18] : memref<2048x512xf32, #tpu.memory_space<vmem>>, vector<2048x512xf32>
    tpu.vector_store %arg9[%swap3A, %swap3A_18], %add3A_17 {strides = array<i32>} : memref<2048x512xf32, #tpu.memory_space<vmem>>, vector<2048x512xf32>,
    %get3A_20 = arith.constant 0 : index
    %get3A_21 = arith.constant 0 : index
    %get3A_22 = vector.load %arg9[%get3A_20, %get3A_21] : memref<2048x512xf32, #tpu.memory_space<vmem>>, vector<2048x512xf32>
    %get3A_23 = arith.constant 0 : index
    %get3A_24 = arith.constant 0 : index
    %get3A_25 = vector.load %arg3[%get3A_23, %get3A_24] : memref<512x128xbf16, #tpu.memory_space<vmem>>, vector<512x128xbf16>
    %dot_general3A_26 = arith.constant dense<0.000000e+00> : vector<2048x512xf32>
    %dot_general3A_27 = tpu.matmul %convert_element_type3A_9, %get3A_25, %dot_general3A_26 {dimension_numbers = #tpu.dot_dimension_numbers<[1], [1], [0], [0], [0, 0, 1, 0], [], []>, transpose_lhs_hint = false} : vector<2048x128xbf16>, vector<512x128xbf16>, vector<2048x512xf32> -> vector<2048x512xf32>
    %add3A_28 = arith.addf %get3A_22, %dot_general3A_27 : vector<2048x512xf32>
    %swap3A_29 = arith.constant 0 : index
    %swap3A_30 = arith.constant 0 : index
    %swap3A_31 = vector.load %arg9[%swap3A_29, %swap3A_30] : memref<2048x512xf32, #tpu.memory_space<vmem>>, vector<2048x512xf32>
    tpu.vector_store %arg9[%swap3A_29, %swap3A_30], %add3A_28 {strides = array<i32>} : memref<2048x512xf32, #tpu.memory_space<vmem>>, vector<2048x512xf32>,
    %get3A_32 = arith.constant 0 : index
    %get3A_33 = arith.constant 0 : index
    %get3A_34 = vector.load %arg9[%get3A_32, %get3A_33] : memref<2048x512xf32, #tpu.memory_space<vmem>>, vector<2048x512xf32>
    %get3A_35 = arith.constant 0 : index
    %get3A_36 = arith.constant 0 : index
    %get3A_37 = vector.load %arg5[%get3A_35, %get3A_36] : memref<1x512xf32, #tpu.memory_space<vmem>>, vector<1x512xf32>
    %add3A_38 = vector.broadcast %get3A_37 : vector<1x512xf32> to vector<2048x512xf32>
    %add3A_39 = arith.addf %get3A_34, %add3A_38 : vector<2048x512xf32>
    %slice3A = vector.extract_strided_slice %add3A_39 {offsets = [0, 0], sizes = [2048, 128], strides = [1, 1]} : vector<2048x512xf32> to vector<2048x128xf32>
    %logistic3A = arith.negf %slice3A : vector<2048x128xf32>
    %logistic3A_40 = math.exp %logistic3A : vector<2048x128xf32>
    %logistic3A_41 = arith.constant 1.000000e+00 : f32
    %logistic3A_42 = vector.broadcast %logistic3A_41 : f32 to vector<2048x128xf32>
    %logistic3A_43 = arith.addf %logistic3A_42, %logistic3A_40 : vector<2048x128xf32>
    %logistic3A_44 = arith.divf %logistic3A_42, %logistic3A_43 : vector<2048x128xf32>
    %slice3A_45 = vector.extract_strided_slice %add3A_39 {offsets = [0, 128], sizes = [2048, 128], strides = [1, 1]} : vector<2048x512xf32> to vector<2048x128xf32>
    %logistic3A_46 = arith.negf %slice3A_45 : vector<2048x128xf32>
    %logistic3A_47 = math.exp %logistic3A_46 : vector<2048x128xf32>
    %logistic3A_48 = arith.constant 1.000000e+00 : f32
    %logistic3A_49 = vector.broadcast %logistic3A_48 : f32 to vector<2048x128xf32>
    %logistic3A_50 = arith.addf %logistic3A_49, %logistic3A_47 : vector<2048x128xf32>
    %logistic3A_51 = arith.divf %logistic3A_49, %logistic3A_50 : vector<2048x128xf32>
    %slice3A_52 = vector.extract_strided_slice %add3A_39 {offsets = [0, 256], sizes = [2048, 128], strides = [1, 1]} : vector<2048x512xf32> to vector<2048x128xf32>
    %tanh3A = math.tanh %slice3A_52 : vector<2048x128xf32>
    %slice3A_53 = vector.extract_strided_slice %add3A_39 {offsets = [0, 384], sizes = [2048, 128], strides = [1, 1]} : vector<2048x512xf32> to vector<2048x128xf32>
    %logistic3A_54 = arith.negf %slice3A_53 : vector<2048x128xf32>
    %logistic3A_55 = math.exp %logistic3A_54 : vector<2048x128xf32>
    %logistic3A_56 = arith.constant 1.000000e+00 : f32
    %logistic3A_57 = vector.broadcast %logistic3A_56 : f32 to vector<2048x128xf32>
    %logistic3A_58 = arith.addf %logistic3A_57, %logistic3A_55 : vector<2048x128xf32>
    %logistic3A_59 = arith.divf %logistic3A_57, %logistic3A_58 : vector<2048x128xf32>
    %get3A_60 = arith.constant 0 : index
    %get3A_61 = arith.constant 0 : index
    %get3A_62 = vector.load %arg8[%get3A_60, %get3A_61] : memref<2048x128xf32, #tpu.memory_space<vmem>>, vector<2048x128xf32>
    %mul3A = arith.mulf %logistic3A_51, %get3A_62 : vector<2048x128xf32>
    %mul3A_63 = arith.mulf %logistic3A_44, %tanh3A : vector<2048x128xf32>
    %add3A_64 = arith.addf %mul3A, %mul3A_63 : vector<2048x128xf32>
    %tanh3A_65 = math.tanh %add3A_64 : vector<2048x128xf32>
    %mul3A_66 = arith.mulf %logistic3A_59, %tanh3A_65 : vector<2048x128xf32>
    %swap3A_67 = arith.constant 0 : index
    %swap3A_68 = arith.constant 0 : index
    %swap3A_69 = vector.load %arg8[%swap3A_67, %swap3A_68] : memref<2048x128xf32, #tpu.memory_space<vmem>>, vector<2048x128xf32>
    tpu.vector_store %arg8[%swap3A_67, %swap3A_68], %add3A_64 {strides = array<i32>} : memref<2048x128xf32, #tpu.memory_space<vmem>>, vector<2048x128xf32>,
    %swap3A_70 = arith.constant 0 : index
    %swap3A_71 = arith.constant 0 : index
    %swap3A_72 = vector.load %arg7[%swap3A_70, %swap3A_71] : memref<2048x128xf32, #tpu.memory_space<vmem>>, vector<2048x128xf32>
    tpu.vector_store %arg7[%swap3A_70, %swap3A_71], %mul3A_66 {strides = array<i32>} : memref<2048x128xf32, #tpu.memory_space<vmem>>, vector<2048x128xf32>,
    %eq3A_73 = arith.constant 31 : i32
    %eq3A_74 = arith.cmpi eq, %arg0, %eq3A_73 : i32
    %convert_element_type3A_75 = arith.extui %eq3A_74 : i1 to i32
    %cond3A_76 = arith.constant 0 : i32
    %cond3A_77 = arith.cmpi ne, %convert_element_type3A_75, %cond3A_76 : i32
    scf.if %cond3A_77 {
      %swap3A_78 = arith.constant 0 : index
      %swap3A_79 = arith.constant 0 : index
      %swap3A_80 = vector.load %arg6[%swap3A_78, %swap3A_79] : memref<2048x128xf32, #tpu.memory_space<vmem>>, vector<2048x128xf32>
      tpu.vector_store %arg6[%swap3A_78, %swap3A_79], %mul3A_66 {strides = array<i32>} : memref<2048x128xf32, #tpu.memory_space<vmem>>, vector<2048x128xf32>,
    } else {
    }
    return
  }
  func.func @transform_0(%arg0: i32) -> (i32, i32, i32) {
    %c0_i32 = arith.constant 0 : i32
    %c0_i32_0 = arith.constant 0 : i32
    %c0_i32_1 = arith.constant 0 : i32
    return %arg0, %c0_i32, %c0_i32_0 : i32, i32, i32
  }
  func.func @transform_1(%arg0: i32) -> (i32, i32) {
    %c0_i32 = arith.constant 0 : i32
    %c0_i32_0 = arith.constant 0 : i32
    %c0_i32_1 = arith.constant 0 : i32
    return %c0_i32, %c0_i32_0 : i32, i32
  }
  func.func @transform_2(%arg0: i32) -> (i32, i32) {
    %c0_i32 = arith.constant 0 : i32
    %c0_i32_0 = arith.constant 0 : i32
    %c0_i32_1 = arith.constant 0 : i32
    return %c0_i32, %c0_i32_0 : i32, i32
  }
  func.func @transform_3(%arg0: i32) -> (i32, i32) {
    %c0_i32 = arith.constant 0 : i32
    %c0_i32_0 = arith.constant 0 : i32
    %c0_i32_1 = arith.constant 0 : i32
    return %c0_i32, %c0_i32_0 : i32, i32
  }
  func.func @transform_4(%arg0: i32) -> (i32, i32) {
    %c0_i32 = arith.constant 0 : i32
    %c0_i32_0 = arith.constant 0 : i32
    %c0_i32_1 = arith.constant 0 : i32
    return %c0_i32, %c0_i32_0 : i32, i32
  }
  func.func @transform_5(%arg0: i32) -> (i32, i32) {
    %c0_i32 = arith.constant 0 : i32
    %c0_i32_0 = arith.constant 0 : i32
    %c0_i32_1 = arith.constant 0 : i32
    return %c0_i32, %c0_i32_0 : i32, i32
  }
}

module attributes {stable_mosaic.version = 14 : i64} {
  func.func @_knn_body(%arg0: i32, %arg1: memref<2048x128xf32, #tpu.memory_space<vmem>>, %arg2: memref<1x2048xf32, #tpu.memory_space<vmem>>, %arg3: memref<2048x1xf32, #tpu.memory_space<vmem>>, %arg4: memref<256x16xi32, #tpu.memory_space<vmem>>, %arg5: memref<256x2048xf32, #tpu.memory_space<vmem>>) attributes {dimension_semantics = [#tpu.dimension_semantics<arbitrary>], iteration_bounds = array<i64: 8>, scalar_prefetch = 0 : i64, scratch_operands = 0 : i64, tpu.core_type = #tpu.core_type<tc>, window_params = [{pipeline_mode = #tpu.pipeline_mode<synchronous>, transform_indices = @transform_0, window_bounds = array<i64: 2048, 128>}, {pipeline_mode = #tpu.pipeline_mode<synchronous>, transform_indices = @transform_1, window_bounds = array<i64: 1, 2048>}, {pipeline_mode = #tpu.pipeline_mode<synchronous>, transform_indices = @transform_2, window_bounds = array<i64: 2048, 1>}, {transform_indices = @transform_3, window_bounds = array<i64: 256, 16>}, {transform_indices = @transform_4, window_bounds = array<i64: 256, 2048>}]} {
    %get3A = arith.constant 0 : index
    %get3A_0 = arith.constant 0 : index
    %get3A_1 = vector.load %arg1[%get3A, %get3A_0] : memref<2048x128xf32, #tpu.memory_space<vmem>>, vector<2048x128xf32>
    %mul3A = arith.constant 256 : i32
    %mul3A_2 = arith.muli %arg0, %mul3A : i32
    %get3A_3 = arith.index_cast %mul3A_2 : i32 to index
    %get3A_4 = arith.constant 0 : index
    %get3A_5 = vector.load %arg1[%get3A_3, %get3A_4] : memref<2048x128xf32, #tpu.memory_space<vmem>>, vector<256x128xf32>
    %get3A_6 = arith.constant 0 : index
    %get3A_7 = arith.constant 0 : index
    %get3A_8 = vector.load %arg2[%get3A_6, %get3A_7] : memref<1x2048xf32, #tpu.memory_space<vmem>>, vector<1x2048xf32>
    %mul3A_9 = arith.constant 256 : i32
    %mul3A_10 = arith.muli %arg0, %mul3A_9 : i32
    %get3A_11 = arith.index_cast %mul3A_10 : i32 to index
    %get3A_12 = arith.constant 0 : index
    %get3A_13 = vector.load %arg3[%get3A_11, %get3A_12] : memref<2048x1xf32, #tpu.memory_space<vmem>>, vector<256x1xf32>
    %dot_general3A = arith.constant dense<0.000000e+00> : vector<256x2048xf32>
    %dot_general3A_14 = tpu.matmul %get3A_5, %get3A_1, %dot_general3A {dimension_numbers = #tpu.dot_dimension_numbers<[1], [1], [0], [0], [0, 0, 1, 0], [], []>, transpose_lhs_hint = false} : vector<256x128xf32>, vector<2048x128xf32>, vector<256x2048xf32> -> vector<256x2048xf32>
    %iota3A = tpu.iota {dimensions = array<i32: 1>} : vector<256x2048xi32>
    %mul3A_15 = arith.constant 256 : i32
    %mul3A_16 = arith.muli %arg0, %mul3A_15 : i32
    %iota3A_17 = tpu.iota {dimensions = array<i32: 0>} : vector<256x2048xi32>
    %add3A = vector.broadcast %mul3A_16 : i32 to vector<256x2048xi32>
    %add3A_18 = arith.addi %add3A, %iota3A_17 : vector<256x2048xi32>
    %add3A_19 = vector.broadcast %get3A_13 : vector<256x1xf32> to vector<256x2048xf32>
    %add3A_20 = vector.broadcast %get3A_8 : vector<1x2048xf32> to vector<256x2048xf32>
    %add3A_21 = arith.addf %add3A_19, %add3A_20 : vector<256x2048xf32>
    %mul3A_22 = arith.constant 2.000000e+00 : f32
    %mul3A_23 = vector.broadcast %mul3A_22 : f32 to vector<256x2048xf32>
    %mul3A_24 = arith.mulf %dot_general3A_14, %mul3A_23 : vector<256x2048xf32>
    %sub3A = arith.subf %add3A_21, %mul3A_24 : vector<256x2048xf32>
    %eq3A = arith.cmpi eq, %iota3A, %add3A_18 : vector<256x2048xi32>
    %jit3A = arith.constant 9.99999995E+11 : f32
    %jit3A_25 = arith.constant 0.000000e+00 : f32
    %broadcast_in_dim3A = vector.broadcast %jit3A : f32 to vector<256x2048xf32>
    %broadcast_in_dim3A_26 = vector.broadcast %jit3A_25 : f32 to vector<256x2048xf32>
    %select_n3A = arith.select %eq3A, %broadcast_in_dim3A, %broadcast_in_dim3A_26 : vector<256x2048xi1>, vector<256x2048xf32>
    %add3A_27 = arith.addf %sub3A, %select_n3A : vector<256x2048xf32>
    %iota3A_28 = tpu.iota {dimensions = array<i32: 1>} : vector<256x16xi32>
    %broadcast_in_dim3A_29 = arith.constant 0 : i32
    %broadcast_in_dim3A_30 = vector.broadcast %broadcast_in_dim3A_29 : i32 to vector<256x16xi32>
    %broadcast_in_dim3A_31 = arith.constant 0.000000e+00 : f32
    %broadcast_in_dim3A_32 = vector.broadcast %broadcast_in_dim3A_31 : f32 to vector<256x2048xf32>
    %scan3A = arith.constant 0 : i32
    %scan3A_33 = arith.constant 16 : i32
    %scan3A_34 = arith.addi %scan3A, %scan3A_33 : i32
    %scan3A_35 = arith.constant 1 : i32
    %scan3A_36:3 = scf.for %scan3A_43 = %scan3A to %scan3A_34 step %scan3A_35 iter_args(%scan3A_44 = %add3A_27, %scan3A_45 = %broadcast_in_dim3A_32, %scan3A_46 = %broadcast_in_dim3A_30) -> (vector<256x2048xf32>, vector<256x2048xf32>, vector<256x16xi32>)  : i32 {
      %reduce_min3A = arith.constant dense<0x7F800000> : vector<256xf32>
      %reduce_min3A_47 = vector.multi_reduction <minimumf>, %scan3A_44, %reduce_min3A [1] : vector<256x2048xf32> to vector<256xf32>
      %broadcast_in_dim3A_48 = vector.shape_cast %reduce_min3A_47 : vector<256xf32> to vector<256x1xf32>
      %le3A = vector.broadcast %broadcast_in_dim3A_48 : vector<256x1xf32> to vector<256x2048xf32>
      %le3A_49 = arith.cmpf ole, %scan3A_44, %le3A : vector<256x2048xf32>
      %jit3A_50 = arith.constant 2048 : i32
      %broadcast_in_dim3A_51 = vector.broadcast %jit3A_50 : i32 to vector<256x2048xi32>
      %select_n3A_52 = arith.select %le3A_49, %iota3A, %broadcast_in_dim3A_51 : vector<256x2048xi1>, vector<256x2048xi32>
      %reduce_min3A_53 = arith.constant dense<2147483647> : vector<256xi32>
      %reduce_min3A_54 = vector.multi_reduction <minsi>, %select_n3A_52, %reduce_min3A_53 [1] : vector<256x2048xi32> to vector<256xi32>
      %broadcast_in_dim3A_55 = vector.shape_cast %reduce_min3A_54 : vector<256xi32> to vector<256x1xi32>
      %eq3A_56 = vector.broadcast %broadcast_in_dim3A_55 : vector<256x1xi32> to vector<256x2048xi32>
      %eq3A_57 = arith.cmpi eq, %iota3A, %eq3A_56 : vector<256x2048xi32>
      %jit3A_58 = arith.constant 1.000000e+30 : f32
      %broadcast_in_dim3A_59 = vector.broadcast %jit3A_58 : f32 to vector<256x2048xf32>
      %select_n3A_60 = arith.select %eq3A_57, %broadcast_in_dim3A_59, %scan3A_44 : vector<256x2048xi1>, vector<256x2048xf32>
      %jit3A_61 = arith.constant 1.000000e+00 : f32
      %broadcast_in_dim3A_62 = vector.broadcast %jit3A_61 : f32 to vector<256x2048xf32>
      %select_n3A_63 = arith.select %eq3A_57, %broadcast_in_dim3A_62, %scan3A_45 : vector<256x2048xi1>, vector<256x2048xf32>
      %eq3A_64 = vector.broadcast %scan3A_43 : i32 to vector<256x16xi32>
      %eq3A_65 = arith.cmpi eq, %iota3A_28, %eq3A_64 : vector<256x16xi32>
      %broadcast_in_dim3A_66 = vector.shape_cast %broadcast_in_dim3A_55 : vector<256x1xi32> to vector<256x1xi32>
      %broadcast_in_dim3A_67 = vector.broadcast %broadcast_in_dim3A_66 : vector<256x1xi32> to vector<256x16xi32>
      %select_n3A_68 = arith.select %eq3A_65, %broadcast_in_dim3A_67, %scan3A_46 : vector<256x16xi1>, vector<256x16xi32>
      scf.yield %select_n3A_60, %select_n3A_63, %select_n3A_68 : vector<256x2048xf32>, vector<256x2048xf32>, vector<256x16xi32>
    }
    %scan3A_37 = arith.constant 16 : i32
    %swap3A = arith.constant 0 : index
    %swap3A_38 = arith.constant 0 : index
    %swap3A_39 = vector.load %arg4[%swap3A, %swap3A_38] : memref<256x16xi32, #tpu.memory_space<vmem>>, vector<256x16xi32>
    tpu.vector_store %arg4[%swap3A, %swap3A_38], %scan3A_36#2 {strides = array<i32>} : memref<256x16xi32, #tpu.memory_space<vmem>>, vector<256x16xi32>,
    %swap3A_40 = arith.constant 0 : index
    %swap3A_41 = arith.constant 0 : index
    %swap3A_42 = vector.load %arg5[%swap3A_40, %swap3A_41] : memref<256x2048xf32, #tpu.memory_space<vmem>>, vector<256x2048xf32>
    tpu.vector_store %arg5[%swap3A_40, %swap3A_41], %scan3A_36#1 {strides = array<i32>} : memref<256x2048xf32, #tpu.memory_space<vmem>>, vector<256x2048xf32>,
    return
  }
  func.func @transform_0(%arg0: i32) -> (i32, i32) {
    %c0_i32 = arith.constant 0 : i32
    %c0_i32_0 = arith.constant 0 : i32
    %c0_i32_1 = arith.constant 0 : i32
    return %c0_i32, %c0_i32_0 : i32, i32
  }
  func.func @transform_1(%arg0: i32) -> (i32, i32) {
    %c0_i32 = arith.constant 0 : i32
    %c0_i32_0 = arith.constant 0 : i32
    %c0_i32_1 = arith.constant 0 : i32
    return %c0_i32, %c0_i32_0 : i32, i32
  }
  func.func @transform_2(%arg0: i32) -> (i32, i32) {
    %c0_i32 = arith.constant 0 : i32
    %c0_i32_0 = arith.constant 0 : i32
    %c0_i32_1 = arith.constant 0 : i32
    return %c0_i32, %c0_i32_0 : i32, i32
  }
  func.func @transform_3(%arg0: i32) -> (i32, i32) {
    %c0_i32 = arith.constant 0 : i32
    %c0_i32_0 = arith.constant 0 : i32
    return %arg0, %c0_i32 : i32, i32
  }
  func.func @transform_4(%arg0: i32) -> (i32, i32) {
    %c0_i32 = arith.constant 0 : i32
    %c0_i32_0 = arith.constant 0 : i32
    return %arg0, %c0_i32 : i32, i32
  }
}

module attributes {stable_mosaic.version = 14 : i64} {
  func.func @_gcn_body(%arg0: i32, %arg1: memref<2048x128xf32, #tpu.memory_space<vmem>>, %arg2: memref<2048x128xf32, #tpu.memory_space<vmem>>, %arg3: memref<128x128xf32, #tpu.memory_space<vmem>>, %arg4: memref<1x128xf32, #tpu.memory_space<vmem>>, %arg5: memref<128x128xf32, #tpu.memory_space<vmem>>, %arg6: memref<128x16xf32, #tpu.memory_space<vmem>>, %arg7: memref<1x16xf32, #tpu.memory_space<vmem>>, %arg8: memref<2048x16xf32, #tpu.memory_space<vmem>>) attributes {dimension_semantics = [#tpu.dimension_semantics<arbitrary>], iteration_bounds = array<i64: 1>, scalar_prefetch = 0 : i64, scratch_operands = 0 : i64, tpu.core_type = #tpu.core_type<tc>, window_params = [{pipeline_mode = #tpu.pipeline_mode<synchronous>, transform_indices = @transform_0, window_bounds = array<i64: 2048, 128>}, {pipeline_mode = #tpu.pipeline_mode<synchronous>, transform_indices = @transform_1, window_bounds = array<i64: 2048, 128>}, {pipeline_mode = #tpu.pipeline_mode<synchronous>, transform_indices = @transform_2, window_bounds = array<i64: 128, 128>}, {pipeline_mode = #tpu.pipeline_mode<synchronous>, transform_indices = @transform_3, window_bounds = array<i64: 1, 128>}, {pipeline_mode = #tpu.pipeline_mode<synchronous>, transform_indices = @transform_4, window_bounds = array<i64: 128, 128>}, {pipeline_mode = #tpu.pipeline_mode<synchronous>, transform_indices = @transform_5, window_bounds = array<i64: 128, 16>}, {pipeline_mode = #tpu.pipeline_mode<synchronous>, transform_indices = @transform_6, window_bounds = array<i64: 1, 16>}, {pipeline_mode = #tpu.pipeline_mode<synchronous>, transform_indices = @transform_7, window_bounds = array<i64: 2048, 16>}]} {
    %get3A = arith.constant 0 : index
    %get3A_0 = arith.constant 0 : index
    %get3A_1 = vector.load %arg1[%get3A, %get3A_0] : memref<2048x128xf32, #tpu.memory_space<vmem>>, vector<2048x128xf32>
    %get3A_2 = arith.constant 0 : index
    %get3A_3 = arith.constant 0 : index
    %get3A_4 = vector.load %arg2[%get3A_2, %get3A_3] : memref<2048x128xf32, #tpu.memory_space<vmem>>, vector<2048x128xf32>
    %add3A = arith.addf %get3A_4, %get3A_1 : vector<2048x128xf32>
    %mul3A = arith.constant 0.0588235296 : f32
    %mul3A_5 = vector.broadcast %mul3A : f32 to vector<2048x128xf32>
    %mul3A_6 = arith.mulf %add3A, %mul3A_5 : vector<2048x128xf32>
    %get3A_7 = arith.constant 0 : index
    %get3A_8 = arith.constant 0 : index
    %get3A_9 = vector.load %arg3[%get3A_7, %get3A_8] : memref<128x128xf32, #tpu.memory_space<vmem>>, vector<128x128xf32>
    %dot_general3A = arith.constant dense<0.000000e+00> : vector<2048x128xf32>
    %dot_general3A_10 = tpu.matmul %mul3A_6, %get3A_9, %dot_general3A {dimension_numbers = #tpu.dot_dimension_numbers<[1], [0], [0], [1], [0, 0, 1, 1], [], []>, transpose_lhs_hint = false} : vector<2048x128xf32>, vector<128x128xf32>, vector<2048x128xf32> -> vector<2048x128xf32>
    %get3A_11 = arith.constant 0 : index
    %get3A_12 = arith.constant 0 : index
    %get3A_13 = vector.load %arg4[%get3A_11, %get3A_12] : memref<1x128xf32, #tpu.memory_space<vmem>>, vector<1x128xf32>
    %add3A_14 = vector.broadcast %get3A_13 : vector<1x128xf32> to vector<2048x128xf32>
    %add3A_15 = arith.addf %dot_general3A_10, %add3A_14 : vector<2048x128xf32>
    %get3A_16 = arith.constant 0 : index
    %get3A_17 = arith.constant 0 : index
    %get3A_18 = vector.load %arg5[%get3A_16, %get3A_17] : memref<128x128xf32, #tpu.memory_space<vmem>>, vector<128x128xf32>
    %dot_general3A_19 = arith.constant dense<0.000000e+00> : vector<2048x128xf32>
    %dot_general3A_20 = tpu.matmul %get3A_1, %get3A_18, %dot_general3A_19 {dimension_numbers = #tpu.dot_dimension_numbers<[1], [0], [0], [1], [0, 0, 1, 1], [], []>, transpose_lhs_hint = false} : vector<2048x128xf32>, vector<128x128xf32>, vector<2048x128xf32> -> vector<2048x128xf32>
    %add3A_21 = arith.addf %add3A_15, %dot_general3A_20 : vector<2048x128xf32>
    %max3A = arith.constant 0.000000e+00 : f32
    %max3A_22 = vector.broadcast %max3A : f32 to vector<2048x128xf32>
    %max3A_23 = arith.maximumf %add3A_21, %max3A_22 : vector<2048x128xf32>
    %get3A_24 = arith.constant 0 : index
    %get3A_25 = arith.constant 0 : index
    %get3A_26 = vector.load %arg6[%get3A_24, %get3A_25] : memref<128x16xf32, #tpu.memory_space<vmem>>, vector<128x16xf32>
    %dot_general3A_27 = arith.constant dense<0.000000e+00> : vector<2048x16xf32>
    %dot_general3A_28 = tpu.matmul %max3A_23, %get3A_26, %dot_general3A_27 {dimension_numbers = #tpu.dot_dimension_numbers<[1], [0], [0], [1], [0, 0, 1, 1], [], []>, transpose_lhs_hint = false} : vector<2048x128xf32>, vector<128x16xf32>, vector<2048x16xf32> -> vector<2048x16xf32>
    %get3A_29 = arith.constant 0 : index
    %get3A_30 = arith.constant 0 : index
    %get3A_31 = vector.load %arg7[%get3A_29, %get3A_30] : memref<1x16xf32, #tpu.memory_space<vmem>>, vector<1x16xf32>
    %add3A_32 = vector.broadcast %get3A_31 : vector<1x16xf32> to vector<2048x16xf32>
    %add3A_33 = arith.addf %dot_general3A_28, %add3A_32 : vector<2048x16xf32>
    %reduce_max3A = arith.constant dense<0xFF800000> : vector<2048xf32>
    %reduce_max3A_34 = vector.multi_reduction <maximumf>, %add3A_33, %reduce_max3A [1] : vector<2048x16xf32> to vector<2048xf32>
    %broadcast_in_dim3A = vector.shape_cast %reduce_max3A_34 : vector<2048xf32> to vector<2048x1xf32>
    %sub3A = vector.broadcast %broadcast_in_dim3A : vector<2048x1xf32> to vector<2048x16xf32>
    %sub3A_35 = arith.subf %add3A_33, %sub3A : vector<2048x16xf32>
    %exp3A = math.exp %sub3A_35 : vector<2048x16xf32>
    %reduce_sum3A = arith.constant dense<0.000000e+00> : vector<2048xf32>
    %reduce_sum3A_36 = vector.multi_reduction <add>, %exp3A, %reduce_sum3A [1] : vector<2048x16xf32> to vector<2048xf32>
    %broadcast_in_dim3A_37 = vector.shape_cast %reduce_sum3A_36 : vector<2048xf32> to vector<2048x1xf32>
    %div3A = vector.broadcast %broadcast_in_dim3A_37 : vector<2048x1xf32> to vector<2048x16xf32>
    %div3A_38 = arith.divf %exp3A, %div3A : vector<2048x16xf32>
    %swap3A = arith.constant 0 : index
    %swap3A_39 = arith.constant 0 : index
    %swap3A_40 = vector.load %arg8[%swap3A, %swap3A_39] : memref<2048x16xf32, #tpu.memory_space<vmem>>, vector<2048x16xf32>
    tpu.vector_store %arg8[%swap3A, %swap3A_39], %div3A_38 {strides = array<i32>} : memref<2048x16xf32, #tpu.memory_space<vmem>>, vector<2048x16xf32>,
    return
  }
  func.func @transform_0(%arg0: i32) -> (i32, i32) {
    %c0_i32 = arith.constant 0 : i32
    %c0_i32_0 = arith.constant 0 : i32
    %c0_i32_1 = arith.constant 0 : i32
    return %c0_i32, %c0_i32_0 : i32, i32
  }
  func.func @transform_1(%arg0: i32) -> (i32, i32) {
    %c0_i32 = arith.constant 0 : i32
    %c0_i32_0 = arith.constant 0 : i32
    %c0_i32_1 = arith.constant 0 : i32
    return %c0_i32, %c0_i32_0 : i32, i32
  }
  func.func @transform_2(%arg0: i32) -> (i32, i32) {
    %c0_i32 = arith.constant 0 : i32
    %c0_i32_0 = arith.constant 0 : i32
    %c0_i32_1 = arith.constant 0 : i32
    return %c0_i32, %c0_i32_0 : i32, i32
  }
  func.func @transform_3(%arg0: i32) -> (i32, i32) {
    %c0_i32 = arith.constant 0 : i32
    %c0_i32_0 = arith.constant 0 : i32
    %c0_i32_1 = arith.constant 0 : i32
    return %c0_i32, %c0_i32_0 : i32, i32
  }
  func.func @transform_4(%arg0: i32) -> (i32, i32) {
    %c0_i32 = arith.constant 0 : i32
    %c0_i32_0 = arith.constant 0 : i32
    %c0_i32_1 = arith.constant 0 : i32
    return %c0_i32, %c0_i32_0 : i32, i32
  }
  func.func @transform_5(%arg0: i32) -> (i32, i32) {
    %c0_i32 = arith.constant 0 : i32
    %c0_i32_0 = arith.constant 0 : i32
    %c0_i32_1 = arith.constant 0 : i32
    return %c0_i32, %c0_i32_0 : i32, i32
  }
  func.func @transform_6(%arg0: i32) -> (i32, i32) {
    %c0_i32 = arith.constant 0 : i32
    %c0_i32_0 = arith.constant 0 : i32
    %c0_i32_1 = arith.constant 0 : i32
    return %c0_i32, %c0_i32_0 : i32, i32
  }
  func.func @transform_7(%arg0: i32) -> (i32, i32) {
    %c0_i32 = arith.constant 0 : i32
    %c0_i32_0 = arith.constant 0 : i32
    %c0_i32_1 = arith.constant 0 : i32
    return %c0_i32, %c0_i32_0 : i32, i32
  }
}

module attributes {stable_mosaic.version = 14 : i64} {
  func.func @_pool_body(%arg0: i32, %arg1: memref<2048x16xf32, #tpu.memory_space<vmem>>, %arg2: memref<2048x2048xf32, #tpu.memory_space<vmem>>, %arg3: memref<1x1xf32, #tpu.memory_space<vmem>>, %arg4: memref<1x1xf32, #tpu.memory_space<vmem>>, %arg5: memref<1x1xf32, #tpu.memory_space<vmem>>) attributes {dimension_semantics = [#tpu.dimension_semantics<arbitrary>], iteration_bounds = array<i64: 1>, scalar_prefetch = 0 : i64, scratch_operands = 0 : i64, tpu.core_type = #tpu.core_type<tc>, window_params = [{pipeline_mode = #tpu.pipeline_mode<synchronous>, transform_indices = @transform_0, window_bounds = array<i64: 2048, 16>}, {pipeline_mode = #tpu.pipeline_mode<synchronous>, transform_indices = @transform_1, window_bounds = array<i64: 2048, 2048>}, {pipeline_mode = #tpu.pipeline_mode<synchronous>, transform_indices = @transform_2, window_bounds = array<i64: 1, 1>}, {pipeline_mode = #tpu.pipeline_mode<synchronous>, transform_indices = @transform_3, window_bounds = array<i64: 1, 1>}, {pipeline_mode = #tpu.pipeline_mode<synchronous>, transform_indices = @transform_4, window_bounds = array<i64: 1, 1>}]} {
    %get3A = arith.constant 0 : index
    %get3A_0 = arith.constant 0 : index
    %get3A_1 = vector.load %arg1[%get3A, %get3A_0] : memref<2048x16xf32, #tpu.memory_space<vmem>>, vector<2048x16xf32>
    %transpose3A = tpu.transpose %get3A_1, [1, 0] : vector<2048x16xf32> -> vector<16x2048xf32>
    %get3A_2 = arith.constant 0 : index
    %get3A_3 = arith.constant 0 : index
    %get3A_4 = vector.load %arg2[%get3A_2, %get3A_3] : memref<2048x2048xf32, #tpu.memory_space<vmem>>, vector<2048x2048xf32>
    %convert_element_type3A = arith.truncf %transpose3A : vector<16x2048xf32> to vector<16x2048xbf16>
    %convert_element_type3A_5 = arith.truncf %get3A_1 : vector<2048x16xf32> to vector<2048x16xbf16>
    %convert_element_type3A_6 = arith.truncf %get3A_4 : vector<2048x2048xf32> to vector<2048x2048xbf16>
    %dot_general3A = arith.constant dense<0.000000e+00> : vector<16x2048xf32>
    %dot_general3A_7 = tpu.matmul %convert_element_type3A, %convert_element_type3A_6, %dot_general3A {dimension_numbers = #tpu.dot_dimension_numbers<[1], [1], [0], [0], [0, 0, 1, 0], [], []>, transpose_lhs_hint = false} : vector<16x2048xbf16>, vector<2048x2048xbf16>, vector<16x2048xf32> -> vector<16x2048xf32>
    %convert_element_type3A_8 = arith.truncf %dot_general3A_7 : vector<16x2048xf32> to vector<16x2048xbf16>
    %dot_general3A_9 = arith.constant dense<0.000000e+00> : vector<16x16xf32>
    %dot_general3A_10 = tpu.matmul %convert_element_type3A_8, %convert_element_type3A_5, %dot_general3A_9 {dimension_numbers = #tpu.dot_dimension_numbers<[1], [0], [0], [1], [0, 0, 1, 1], [], []>, transpose_lhs_hint = false} : vector<16x2048xbf16>, vector<2048x16xbf16>, vector<16x16xf32> -> vector<16x16xf32>
    %reduce_sum3A = arith.constant dense<0.000000e+00> : vector<2048xf32>
    %reduce_sum3A_11 = vector.multi_reduction <add>, %get3A_4, %reduce_sum3A [0] : vector<2048x2048xf32> to vector<2048xf32>
    %broadcast_in_dim3A = vector.shape_cast %reduce_sum3A_11 : vector<2048xf32> to vector<1x2048xf32>
    %convert_element_type3A_12 = arith.extf %convert_element_type3A : vector<16x2048xbf16> to vector<16x2048xf32>
    %convert_element_type3A_13 = arith.truncf %broadcast_in_dim3A : vector<1x2048xf32> to vector<1x2048xbf16>
    %convert_element_type3A_14 = arith.extf %convert_element_type3A_13 : vector<1x2048xbf16> to vector<1x2048xf32>
    %mul3A = vector.broadcast %convert_element_type3A_14 : vector<1x2048xf32> to vector<16x2048xf32>
    %mul3A_15 = arith.mulf %convert_element_type3A_12, %mul3A : vector<16x2048xf32>
    %reduce_sum3A_16 = arith.constant dense<0.000000e+00> : vector<16xf32>
    %reduce_sum3A_17 = vector.multi_reduction <add>, %mul3A_15, %reduce_sum3A_16 [1] : vector<16x2048xf32> to vector<16xf32>
    %broadcast_in_dim3A_18 = vector.shape_cast %reduce_sum3A_17 : vector<16xf32> to vector<16x1xf32>
    %iota3A = tpu.iota {dimensions = array<i32: 0>} : vector<16x16xi32>
    %iota3A_19 = tpu.iota {dimensions = array<i32: 1>} : vector<16x16xi32>
    %eq3A = arith.cmpi eq, %iota3A, %iota3A_19 : vector<16x16xi32>
    %transpose3A_20 = tpu.transpose %broadcast_in_dim3A_18, [1, 0] : vector<16x1xf32> -> vector<1x16xf32>
    %mul3A_21 = vector.broadcast %broadcast_in_dim3A_18 : vector<16x1xf32> to vector<16x16xf32>
    %mul3A_22 = vector.broadcast %transpose3A_20 : vector<1x16xf32> to vector<16x16xf32>
    %mul3A_23 = arith.mulf %mul3A_21, %mul3A_22 : vector<16x16xf32>
    %mul3A_24 = arith.constant 5.000000e-01 : f32
    %mul3A_25 = vector.broadcast %mul3A_24 : f32 to vector<16x16xf32>
    %mul3A_26 = arith.mulf %mul3A_23, %mul3A_25 : vector<16x16xf32>
    %div3A = arith.constant 1.638400e+04 : f32
    %div3A_27 = vector.broadcast %div3A : f32 to vector<16x16xf32>
    %div3A_28 = arith.divf %mul3A_26, %div3A_27 : vector<16x16xf32>
    %sub3A = arith.subf %dot_general3A_10, %div3A_28 : vector<16x16xf32>
    %jit3A = arith.constant 0.000000e+00 : f32
    %broadcast_in_dim3A_29 = vector.broadcast %jit3A : f32 to vector<16x16xf32>
    %select_n3A = arith.select %eq3A, %sub3A, %broadcast_in_dim3A_29 : vector<16x16xi1>, vector<16x16xf32>
    %reduce_sum3A_30 = vector.shape_cast %select_n3A : vector<16x16xf32> to vector<1x16x16xf32>
    %reduce_sum3A_31 = arith.constant dense<0.000000e+00> : vector<1xf32>
    %reduce_sum3A_32 = vector.multi_reduction <add>, %reduce_sum3A_30, %reduce_sum3A_31 [1, 2] : vector<1x16x16xf32> to vector<1xf32>
    %reduce_sum3A_33 = vector.shape_cast %reduce_sum3A_32 : vector<1xf32> to vector<1x1x1xf32>
    %reduce_sum3A_34 = vector.extract %reduce_sum3A_33[0, 0, 0] : f32 from vector<1x1x1xf32>
    %neg3A = arith.constant 0.000000e+00 : f32
    %neg3A_35 = arith.subf %neg3A, %reduce_sum3A_34 : f32
    %div3A_36 = arith.constant 2.000000e+00 : f32
    %div3A_37 = arith.divf %neg3A_35, %div3A_36 : f32
    %div3A_38 = arith.constant 1.638400e+04 : f32
    %div3A_39 = arith.divf %div3A_37, %div3A_38 : f32
    %broadcast_in_dim3A_40 = vector.broadcast %div3A_39 : f32 to vector<1x1xf32>
    %swap3A = arith.constant 0 : index
    %swap3A_41 = arith.constant 0 : index
    %swap3A_42 = vector.load %arg3[%swap3A, %swap3A_41] : memref<1x1xf32, #tpu.memory_space<vmem>>, vector<1x1xf32>
    tpu.vector_store %arg3[%swap3A, %swap3A_41], %broadcast_in_dim3A_40 {strides = array<i32>} : memref<1x1xf32, #tpu.memory_space<vmem>>, vector<1x1xf32>,
    %dot_general3A_43 = arith.constant dense<0.000000e+00> : vector<16x16xf32>
    %dot_general3A_44 = tpu.matmul %transpose3A, %get3A_1, %dot_general3A_43 {dimension_numbers = #tpu.dot_dimension_numbers<[1], [0], [0], [1], [0, 0, 1, 1], [], []>, transpose_lhs_hint = false} : vector<16x2048xf32>, vector<2048x16xf32>, vector<16x16xf32> -> vector<16x16xf32>
    %mul3A_45 = arith.mulf %dot_general3A_44, %dot_general3A_44 : vector<16x16xf32>
    %reduce_sum3A_46 = vector.shape_cast %mul3A_45 : vector<16x16xf32> to vector<1x16x16xf32>
    %reduce_sum3A_47 = arith.constant dense<0.000000e+00> : vector<1xf32>
    %reduce_sum3A_48 = vector.multi_reduction <add>, %reduce_sum3A_46, %reduce_sum3A_47 [1, 2] : vector<1x16x16xf32> to vector<1xf32>
    %reduce_sum3A_49 = vector.shape_cast %reduce_sum3A_48 : vector<1xf32> to vector<1x1x1xf32>
    %reduce_sum3A_50 = vector.extract %reduce_sum3A_49[0, 0, 0] : f32 from vector<1x1x1xf32>
    %sqrt3A = math.sqrt %reduce_sum3A_50 : f32
    %div3A_51 = vector.broadcast %sqrt3A : f32 to vector<16x16xf32>
    %div3A_52 = arith.divf %dot_general3A_44, %div3A_51 : vector<16x16xf32>
    %jit3A_53 = arith.constant 2.500000e-01 : f32
    %jit3A_54 = arith.constant 0.000000e+00 : f32
    %broadcast_in_dim3A_55 = vector.broadcast %jit3A_53 : f32 to vector<16x16xf32>
    %broadcast_in_dim3A_56 = vector.broadcast %jit3A_54 : f32 to vector<16x16xf32>
    %select_n3A_57 = arith.select %eq3A, %broadcast_in_dim3A_55, %broadcast_in_dim3A_56 : vector<16x16xi1>, vector<16x16xf32>
    %sub3A_58 = arith.subf %div3A_52, %select_n3A_57 : vector<16x16xf32>
    %mul3A_59 = arith.mulf %sub3A_58, %sub3A_58 : vector<16x16xf32>
    %reduce_sum3A_60 = vector.shape_cast %mul3A_59 : vector<16x16xf32> to vector<1x16x16xf32>
    %reduce_sum3A_61 = arith.constant dense<0.000000e+00> : vector<1xf32>
    %reduce_sum3A_62 = vector.multi_reduction <add>, %reduce_sum3A_60, %reduce_sum3A_61 [1, 2] : vector<1x16x16xf32> to vector<1xf32>
    %reduce_sum3A_63 = vector.shape_cast %reduce_sum3A_62 : vector<1xf32> to vector<1x1x1xf32>
    %reduce_sum3A_64 = vector.extract %reduce_sum3A_63[0, 0, 0] : f32 from vector<1x1x1xf32>
    %sqrt3A_65 = math.sqrt %reduce_sum3A_64 : f32
    %broadcast_in_dim3A_66 = vector.broadcast %sqrt3A_65 : f32 to vector<1x1xf32>
    %swap3A_67 = arith.constant 0 : index
    %swap3A_68 = arith.constant 0 : index
    %swap3A_69 = vector.load %arg4[%swap3A_67, %swap3A_68] : memref<1x1xf32, #tpu.memory_space<vmem>>, vector<1x1xf32>
    tpu.vector_store %arg4[%swap3A_67, %swap3A_68], %broadcast_in_dim3A_66 {strides = array<i32>} : memref<1x1xf32, #tpu.memory_space<vmem>>, vector<1x1xf32>,
    %reduce_sum3A_70 = arith.constant dense<0.000000e+00> : vector<16xf32>
    %reduce_sum3A_71 = vector.multi_reduction <add>, %get3A_1, %reduce_sum3A_70 [0] : vector<2048x16xf32> to vector<16xf32>
    %broadcast_in_dim3A_72 = vector.shape_cast %reduce_sum3A_71 : vector<16xf32> to vector<1x16xf32>
    %mul3A_73 = arith.mulf %broadcast_in_dim3A_72, %broadcast_in_dim3A_72 : vector<1x16xf32>
    %reduce_sum3A_74 = vector.shape_cast %mul3A_73 : vector<1x16xf32> to vector<1x1x16xf32>
    %reduce_sum3A_75 = arith.constant dense<0.000000e+00> : vector<1xf32>
    %reduce_sum3A_76 = vector.multi_reduction <add>, %reduce_sum3A_74, %reduce_sum3A_75 [1, 2] : vector<1x1x16xf32> to vector<1xf32>
    %reduce_sum3A_77 = vector.shape_cast %reduce_sum3A_76 : vector<1xf32> to vector<1x1x1xf32>
    %reduce_sum3A_78 = vector.extract %reduce_sum3A_77[0, 0, 0] : f32 from vector<1x1x1xf32>
    %sqrt3A_79 = math.sqrt %reduce_sum3A_78 : f32
    %div3A_80 = arith.constant 2.048000e+03 : f32
    %div3A_81 = arith.divf %sqrt3A_79, %div3A_80 : f32
    %mul3A_82 = arith.constant 4.000000e+00 : f32
    %mul3A_83 = arith.mulf %div3A_81, %mul3A_82 : f32
    %sub3A_84 = arith.constant 1.000000e+00 : f32
    %sub3A_85 = arith.subf %mul3A_83, %sub3A_84 : f32
    %broadcast_in_dim3A_86 = vector.broadcast %sub3A_85 : f32 to vector<1x1xf32>
    %swap3A_87 = arith.constant 0 : index
    %swap3A_88 = arith.constant 0 : index
    %swap3A_89 = vector.load %arg5[%swap3A_87, %swap3A_88] : memref<1x1xf32, #tpu.memory_space<vmem>>, vector<1x1xf32>
    tpu.vector_store %arg5[%swap3A_87, %swap3A_88], %broadcast_in_dim3A_86 {strides = array<i32>} : memref<1x1xf32, #tpu.memory_space<vmem>>, vector<1x1xf32>,
    return
  }
  func.func @transform_0(%arg0: i32) -> (i32, i32) {
    %c0_i32 = arith.constant 0 : i32
    %c0_i32_0 = arith.constant 0 : i32
    %c0_i32_1 = arith.constant 0 : i32
    return %c0_i32, %c0_i32_0 : i32, i32
  }
  func.func @transform_1(%arg0: i32) -> (i32, i32) {
    %c0_i32 = arith.constant 0 : i32
    %c0_i32_0 = arith.constant 0 : i32
    %c0_i32_1 = arith.constant 0 : i32
    return %c0_i32, %c0_i32_0 : i32, i32
  }
  func.func @transform_2(%arg0: i32) -> (i32, i32) {
    %c0_i32 = arith.constant 0 : i32
    %c0_i32_0 = arith.constant 0 : i32
    %c0_i32_1 = arith.constant 0 : i32
    return %c0_i32, %c0_i32_0 : i32, i32
  }
  func.func @transform_3(%arg0: i32) -> (i32, i32) {
    %c0_i32 = arith.constant 0 : i32
    %c0_i32_0 = arith.constant 0 : i32
    %c0_i32_1 = arith.constant 0 : i32
    return %c0_i32, %c0_i32_0 : i32, i32
  }
  func.func @transform_4(%arg0: i32) -> (i32, i32) {
    %c0_i32 = arith.constant 0 : i32
    %c0_i32_0 = arith.constant 0 : i32
    %c0_i32_1 = arith.constant 0 : i32
    return %c0_i32, %c0_i32_0 : i32, i32
  }
}

</mosaic_0001>

<sc_bundles>
// kernel: kernel.7.cloned.1.call-start
scs
__scs_entry_jumppad:
0x0: {  	(pc) =	sbr.rel $0x88, $3  }
0x1: {  	(tag) =	ssettag $0x0;
	lr =	simm.s32 $0x1  }
0x2: {  	[smem:$0x3F97] =	sst lr;
	_ =	strace $0xD0000000  }
0x3: {  	_ = 	snop  }
0x4: {  	_ = 	snop  }
0x5: {  	_ = 	snop  }
0x6: {  	_ = 	snop  }
0x7: {  	_ = 	snop  }
__scs_overlays_trampoline_lowered:
0x8: {  	[smem:$0x3FA6] =	sst s0  }
0x9: {  	[smem:$0x3FA7] =	sst s1  }
0xa: {  	[smem:$0x3FA8] =	sst s2  }
0xb: {  	[smem:$0x3FA9] =	sst s3  }
0xc: {  	[smem:$0x3FAA] =	sst s4  }
0xd: {  	[smem:$0x3FAB] =	sst s5  }
0xe: {  	[smem:$0x3FAC] =	sst s6  }
0xf: {  	[smem:$0x3FAD] =	sst s7  }
0x10: {  	[smem:$0x3FAE] =	sst s8  }
0x11: {  	[smem:$0x3FAF] =	sst s9;
	s0 =	simm.s32 @!p0 $0x0  }
0x12: {  	s1 =	sld [smem:$0x3F95];
	s0 =	simm.s32 @p0 $0x1  }
0x13: {  	[smem:$0x3FB0] =	sst s0;
	s0 =	simm.s32 @!p1 $0x0  }
0x14: {  	s2 =	sld [smem:$0x3F94];
	s0 =	simm.s32 @p1 $0x1  }
0x15: {  	[smem:$0x3FB1] =	sst s0;
	s0 =	simm.s32 @!p2 $0x0  }
0x16: {  	s3 =	sld [smem:$0x3FDB];
	s0 =	simm.s32 @p2 $0x1  }
0x17: {  	s4 =	simm.s32 $0x1BF5;
	[smem:$0x3FB3] =	sst s0  }
0x18: {  	s0 =	sld [smem:$0x3F96];
	_ =	swait.ge [sflag:s4], $0x0  }
0x19: {  	s7 =	sld [smem:$0x3F97]  }
0x1a: {  	s8 =	sadd.s32 $0xFFFFE003, lr  }
0x1b: {  	s9 =	sadd.s32 $0xFFFFFEF7, lr;
	s5 =	simm.s32 $0xFFFFFFFF;
	p2 =	slt.u32 s8, $0xFFFFF086  }
0x1c: {  	p1 =	slt.u32 s9, $0xF7A;
	s5 =	simm.s32 @!p2 $0x0  }
0x1d: {  	s5 =	simm.s32 @p1 $0x1;
	p0 =	seq.s32 s7, s2  }
0x1e: {  	s7 =	smul.u32 @!p0 $0xF7A, s2;
	p2 =	seq.s32 @!p0 s5, $0x0  }
0x1f: {  	s9 =	smul.u32 $0xF7A, s1;
	s8 =	simm.s32 @!p0 $0x1BF5;
	p2 =	por !p2, p0  }
0x20: {  	[sflag:s8] =	ssyncset.s32 @!p0 $0xFFFFF086;
	s6 =	sadd.s32 @!p0 s3, s7;
	s7 =	simm.s32 @!p0 $0x108  }
0x21: {  	s3 =	sadd.s32 s3, s9;
	s6 =	sadd.s32 @!p0 $0x88, s6;
	s7 =	simm.s32 @p2 $0x1082  }
0x22: {  	[simem:s7], [sflag:s8] =	dma.local @!p0 [hbm:s6], $0xF7A  }
0x23: {  	s9 =	sor.u32 $0xD0000000, s2;
	s6 =	simm.s32 $0x108;
	_ =	swait.ge @!p0 [sflag:s8], $0x0  }
0x24: {  	s3 =	sadd.s32 $0x88, s3;
	s6 =	simm.s32 @!p1 $0x1082;
	[sflag:s4] =	ssyncset.s32 $0xFFFFF086  }
0x25: {  	[simem:s6], [sflag:s4] =	dma.local [hbm:s3], $0xF7A  }
0x26: {  	[smem:$0x3F97] =	sst s1;
	(tag) =	ssettag s2;
	_ =	strace s9  }
0x27: {  	s1 =	sld [smem:$0x3FA7]  }
0x28: {  	s2 =	sld [smem:$0x3FA8]  }
0x29: {  	s4 =	sld [smem:$0x3FAA]  }
0x2a: {  	p0 =	seq.s32 s5, $0x0;
	s5 =	sld [smem:$0x3FAB]  }
0x2b: {  	s6 =	sld [smem:$0x3FAC]  }
0x2c: {  	s7 =	sld [smem:$0x3FAD]  }
0x2d: {  	s3 =	simm.s32 $0x108;
	s8 =	sld [smem:$0x3FAE]  }
0x2e: {  	s3 =	simm.s32 @!p0 $0x1082;
	s9 =	sld [smem:$0x3FAF]  }
0x2f: {  	lr =	sadd.s32 s0, s3;
	s0 =	sld [smem:$0x3FA6]  }
0x30: {  	s3 =	sld [smem:$0x3FA9]  }
0x31: {  	[smem:$0x3FB2] =	sst s10  }
0x32: {  	s10 =	sld [smem:$0x3FB0];
	_ =	sdelay $0x3  }
0x33: {  	p0 =	seq.s32 s10, $0x1;
	s10 =	sld [smem:$0x3FB2];
	_ =	sdelay $0x3  }
0x34: {  	[smem:$0x3FB2] =	sst s10  }
0x35: {  	s10 =	sld [smem:$0x3FB1];
	_ =	sdelay $0x3  }
0x36: {  	p1 =	seq.s32 s10, $0x1;
	s10 =	sld [smem:$0x3FB2];
	_ =	sdelay $0x3  }
0x37: {  	[smem:$0x3FB2] =	sst s10  }
0x38: {  	s10 =	sld [smem:$0x3FB3]  }
0x39: {  	_ = 	snop;
	(pc) =	sbr.ind lr, $3  }
0x3a: {  	_ = 	snop  }
0x3b: {  	_ = 	snop  }
0x3c: {  	p2 =	seq.s32 s10, $0x1;
	s10 =	sld [smem:$0x3FB2]  }
0x3d: {  	_ =	shalt  }
0x3e: {  	_ =	shalt  }
0x3f: {  	_ =	shalt  }
0x40: {  	_ =	shalt  }
0x41: {  	_ =	shalt  }
0x42: {  	_ =	shalt  }
0x43: {  	_ =	shalt  }
0x44: {  	_ =	shalt  }
0x45: {  	_ =	shalt  }
0x46: {  	_ =	shalt  }
0x47: {  	_ =	shalt  }
0x48: {  	_ =	shalt  }
0x49: {  	_ =	shalt  }
0x4a: {  	_ =	shalt  }
0x4b: {  	_ =	shalt  }
0x4c: {  	_ =	shalt  }
0x4d: {  	_ =	shalt  }
0x4e: {  	_ =	shalt  }
0x4f: {  	_ =	shalt  }
0x50: {  	_ =	shalt  }
0x51: {  	_ =	shalt  }
0x52: {  	_ =	shalt  }
0x53: {  	_ =	shalt  }
0x54: {  	_ =	shalt  }
0x55: {  	_ =	shalt  }
0x56: {  	_ =	shalt  }
0x57: {  	_ =	shalt  }
0x58: {  	_ =	shalt  }
0x59: {  	_ =	shalt  }
0x5a: {  	_ =	shalt  }
0x5b: {  	_ =	shalt  }
0x5c: {  	_ =	shalt  }
0x5d: {  	_ =	shalt  }
0x5e: {  	_ =	shalt  }
0x5f: {  	_ =	shalt  }
0x60: {  	_ =	shalt  }
0x61: {  	_ =	shalt  }
0x62: {  	_ =	shalt  }
0x63: {  	_ =	shalt  }
0x64: {  	_ =	shalt  }
0x65: {  	_ =	shalt  }
0x66: {  	_ =	shalt  }
0x67: {  	_ =	shalt  }
0x68: {  	_ =	shalt  }
0x69: {  	_ =	shalt  }
0x6a: {  	_ =	shalt  }
0x6b: {  	_ =	shalt  }
0x6c: {  	_ =	shalt  }
0x6d: {  	_ =	shalt  }
0x6e: {  	_ =	shalt  }
0x6f: {  	_ =	shalt  }
0x70: {  	_ =	shalt  }
0x71: {  	_ =	shalt  }
0x72: {  	_ =	shalt  }
0x73: {  	_ =	shalt  }
0x74: {  	_ =	shalt  }
0x75: {  	_ =	shalt  }
0x76: {  	_ =	shalt  }
0x77: {  	_ =	shalt  }
0x78: {  	_ =	shalt  }
0x79: {  	_ =	shalt  }
0x7a: {  	_ =	shalt  }
0x7b: {  	_ =	shalt  }
0x7c: {  	_ =	shalt  }
0x7d: {  	_ =	shalt  }
0x7e: {  	_ =	shalt  }
0x7f: {  	_ =	shalt  }
0x80: {  	_ =	shalt  }
0x81: {  	_ =	shalt  }
0x82: {  	_ =	shalt  }
0x83: {  	_ =	shalt  }
0x84: {  	_ =	shalt  }
0x85: {  	_ =	shalt  }
0x86: {  	_ =	shalt  }
0x87: {  	_ =	shalt  }
.Lfunc_end0:
.L_simem_size_0:
called_computation_lowered:
.L_overlay_start_0:
0x88: {  	s2 =	sld [smem:$0x3FD9]  }
0x89: {  	s3 =	sld [smem:$0x3FFE];
	_ =	sdelay $0x1  }
0x8a: {  	s1 =	srdreg.scid  }
0x8b: {  	s0 =	sand.u32 $0x1, s1  }
0x8c: {  	s14 =	sshll.u32 s0, $0xA;
	s2 =	sadd.s32 s3, s2  }
0x8d: {  	s2 =	sadd.s32 s2, s14  }
0x8e: {  	[smem:$0x3FBE] =	sst s2  }
0x8f: {  	_ = 	snop  }
0x90: {  	s2 =	sld [smem:$0x3FD0];
	_ =	sdelay $0x2  }
0x91: {  	s15 =	simm.s32 $0xA;
	s4 =	simm.s32 $0x10  }
0x92: {  	[smem:s4], [sflag:s15] =	dma.local [hbm:s2], $0x1  }
0x93: {  	_ =	swait.eq [sflag:s15], $0x1  }
0x94: {  	[sflag:s15] =	ssyncset.done $0x0  }
0x95: {  	[sflag:s15] =	ssyncadd.s32 $0xFFFFFFFF  }
0x96: {  	s16 =	sld [smem:$0x10];
	(tm) =	ssettm $0x1  }
0x97: {  	s17 =	sld [smem:$0x3FFB];
	_ =	sdelay $0x3  }
0x98: {  	_ =	strace s17  }
0x99: {  	s3 =	sld [smem:$0x3FFC];
	_ =	sdelay $0x3  }
0x9a: {  	_ =	strace s3  }
0x9b: {  	s3 =	sld [smem:$0x3FFD];
	_ =	sdelay $0x3  }
0x9c: {  	_ =	strace s3  }
0x9d: {  	_ =	strace $0x8FFFFFFF  }
0x9e: {  	s18 =	sld [smem:$0x3FDB];
	_ =	sdelay $0x1  }
0x9f: {  	s19 =	simm.s32 $_scs_section_size  }
0xa0: {  	s5 =	simm.s32 $_size__tile_overlayer_lowered;
	s6 =	simm.s32 $_tile_overlayer_lowered  }
0xa1: {  	s22 =	simm.s32 $0x1BFF;
	s21 =	sshll.u32 s6, $0x1;
	s3 =	sadd.s32 s19, s18  }
0xa2: {  	s7 =	simm.s32 $0x0;
	s20 =	sshll.u32 s5, $0x1;
	s5 =	sadd.s32 s21, s3  }
0xa3: {  	[timem:s7], [sflag:s22] =	dma.local [hbm:s5], s20  }
0xa4: {  	_ =	swait.ge [sflag:s22], s20  }
0xa5: {  	s4 =	ssub.s32 $0x0, s20;
	[sflag:s22] =	ssyncset.done $0x0  }
0xa6: {  	[sflag:s22] =	ssyncadd.s32 s4;
	_ =	sdelay $0x1  }
0xa7: {  	s23 =	simm.s32 $0x1B8B  }
0xa8: {  	_ =	swait.ge [sflag:s23], $0x1  }
0xa9: {  	[sflag:s23] =	ssyncset.done $0x0  }
0xaa: {  	s25 =	simm.s32 $0x1B8E;
	s24 =	sld [smem:$0x3FFE];
	[sflag:s23] =	ssyncadd.s32 $0xFFFFFFFF  }
0xab: {  	s26 =	simm.s32 $execute0_lowered;
	[smem:$0x3FD2] =	sst s25  }
0xac: {  	s5 =	sshll.u32 s26, $0x1;
	_ =	strace $0x80000046;
	[dreg:$0x1] =	wrdreg $0xFFFFFFFF  }
0xad: {  	s28 =	simm.s32 $_size_execute0_lowered;
	s3 =	sadd.s32 s3, s5;
	[dreg:$0x0] =	wrdreg $0x0  }
0xae: {  	s5 =	sshll.u32 s28, $0x1;
	[dreg:$0x2] =	wrdreg s3  }
0xaf: {  	[dreg:$0x3] =	wrdreg s5  }
0xb0: {  	[dreg:$0x4] =	wrdreg $0xC0  }
0xb1: {  	_ =	task [dreg:s7], $0x5FFFF  }
0xb2: {  	[dreg:$0x1] =	wrdreg $0xFFFFFFFF  }
0xb3: {  	[dreg:$0x0] =	wrdreg $0x60  }
0xb4: {  	[dreg:$0x2] =	wrdreg s24  }
0xb5: {  	[dreg:$0x3] =	wrdreg s16  }
0xb6: {  	[dreg:$0x4] =	wrdreg $0x9  }
0xb7: {  	_ =	task.clear_ibuf [dreg:s7], $0x5FFFF;
	_ =	strace $0x90000046  }
0xb8: {  	s29 =	simm.s32 $0x9;
	_ =	strace $0x80000048  }
0xb9: {  	_ =	swait.ge [sflag:s29], $0x1  }
0xba: {  	[sflag:s29] =	ssyncadd.s32 $0xFFFFFFFF  }
0xbb: {  	_ =	strace $0x90000048  }
0xbc: {  	_ =	sfence  }
0xbd: {  	s30 =	sld [smem:$0x0];
	_ =	sdelay $0x2  }
0xbe: {  	s31 =	sshll.u32 s1, $0xD;
	s1 =	sshrl.u32 s1, $0x2  }
0xbf: {  	s3 =	sand.u32 $0x4000, s31;
	s1 =	sadd.s32 s1, s30  }
0xc0: {  	s0 =	sor.u32 s3, s0;
	s1 =	sshll.u32 s1, $0x11  }
0xc1: {  	s0 =	sor.u32 s1, s0  }
0xc2: {  	s0 =	sadd.s32 $0x8F2B, s0  }
0xc3: {  	[sflag:s0] =	ssyncadd.remote.s32 $0x1  }
0xc4: {  	_ =	sfence.sel $0xFFFF  }
0xc5: {  	[dreg:$0x0] =	wrdreg $0xFFFFFFFF;
	(pc) =	sbr.abs _section_cstart, $3  }
0xc6: {  	[dreg:$0x1] =	wrdreg $0xFFFFFFFF  }
0xc7: {  	_ =	task.clear_ibuf [dreg:s7], $0x2FFFF;
	_ =	strace $0x9FFFFFFF  }
0xc8: {  	(tm) =	ssettm $0x7FFFFFFF  }
0xc9: {  	_ =	shalt  }
tec
execute0_lowered:
.L_overlay_start_1:
0x0: {  	(tag) =	ssettag $0x1  }
0x1: {  	s4 =	rddreg [dreg:$0x0]  }
0x2: {  	s5 =	rddreg [dreg:$0x1]  }
0x3: {  	s0 =	rddreg [dreg:$0x2];
	s2 =	simm.s32 $0x0;
	s3 =	srdreg.scid  }
0x4: {  	s1 =	stileid.u32;
	s9 =	simm.s32 $0x400;
	s10 =	simm.s32 $0x1  }
0x5: {  	s11 =	simm.s32 $0x200;
	s12 =	simm.s32 $0x300;
	s13 =	simm.s32 $0x8400  }
0x6: {  	s14 =	simm.s32 $0x0;
	s6 =	sand.u32 $0x1, s3;
	s30 =	sshll.u32 s1, $0x1  }
0x7: {  	[smem:$0x7FF] =	sst s2;
	s3 =	sadd.s32 $0x2000, s4;
	s7 =	sor.u32 s6, s30  }
0x8: {  	_ =	strace $0x80000047;
	s6 =	ssub.s32 $0x2, s6;
	s8 =	sshll.u32 s7, $0xA  }
0x9: {  	s31 =	sshrl.u32 s6, $0x1;
	s7 =	sshll.u32 s7, $0x7;
	s8 =	sadd.s32 s8, s4  }
0xa: {  	s6 =	ssub.s32 s6, s31;
	s4 =	sadd.s32 s5, s7;
	s7 =	simm.s32 $0x2  }
0xb: {  	s5 =	sadd.s32 $0x8A000, s8;
	s6 =	smax.u32 s6, $0x1;
	s8 =	simm.s32 $0x100  }
.LBB2_1:
0xc: {  	[tilespmem:s2], [sflag:$0x2] =	stream.linear.gather [hbm4b:s4+s2], $0x400, $0x38;
	[tilespmem:$0xA400] =	vst v63  }
0xd: {  	_ =	swait.ge [sflag:s7], $0x400  }
0xe: {  	[sflag:s7] =	ssyncset.done $0x0  }
0xf: {  	[sflag:s7] =	ssyncadd.s32 $0xFFFFFC00  }
0x10: {  	[tilespmem:s9], [sflag:$0x1] =	stream.indirect.gather [hbm4b:s3+s8], $0x80, s2, s8, $0xb8;
	[tilespmem:$0xA400] =	vst v63  }
0x11: {  	_ =	swait.ge [sflag:s10], $0x8000  }
0x12: {  	[sflag:s10] =	ssyncset.done $0x0  }
0x13: {  	s15 =	simm.s32 $0x800;
	[sflag:s10] =	ssyncadd.s32 $0xFFFF8000  }
0x14: {  	v0 =	vld [tilespmem:s15+$0xFFFFFC80]  }
0x15: {  	v1 =	vld [tilespmem:s15+$0xFFFFFC00];
	_ =	sdelay $0x1  }
0x16: {  	v2 =	vld [tilespmem:s15+$0xFFFFFD00];
	_ =	sdelay $0x1  }
0x17: {  	v3 =	vld [tilespmem:s15+$0xFFFFFD80]  }
0x18: {  	v0 =	vadd.f32 v0, v1  }
0x19: {  	v1 =	vld [tilespmem:s15+$0xFFFFFE00]  }
0x1a: {  	v0 =	vadd.f32 v2, v0  }
0x1b: {  	v2 =	vld [tilespmem:s15+$0xFFFFFE80]  }
0x1c: {  	v0 =	vadd.f32 v3, v0  }
0x1d: {  	v3 =	vld [tilespmem:s15+$0xFFFFFF00]  }
0x1e: {  	v0 =	vadd.f32 v1, v0  }
0x1f: {  	v1 =	vld [tilespmem:s15+$0xFFFFFF80]  }
0x20: {  	v0 =	vadd.f32 v2, v0  }
0x21: {  	v2 =	vld [tilespmem:s15+$0x0]  }
0x22: {  	v0 =	vadd.f32 v3, v0  }
0x23: {  	v3 =	vld [tilespmem:s15+$0x80]  }
0x24: {  	v0 =	vadd.f32 v1, v0  }
0x25: {  	v1 =	vld [tilespmem:s15+$0x100]  }
0x26: {  	v0 =	vadd.f32 v2, v0  }
0x27: {  	v2 =	vld [tilespmem:s15+$0x180]  }
0x28: {  	v0 =	vadd.f32 v3, v0  }
0x29: {  	v3 =	vld [tilespmem:s15+$0x200]  }
0x2a: {  	v0 =	vadd.f32 v1, v0  }
0x2b: {  	v1 =	vld [tilespmem:s15+$0x280]  }
0x2c: {  	v0 =	vadd.f32 v2, v0  }
0x2d: {  	v2 =	vld [tilespmem:s15+$0x300]  }
0x2e: {  	v0 =	vadd.f32 v3, v0  }
0x2f: {  	v3 =	vld [tilespmem:s15+$0x380]  }
0x30: {  	v0 =	vadd.f32 v1, v0;
	_ =	sdelay $0x1  }
0x31: {  	v0 =	vadd.f32 v2, v0;
	_ =	sdelay $0x1  }
0x32: {  	v0 =	vadd.f32 v3, v0  }
0x33: {  	s16 =	simm.s32 $0x0  }
0x34: {  	[tilespmem:s16+$0x8400] =	vst v0  }
0x35: {  	v0 =	vld [tilespmem:s15+$0xFFFFFC10]  }
0x36: {  	v1 =	vld [tilespmem:s15+$0xFFFFFC90];
	_ =	sdelay $0x1  }
0x37: {  	v2 =	vld [tilespmem:s15+$0xFFFFFD10];
	_ =	sdelay $0x1  }
0x38: {  	v3 =	vld [tilespmem:s15+$0xFFFFFD90]  }
0x39: {  	v0 =	vadd.f32 v1, v0  }
0x3a: {  	v1 =	vld [tilespmem:s15+$0xFFFFFE10]  }
0x3b: {  	v0 =	vadd.f32 v2, v0  }
0x3c: {  	v2 =	vld [tilespmem:s15+$0xFFFFFE90]  }
0x3d: {  	v0 =	vadd.f32 v3, v0  }
0x3e: {  	v3 =	vld [tilespmem:s15+$0xFFFFFF10]  }
0x3f: {  	v0 =	vadd.f32 v1, v0  }
0x40: {  	v1 =	vld [tilespmem:s15+$0xFFFFFF90]  }
0x41: {  	v0 =	vadd.f32 v2, v0  }
0x42: {  	v2 =	vld [tilespmem:s15+$0x10]  }
0x43: {  	v0 =	vadd.f32 v3, v0  }
0x44: {  	v3 =	vld [tilespmem:s15+$0x90]  }
0x45: {  	v0 =	vadd.f32 v1, v0  }
0x46: {  	v1 =	vld [tilespmem:s15+$0x110]  }
0x47: {  	v0 =	vadd.f32 v2, v0  }
0x48: {  	v2 =	vld [tilespmem:s15+$0x190]  }
0x49: {  	v0 =	vadd.f32 v3, v0  }
0x4a: {  	v3 =	vld [tilespmem:s15+$0x210]  }
0x4b: {  	v0 =	vadd.f32 v1, v0  }
0x4c: {  	v1 =	vld [tilespmem:s15+$0x290]  }
0x4d: {  	v0 =	vadd.f32 v2, v0  }
0x4e: {  	v2 =	vld [tilespmem:s15+$0x310]  }
0x4f: {  	v0 =	vadd.f32 v3, v0  }
0x50: {  	v3 =	vld [tilespmem:s15+$0x390]  }
0x51: {  	v0 =	vadd.f32 v1, v0;
	_ =	sdelay $0x1  }
0x52: {  	v0 =	vadd.f32 v2, v0;
	_ =	sdelay $0x1  }
0x53: {  	v0 =	vadd.f32 v3, v0;
	_ =	sdelay $0x1  }
0x54: {  	[tilespmem:s16+$0x8410] =	vst v0  }
0x55: {  	v0 =	vld [tilespmem:s15+$0xFFFFFC20]  }
0x56: {  	v1 =	vld [tilespmem:s15+$0xFFFFFCA0];
	_ =	sdelay $0x1  }
0x57: {  	v2 =	vld [tilespmem:s15+$0xFFFFFD20];
	_ =	sdelay $0x1  }
0x58: {  	v3 =	vld [tilespmem:s15+$0xFFFFFDA0]  }
0x59: {  	v0 =	vadd.f32 v1, v0  }
0x5a: {  	v1 =	vld [tilespmem:s15+$0xFFFFFE20]  }
0x5b: {  	v0 =	vadd.f32 v2, v0  }
0x5c: {  	v2 =	vld [tilespmem:s15+$0xFFFFFEA0]  }
0x5d: {  	v0 =	vadd.f32 v3, v0  }
0x5e: {  	v3 =	vld [tilespmem:s15+$0xFFFFFF20]  }
0x5f: {  	v0 =	vadd.f32 v1, v0  }
0x60: {  	v1 =	vld [tilespmem:s15+$0xFFFFFFA0]  }
0x61: {  	v0 =	vadd.f32 v2, v0  }
0x62: {  	v2 =	vld [tilespmem:s15+$0x20]  }
0x63: {  	v0 =	vadd.f32 v3, v0  }
0x64: {  	v3 =	vld [tilespmem:s15+$0xA0]  }
0x65: {  	v0 =	vadd.f32 v1, v0  }
0x66: {  	v1 =	vld [tilespmem:s15+$0x120]  }
0x67: {  	v0 =	vadd.f32 v2, v0  }
0x68: {  	v2 =	vld [tilespmem:s15+$0x1A0]  }
0x69: {  	v0 =	vadd.f32 v3, v0  }
0x6a: {  	v3 =	vld [tilespmem:s15+$0x220]  }
0x6b: {  	v0 =	vadd.f32 v1, v0  }
0x6c: {  	v1 =	vld [tilespmem:s15+$0x2A0]  }
0x6d: {  	v0 =	vadd.f32 v2, v0  }
0x6e: {  	v2 =	vld [tilespmem:s15+$0x320]  }
0x6f: {  	v0 =	vadd.f32 v3, v0  }
0x70: {  	v3 =	vld [tilespmem:s15+$0x3A0]  }
0x71: {  	v0 =	vadd.f32 v1, v0;
	_ =	sdelay $0x1  }
0x72: {  	v0 =	vadd.f32 v2, v0;
	_ =	sdelay $0x1  }
0x73: {  	v0 =	vadd.f32 v3, v0;
	_ =	sdelay $0x1  }
0x74: {  	[tilespmem:s16+$0x8420] =	vst v0  }
0x75: {  	v0 =	vld [tilespmem:s15+$0xFFFFFC30]  }
0x76: {  	v1 =	vld [tilespmem:s15+$0xFFFFFCB0];
	_ =	sdelay $0x1  }
0x77: {  	v2 =	vld [tilespmem:s15+$0xFFFFFD30];
	_ =	sdelay $0x1  }
0x78: {  	v3 =	vld [tilespmem:s15+$0xFFFFFDB0]  }
0x79: {  	v0 =	vadd.f32 v1, v0  }
0x7a: {  	v1 =	vld [tilespmem:s15+$0xFFFFFE30]  }
0x7b: {  	v0 =	vadd.f32 v2, v0  }
0x7c: {  	v2 =	vld [tilespmem:s15+$0xFFFFFEB0]  }
0x7d: {  	v0 =	vadd.f32 v3, v0  }
0x7e: {  	v3 =	vld [tilespmem:s15+$0xFFFFFF30]  }
0x7f: {  	v0 =	vadd.f32 v1, v0  }
0x80: {  	v1 =	vld [tilespmem:s15+$0xFFFFFFB0]  }
0x81: {  	v0 =	vadd.f32 v2, v0  }
0x82: {  	v2 =	vld [tilespmem:s15+$0x30]  }
0x83: {  	v0 =	vadd.f32 v3, v0  }
0x84: {  	v3 =	vld [tilespmem:s15+$0xB0]  }
0x85: {  	v0 =	vadd.f32 v1, v0  }
0x86: {  	v1 =	vld [tilespmem:s15+$0x130]  }
0x87: {  	v0 =	vadd.f32 v2, v0  }
0x88: {  	v2 =	vld [tilespmem:s15+$0x1B0]  }
0x89: {  	v0 =	vadd.f32 v3, v0  }
0x8a: {  	v3 =	vld [tilespmem:s15+$0x230]  }
0x8b: {  	v0 =	vadd.f32 v1, v0  }
0x8c: {  	v1 =	vld [tilespmem:s15+$0x2B0]  }
0x8d: {  	v0 =	vadd.f32 v2, v0  }
0x8e: {  	v2 =	vld [tilespmem:s15+$0x330]  }
0x8f: {  	v0 =	vadd.f32 v3, v0  }
0x90: {  	v3 =	vld [tilespmem:s15+$0x3B0]  }
0x91: {  	v0 =	vadd.f32 v1, v0;
	_ =	sdelay $0x1  }
0x92: {  	v0 =	vadd.f32 v2, v0;
	_ =	sdelay $0x1  }
0x93: {  	v0 =	vadd.f32 v3, v0;
	_ =	sdelay $0x1  }
0x94: {  	[tilespmem:s16+$0x8430] =	vst v0  }
0x95: {  	v0 =	vld [tilespmem:s15+$0xFFFFFC40]  }
0x96: {  	v1 =	vld [tilespmem:s15+$0xFFFFFCC0];
	_ =	sdelay $0x1  }
0x97: {  	v2 =	vld [tilespmem:s15+$0xFFFFFD40];
	_ =	sdelay $0x1  }
0x98: {  	v3 =	vld [tilespmem:s15+$0xFFFFFDC0]  }
0x99: {  	v0 =	vadd.f32 v1, v0  }
0x9a: {  	v1 =	vld [tilespmem:s15+$0xFFFFFE40]  }
0x9b: {  	v0 =	vadd.f32 v2, v0  }
0x9c: {  	v2 =	vld [tilespmem:s15+$0xFFFFFEC0]  }
0x9d: {  	v0 =	vadd.f32 v3, v0  }
0x9e: {  	v3 =	vld [tilespmem:s15+$0xFFFFFF40]  }
0x9f: {  	v0 =	vadd.f32 v1, v0  }
0xa0: {  	v1 =	vld [tilespmem:s15+$0xFFFFFFC0]  }
0xa1: {  	v0 =	vadd.f32 v2, v0  }
0xa2: {  	v2 =	vld [tilespmem:s15+$0x40]  }
0xa3: {  	v0 =	vadd.f32 v3, v0  }
0xa4: {  	v3 =	vld [tilespmem:s15+$0xC0]  }
0xa5: {  	v0 =	vadd.f32 v1, v0  }
0xa6: {  	v1 =	vld [tilespmem:s15+$0x140]  }
0xa7: {  	v0 =	vadd.f32 v2, v0  }
0xa8: {  	v2 =	vld [tilespmem:s15+$0x1C0]  }
0xa9: {  	v0 =	vadd.f32 v3, v0  }
0xaa: {  	v3 =	vld [tilespmem:s15+$0x240]  }
0xab: {  	v0 =	vadd.f32 v1, v0  }
0xac: {  	v1 =	vld [tilespmem:s15+$0x2C0]  }
0xad: {  	v0 =	vadd.f32 v2, v0  }
0xae: {  	v2 =	vld [tilespmem:s15+$0x340]  }
0xaf: {  	v0 =	vadd.f32 v3, v0  }
0xb0: {  	v3 =	vld [tilespmem:s15+$0x3C0]  }
0xb1: {  	v0 =	vadd.f32 v1, v0;
	_ =	sdelay $0x1  }
0xb2: {  	v0 =	vadd.f32 v2, v0;
	_ =	sdelay $0x1  }
0xb3: {  	v0 =	vadd.f32 v3, v0;
	_ =	sdelay $0x1  }
0xb4: {  	[tilespmem:s16+$0x8440] =	vst v0  }
0xb5: {  	v0 =	vld [tilespmem:s15+$0xFFFFFC50]  }
0xb6: {  	v1 =	vld [tilespmem:s15+$0xFFFFFCD0];
	_ =	sdelay $0x1  }
0xb7: {  	v2 =	vld [tilespmem:s15+$0xFFFFFD50];
	_ =	sdelay $0x1  }
0xb8: {  	v3 =	vld [tilespmem:s15+$0xFFFFFDD0]  }
0xb9: {  	v0 =	vadd.f32 v1, v0  }
0xba: {  	v1 =	vld [tilespmem:s15+$0xFFFFFE50]  }
0xbb: {  	v0 =	vadd.f32 v2, v0  }
0xbc: {  	v2 =	vld [tilespmem:s15+$0xFFFFFED0]  }
0xbd: {  	v0 =	vadd.f32 v3, v0  }
0xbe: {  	v3 =	vld [tilespmem:s15+$0xFFFFFF50]  }
0xbf: {  	v0 =	vadd.f32 v1, v0  }
0xc0: {  	v1 =	vld [tilespmem:s15+$0xFFFFFFD0]  }
0xc1: {  	v0 =	vadd.f32 v2, v0  }
0xc2: {  	v2 =	vld [tilespmem:s15+$0x50]  }
0xc3: {  	v0 =	vadd.f32 v3, v0  }
0xc4: {  	v3 =	vld [tilespmem:s15+$0xD0]  }
0xc5: {  	v0 =	vadd.f32 v1, v0  }
0xc6: {  	v1 =	vld [tilespmem:s15+$0x150]  }
0xc7: {  	v0 =	vadd.f32 v2, v0  }
0xc8: {  	v2 =	vld [tilespmem:s15+$0x1D0]  }
0xc9: {  	v0 =	vadd.f32 v3, v0  }
0xca: {  	v3 =	vld [tilespmem:s15+$0x250]  }
0xcb: {  	v0 =	vadd.f32 v1, v0  }
0xcc: {  	v1 =	vld [tilespmem:s15+$0x2D0]  }
0xcd: {  	v0 =	vadd.f32 v2, v0  }
0xce: {  	v2 =	vld [tilespmem:s15+$0x350]  }
0xcf: {  	v0 =	vadd.f32 v3, v0  }
0xd0: {  	v3 =	vld [tilespmem:s15+$0x3D0]  }
0xd1: {  	v0 =	vadd.f32 v1, v0;
	_ =	sdelay $0x1  }
0xd2: {  	v0 =	vadd.f32 v2, v0;
	_ =	sdelay $0x1  }
0xd3: {  	v0 =	vadd.f32 v3, v0;
	_ =	sdelay $0x1  }
0xd4: {  	[tilespmem:s16+$0x8450] =	vst v0  }
0xd5: {  	v0 =	vld [tilespmem:s15+$0xFFFFFC60]  }
0xd6: {  	v1 =	vld [tilespmem:s15+$0xFFFFFCE0];
	_ =	sdelay $0x1  }
0xd7: {  	v2 =	vld [tilespmem:s15+$0xFFFFFD60];
	_ =	sdelay $0x1  }
0xd8: {  	v3 =	vld [tilespmem:s15+$0xFFFFFDE0]  }
0xd9: {  	v0 =	vadd.f32 v1, v0  }
0xda: {  	v1 =	vld [tilespmem:s15+$0xFFFFFE60]  }
0xdb: {  	v0 =	vadd.f32 v2, v0  }
0xdc: {  	v2 =	vld [tilespmem:s15+$0xFFFFFEE0]  }
0xdd: {  	v0 =	vadd.f32 v3, v0  }
0xde: {  	v3 =	vld [tilespmem:s15+$0xFFFFFF60]  }
0xdf: {  	v0 =	vadd.f32 v1, v0  }
0xe0: {  	v1 =	vld [tilespmem:s15+$0xFFFFFFE0]  }
0xe1: {  	v0 =	vadd.f32 v2, v0  }
0xe2: {  	v2 =	vld [tilespmem:s15+$0x60]  }
0xe3: {  	v0 =	vadd.f32 v3, v0  }
0xe4: {  	v3 =	vld [tilespmem:s15+$0xE0]  }
0xe5: {  	v0 =	vadd.f32 v1, v0  }
0xe6: {  	v1 =	vld [tilespmem:s15+$0x160]  }
0xe7: {  	v0 =	vadd.f32 v2, v0  }
0xe8: {  	v2 =	vld [tilespmem:s15+$0x1E0]  }
0xe9: {  	v0 =	vadd.f32 v3, v0  }
0xea: {  	v3 =	vld [tilespmem:s15+$0x260]  }
0xeb: {  	v0 =	vadd.f32 v1, v0  }
0xec: {  	v1 =	vld [tilespmem:s15+$0x2E0]  }
0xed: {  	v0 =	vadd.f32 v2, v0  }
0xee: {  	v2 =	vld [tilespmem:s15+$0x360]  }
0xef: {  	v0 =	vadd.f32 v3, v0  }
0xf0: {  	v3 =	vld [tilespmem:s15+$0x3E0]  }
0xf1: {  	v0 =	vadd.f32 v1, v0;
	_ =	sdelay $0x1  }
0xf2: {  	v0 =	vadd.f32 v2, v0;
	_ =	sdelay $0x1  }
0xf3: {  	v0 =	vadd.f32 v3, v0;
	_ =	sdelay $0x1  }
0xf4: {  	[tilespmem:s16+$0x8460] =	vst v0  }
0xf5: {  	v0 =	vld [tilespmem:s15+$0xFFFFFC70]  }
0xf6: {  	v1 =	vld [tilespmem:s15+$0xFFFFFCF0];
	_ =	sdelay $0x1  }
0xf7: {  	v2 =	vld [tilespmem:s15+$0xFFFFFD70];
	_ =	sdelay $0x1  }
0xf8: {  	v3 =	vld [tilespmem:s15+$0xFFFFFDF0]  }
0xf9: {  	v0 =	vadd.f32 v1, v0  }
0xfa: {  	v1 =	vld [tilespmem:s15+$0xFFFFFE70]  }
0xfb: {  	v0 =	vadd.f32 v2, v0  }
0xfc: {  	v2 =	vld [tilespmem:s15+$0xFFFFFEF0]  }
0xfd: {  	v0 =	vadd.f32 v3, v0  }
0xfe: {  	v3 =	vld [tilespmem:s15+$0xFFFFFF70]  }
0xff: {  	v0 =	vadd.f32 v1, v0  }
0x100: {  	v1 =	vld [tilespmem:s15+$0xFFFFFFF0]  }
0x101: {  	v0 =	vadd.f32 v2, v0  }
0x102: {  	v2 =	vld [tilespmem:s15+$0x70]  }
0x103: {  	v0 =	vadd.f32 v3, v0  }
0x104: {  	v3 =	vld [tilespmem:s15+$0xF0]  }
0x105: {  	v0 =	vadd.f32 v1, v0  }
0x106: {  	v1 =	vld [tilespmem:s15+$0x170]  }
0x107: {  	v0 =	vadd.f32 v2, v0  }
0x108: {  	v4 =	vld [tilespmem:s15+$0x1F0]  }
0x109: {  	v2 =	vadd.f32 v3, v0  }
0x10a: {  	v3 =	vld [tilespmem:s15+$0x270]  }
0x10b: {  	v0 =	vld [tilespmem:s15+$0x2F0];
	v5 =	vadd.f32 v1, v2  }
0x10c: {  	v1 =	vld [tilespmem:s15+$0x370]  }
0x10d: {  	s17 =	simm.s32 $0x200;
	v2 =	vld [tilespmem:s15+$0x3F0];
	v4 =	vadd.f32 v4, v5  }
.LBB2_2:
0x10e: {  	p0 =	sne.s32 s17, $0x1E00  }
0x10f: {  	s15 =	sadd.s32 $0x800, s15;
	s18 =	smov.u32 s17;
	s17 =	sadd.s32 $0x200, s17;
	v3 =	vadd.f32 v3, v4  }
0x110: {  	_ = 	snop  }
0x111: {  	v0 =	vadd.f32 v0, v3;
	_ =	sdelay $0x1  }
0x112: {  	v0 =	vadd.f32 v1, v0;
	_ =	sdelay $0x1  }
0x113: {  	v0 =	vadd.f32 v2, v0;
	_ =	sdelay $0x1  }
0x114: {  	[tilespmem:s16+$0x8470] =	vst v0  }
0x115: {  	v0 =	vld [tilespmem:s15+$0xFFFFFC80]  }
0x116: {  	v1 =	vld [tilespmem:s15+$0xFFFFFC00]  }
0x117: {  	v2 =	vld [tilespmem:s15+$0xFFFFFD00];
	_ =	sdelay $0x2  }
0x118: {  	v3 =	vld [tilespmem:s15+$0xFFFFFD80]  }
0x119: {  	v0 =	vadd.f32 v0, v1  }
0x11a: {  	v1 =	vld [tilespmem:s15+$0xFFFFFE00]  }
0x11b: {  	v0 =	vadd.f32 v2, v0  }
0x11c: {  	v2 =	vld [tilespmem:s15+$0xFFFFFE80]  }
0x11d: {  	v0 =	vadd.f32 v3, v0  }
0x11e: {  	v3 =	vld [tilespmem:s15+$0xFFFFFF00]  }
0x11f: {  	v0 =	vadd.f32 v1, v0  }
0x120: {  	v1 =	vld [tilespmem:s15+$0xFFFFFF80]  }
0x121: {  	v0 =	vadd.f32 v2, v0  }
0x122: {  	v2 =	vld [tilespmem:s15+$0x0]  }
0x123: {  	v0 =	vadd.f32 v3, v0  }
0x124: {  	v3 =	vld [tilespmem:s15+$0x80]  }
0x125: {  	v0 =	vadd.f32 v1, v0  }
0x126: {  	v1 =	vld [tilespmem:s15+$0x100]  }
0x127: {  	v0 =	vadd.f32 v2, v0  }
0x128: {  	v2 =	vld [tilespmem:s15+$0x180]  }
0x129: {  	v0 =	vadd.f32 v3, v0  }
0x12a: {  	v3 =	vld [tilespmem:s15+$0x200]  }
0x12b: {  	v0 =	vadd.f32 v1, v0  }
0x12c: {  	v1 =	vld [tilespmem:s15+$0x280]  }
0x12d: {  	v0 =	vadd.f32 v2, v0  }
0x12e: {  	v2 =	vld [tilespmem:s15+$0x300]  }
0x12f: {  	v0 =	vadd.f32 v3, v0  }
0x130: {  	v3 =	vld [tilespmem:s15+$0x380]  }
0x131: {  	v0 =	vadd.f32 v1, v0;
	_ =	sdelay $0x1  }
0x132: {  	v0 =	vadd.f32 v2, v0;
	_ =	sdelay $0x1  }
0x133: {  	v0 =	vadd.f32 v3, v0  }
0x134: {  	s16 =	sshra.s32 s18, $0x2  }
0x135: {  	[tilespmem:s16+$0x8400] =	vst v0  }
0x136: {  	v0 =	vld [tilespmem:s15+$0xFFFFFC10]  }
0x137: {  	v1 =	vld [tilespmem:s15+$0xFFFFFC90];
	_ =	sdelay $0x1  }
0x138: {  	v2 =	vld [tilespmem:s15+$0xFFFFFD10];
	_ =	sdelay $0x1  }
0x139: {  	v3 =	vld [tilespmem:s15+$0xFFFFFD90]  }
0x13a: {  	v0 =	vadd.f32 v1, v0  }
0x13b: {  	v1 =	vld [tilespmem:s15+$0xFFFFFE10]  }
0x13c: {  	v0 =	vadd.f32 v2, v0  }
0x13d: {  	v2 =	vld [tilespmem:s15+$0xFFFFFE90]  }
0x13e: {  	v0 =	vadd.f32 v3, v0  }
0x13f: {  	v3 =	vld [tilespmem:s15+$0xFFFFFF10]  }
0x140: {  	v0 =	vadd.f32 v1, v0  }
0x141: {  	v1 =	vld [tilespmem:s15+$0xFFFFFF90]  }
0x142: {  	v0 =	vadd.f32 v2, v0  }
0x143: {  	v2 =	vld [tilespmem:s15+$0x10]  }
0x144: {  	v0 =	vadd.f32 v3, v0  }
0x145: {  	v3 =	vld [tilespmem:s15+$0x90]  }
0x146: {  	v0 =	vadd.f32 v1, v0  }
0x147: {  	v1 =	vld [tilespmem:s15+$0x110]  }
0x148: {  	v0 =	vadd.f32 v2, v0  }
0x149: {  	v2 =	vld [tilespmem:s15+$0x190]  }
0x14a: {  	v0 =	vadd.f32 v3, v0  }
0x14b: {  	v3 =	vld [tilespmem:s15+$0x210]  }
0x14c: {  	v0 =	vadd.f32 v1, v0  }
0x14d: {  	v1 =	vld [tilespmem:s15+$0x290]  }
0x14e: {  	v0 =	vadd.f32 v2, v0  }
0x14f: {  	v2 =	vld [tilespmem:s15+$0x310]  }
0x150: {  	v0 =	vadd.f32 v3, v0  }
0x151: {  	v3 =	vld [tilespmem:s15+$0x390]  }
0x152: {  	v0 =	vadd.f32 v1, v0;
	_ =	sdelay $0x1  }
0x153: {  	v0 =	vadd.f32 v2, v0;
	_ =	sdelay $0x1  }
0x154: {  	v0 =	vadd.f32 v3, v0;
	_ =	sdelay $0x1  }
0x155: {  	[tilespmem:s16+$0x8410] =	vst v0  }
0x156: {  	v0 =	vld [tilespmem:s15+$0xFFFFFC20]  }
0x157: {  	v1 =	vld [tilespmem:s15+$0xFFFFFCA0];
	_ =	sdelay $0x1  }
0x158: {  	v2 =	vld [tilespmem:s15+$0xFFFFFD20];
	_ =	sdelay $0x1  }
0x159: {  	v3 =	vld [tilespmem:s15+$0xFFFFFDA0]  }
0x15a: {  	v0 =	vadd.f32 v1, v0  }
0x15b: {  	v1 =	vld [tilespmem:s15+$0xFFFFFE20]  }
0x15c: {  	v0 =	vadd.f32 v2, v0  }
0x15d: {  	v2 =	vld [tilespmem:s15+$0xFFFFFEA0]  }
0x15e: {  	v0 =	vadd.f32 v3, v0  }
0x15f: {  	v3 =	vld [tilespmem:s15+$0xFFFFFF20]  }
0x160: {  	v0 =	vadd.f32 v1, v0  }
0x161: {  	v1 =	vld [tilespmem:s15+$0xFFFFFFA0]  }
0x162: {  	v0 =	vadd.f32 v2, v0  }
0x163: {  	v2 =	vld [tilespmem:s15+$0x20]  }
0x164: {  	v0 =	vadd.f32 v3, v0  }
0x165: {  	v3 =	vld [tilespmem:s15+$0xA0]  }
0x166: {  	v0 =	vadd.f32 v1, v0  }
0x167: {  	v1 =	vld [tilespmem:s15+$0x120]  }
0x168: {  	v0 =	vadd.f32 v2, v0  }
0x169: {  	v2 =	vld [tilespmem:s15+$0x1A0]  }
0x16a: {  	v0 =	vadd.f32 v3, v0  }
0x16b: {  	v3 =	vld [tilespmem:s15+$0x220]  }
0x16c: {  	v0 =	vadd.f32 v1, v0  }
0x16d: {  	v1 =	vld [tilespmem:s15+$0x2A0]  }
0x16e: {  	v0 =	vadd.f32 v2, v0  }
0x16f: {  	v2 =	vld [tilespmem:s15+$0x320]  }
0x170: {  	v0 =	vadd.f32 v3, v0  }
0x171: {  	v3 =	vld [tilespmem:s15+$0x3A0]  }
0x172: {  	v0 =	vadd.f32 v1, v0;
	_ =	sdelay $0x1  }
0x173: {  	v0 =	vadd.f32 v2, v0;
	_ =	sdelay $0x1  }
0x174: {  	v0 =	vadd.f32 v3, v0;
	_ =	sdelay $0x1  }
0x175: {  	[tilespmem:s16+$0x8420] =	vst v0  }
0x176: {  	v0 =	vld [tilespmem:s15+$0xFFFFFC30]  }
0x177: {  	v1 =	vld [tilespmem:s15+$0xFFFFFCB0]  }
0x178: {  	v2 =	vld [tilespmem:s15+$0xFFFFFD30];
	_ =	sdelay $0x2  }
0x179: {  	v3 =	vld [tilespmem:s15+$0xFFFFFDB0]  }
0x17a: {  	v0 =	vadd.f32 v1, v0  }
0x17b: {  	v1 =	vld [tilespmem:s15+$0xFFFFFE30]  }
0x17c: {  	v0 =	vadd.f32 v2, v0  }
0x17d: {  	v2 =	vld [tilespmem:s15+$0xFFFFFEB0]  }
0x17e: {  	v0 =	vadd.f32 v3, v0  }
0x17f: {  	v3 =	vld [tilespmem:s15+$0xFFFFFF30]  }
0x180: {  	v0 =	vadd.f32 v1, v0  }
0x181: {  	v1 =	vld [tilespmem:s15+$0xFFFFFFB0]  }
0x182: {  	v0 =	vadd.f32 v2, v0  }
0x183: {  	v2 =	vld [tilespmem:s15+$0x30]  }
0x184: {  	v0 =	vadd.f32 v3, v0  }
0x185: {  	v3 =	vld [tilespmem:s15+$0xB0]  }
0x186: {  	v0 =	vadd.f32 v1, v0  }
0x187: {  	v1 =	vld [tilespmem:s15+$0x130]  }
0x188: {  	v0 =	vadd.f32 v2, v0  }
0x189: {  	v2 =	vld [tilespmem:s15+$0x1B0]  }
0x18a: {  	v0 =	vadd.f32 v3, v0  }
0x18b: {  	v3 =	vld [tilespmem:s15+$0x230]  }
0x18c: {  	v0 =	vadd.f32 v1, v0  }
0x18d: {  	v1 =	vld [tilespmem:s15+$0x2B0]  }
0x18e: {  	v0 =	vadd.f32 v2, v0  }
0x18f: {  	v2 =	vld [tilespmem:s15+$0x330]  }
0x190: {  	v0 =	vadd.f32 v3, v0  }
0x191: {  	v3 =	vld [tilespmem:s15+$0x3B0]  }
0x192: {  	v0 =	vadd.f32 v1, v0;
	_ =	sdelay $0x1  }
0x193: {  	v0 =	vadd.f32 v2, v0;
	_ =	sdelay $0x1  }
0x194: {  	v0 =	vadd.f32 v3, v0;
	_ =	sdelay $0x1  }
0x195: {  	[tilespmem:s16+$0x8430] =	vst v0  }
0x196: {  	v0 =	vld [tilespmem:s15+$0xFFFFFC40]  }
0x197: {  	v1 =	vld [tilespmem:s15+$0xFFFFFCC0]  }
0x198: {  	v2 =	vld [tilespmem:s15+$0xFFFFFD40];
	_ =	sdelay $0x2  }
0x199: {  	v3 =	vld [tilespmem:s15+$0xFFFFFDC0]  }
0x19a: {  	v0 =	vadd.f32 v1, v0  }
0x19b: {  	v1 =	vld [tilespmem:s15+$0xFFFFFE40]  }
0x19c: {  	v0 =	vadd.f32 v2, v0  }
0x19d: {  	v2 =	vld [tilespmem:s15+$0xFFFFFEC0]  }
0x19e: {  	v0 =	vadd.f32 v3, v0  }
0x19f: {  	v3 =	vld [tilespmem:s15+$0xFFFFFF40]  }
0x1a0: {  	v0 =	vadd.f32 v1, v0  }
0x1a1: {  	v1 =	vld [tilespmem:s15+$0xFFFFFFC0]  }
0x1a2: {  	v0 =	vadd.f32 v2, v0  }
0x1a3: {  	v2 =	vld [tilespmem:s15+$0x40]  }
0x1a4: {  	v0 =	vadd.f32 v3, v0  }
0x1a5: {  	v3 =	vld [tilespmem:s15+$0xC0]  }
0x1a6: {  	v0 =	vadd.f32 v1, v0  }
0x1a7: {  	v1 =	vld [tilespmem:s15+$0x140]  }
0x1a8: {  	v0 =	vadd.f32 v2, v0  }
0x1a9: {  	v2 =	vld [tilespmem:s15+$0x1C0]  }
0x1aa: {  	v0 =	vadd.f32 v3, v0  }
0x1ab: {  	v3 =	vld [tilespmem:s15+$0x240]  }
0x1ac: {  	v0 =	vadd.f32 v1, v0  }
0x1ad: {  	v1 =	vld [tilespmem:s15+$0x2C0]  }
0x1ae: {  	v0 =	vadd.f32 v2, v0  }
0x1af: {  	v2 =	vld [tilespmem:s15+$0x340]  }
0x1b0: {  	v0 =	vadd.f32 v3, v0  }
0x1b1: {  	v3 =	vld [tilespmem:s15+$0x3C0]  }
0x1b2: {  	v0 =	vadd.f32 v1, v0;
	_ =	sdelay $0x1  }
0x1b3: {  	v0 =	vadd.f32 v2, v0;
	_ =	sdelay $0x1  }
0x1b4: {  	v0 =	vadd.f32 v3, v0;
	_ =	sdelay $0x1  }
0x1b5: {  	[tilespmem:s16+$0x8440] =	vst v0  }
0x1b6: {  	v0 =	vld [tilespmem:s15+$0xFFFFFC50]  }
0x1b7: {  	v1 =	vld [tilespmem:s15+$0xFFFFFCD0]  }
0x1b8: {  	v2 =	vld [tilespmem:s15+$0xFFFFFD50]  }
0x1b9: {  	v3 =	vld [tilespmem:s15+$0xFFFFFDD0]  }
0x1ba: {  	v4 =	vld [tilespmem:s15+$0xFFFFFE50]  }
0x1bb: {  	v5 =	vld [tilespmem:s15+$0xFFFFFED0]  }
0x1bc: {  	v0 =	vadd.f32 v1, v0;
	v1 =	vld [tilespmem:s15+$0xFFFFFF50]  }
0x1bd: {  	v6 =	vld [tilespmem:s15+$0xFFFFFFD0]  }
0x1be: {  	v0 =	vadd.f32 v2, v0;
	v2 =	vld [tilespmem:s15+$0x50]  }
0x1bf: {  	v7 =	vld [tilespmem:s15+$0xD0]  }
0x1c0: {  	v0 =	vadd.f32 v3, v0;
	v3 =	vld [tilespmem:s15+$0x150]  }
0x1c1: {  	v8 =	vld [tilespmem:s15+$0x1D0]  }
0x1c2: {  	v0 =	vadd.f32 v4, v0;
	v4 =	vld [tilespmem:s15+$0x250]  }
0x1c3: {  	v9 =	vld [tilespmem:s15+$0x2D0]  }
0x1c4: {  	v0 =	vadd.f32 v5, v0;
	v5 =	vld [tilespmem:s15+$0x350]  }
0x1c5: {  	v10 =	vld [tilespmem:s15+$0x3D0]  }
0x1c6: {  	v0 =	vadd.f32 v1, v0;
	_ =	sdelay $0x1  }
0x1c7: {  	v0 =	vadd.f32 v6, v0;
	_ =	sdelay $0x1  }
0x1c8: {  	v0 =	vadd.f32 v2, v0;
	_ =	sdelay $0x1  }
0x1c9: {  	v0 =	vadd.f32 v7, v0;
	_ =	sdelay $0x1  }
0x1ca: {  	v0 =	vadd.f32 v3, v0;
	_ =	sdelay $0x1  }
0x1cb: {  	v0 =	vadd.f32 v8, v0;
	_ =	sdelay $0x1  }
0x1cc: {  	v0 =	vadd.f32 v4, v0;
	_ =	sdelay $0x1  }
0x1cd: {  	v0 =	vadd.f32 v9, v0;
	_ =	sdelay $0x1  }
0x1ce: {  	v0 =	vadd.f32 v5, v0;
	_ =	sdelay $0x1  }
0x1cf: {  	v0 =	vadd.f32 v10, v0;
	_ =	sdelay $0x1  }
0x1d0: {  	[tilespmem:s16+$0x8450] =	vst v0  }
0x1d1: {  	v0 =	vld [tilespmem:s15+$0xFFFFFC60]  }
0x1d2: {  	v1 =	vld [tilespmem:s15+$0xFFFFFCE0]  }
0x1d3: {  	v2 =	vld [tilespmem:s15+$0xFFFFFD60]  }
0x1d4: {  	v3 =	vld [tilespmem:s15+$0xFFFFFDE0]  }
0x1d5: {  	v4 =	vld [tilespmem:s15+$0xFFFFFE60]  }
0x1d6: {  	v5 =	vld [tilespmem:s15+$0xFFFFFEE0]  }
0x1d7: {  	v0 =	vadd.f32 v1, v0;
	v1 =	vld [tilespmem:s15+$0xFFFFFF60]  }
0x1d8: {  	v6 =	vld [tilespmem:s15+$0xFFFFFFE0]  }
0x1d9: {  	v0 =	vadd.f32 v2, v0;
	v2 =	vld [tilespmem:s15+$0x60]  }
0x1da: {  	v7 =	vld [tilespmem:s15+$0xE0]  }
0x1db: {  	v0 =	vadd.f32 v3, v0;
	v3 =	vld [tilespmem:s15+$0x160]  }
0x1dc: {  	v8 =	vld [tilespmem:s15+$0x1E0]  }
0x1dd: {  	v0 =	vadd.f32 v4, v0;
	v4 =	vld [tilespmem:s15+$0x260]  }
0x1de: {  	v9 =	vld [tilespmem:s15+$0x2E0]  }
0x1df: {  	v0 =	vadd.f32 v5, v0;
	v5 =	vld [tilespmem:s15+$0x360]  }
0x1e0: {  	v10 =	vld [tilespmem:s15+$0x3E0]  }
0x1e1: {  	v0 =	vadd.f32 v1, v0;
	_ =	sdelay $0x1  }
0x1e2: {  	v0 =	vadd.f32 v6, v0;
	_ =	sdelay $0x1  }
0x1e3: {  	v0 =	vadd.f32 v2, v0;
	_ =	sdelay $0x1  }
0x1e4: {  	v0 =	vadd.f32 v7, v0;
	_ =	sdelay $0x1  }
0x1e5: {  	v0 =	vadd.f32 v3, v0;
	_ =	sdelay $0x1  }
0x1e6: {  	v0 =	vadd.f32 v8, v0;
	_ =	sdelay $0x1  }
0x1e7: {  	v0 =	vadd.f32 v4, v0;
	_ =	sdelay $0x1  }
0x1e8: {  	v0 =	vadd.f32 v9, v0;
	_ =	sdelay $0x1  }
0x1e9: {  	v0 =	vadd.f32 v5, v0;
	_ =	sdelay $0x1  }
0x1ea: {  	v0 =	vadd.f32 v10, v0;
	_ =	sdelay $0x1  }
0x1eb: {  	[tilespmem:s16+$0x8460] =	vst v0  }
0x1ec: {  	v0 =	vld [tilespmem:s15+$0xFFFFFC70]  }
0x1ed: {  	v1 =	vld [tilespmem:s15+$0xFFFFFCF0]  }
0x1ee: {  	v2 =	vld [tilespmem:s15+$0xFFFFFD70]  }
0x1ef: {  	v3 =	vld [tilespmem:s15+$0xFFFFFDF0]  }
0x1f0: {  	v4 =	vld [tilespmem:s15+$0xFFFFFE70]  }
0x1f1: {  	v5 =	vld [tilespmem:s15+$0xFFFFFEF0]  }
0x1f2: {  	v0 =	vadd.f32 v1, v0;
	v6 =	vld [tilespmem:s15+$0xFFFFFF70]  }
0x1f3: {  	v7 =	vld [tilespmem:s15+$0xFFFFFFF0]  }
0x1f4: {  	v0 =	vadd.f32 v2, v0;
	v8 =	vld [tilespmem:s15+$0x70]  }
0x1f5: {  	v9 =	vld [tilespmem:s15+$0xF0]  }
0x1f6: {  	v0 =	vadd.f32 v3, v0;
	v10 =	vld [tilespmem:s15+$0x170]  }
0x1f7: {  	v11 =	vld [tilespmem:s15+$0x1F0]  }
0x1f8: {  	v1 =	vadd.f32 v4, v0;
	v3 =	vld [tilespmem:s15+$0x270]  }
0x1f9: {  	v0 =	vld [tilespmem:s15+$0x2F0]  }
0x1fa: {  	v4 =	vadd.f32 v5, v1;
	v1 =	vld [tilespmem:s15+$0x370]  }
0x1fb: {  	v2 =	vld [tilespmem:s15+$0x3F0]  }
0x1fc: {  	v4 =	vadd.f32 v6, v4;
	_ =	sdelay $0x1  }
0x1fd: {  	v4 =	vadd.f32 v7, v4;
	_ =	sdelay $0x1  }
0x1fe: {  	v4 =	vadd.f32 v8, v4;
	_ =	sdelay $0x1  }
.Ltmp0:
0x1ff: {  	v4 =	vadd.f32 v9, v4;
	(pc) =	sbr.rel @p0 .LBB2_2-.Ltmp0, $3  }
0x200: {  	_ = 	snop  }
0x201: {  	v4 =	vadd.f32 v10, v4;
	_ =	sdelay $0x1  }
0x202: {  	v4 =	vadd.f32 v11, v4  }
0x203: {  	_ = 	snop  }
0x204: {  	v3 =	vadd.f32 v3, v4;
	_ =	sdelay $0x1  }
0x205: {  	v0 =	vadd.f32 v0, v3;
	_ =	sdelay $0x1  }
0x206: {  	v0 =	vadd.f32 v1, v0;
	_ =	sdelay $0x1  }
0x207: {  	v0 =	vadd.f32 v2, v0;
	_ =	sdelay $0x1  }
0x208: {  	[tilespmem:s16+$0x8470] =	vst v0  }
0x209: {  	[tilespmem:s9], [sflag:$0x1] =	stream.indirect.gather [hbm4b:s3+s8], $0x80, s8, s8, $0xb8;
	[tilespmem:$0xA400] =	vst v63  }
0x20a: {  	_ =	swait.ge [sflag:s10], $0x8000  }
0x20b: {  	[sflag:s10] =	ssyncset.done $0x0  }
0x20c: {  	s15 =	simm.s32 $0x800;
	[sflag:s10] =	ssyncadd.s32 $0xFFFF8000  }
0x20d: {  	v0 =	vld [tilespmem:s15+$0xFFFFFC80]  }
0x20e: {  	v1 =	vld [tilespmem:s15+$0xFFFFFC00];
	_ =	sdelay $0x1  }
0x20f: {  	v2 =	vld [tilespmem:s15+$0xFFFFFD00];
	_ =	sdelay $0x1  }
0x210: {  	v3 =	vld [tilespmem:s15+$0xFFFFFD80]  }
0x211: {  	v0 =	vadd.f32 v0, v1  }
0x212: {  	v1 =	vld [tilespmem:s15+$0xFFFFFE00]  }
0x213: {  	v0 =	vadd.f32 v2, v0  }
0x214: {  	v2 =	vld [tilespmem:s15+$0xFFFFFE80]  }
0x215: {  	v0 =	vadd.f32 v3, v0  }
0x216: {  	v3 =	vld [tilespmem:s15+$0xFFFFFF00]  }
0x217: {  	v0 =	vadd.f32 v1, v0  }
0x218: {  	v1 =	vld [tilespmem:s15+$0xFFFFFF80]  }
0x219: {  	v0 =	vadd.f32 v2, v0  }
0x21a: {  	v2 =	vld [tilespmem:s15+$0x0]  }
0x21b: {  	v0 =	vadd.f32 v3, v0  }
0x21c: {  	v3 =	vld [tilespmem:s15+$0x80]  }
0x21d: {  	v0 =	vadd.f32 v1, v0  }
0x21e: {  	v1 =	vld [tilespmem:s15+$0x100]  }
0x21f: {  	v0 =	vadd.f32 v2, v0  }
0x220: {  	v2 =	vld [tilespmem:s15+$0x180]  }
0x221: {  	v0 =	vadd.f32 v3, v0  }
0x222: {  	v3 =	vld [tilespmem:s15+$0x200]  }
0x223: {  	v0 =	vadd.f32 v1, v0  }
0x224: {  	v1 =	vld [tilespmem:s15+$0x280]  }
0x225: {  	v0 =	vadd.f32 v2, v0  }
0x226: {  	v2 =	vld [tilespmem:s15+$0x300]  }
0x227: {  	v0 =	vadd.f32 v3, v0  }
0x228: {  	v3 =	vld [tilespmem:s15+$0x380]  }
0x229: {  	v0 =	vadd.f32 v1, v0;
	_ =	sdelay $0x1  }
0x22a: {  	v0 =	vadd.f32 v2, v0;
	_ =	sdelay $0x1  }
0x22b: {  	v0 =	vadd.f32 v3, v0  }
0x22c: {  	s16 =	simm.s32 $0x0  }
0x22d: {  	[tilespmem:s16+$0x8C00] =	vst v0  }
0x22e: {  	v0 =	vld [tilespmem:s15+$0xFFFFFC10]  }
0x22f: {  	v1 =	vld [tilespmem:s15+$0xFFFFFC90];
	_ =	sdelay $0x1  }
0x230: {  	v2 =	vld [tilespmem:s15+$0xFFFFFD10];
	_ =	sdelay $0x1  }
0x231: {  	v3 =	vld [tilespmem:s15+$0xFFFFFD90]  }
0x232: {  	v0 =	vadd.f32 v1, v0  }
0x233: {  	v1 =	vld [tilespmem:s15+$0xFFFFFE10]  }
0x234: {  	v0 =	vadd.f32 v2, v0  }
0x235: {  	v2 =	vld [tilespmem:s15+$0xFFFFFE90]  }
0x236: {  	v0 =	vadd.f32 v3, v0  }
0x237: {  	v3 =	vld [tilespmem:s15+$0xFFFFFF10]  }
0x238: {  	v0 =	vadd.f32 v1, v0  }
0x239: {  	v1 =	vld [tilespmem:s15+$0xFFFFFF90]  }
0x23a: {  	v0 =	vadd.f32 v2, v0  }
0x23b: {  	v2 =	vld [tilespmem:s15+$0x10]  }
0x23c: {  	v0 =	vadd.f32 v3, v0  }
0x23d: {  	v3 =	vld [tilespmem:s15+$0x90]  }
0x23e: {  	v0 =	vadd.f32 v1, v0  }
0x23f: {  	v1 =	vld [tilespmem:s15+$0x110]  }
0x240: {  	v0 =	vadd.f32 v2, v0  }
0x241: {  	v2 =	vld [tilespmem:s15+$0x190]  }
0x242: {  	v0 =	vadd.f32 v3, v0  }
0x243: {  	v3 =	vld [tilespmem:s15+$0x210]  }
0x244: {  	v0 =	vadd.f32 v1, v0  }
0x245: {  	v1 =	vld [tilespmem:s15+$0x290]  }
0x246: {  	v0 =	vadd.f32 v2, v0  }
0x247: {  	v2 =	vld [tilespmem:s15+$0x310]  }
0x248: {  	v0 =	vadd.f32 v3, v0  }
0x249: {  	v3 =	vld [tilespmem:s15+$0x390]  }
0x24a: {  	v0 =	vadd.f32 v1, v0;
	_ =	sdelay $0x1  }
0x24b: {  	v0 =	vadd.f32 v2, v0;
	_ =	sdelay $0x1  }
0x24c: {  	v0 =	vadd.f32 v3, v0;
	_ =	sdelay $0x1  }
0x24d: {  	[tilespmem:s16+$0x8C10] =	vst v0  }
0x24e: {  	v0 =	vld [tilespmem:s15+$0xFFFFFC20]  }
0x24f: {  	v1 =	vld [tilespmem:s15+$0xFFFFFCA0];
	_ =	sdelay $0x1  }
0x250: {  	v2 =	vld [tilespmem:s15+$0xFFFFFD20];
	_ =	sdelay $0x1  }
0x251: {  	v3 =	vld [tilespmem:s15+$0xFFFFFDA0]  }
0x252: {  	v0 =	vadd.f32 v1, v0  }
0x253: {  	v1 =	vld [tilespmem:s15+$0xFFFFFE20]  }
0x254: {  	v0 =	vadd.f32 v2, v0  }
0x255: {  	v2 =	vld [tilespmem:s15+$0xFFFFFEA0]  }
0x256: {  	v0 =	vadd.f32 v3, v0  }
0x257: {  	v3 =	vld [tilespmem:s15+$0xFFFFFF20]  }
0x258: {  	v0 =	vadd.f32 v1, v0  }
0x259: {  	v1 =	vld [tilespmem:s15+$0xFFFFFFA0]  }
0x25a: {  	v0 =	vadd.f32 v2, v0  }
0x25b: {  	v2 =	vld [tilespmem:s15+$0x20]  }
0x25c: {  	v0 =	vadd.f32 v3, v0  }
0x25d: {  	v3 =	vld [tilespmem:s15+$0xA0]  }
0x25e: {  	v0 =	vadd.f32 v1, v0  }
0x25f: {  	v1 =	vld [tilespmem:s15+$0x120]  }
0x260: {  	v0 =	vadd.f32 v2, v0  }
0x261: {  	v2 =	vld [tilespmem:s15+$0x1A0]  }
0x262: {  	v0 =	vadd.f32 v3, v0  }
0x263: {  	v3 =	vld [tilespmem:s15+$0x220]  }
0x264: {  	v0 =	vadd.f32 v1, v0  }
0x265: {  	v1 =	vld [tilespmem:s15+$0x2A0]  }
0x266: {  	v0 =	vadd.f32 v2, v0  }
0x267: {  	v2 =	vld [tilespmem:s15+$0x320]  }
0x268: {  	v0 =	vadd.f32 v3, v0  }
0x269: {  	v3 =	vld [tilespmem:s15+$0x3A0]  }
0x26a: {  	v0 =	vadd.f32 v1, v0;
	_ =	sdelay $0x1  }
0x26b: {  	v0 =	vadd.f32 v2, v0;
	_ =	sdelay $0x1  }
0x26c: {  	v0 =	vadd.f32 v3, v0;
	_ =	sdelay $0x1  }
0x26d: {  	[tilespmem:s16+$0x8C20] =	vst v0  }
0x26e: {  	v0 =	vld [tilespmem:s15+$0xFFFFFC30]  }
0x26f: {  	v1 =	vld [tilespmem:s15+$0xFFFFFCB0];
	_ =	sdelay $0x1  }
0x270: {  	v2 =	vld [tilespmem:s15+$0xFFFFFD30];
	_ =	sdelay $0x1  }
0x271: {  	v3 =	vld [tilespmem:s15+$0xFFFFFDB0]  }
0x272: {  	v0 =	vadd.f32 v1, v0  }
0x273: {  	v1 =	vld [tilespmem:s15+$0xFFFFFE30]  }
0x274: {  	v0 =	vadd.f32 v2, v0  }
0x275: {  	v2 =	vld [tilespmem:s15+$0xFFFFFEB0]  }
0x276: {  	v0 =	vadd.f32 v3, v0  }
0x277: {  	v3 =	vld [tilespmem:s15+$0xFFFFFF30]  }
0x278: {  	v0 =	vadd.f32 v1, v0  }
0x279: {  	v1 =	vld [tilespmem:s15+$0xFFFFFFB0]  }
0x27a: {  	v0 =	vadd.f32 v2, v0  }
0x27b: {  	v2 =	vld [tilespmem:s15+$0x30]  }
0x27c: {  	v0 =	vadd.f32 v3, v0  }
0x27d: {  	v3 =	vld [tilespmem:s15+$0xB0]  }
0x27e: {  	v0 =	vadd.f32 v1, v0  }
0x27f: {  	v1 =	vld [tilespmem:s15+$0x130]  }
0x280: {  	v0 =	vadd.f32 v2, v0  }
0x281: {  	v2 =	vld [tilespmem:s15+$0x1B0]  }
0x282: {  	v0 =	vadd.f32 v3, v0  }
0x283: {  	v3 =	vld [tilespmem:s15+$0x230]  }
0x284: {  	v0 =	vadd.f32 v1, v0  }
0x285: {  	v1 =	vld [tilespmem:s15+$0x2B0]  }
0x286: {  	v0 =	vadd.f32 v2, v0  }
0x287: {  	v2 =	vld [tilespmem:s15+$0x330]  }
0x288: {  	v0 =	vadd.f32 v3, v0  }
0x289: {  	v3 =	vld [tilespmem:s15+$0x3B0]  }
0x28a: {  	v0 =	vadd.f32 v1, v0;
	_ =	sdelay $0x1  }
0x28b: {  	v0 =	vadd.f32 v2, v0;
	_ =	sdelay $0x1  }
0x28c: {  	v0 =	vadd.f32 v3, v0;
	_ =	sdelay $0x1  }
0x28d: {  	[tilespmem:s16+$0x8C30] =	vst v0  }
0x28e: {  	v0 =	vld [tilespmem:s15+$0xFFFFFC40]  }
0x28f: {  	v1 =	vld [tilespmem:s15+$0xFFFFFCC0];
	_ =	sdelay $0x1  }
0x290: {  	v2 =	vld [tilespmem:s15+$0xFFFFFD40];
	_ =	sdelay $0x1  }
0x291: {  	v3 =	vld [tilespmem:s15+$0xFFFFFDC0]  }
0x292: {  	v0 =	vadd.f32 v1, v0  }
0x293: {  	v1 =	vld [tilespmem:s15+$0xFFFFFE40]  }
0x294: {  	v0 =	vadd.f32 v2, v0  }
0x295: {  	v2 =	vld [tilespmem:s15+$0xFFFFFEC0]  }
0x296: {  	v0 =	vadd.f32 v3, v0  }
0x297: {  	v3 =	vld [tilespmem:s15+$0xFFFFFF40]  }
0x298: {  	v0 =	vadd.f32 v1, v0  }
0x299: {  	v1 =	vld [tilespmem:s15+$0xFFFFFFC0]  }
0x29a: {  	v0 =	vadd.f32 v2, v0  }
0x29b: {  	v2 =	vld [tilespmem:s15+$0x40]  }
0x29c: {  	v0 =	vadd.f32 v3, v0  }
0x29d: {  	v3 =	vld [tilespmem:s15+$0xC0]  }
0x29e: {  	v0 =	vadd.f32 v1, v0  }
0x29f: {  	v1 =	vld [tilespmem:s15+$0x140]  }
0x2a0: {  	v0 =	vadd.f32 v2, v0  }
0x2a1: {  	v2 =	vld [tilespmem:s15+$0x1C0]  }
0x2a2: {  	v0 =	vadd.f32 v3, v0  }
0x2a3: {  	v3 =	vld [tilespmem:s15+$0x240]  }
0x2a4: {  	v0 =	vadd.f32 v1, v0  }
0x2a5: {  	v1 =	vld [tilespmem:s15+$0x2C0]  }
0x2a6: {  	v0 =	vadd.f32 v2, v0  }
0x2a7: {  	v2 =	vld [tilespmem:s15+$0x340]  }
0x2a8: {  	v0 =	vadd.f32 v3, v0  }
0x2a9: {  	v3 =	vld [tilespmem:s15+$0x3C0]  }
0x2aa: {  	v0 =	vadd.f32 v1, v0;
	_ =	sdelay $0x1  }
0x2ab: {  	v0 =	vadd.f32 v2, v0;
	_ =	sdelay $0x1  }
0x2ac: {  	v0 =	vadd.f32 v3, v0;
	_ =	sdelay $0x1  }
0x2ad: {  	[tilespmem:s16+$0x8C40] =	vst v0  }
0x2ae: {  	v0 =	vld [tilespmem:s15+$0xFFFFFC50]  }
0x2af: {  	v1 =	vld [tilespmem:s15+$0xFFFFFCD0];
	_ =	sdelay $0x1  }
0x2b0: {  	v2 =	vld [tilespmem:s15+$0xFFFFFD50];
	_ =	sdelay $0x1  }
0x2b1: {  	v3 =	vld [tilespmem:s15+$0xFFFFFDD0]  }
0x2b2: {  	v0 =	vadd.f32 v1, v0  }
0x2b3: {  	v1 =	vld [tilespmem:s15+$0xFFFFFE50]  }
0x2b4: {  	v0 =	vadd.f32 v2, v0  }
0x2b5: {  	v2 =	vld [tilespmem:s15+$0xFFFFFED0]  }
0x2b6: {  	v0 =	vadd.f32 v3, v0  }
0x2b7: {  	v3 =	vld [tilespmem:s15+$0xFFFFFF50]  }
0x2b8: {  	v0 =	vadd.f32 v1, v0  }
0x2b9: {  	v1 =	vld [tilespmem:s15+$0xFFFFFFD0]  }
0x2ba: {  	v0 =	vadd.f32 v2, v0  }
0x2bb: {  	v2 =	vld [tilespmem:s15+$0x50]  }
0x2bc: {  	v0 =	vadd.f32 v3, v0  }
0x2bd: {  	v3 =	vld [tilespmem:s15+$0xD0]  }
0x2be: {  	v0 =	vadd.f32 v1, v0  }
0x2bf: {  	v1 =	vld [tilespmem:s15+$0x150]  }
0x2c0: {  	v0 =	vadd.f32 v2, v0  }
0x2c1: {  	v2 =	vld [tilespmem:s15+$0x1D0]  }
0x2c2: {  	v0 =	vadd.f32 v3, v0  }
0x2c3: {  	v3 =	vld [tilespmem:s15+$0x250]  }
0x2c4: {  	v0 =	vadd.f32 v1, v0  }
0x2c5: {  	v1 =	vld [tilespmem:s15+$0x2D0]  }
0x2c6: {  	v0 =	vadd.f32 v2, v0  }
0x2c7: {  	v2 =	vld [tilespmem:s15+$0x350]  }
0x2c8: {  	v0 =	vadd.f32 v3, v0  }
0x2c9: {  	v3 =	vld [tilespmem:s15+$0x3D0]  }
0x2ca: {  	v0 =	vadd.f32 v1, v0;
	_ =	sdelay $0x1  }
0x2cb: {  	v0 =	vadd.f32 v2, v0;
	_ =	sdelay $0x1  }
0x2cc: {  	v0 =	vadd.f32 v3, v0;
	_ =	sdelay $0x1  }
0x2cd: {  	[tilespmem:s16+$0x8C50] =	vst v0  }
0x2ce: {  	v0 =	vld [tilespmem:s15+$0xFFFFFC60]  }
0x2cf: {  	v1 =	vld [tilespmem:s15+$0xFFFFFCE0];
	_ =	sdelay $0x1  }
0x2d0: {  	v2 =	vld [tilespmem:s15+$0xFFFFFD60];
	_ =	sdelay $0x1  }
0x2d1: {  	v3 =	vld [tilespmem:s15+$0xFFFFFDE0]  }
0x2d2: {  	v0 =	vadd.f32 v1, v0  }
0x2d3: {  	v1 =	vld [tilespmem:s15+$0xFFFFFE60]  }
0x2d4: {  	v0 =	vadd.f32 v2, v0  }
0x2d5: {  	v2 =	vld [tilespmem:s15+$0xFFFFFEE0]  }
0x2d6: {  	v0 =	vadd.f32 v3, v0  }
0x2d7: {  	v3 =	vld [tilespmem:s15+$0xFFFFFF60]  }
0x2d8: {  	v0 =	vadd.f32 v1, v0  }
0x2d9: {  	v1 =	vld [tilespmem:s15+$0xFFFFFFE0]  }
0x2da: {  	v0 =	vadd.f32 v2, v0  }
0x2db: {  	v2 =	vld [tilespmem:s15+$0x60]  }
0x2dc: {  	v0 =	vadd.f32 v3, v0  }
0x2dd: {  	v3 =	vld [tilespmem:s15+$0xE0]  }
0x2de: {  	v0 =	vadd.f32 v1, v0  }
0x2df: {  	v1 =	vld [tilespmem:s15+$0x160]  }
0x2e0: {  	v0 =	vadd.f32 v2, v0  }
0x2e1: {  	v2 =	vld [tilespmem:s15+$0x1E0]  }
0x2e2: {  	v0 =	vadd.f32 v3, v0  }
0x2e3: {  	v3 =	vld [tilespmem:s15+$0x260]  }
0x2e4: {  	v0 =	vadd.f32 v1, v0  }
0x2e5: {  	v1 =	vld [tilespmem:s15+$0x2E0]  }
0x2e6: {  	v0 =	vadd.f32 v2, v0  }
0x2e7: {  	v2 =	vld [tilespmem:s15+$0x360]  }
0x2e8: {  	v0 =	vadd.f32 v3, v0  }
0x2e9: {  	v3 =	vld [tilespmem:s15+$0x3E0]  }
0x2ea: {  	v0 =	vadd.f32 v1, v0;
	_ =	sdelay $0x1  }
0x2eb: {  	v0 =	vadd.f32 v2, v0;
	_ =	sdelay $0x1  }
0x2ec: {  	v0 =	vadd.f32 v3, v0;
	_ =	sdelay $0x1  }
0x2ed: {  	[tilespmem:s16+$0x8C60] =	vst v0  }
0x2ee: {  	v0 =	vld [tilespmem:s15+$0xFFFFFC70]  }
0x2ef: {  	v1 =	vld [tilespmem:s15+$0xFFFFFCF0];
	_ =	sdelay $0x1  }
0x2f0: {  	v2 =	vld [tilespmem:s15+$0xFFFFFD70];
	_ =	sdelay $0x1  }
0x2f1: {  	v3 =	vld [tilespmem:s15+$0xFFFFFDF0]  }
0x2f2: {  	v0 =	vadd.f32 v1, v0  }
0x2f3: {  	v1 =	vld [tilespmem:s15+$0xFFFFFE70]  }
0x2f4: {  	v0 =	vadd.f32 v2, v0  }
0x2f5: {  	v2 =	vld [tilespmem:s15+$0xFFFFFEF0]  }
0x2f6: {  	v0 =	vadd.f32 v3, v0  }
0x2f7: {  	v3 =	vld [tilespmem:s15+$0xFFFFFF70]  }
0x2f8: {  	v0 =	vadd.f32 v1, v0  }
0x2f9: {  	v1 =	vld [tilespmem:s15+$0xFFFFFFF0]  }
0x2fa: {  	v0 =	vadd.f32 v2, v0  }
0x2fb: {  	v2 =	vld [tilespmem:s15+$0x70]  }
0x2fc: {  	v0 =	vadd.f32 v3, v0  }
0x2fd: {  	v3 =	vld [tilespmem:s15+$0xF0]  }
0x2fe: {  	v0 =	vadd.f32 v1, v0  }
0x2ff: {  	v1 =	vld [tilespmem:s15+$0x170]  }
0x300: {  	v0 =	vadd.f32 v2, v0  }
0x301: {  	v4 =	vld [tilespmem:s15+$0x1F0]  }
0x302: {  	v2 =	vadd.f32 v3, v0  }
0x303: {  	v3 =	vld [tilespmem:s15+$0x270]  }
0x304: {  	v0 =	vld [tilespmem:s15+$0x2F0];
	v5 =	vadd.f32 v1, v2  }
0x305: {  	v1 =	vld [tilespmem:s15+$0x370]  }
0x306: {  	s17 =	simm.s32 $0x200;
	v2 =	vld [tilespmem:s15+$0x3F0];
	v4 =	vadd.f32 v4, v5  }
.LBB2_4:
0x307: {  	p0 =	sne.s32 s17, $0x1E00  }
0x308: {  	s15 =	sadd.s32 $0x800, s15;
	s18 =	smov.u32 s17;
	s17 =	sadd.s32 $0x200, s17;
	v3 =	vadd.f32 v3, v4  }
0x309: {  	_ = 	snop  }
0x30a: {  	v0 =	vadd.f32 v0, v3;
	_ =	sdelay $0x1  }
0x30b: {  	v0 =	vadd.f32 v1, v0;
	_ =	sdelay $0x1  }
0x30c: {  	v0 =	vadd.f32 v2, v0;
	_ =	sdelay $0x1  }
0x30d: {  	[tilespmem:s16+$0x8C70] =	vst v0  }
0x30e: {  	v0 =	vld [tilespmem:s15+$0xFFFFFC80]  }
0x30f: {  	v1 =	vld [tilespmem:s15+$0xFFFFFC00]  }
0x310: {  	v2 =	vld [tilespmem:s15+$0xFFFFFD00];
	_ =	sdelay $0x2  }
0x311: {  	v3 =	vld [tilespmem:s15+$0xFFFFFD80]  }
0x312: {  	v0 =	vadd.f32 v0, v1  }
0x313: {  	v1 =	vld [tilespmem:s15+$0xFFFFFE00]  }
0x314: {  	v0 =	vadd.f32 v2, v0  }
0x315: {  	v2 =	vld [tilespmem:s15+$0xFFFFFE80]  }
0x316: {  	v0 =	vadd.f32 v3, v0  }
0x317: {  	v3 =	vld [tilespmem:s15+$0xFFFFFF00]  }
0x318: {  	v0 =	vadd.f32 v1, v0  }
0x319: {  	v1 =	vld [tilespmem:s15+$0xFFFFFF80]  }
0x31a: {  	v0 =	vadd.f32 v2, v0  }
0x31b: {  	v2 =	vld [tilespmem:s15+$0x0]  }
0x31c: {  	v0 =	vadd.f32 v3, v0  }
0x31d: {  	v3 =	vld [tilespmem:s15+$0x80]  }
0x31e: {  	v0 =	vadd.f32 v1, v0  }
0x31f: {  	v1 =	vld [tilespmem:s15+$0x100]  }
0x320: {  	v0 =	vadd.f32 v2, v0  }
0x321: {  	v2 =	vld [tilespmem:s15+$0x180]  }
0x322: {  	v0 =	vadd.f32 v3, v0  }
0x323: {  	v3 =	vld [tilespmem:s15+$0x200]  }
0x324: {  	v0 =	vadd.f32 v1, v0  }
0x325: {  	v1 =	vld [tilespmem:s15+$0x280]  }
0x326: {  	v0 =	vadd.f32 v2, v0  }
0x327: {  	v2 =	vld [tilespmem:s15+$0x300]  }
0x328: {  	v0 =	vadd.f32 v3, v0  }
0x329: {  	v3 =	vld [tilespmem:s15+$0x380]  }
0x32a: {  	v0 =	vadd.f32 v1, v0;
	_ =	sdelay $0x1  }
0x32b: {  	v0 =	vadd.f32 v2, v0;
	_ =	sdelay $0x1  }
0x32c: {  	v0 =	vadd.f32 v3, v0  }
0x32d: {  	s16 =	sshra.s32 s18, $0x2  }
0x32e: {  	[tilespmem:s16+$0x8C00] =	vst v0  }
0x32f: {  	v0 =	vld [tilespmem:s15+$0xFFFFFC10]  }
0x330: {  	v1 =	vld [tilespmem:s15+$0xFFFFFC90];
	_ =	sdelay $0x1  }
0x331: {  	v2 =	vld [tilespmem:s15+$0xFFFFFD10];
	_ =	sdelay $0x1  }
0x332: {  	v3 =	vld [tilespmem:s15+$0xFFFFFD90]  }
0x333: {  	v0 =	vadd.f32 v1, v0  }
0x334: {  	v1 =	vld [tilespmem:s15+$0xFFFFFE10]  }
0x335: {  	v0 =	vadd.f32 v2, v0  }
0x336: {  	v2 =	vld [tilespmem:s15+$0xFFFFFE90]  }
0x337: {  	v0 =	vadd.f32 v3, v0  }
0x338: {  	v3 =	vld [tilespmem:s15+$0xFFFFFF10]  }
0x339: {  	v0 =	vadd.f32 v1, v0  }
0x33a: {  	v1 =	vld [tilespmem:s15+$0xFFFFFF90]  }
0x33b: {  	v0 =	vadd.f32 v2, v0  }
0x33c: {  	v2 =	vld [tilespmem:s15+$0x10]  }
0x33d: {  	v0 =	vadd.f32 v3, v0  }
0x33e: {  	v3 =	vld [tilespmem:s15+$0x90]  }
0x33f: {  	v0 =	vadd.f32 v1, v0  }
0x340: {  	v1 =	vld [tilespmem:s15+$0x110]  }
0x341: {  	v0 =	vadd.f32 v2, v0  }
0x342: {  	v2 =	vld [tilespmem:s15+$0x190]  }
0x343: {  	v0 =	vadd.f32 v3, v0  }
0x344: {  	v3 =	vld [tilespmem:s15+$0x210]  }
0x345: {  	v0 =	vadd.f32 v1, v0  }
0x346: {  	v1 =	vld [tilespmem:s15+$0x290]  }
0x347: {  	v0 =	vadd.f32 v2, v0  }
0x348: {  	v2 =	vld [tilespmem:s15+$0x310]  }
0x349: {  	v0 =	vadd.f32 v3, v0  }
0x34a: {  	v3 =	vld [tilespmem:s15+$0x390]  }
0x34b: {  	v0 =	vadd.f32 v1, v0;
	_ =	sdelay $0x1  }
0x34c: {  	v0 =	vadd.f32 v2, v0;
	_ =	sdelay $0x1  }
0x34d: {  	v0 =	vadd.f32 v3, v0;
	_ =	sdelay $0x1  }
0x34e: {  	[tilespmem:s16+$0x8C10] =	vst v0  }
0x34f: {  	v0 =	vld [tilespmem:s15+$0xFFFFFC20]  }
0x350: {  	v1 =	vld [tilespmem:s15+$0xFFFFFCA0];
	_ =	sdelay $0x1  }
0x351: {  	v2 =	vld [tilespmem:s15+$0xFFFFFD20];
	_ =	sdelay $0x1  }
0x352: {  	v3 =	vld [tilespmem:s15+$0xFFFFFDA0]  }
0x353: {  	v0 =	vadd.f32 v1, v0  }
0x354: {  	v1 =	vld [tilespmem:s15+$0xFFFFFE20]  }
0x355: {  	v0 =	vadd.f32 v2, v0  }
0x356: {  	v2 =	vld [tilespmem:s15+$0xFFFFFEA0]  }
0x357: {  	v0 =	vadd.f32 v3, v0  }
0x358: {  	v3 =	vld [tilespmem:s15+$0xFFFFFF20]  }
0x359: {  	v0 =	vadd.f32 v1, v0  }
0x35a: {  	v1 =	vld [tilespmem:s15+$0xFFFFFFA0]  }
0x35b: {  	v0 =	vadd.f32 v2, v0  }
0x35c: {  	v2 =	vld [tilespmem:s15+$0x20]  }
0x35d: {  	v0 =	vadd.f32 v3, v0  }
0x35e: {  	v3 =	vld [tilespmem:s15+$0xA0]  }
0x35f: {  	v0 =	vadd.f32 v1, v0  }
0x360: {  	v1 =	vld [tilespmem:s15+$0x120]  }
0x361: {  	v0 =	vadd.f32 v2, v0  }
0x362: {  	v2 =	vld [tilespmem:s15+$0x1A0]  }
0x363: {  	v0 =	vadd.f32 v3, v0  }
0x364: {  	v3 =	vld [tilespmem:s15+$0x220]  }
0x365: {  	v0 =	vadd.f32 v1, v0  }
0x366: {  	v1 =	vld [tilespmem:s15+$0x2A0]  }
0x367: {  	v0 =	vadd.f32 v2, v0  }
0x368: {  	v2 =	vld [tilespmem:s15+$0x320]  }
0x369: {  	v0 =	vadd.f32 v3, v0  }
0x36a: {  	v3 =	vld [tilespmem:s15+$0x3A0]  }
0x36b: {  	v0 =	vadd.f32 v1, v0;
	_ =	sdelay $0x1  }
0x36c: {  	v0 =	vadd.f32 v2, v0;
	_ =	sdelay $0x1  }
0x36d: {  	v0 =	vadd.f32 v3, v0;
	_ =	sdelay $0x1  }
0x36e: {  	[tilespmem:s16+$0x8C20] =	vst v0  }
0x36f: {  	v0 =	vld [tilespmem:s15+$0xFFFFFC30]  }
0x370: {  	v1 =	vld [tilespmem:s15+$0xFFFFFCB0]  }
0x371: {  	v2 =	vld [tilespmem:s15+$0xFFFFFD30];
	_ =	sdelay $0x2  }
0x372: {  	v3 =	vld [tilespmem:s15+$0xFFFFFDB0]  }
0x373: {  	v0 =	vadd.f32 v1, v0  }
0x374: {  	v1 =	vld [tilespmem:s15+$0xFFFFFE30]  }
0x375: {  	v0 =	vadd.f32 v2, v0  }
0x376: {  	v2 =	vld [tilespmem:s15+$0xFFFFFEB0]  }
0x377: {  	v0 =	vadd.f32 v3, v0  }
0x378: {  	v3 =	vld [tilespmem:s15+$0xFFFFFF30]  }
0x379: {  	v0 =	vadd.f32 v1, v0  }
0x37a: {  	v1 =	vld [tilespmem:s15+$0xFFFFFFB0]  }
0x37b: {  	v0 =	vadd.f32 v2, v0  }
0x37c: {  	v2 =	vld [tilespmem:s15+$0x30]  }
0x37d: {  	v0 =	vadd.f32 v3, v0  }
0x37e: {  	v3 =	vld [tilespmem:s15+$0xB0]  }
0x37f: {  	v0 =	vadd.f32 v1, v0  }
0x380: {  	v1 =	vld [tilespmem:s15+$0x130]  }
0x381: {  	v0 =	vadd.f32 v2, v0  }
0x382: {  	v2 =	vld [tilespmem:s15+$0x1B0]  }
0x383: {  	v0 =	vadd.f32 v3, v0  }
0x384: {  	v3 =	vld [tilespmem:s15+$0x230]  }
0x385: {  	v0 =	vadd.f32 v1, v0  }
0x386: {  	v1 =	vld [tilespmem:s15+$0x2B0]  }
0x387: {  	v0 =	vadd.f32 v2, v0  }
0x388: {  	v2 =	vld [tilespmem:s15+$0x330]  }
0x389: {  	v0 =	vadd.f32 v3, v0  }
0x38a: {  	v3 =	vld [tilespmem:s15+$0x3B0]  }
0x38b: {  	v0 =	vadd.f32 v1, v0;
	_ =	sdelay $0x1  }
0x38c: {  	v0 =	vadd.f32 v2, v0;
	_ =	sdelay $0x1  }
0x38d: {  	v0 =	vadd.f32 v3, v0;
	_ =	sdelay $0x1  }
0x38e: {  	[tilespmem:s16+$0x8C30] =	vst v0  }
0x38f: {  	v0 =	vld [tilespmem:s15+$0xFFFFFC40]  }
0x390: {  	v1 =	vld [tilespmem:s15+$0xFFFFFCC0]  }
0x391: {  	v2 =	vld [tilespmem:s15+$0xFFFFFD40];
	_ =	sdelay $0x2  }
0x392: {  	v3 =	vld [tilespmem:s15+$0xFFFFFDC0]  }
0x393: {  	v0 =	vadd.f32 v1, v0  }
0x394: {  	v1 =	vld [tilespmem:s15+$0xFFFFFE40]  }
0x395: {  	v0 =	vadd.f32 v2, v0  }
0x396: {  	v2 =	vld [tilespmem:s15+$0xFFFFFEC0]  }
0x397: {  	v0 =	vadd.f32 v3, v0  }
0x398: {  	v3 =	vld [tilespmem:s15+$0xFFFFFF40]  }
0x399: {  	v0 =	vadd.f32 v1, v0  }
0x39a: {  	v1 =	vld [tilespmem:s15+$0xFFFFFFC0]  }
0x39b: {  	v0 =	vadd.f32 v2, v0  }
0x39c: {  	v2 =	vld [tilespmem:s15+$0x40]  }
0x39d: {  	v0 =	vadd.f32 v3, v0  }
0x39e: {  	v3 =	vld [tilespmem:s15+$0xC0]  }
0x39f: {  	v0 =	vadd.f32 v1, v0  }
0x3a0: {  	v1 =	vld [tilespmem:s15+$0x140]  }
0x3a1: {  	v0 =	vadd.f32 v2, v0  }
0x3a2: {  	v2 =	vld [tilespmem:s15+$0x1C0]  }
0x3a3: {  	v0 =	vadd.f32 v3, v0  }
0x3a4: {  	v3 =	vld [tilespmem:s15+$0x240]  }
0x3a5: {  	v0 =	vadd.f32 v1, v0  }
0x3a6: {  	v1 =	vld [tilespmem:s15+$0x2C0]  }
0x3a7: {  	v0 =	vadd.f32 v2, v0  }
0x3a8: {  	v2 =	vld [tilespmem:s15+$0x340]  }
0x3a9: {  	v0 =	vadd.f32 v3, v0  }
0x3aa: {  	v3 =	vld [tilespmem:s15+$0x3C0]  }
0x3ab: {  	v0 =	vadd.f32 v1, v0;
	_ =	sdelay $0x1  }
0x3ac: {  	v0 =	vadd.f32 v2, v0;
	_ =	sdelay $0x1  }
0x3ad: {  	v0 =	vadd.f32 v3, v0;
	_ =	sdelay $0x1  }
0x3ae: {  	[tilespmem:s16+$0x8C40] =	vst v0  }
0x3af: {  	v0 =	vld [tilespmem:s15+$0xFFFFFC50]  }
0x3b0: {  	v1 =	vld [tilespmem:s15+$0xFFFFFCD0]  }
0x3b1: {  	v2 =	vld [tilespmem:s15+$0xFFFFFD50]  }
0x3b2: {  	v3 =	vld [tilespmem:s15+$0xFFFFFDD0]  }
0x3b3: {  	v4 =	vld [tilespmem:s15+$0xFFFFFE50]  }
0x3b4: {  	v5 =	vld [tilespmem:s15+$0xFFFFFED0]  }
0x3b5: {  	v0 =	vadd.f32 v1, v0;
	v1 =	vld [tilespmem:s15+$0xFFFFFF50]  }
0x3b6: {  	v6 =	vld [tilespmem:s15+$0xFFFFFFD0]  }
0x3b7: {  	v0 =	vadd.f32 v2, v0;
	v2 =	vld [tilespmem:s15+$0x50]  }
0x3b8: {  	v7 =	vld [tilespmem:s15+$0xD0]  }
0x3b9: {  	v0 =	vadd.f32 v3, v0;
	v3 =	vld [tilespmem:s15+$0x150]  }
0x3ba: {  	v8 =	vld [tilespmem:s15+$0x1D0]  }
0x3bb: {  	v0 =	vadd.f32 v4, v0;
	v4 =	vld [tilespmem:s15+$0x250]  }
0x3bc: {  	v9 =	vld [tilespmem:s15+$0x2D0]  }
0x3bd: {  	v0 =	vadd.f32 v5, v0;
	v5 =	vld [tilespmem:s15+$0x350]  }
0x3be: {  	v10 =	vld [tilespmem:s15+$0x3D0]  }
0x3bf: {  	v0 =	vadd.f32 v1, v0;
	_ =	sdelay $0x1  }
0x3c0: {  	v0 =	vadd.f32 v6, v0;
	_ =	sdelay $0x1  }
0x3c1: {  	v0 =	vadd.f32 v2, v0;
	_ =	sdelay $0x1  }
0x3c2: {  	v0 =	vadd.f32 v7, v0;
	_ =	sdelay $0x1  }
0x3c3: {  	v0 =	vadd.f32 v3, v0;
	_ =	sdelay $0x1  }
0x3c4: {  	v0 =	vadd.f32 v8, v0;
	_ =	sdelay $0x1  }
0x3c5: {  	v0 =	vadd.f32 v4, v0;
	_ =	sdelay $0x1  }
0x3c6: {  	v0 =	vadd.f32 v9, v0;
	_ =	sdelay $0x1  }
0x3c7: {  	v0 =	vadd.f32 v5, v0;
	_ =	sdelay $0x1  }
0x3c8: {  	v0 =	vadd.f32 v10, v0;
	_ =	sdelay $0x1  }
0x3c9: {  	[tilespmem:s16+$0x8C50] =	vst v0  }
0x3ca: {  	v0 =	vld [tilespmem:s15+$0xFFFFFC60]  }
0x3cb: {  	v1 =	vld [tilespmem:s15+$0xFFFFFCE0]  }
0x3cc: {  	v2 =	vld [tilespmem:s15+$0xFFFFFD60]  }
0x3cd: {  	v3 =	vld [tilespmem:s15+$0xFFFFFDE0]  }
0x3ce: {  	v4 =	vld [tilespmem:s15+$0xFFFFFE60]  }
0x3cf: {  	v5 =	vld [tilespmem:s15+$0xFFFFFEE0]  }
0x3d0: {  	v0 =	vadd.f32 v1, v0;
	v1 =	vld [tilespmem:s15+$0xFFFFFF60]  }
0x3d1: {  	v6 =	vld [tilespmem:s15+$0xFFFFFFE0]  }
0x3d2: {  	v0 =	vadd.f32 v2, v0;
	v2 =	vld [tilespmem:s15+$0x60]  }
0x3d3: {  	v7 =	vld [tilespmem:s15+$0xE0]  }
0x3d4: {  	v0 =	vadd.f32 v3, v0;
	v3 =	vld [tilespmem:s15+$0x160]  }
0x3d5: {  	v8 =	vld [tilespmem:s15+$0x1E0]  }
0x3d6: {  	v0 =	vadd.f32 v4, v0;
	v4 =	vld [tilespmem:s15+$0x260]  }
0x3d7: {  	v9 =	vld [tilespmem:s15+$0x2E0]  }
0x3d8: {  	v0 =	vadd.f32 v5, v0;
	v5 =	vld [tilespmem:s15+$0x360]  }
0x3d9: {  	v10 =	vld [tilespmem:s15+$0x3E0]  }
0x3da: {  	v0 =	vadd.f32 v1, v0;
	_ =	sdelay $0x1  }
0x3db: {  	v0 =	vadd.f32 v6, v0;
	_ =	sdelay $0x1  }
0x3dc: {  	v0 =	vadd.f32 v2, v0;
	_ =	sdelay $0x1  }
0x3dd: {  	v0 =	vadd.f32 v7, v0;
	_ =	sdelay $0x1  }
0x3de: {  	v0 =	vadd.f32 v3, v0;
	_ =	sdelay $0x1  }
0x3df: {  	v0 =	vadd.f32 v8, v0;
	_ =	sdelay $0x1  }
0x3e0: {  	v0 =	vadd.f32 v4, v0;
	_ =	sdelay $0x1  }
0x3e1: {  	v0 =	vadd.f32 v9, v0;
	_ =	sdelay $0x1  }
0x3e2: {  	v0 =	vadd.f32 v5, v0;
	_ =	sdelay $0x1  }
0x3e3: {  	v0 =	vadd.f32 v10, v0;
	_ =	sdelay $0x1  }
0x3e4: {  	[tilespmem:s16+$0x8C60] =	vst v0  }
0x3e5: {  	v0 =	vld [tilespmem:s15+$0xFFFFFC70]  }
0x3e6: {  	v1 =	vld [tilespmem:s15+$0xFFFFFCF0]  }
0x3e7: {  	v2 =	vld [tilespmem:s15+$0xFFFFFD70]  }
0x3e8: {  	v3 =	vld [tilespmem:s15+$0xFFFFFDF0]  }
0x3e9: {  	v4 =	vld [tilespmem:s15+$0xFFFFFE70]  }
0x3ea: {  	v5 =	vld [tilespmem:s15+$0xFFFFFEF0]  }
0x3eb: {  	v0 =	vadd.f32 v1, v0;
	v6 =	vld [tilespmem:s15+$0xFFFFFF70]  }
0x3ec: {  	v7 =	vld [tilespmem:s15+$0xFFFFFFF0]  }
0x3ed: {  	v0 =	vadd.f32 v2, v0;
	v8 =	vld [tilespmem:s15+$0x70]  }
0x3ee: {  	v9 =	vld [tilespmem:s15+$0xF0]  }
0x3ef: {  	v0 =	vadd.f32 v3, v0;
	v10 =	vld [tilespmem:s15+$0x170]  }
0x3f0: {  	v11 =	vld [tilespmem:s15+$0x1F0]  }
0x3f1: {  	v1 =	vadd.f32 v4, v0;
	v3 =	vld [tilespmem:s15+$0x270]  }
0x3f2: {  	v0 =	vld [tilespmem:s15+$0x2F0]  }
0x3f3: {  	v4 =	vadd.f32 v5, v1;
	v1 =	vld [tilespmem:s15+$0x370]  }
0x3f4: {  	v2 =	vld [tilespmem:s15+$0x3F0]  }
0x3f5: {  	v4 =	vadd.f32 v6, v4;
	_ =	sdelay $0x1  }
0x3f6: {  	v4 =	vadd.f32 v7, v4;
	_ =	sdelay $0x1  }
0x3f7: {  	v4 =	vadd.f32 v8, v4;
	_ =	sdelay $0x1  }
.Ltmp1:
0x3f8: {  	v4 =	vadd.f32 v9, v4;
	(pc) =	sbr.rel @p0 .LBB2_4-.Ltmp1, $3  }
0x3f9: {  	_ = 	snop  }
0x3fa: {  	v4 =	vadd.f32 v10, v4;
	_ =	sdelay $0x1  }
0x3fb: {  	v4 =	vadd.f32 v11, v4  }
0x3fc: {  	_ = 	snop  }
0x3fd: {  	v3 =	vadd.f32 v3, v4;
	_ =	sdelay $0x1  }
0x3fe: {  	v0 =	vadd.f32 v0, v3;
	_ =	sdelay $0x1  }
0x3ff: {  	v0 =	vadd.f32 v1, v0;
	_ =	sdelay $0x1  }
0x400: {  	v0 =	vadd.f32 v2, v0;
	_ =	sdelay $0x1  }
0x401: {  	[tilespmem:s16+$0x8C70] =	vst v0  }
0x402: {  	[tilespmem:s9], [sflag:$0x1] =	stream.indirect.gather [hbm4b:s3+s8], $0x80, s11, s8, $0xb8;
	[tilespmem:$0xA400] =	vst v63  }
0x403: {  	_ =	swait.ge [sflag:s10], $0x8000  }
0x404: {  	[sflag:s10] =	ssyncset.done $0x0  }
0x405: {  	s15 =	simm.s32 $0x800;
	[sflag:s10] =	ssyncadd.s32 $0xFFFF8000  }
0x406: {  	v0 =	vld [tilespmem:s15+$0xFFFFFC80]  }
0x407: {  	v1 =	vld [tilespmem:s15+$0xFFFFFC00];
	_ =	sdelay $0x1  }
0x408: {  	v2 =	vld [tilespmem:s15+$0xFFFFFD00];
	_ =	sdelay $0x1  }
0x409: {  	v3 =	vld [tilespmem:s15+$0xFFFFFD80]  }
0x40a: {  	v0 =	vadd.f32 v0, v1  }
0x40b: {  	v1 =	vld [tilespmem:s15+$0xFFFFFE00]  }
0x40c: {  	v0 =	vadd.f32 v2, v0  }
0x40d: {  	v2 =	vld [tilespmem:s15+$0xFFFFFE80]  }
0x40e: {  	v0 =	vadd.f32 v3, v0  }
0x40f: {  	v3 =	vld [tilespmem:s15+$0xFFFFFF00]  }
0x410: {  	v0 =	vadd.f32 v1, v0  }
0x411: {  	v1 =	vld [tilespmem:s15+$0xFFFFFF80]  }
0x412: {  	v0 =	vadd.f32 v2, v0  }
0x413: {  	v2 =	vld [tilespmem:s15+$0x0]  }
0x414: {  	v0 =	vadd.f32 v3, v0  }
0x415: {  	v3 =	vld [tilespmem:s15+$0x80]  }
0x416: {  	v0 =	vadd.f32 v1, v0  }
0x417: {  	v1 =	vld [tilespmem:s15+$0x100]  }
0x418: {  	v0 =	vadd.f32 v2, v0  }
0x419: {  	v2 =	vld [tilespmem:s15+$0x180]  }
0x41a: {  	v0 =	vadd.f32 v3, v0  }
0x41b: {  	v3 =	vld [tilespmem:s15+$0x200]  }
0x41c: {  	v0 =	vadd.f32 v1, v0  }
0x41d: {  	v1 =	vld [tilespmem:s15+$0x280]  }
0x41e: {  	v0 =	vadd.f32 v2, v0  }
0x41f: {  	v2 =	vld [tilespmem:s15+$0x300]  }
0x420: {  	v0 =	vadd.f32 v3, v0  }
0x421: {  	v3 =	vld [tilespmem:s15+$0x380]  }
0x422: {  	v0 =	vadd.f32 v1, v0;
	_ =	sdelay $0x1  }
0x423: {  	v0 =	vadd.f32 v2, v0;
	_ =	sdelay $0x1  }
0x424: {  	v0 =	vadd.f32 v3, v0  }
0x425: {  	s16 =	simm.s32 $0x0  }
0x426: {  	[tilespmem:s16+$0x9400] =	vst v0  }
0x427: {  	v0 =	vld [tilespmem:s15+$0xFFFFFC10]  }
0x428: {  	v1 =	vld [tilespmem:s15+$0xFFFFFC90];
	_ =	sdelay $0x1  }
0x429: {  	v2 =	vld [tilespmem:s15+$0xFFFFFD10];
	_ =	sdelay $0x1  }
0x42a: {  	v3 =	vld [tilespmem:s15+$0xFFFFFD90]  }
0x42b: {  	v0 =	vadd.f32 v1, v0  }
0x42c: {  	v1 =	vld [tilespmem:s15+$0xFFFFFE10]  }
0x42d: {  	v0 =	vadd.f32 v2, v0  }
0x42e: {  	v2 =	vld [tilespmem:s15+$0xFFFFFE90]  }
0x42f: {  	v0 =	vadd.f32 v3, v0  }
0x430: {  	v3 =	vld [tilespmem:s15+$0xFFFFFF10]  }
0x431: {  	v0 =	vadd.f32 v1, v0  }
0x432: {  	v1 =	vld [tilespmem:s15+$0xFFFFFF90]  }
0x433: {  	v0 =	vadd.f32 v2, v0  }
0x434: {  	v2 =	vld [tilespmem:s15+$0x10]  }
0x435: {  	v0 =	vadd.f32 v3, v0  }
0x436: {  	v3 =	vld [tilespmem:s15+$0x90]  }
0x437: {  	v0 =	vadd.f32 v1, v0  }
0x438: {  	v1 =	vld [tilespmem:s15+$0x110]  }
0x439: {  	v0 =	vadd.f32 v2, v0  }
0x43a: {  	v2 =	vld [tilespmem:s15+$0x190]  }
0x43b: {  	v0 =	vadd.f32 v3, v0  }
0x43c: {  	v3 =	vld [tilespmem:s15+$0x210]  }
0x43d: {  	v0 =	vadd.f32 v1, v0  }
0x43e: {  	v1 =	vld [tilespmem:s15+$0x290]  }
0x43f: {  	v0 =	vadd.f32 v2, v0  }
0x440: {  	v2 =	vld [tilespmem:s15+$0x310]  }
0x441: {  	v0 =	vadd.f32 v3, v0  }
0x442: {  	v3 =	vld [tilespmem:s15+$0x390]  }
0x443: {  	v0 =	vadd.f32 v1, v0;
	_ =	sdelay $0x1  }
0x444: {  	v0 =	vadd.f32 v2, v0;
	_ =	sdelay $0x1  }
0x445: {  	v0 =	vadd.f32 v3, v0;
	_ =	sdelay $0x1  }
0x446: {  	[tilespmem:s16+$0x9410] =	vst v0  }
0x447: {  	v0 =	vld [tilespmem:s15+$0xFFFFFC20]  }
0x448: {  	v1 =	vld [tilespmem:s15+$0xFFFFFCA0];
	_ =	sdelay $0x1  }
0x449: {  	v2 =	vld [tilespmem:s15+$0xFFFFFD20];
	_ =	sdelay $0x1  }
0x44a: {  	v3 =	vld [tilespmem:s15+$0xFFFFFDA0]  }
0x44b: {  	v0 =	vadd.f32 v1, v0  }
0x44c: {  	v1 =	vld [tilespmem:s15+$0xFFFFFE20]  }
0x44d: {  	v0 =	vadd.f32 v2, v0  }
0x44e: {  	v2 =	vld [tilespmem:s15+$0xFFFFFEA0]  }
0x44f: {  	v0 =	vadd.f32 v3, v0  }
0x450: {  	v3 =	vld [tilespmem:s15+$0xFFFFFF20]  }
0x451: {  	v0 =	vadd.f32 v1, v0  }
0x452: {  	v1 =	vld [tilespmem:s15+$0xFFFFFFA0]  }
0x453: {  	v0 =	vadd.f32 v2, v0  }
0x454: {  	v2 =	vld [tilespmem:s15+$0x20]  }
0x455: {  	v0 =	vadd.f32 v3, v0  }
0x456: {  	v3 =	vld [tilespmem:s15+$0xA0]  }
0x457: {  	v0 =	vadd.f32 v1, v0  }
0x458: {  	v1 =	vld [tilespmem:s15+$0x120]  }
0x459: {  	v0 =	vadd.f32 v2, v0  }
0x45a: {  	v2 =	vld [tilespmem:s15+$0x1A0]  }
0x45b: {  	v0 =	vadd.f32 v3, v0  }
0x45c: {  	v3 =	vld [tilespmem:s15+$0x220]  }
0x45d: {  	v0 =	vadd.f32 v1, v0  }
0x45e: {  	v1 =	vld [tilespmem:s15+$0x2A0]  }
0x45f: {  	v0 =	vadd.f32 v2, v0  }
0x460: {  	v2 =	vld [tilespmem:s15+$0x320]  }
0x461: {  	v0 =	vadd.f32 v3, v0  }
0x462: {  	v3 =	vld [tilespmem:s15+$0x3A0]  }
0x463: {  	v0 =	vadd.f32 v1, v0;
	_ =	sdelay $0x1  }
0x464: {  	v0 =	vadd.f32 v2, v0;
	_ =	sdelay $0x1  }
0x465: {  	v0 =	vadd.f32 v3, v0;
	_ =	sdelay $0x1  }
0x466: {  	[tilespmem:s16+$0x9420] =	vst v0  }
0x467: {  	v0 =	vld [tilespmem:s15+$0xFFFFFC30]  }
0x468: {  	v1 =	vld [tilespmem:s15+$0xFFFFFCB0];
	_ =	sdelay $0x1  }
0x469: {  	v2 =	vld [tilespmem:s15+$0xFFFFFD30];
	_ =	sdelay $0x1  }
0x46a: {  	v3 =	vld [tilespmem:s15+$0xFFFFFDB0]  }
0x46b: {  	v0 =	vadd.f32 v1, v0  }
0x46c: {  	v1 =	vld [tilespmem:s15+$0xFFFFFE30]  }
0x46d: {  	v0 =	vadd.f32 v2, v0  }
0x46e: {  	v2 =	vld [tilespmem:s15+$0xFFFFFEB0]  }
0x46f: {  	v0 =	vadd.f32 v3, v0  }
0x470: {  	v3 =	vld [tilespmem:s15+$0xFFFFFF30]  }
0x471: {  	v0 =	vadd.f32 v1, v0  }
0x472: {  	v1 =	vld [tilespmem:s15+$0xFFFFFFB0]  }
0x473: {  	v0 =	vadd.f32 v2, v0  }
0x474: {  	v2 =	vld [tilespmem:s15+$0x30]  }
0x475: {  	v0 =	vadd.f32 v3, v0  }
0x476: {  	v3 =	vld [tilespmem:s15+$0xB0]  }
0x477: {  	v0 =	vadd.f32 v1, v0  }
0x478: {  	v1 =	vld [tilespmem:s15+$0x130]  }
0x479: {  	v0 =	vadd.f32 v2, v0  }
0x47a: {  	v2 =	vld [tilespmem:s15+$0x1B0]  }
0x47b: {  	v0 =	vadd.f32 v3, v0  }
0x47c: {  	v3 =	vld [tilespmem:s15+$0x230]  }
0x47d: {  	v0 =	vadd.f32 v1, v0  }
0x47e: {  	v1 =	vld [tilespmem:s15+$0x2B0]  }
0x47f: {  	v0 =	vadd.f32 v2, v0  }
0x480: {  	v2 =	vld [tilespmem:s15+$0x330]  }
0x481: {  	v0 =	vadd.f32 v3, v0  }
0x482: {  	v3 =	vld [tilespmem:s15+$0x3B0]  }
0x483: {  	v0 =	vadd.f32 v1, v0;
	_ =	sdelay $0x1  }
0x484: {  	v0 =	vadd.f32 v2, v0;
	_ =	sdelay $0x1  }
0x485: {  	v0 =	vadd.f32 v3, v0;
	_ =	sdelay $0x1  }
0x486: {  	[tilespmem:s16+$0x9430] =	vst v0  }
0x487: {  	v0 =	vld [tilespmem:s15+$0xFFFFFC40]  }
0x488: {  	v1 =	vld [tilespmem:s15+$0xFFFFFCC0];
	_ =	sdelay $0x1  }
0x489: {  	v2 =	vld [tilespmem:s15+$0xFFFFFD40];
	_ =	sdelay $0x1  }
0x48a: {  	v3 =	vld [tilespmem:s15+$0xFFFFFDC0]  }
0x48b: {  	v0 =	vadd.f32 v1, v0  }
0x48c: {  	v1 =	vld [tilespmem:s15+$0xFFFFFE40]  }
0x48d: {  	v0 =	vadd.f32 v2, v0  }
0x48e: {  	v2 =	vld [tilespmem:s15+$0xFFFFFEC0]  }
0x48f: {  	v0 =	vadd.f32 v3, v0  }
0x490: {  	v3 =	vld [tilespmem:s15+$0xFFFFFF40]  }
0x491: {  	v0 =	vadd.f32 v1, v0  }
0x492: {  	v1 =	vld [tilespmem:s15+$0xFFFFFFC0]  }
0x493: {  	v0 =	vadd.f32 v2, v0  }
0x494: {  	v2 =	vld [tilespmem:s15+$0x40]  }
0x495: {  	v0 =	vadd.f32 v3, v0  }
0x496: {  	v3 =	vld [tilespmem:s15+$0xC0]  }
0x497: {  	v0 =	vadd.f32 v1, v0  }
0x498: {  	v1 =	vld [tilespmem:s15+$0x140]  }
0x499: {  	v0 =	vadd.f32 v2, v0  }
0x49a: {  	v2 =	vld [tilespmem:s15+$0x1C0]  }
0x49b: {  	v0 =	vadd.f32 v3, v0  }
0x49c: {  	v3 =	vld [tilespmem:s15+$0x240]  }
0x49d: {  	v0 =	vadd.f32 v1, v0  }
0x49e: {  	v1 =	vld [tilespmem:s15+$0x2C0]  }
0x49f: {  	v0 =	vadd.f32 v2, v0  }
0x4a0: {  	v2 =	vld [tilespmem:s15+$0x340]  }
0x4a1: {  	v0 =	vadd.f32 v3, v0  }
0x4a2: {  	v3 =	vld [tilespmem:s15+$0x3C0]  }
0x4a3: {  	v0 =	vadd.f32 v1, v0;
	_ =	sdelay $0x1  }
0x4a4: {  	v0 =	vadd.f32 v2, v0;
	_ =	sdelay $0x1  }
0x4a5: {  	v0 =	vadd.f32 v3, v0;
	_ =	sdelay $0x1  }
0x4a6: {  	[tilespmem:s16+$0x9440] =	vst v0  }
0x4a7: {  	v0 =	vld [tilespmem:s15+$0xFFFFFC50]  }
0x4a8: {  	v1 =	vld [tilespmem:s15+$0xFFFFFCD0];
	_ =	sdelay $0x1  }
0x4a9: {  	v2 =	vld [tilespmem:s15+$0xFFFFFD50];
	_ =	sdelay $0x1  }
0x4aa: {  	v3 =	vld [tilespmem:s15+$0xFFFFFDD0]  }
0x4ab: {  	v0 =	vadd.f32 v1, v0  }
0x4ac: {  	v1 =	vld [tilespmem:s15+$0xFFFFFE50]  }
0x4ad: {  	v0 =	vadd.f32 v2, v0  }
0x4ae: {  	v2 =	vld [tilespmem:s15+$0xFFFFFED0]  }
0x4af: {  	v0 =	vadd.f32 v3, v0  }
0x4b0: {  	v3 =	vld [tilespmem:s15+$0xFFFFFF50]  }
0x4b1: {  	v0 =	vadd.f32 v1, v0  }
0x4b2: {  	v1 =	vld [tilespmem:s15+$0xFFFFFFD0]  }
0x4b3: {  	v0 =	vadd.f32 v2, v0  }
0x4b4: {  	v2 =	vld [tilespmem:s15+$0x50]  }
0x4b5: {  	v0 =	vadd.f32 v3, v0  }
0x4b6: {  	v3 =	vld [tilespmem:s15+$0xD0]  }
0x4b7: {  	v0 =	vadd.f32 v1, v0  }
0x4b8: {  	v1 =	vld [tilespmem:s15+$0x150]  }
0x4b9: {  	v0 =	vadd.f32 v2, v0  }
0x4ba: {  	v2 =	vld [tilespmem:s15+$0x1D0]  }
0x4bb: {  	v0 =	vadd.f32 v3, v0  }
0x4bc: {  	v3 =	vld [tilespmem:s15+$0x250]  }
0x4bd: {  	v0 =	vadd.f32 v1, v0  }
0x4be: {  	v1 =	vld [tilespmem:s15+$0x2D0]  }
0x4bf: {  	v0 =	vadd.f32 v2, v0  }
0x4c0: {  	v2 =	vld [tilespmem:s15+$0x350]  }
0x4c1: {  	v0 =	vadd.f32 v3, v0  }
0x4c2: {  	v3 =	vld [tilespmem:s15+$0x3D0]  }
0x4c3: {  	v0 =	vadd.f32 v1, v0;
	_ =	sdelay $0x1  }
0x4c4: {  	v0 =	vadd.f32 v2, v0;
	_ =	sdelay $0x1  }
0x4c5: {  	v0 =	vadd.f32 v3, v0;
	_ =	sdelay $0x1  }
0x4c6: {  	[tilespmem:s16+$0x9450] =	vst v0  }
0x4c7: {  	v0 =	vld [tilespmem:s15+$0xFFFFFC60]  }
0x4c8: {  	v1 =	vld [tilespmem:s15+$0xFFFFFCE0];
	_ =	sdelay $0x1  }
0x4c9: {  	v2 =	vld [tilespmem:s15+$0xFFFFFD60];
	_ =	sdelay $0x1  }
0x4ca: {  	v3 =	vld [tilespmem:s15+$0xFFFFFDE0]  }
0x4cb: {  	v0 =	vadd.f32 v1, v0  }
0x4cc: {  	v1 =	vld [tilespmem:s15+$0xFFFFFE60]  }
0x4cd: {  	v0 =	vadd.f32 v2, v0  }
0x4ce: {  	v2 =	vld [tilespmem:s15+$0xFFFFFEE0]  }
0x4cf: {  	v0 =	vadd.f32 v3, v0  }
0x4d0: {  	v3 =	vld [tilespmem:s15+$0xFFFFFF60]  }
0x4d1: {  	v0 =	vadd.f32 v1, v0  }
0x4d2: {  	v1 =	vld [tilespmem:s15+$0xFFFFFFE0]  }
0x4d3: {  	v0 =	vadd.f32 v2, v0  }
0x4d4: {  	v2 =	vld [tilespmem:s15+$0x60]  }
0x4d5: {  	v0 =	vadd.f32 v3, v0  }
0x4d6: {  	v3 =	vld [tilespmem:s15+$0xE0]  }
0x4d7: {  	v0 =	vadd.f32 v1, v0  }
0x4d8: {  	v1 =	vld [tilespmem:s15+$0x160]  }
0x4d9: {  	v0 =	vadd.f32 v2, v0  }
0x4da: {  	v2 =	vld [tilespmem:s15+$0x1E0]  }
0x4db: {  	v0 =	vadd.f32 v3, v0  }
0x4dc: {  	v3 =	vld [tilespmem:s15+$0x260]  }
0x4dd: {  	v0 =	vadd.f32 v1, v0  }
0x4de: {  	v1 =	vld [tilespmem:s15+$0x2E0]  }
0x4df: {  	v0 =	vadd.f32 v2, v0  }
0x4e0: {  	v2 =	vld [tilespmem:s15+$0x360]  }
0x4e1: {  	v0 =	vadd.f32 v3, v0  }
0x4e2: {  	v3 =	vld [tilespmem:s15+$0x3E0]  }
0x4e3: {  	v0 =	vadd.f32 v1, v0;
	_ =	sdelay $0x1  }
0x4e4: {  	v0 =	vadd.f32 v2, v0;
	_ =	sdelay $0x1  }
0x4e5: {  	v0 =	vadd.f32 v3, v0;
	_ =	sdelay $0x1  }
0x4e6: {  	[tilespmem:s16+$0x9460] =	vst v0  }
0x4e7: {  	v0 =	vld [tilespmem:s15+$0xFFFFFC70]  }
0x4e8: {  	v1 =	vld [tilespmem:s15+$0xFFFFFCF0];
	_ =	sdelay $0x1  }
0x4e9: {  	v2 =	vld [tilespmem:s15+$0xFFFFFD70];
	_ =	sdelay $0x1  }
0x4ea: {  	v3 =	vld [tilespmem:s15+$0xFFFFFDF0]  }
0x4eb: {  	v0 =	vadd.f32 v1, v0  }
0x4ec: {  	v1 =	vld [tilespmem:s15+$0xFFFFFE70]  }
0x4ed: {  	v0 =	vadd.f32 v2, v0  }
0x4ee: {  	v2 =	vld [tilespmem:s15+$0xFFFFFEF0]  }
0x4ef: {  	v0 =	vadd.f32 v3, v0  }
0x4f0: {  	v3 =	vld [tilespmem:s15+$0xFFFFFF70]  }
0x4f1: {  	v0 =	vadd.f32 v1, v0  }
0x4f2: {  	v1 =	vld [tilespmem:s15+$0xFFFFFFF0]  }
0x4f3: {  	v0 =	vadd.f32 v2, v0  }
0x4f4: {  	v2 =	vld [tilespmem:s15+$0x70]  }
0x4f5: {  	v0 =	vadd.f32 v3, v0  }
0x4f6: {  	v3 =	vld [tilespmem:s15+$0xF0]  }
0x4f7: {  	v0 =	vadd.f32 v1, v0  }
0x4f8: {  	v1 =	vld [tilespmem:s15+$0x170]  }
0x4f9: {  	v0 =	vadd.f32 v2, v0  }
0x4fa: {  	v4 =	vld [tilespmem:s15+$0x1F0]  }
0x4fb: {  	v2 =	vadd.f32 v3, v0  }
0x4fc: {  	v3 =	vld [tilespmem:s15+$0x270]  }
0x4fd: {  	v0 =	vld [tilespmem:s15+$0x2F0];
	v5 =	vadd.f32 v1, v2  }
0x4fe: {  	v1 =	vld [tilespmem:s15+$0x370]  }
0x4ff: {  	s17 =	simm.s32 $0x200;
	v2 =	vld [tilespmem:s15+$0x3F0];
	v4 =	vadd.f32 v4, v5  }
.LBB2_6:
0x500: {  	p0 =	sne.s32 s17, $0x1E00  }
0x501: {  	s15 =	sadd.s32 $0x800, s15;
	s18 =	smov.u32 s17;
	s17 =	sadd.s32 $0x200, s17;
	v3 =	vadd.f32 v3, v4  }
0x502: {  	_ = 	snop  }
0x503: {  	v0 =	vadd.f32 v0, v3;
	_ =	sdelay $0x1  }
0x504: {  	v0 =	vadd.f32 v1, v0;
	_ =	sdelay $0x1  }
0x505: {  	v0 =	vadd.f32 v2, v0;
	_ =	sdelay $0x1  }
0x506: {  	[tilespmem:s16+$0x9470] =	vst v0  }
0x507: {  	v0 =	vld [tilespmem:s15+$0xFFFFFC80]  }
0x508: {  	v1 =	vld [tilespmem:s15+$0xFFFFFC00]  }
0x509: {  	v2 =	vld [tilespmem:s15+$0xFFFFFD00];
	_ =	sdelay $0x2  }
0x50a: {  	v3 =	vld [tilespmem:s15+$0xFFFFFD80]  }
0x50b: {  	v0 =	vadd.f32 v0, v1  }
0x50c: {  	v1 =	vld [tilespmem:s15+$0xFFFFFE00]  }
0x50d: {  	v0 =	vadd.f32 v2, v0  }
0x50e: {  	v2 =	vld [tilespmem:s15+$0xFFFFFE80]  }
0x50f: {  	v0 =	vadd.f32 v3, v0  }
0x510: {  	v3 =	vld [tilespmem:s15+$0xFFFFFF00]  }
0x511: {  	v0 =	vadd.f32 v1, v0  }
0x512: {  	v1 =	vld [tilespmem:s15+$0xFFFFFF80]  }
0x513: {  	v0 =	vadd.f32 v2, v0  }
0x514: {  	v2 =	vld [tilespmem:s15+$0x0]  }
0x515: {  	v0 =	vadd.f32 v3, v0  }
0x516: {  	v3 =	vld [tilespmem:s15+$0x80]  }
0x517: {  	v0 =	vadd.f32 v1, v0  }
0x518: {  	v1 =	vld [tilespmem:s15+$0x100]  }
0x519: {  	v0 =	vadd.f32 v2, v0  }
0x51a: {  	v2 =	vld [tilespmem:s15+$0x180]  }
0x51b: {  	v0 =	vadd.f32 v3, v0  }
0x51c: {  	v3 =	vld [tilespmem:s15+$0x200]  }
0x51d: {  	v0 =	vadd.f32 v1, v0  }
0x51e: {  	v1 =	vld [tilespmem:s15+$0x280]  }
0x51f: {  	v0 =	vadd.f32 v2, v0  }
0x520: {  	v2 =	vld [tilespmem:s15+$0x300]  }
0x521: {  	v0 =	vadd.f32 v3, v0  }
0x522: {  	v3 =	vld [tilespmem:s15+$0x380]  }
0x523: {  	v0 =	vadd.f32 v1, v0;
	_ =	sdelay $0x1  }
0x524: {  	v0 =	vadd.f32 v2, v0;
	_ =	sdelay $0x1  }
0x525: {  	v0 =	vadd.f32 v3, v0  }
0x526: {  	s16 =	sshra.s32 s18, $0x2  }
0x527: {  	[tilespmem:s16+$0x9400] =	vst v0  }
0x528: {  	v0 =	vld [tilespmem:s15+$0xFFFFFC10]  }
0x529: {  	v1 =	vld [tilespmem:s15+$0xFFFFFC90];
	_ =	sdelay $0x1  }
0x52a: {  	v2 =	vld [tilespmem:s15+$0xFFFFFD10];
	_ =	sdelay $0x1  }
0x52b: {  	v3 =	vld [tilespmem:s15+$0xFFFFFD90]  }
0x52c: {  	v0 =	vadd.f32 v1, v0  }
0x52d: {  	v1 =	vld [tilespmem:s15+$0xFFFFFE10]  }
0x52e: {  	v0 =	vadd.f32 v2, v0  }
0x52f: {  	v2 =	vld [tilespmem:s15+$0xFFFFFE90]  }
0x530: {  	v0 =	vadd.f32 v3, v0  }
0x531: {  	v3 =	vld [tilespmem:s15+$0xFFFFFF10]  }
0x532: {  	v0 =	vadd.f32 v1, v0  }
0x533: {  	v1 =	vld [tilespmem:s15+$0xFFFFFF90]  }
0x534: {  	v0 =	vadd.f32 v2, v0  }
0x535: {  	v2 =	vld [tilespmem:s15+$0x10]  }
0x536: {  	v0 =	vadd.f32 v3, v0  }
0x537: {  	v3 =	vld [tilespmem:s15+$0x90]  }
0x538: {  	v0 =	vadd.f32 v1, v0  }
0x539: {  	v1 =	vld [tilespmem:s15+$0x110]  }
0x53a: {  	v0 =	vadd.f32 v2, v0  }
0x53b: {  	v2 =	vld [tilespmem:s15+$0x190]  }
0x53c: {  	v0 =	vadd.f32 v3, v0  }
0x53d: {  	v3 =	vld [tilespmem:s15+$0x210]  }
0x53e: {  	v0 =	vadd.f32 v1, v0  }
0x53f: {  	v1 =	vld [tilespmem:s15+$0x290]  }
0x540: {  	v0 =	vadd.f32 v2, v0  }
0x541: {  	v2 =	vld [tilespmem:s15+$0x310]  }
0x542: {  	v0 =	vadd.f32 v3, v0  }
0x543: {  	v3 =	vld [tilespmem:s15+$0x390]  }
0x544: {  	v0 =	vadd.f32 v1, v0;
	_ =	sdelay $0x1  }
0x545: {  	v0 =	vadd.f32 v2, v0;
	_ =	sdelay $0x1  }
0x546: {  	v0 =	vadd.f32 v3, v0;
	_ =	sdelay $0x1  }
0x547: {  	[tilespmem:s16+$0x9410] =	vst v0  }
0x548: {  	v0 =	vld [tilespmem:s15+$0xFFFFFC20]  }
0x549: {  	v1 =	vld [tilespmem:s15+$0xFFFFFCA0];
	_ =	sdelay $0x1  }
0x54a: {  	v2 =	vld [tilespmem:s15+$0xFFFFFD20];
	_ =	sdelay $0x1  }
0x54b: {  	v3 =	vld [tilespmem:s15+$0xFFFFFDA0]  }
0x54c: {  	v0 =	vadd.f32 v1, v0  }
0x54d: {  	v1 =	vld [tilespmem:s15+$0xFFFFFE20]  }
0x54e: {  	v0 =	vadd.f32 v2, v0  }
0x54f: {  	v2 =	vld [tilespmem:s15+$0xFFFFFEA0]  }
0x550: {  	v0 =	vadd.f32 v3, v0  }
0x551: {  	v3 =	vld [tilespmem:s15+$0xFFFFFF20]  }
0x552: {  	v0 =	vadd.f32 v1, v0  }
0x553: {  	v1 =	vld [tilespmem:s15+$0xFFFFFFA0]  }
0x554: {  	v0 =	vadd.f32 v2, v0  }
0x555: {  	v2 =	vld [tilespmem:s15+$0x20]  }
0x556: {  	v0 =	vadd.f32 v3, v0  }
0x557: {  	v3 =	vld [tilespmem:s15+$0xA0]  }
0x558: {  	v0 =	vadd.f32 v1, v0  }
0x559: {  	v1 =	vld [tilespmem:s15+$0x120]  }
0x55a: {  	v0 =	vadd.f32 v2, v0  }
0x55b: {  	v2 =	vld [tilespmem:s15+$0x1A0]  }
0x55c: {  	v0 =	vadd.f32 v3, v0  }
0x55d: {  	v3 =	vld [tilespmem:s15+$0x220]  }
0x55e: {  	v0 =	vadd.f32 v1, v0  }
0x55f: {  	v1 =	vld [tilespmem:s15+$0x2A0]  }
0x560: {  	v0 =	vadd.f32 v2, v0  }
0x561: {  	v2 =	vld [tilespmem:s15+$0x320]  }
0x562: {  	v0 =	vadd.f32 v3, v0  }
0x563: {  	v3 =	vld [tilespmem:s15+$0x3A0]  }
0x564: {  	v0 =	vadd.f32 v1, v0;
	_ =	sdelay $0x1  }
0x565: {  	v0 =	vadd.f32 v2, v0;
	_ =	sdelay $0x1  }
0x566: {  	v0 =	vadd.f32 v3, v0;
	_ =	sdelay $0x1  }
0x567: {  	[tilespmem:s16+$0x9420] =	vst v0  }
0x568: {  	v0 =	vld [tilespmem:s15+$0xFFFFFC30]  }
0x569: {  	v1 =	vld [tilespmem:s15+$0xFFFFFCB0]  }
0x56a: {  	v2 =	vld [tilespmem:s15+$0xFFFFFD30];
	_ =	sdelay $0x2  }
0x56b: {  	v3 =	vld [tilespmem:s15+$0xFFFFFDB0]  }
0x56c: {  	v0 =	vadd.f32 v1, v0  }
0x56d: {  	v1 =	vld [tilespmem:s15+$0xFFFFFE30]  }
0x56e: {  	v0 =	vadd.f32 v2, v0  }
0x56f: {  	v2 =	vld [tilespmem:s15+$0xFFFFFEB0]  }
0x570: {  	v0 =	vadd.f32 v3, v0  }
0x571: {  	v3 =	vld [tilespmem:s15+$0xFFFFFF30]  }
0x572: {  	v0 =	vadd.f32 v1, v0  }
0x573: {  	v1 =	vld [tilespmem:s15+$0xFFFFFFB0]  }
0x574: {  	v0 =	vadd.f32 v2, v0  }
0x575: {  	v2 =	vld [tilespmem:s15+$0x30]  }
0x576: {  	v0 =	vadd.f32 v3, v0  }
0x577: {  	v3 =	vld [tilespmem:s15+$0xB0]  }
0x578: {  	v0 =	vadd.f32 v1, v0  }
0x579: {  	v1 =	vld [tilespmem:s15+$0x130]  }
0x57a: {  	v0 =	vadd.f32 v2, v0  }
0x57b: {  	v2 =	vld [tilespmem:s15+$0x1B0]  }
0x57c: {  	v0 =	vadd.f32 v3, v0  }
0x57d: {  	v3 =	vld [tilespmem:s15+$0x230]  }
0x57e: {  	v0 =	vadd.f32 v1, v0  }
0x57f: {  	v1 =	vld [tilespmem:s15+$0x2B0]  }
0x580: {  	v0 =	vadd.f32 v2, v0  }
0x581: {  	v2 =	vld [tilespmem:s15+$0x330]  }
0x582: {  	v0 =	vadd.f32 v3, v0  }
0x583: {  	v3 =	vld [tilespmem:s15+$0x3B0]  }
0x584: {  	v0 =	vadd.f32 v1, v0;
	_ =	sdelay $0x1  }
0x585: {  	v0 =	vadd.f32 v2, v0;
	_ =	sdelay $0x1  }
0x586: {  	v0 =	vadd.f32 v3, v0;
	_ =	sdelay $0x1  }
0x587: {  	[tilespmem:s16+$0x9430] =	vst v0  }
0x588: {  	v0 =	vld [tilespmem:s15+$0xFFFFFC40]  }
0x589: {  	v1 =	vld [tilespmem:s15+$0xFFFFFCC0]  }
0x58a: {  	v2 =	vld [tilespmem:s15+$0xFFFFFD40];
	_ =	sdelay $0x2  }
0x58b: {  	v3 =	vld [tilespmem:s15+$0xFFFFFDC0]  }
0x58c: {  	v0 =	vadd.f32 v1, v0  }
0x58d: {  	v1 =	vld [tilespmem:s15+$0xFFFFFE40]  }
0x58e: {  	v0 =	vadd.f32 v2, v0  }
0x58f: {  	v2 =	vld [tilespmem:s15+$0xFFFFFEC0]  }
0x590: {  	v0 =	vadd.f32 v3, v0  }
0x591: {  	v3 =	vld [tilespmem:s15+$0xFFFFFF40]  }
0x592: {  	v0 =	vadd.f32 v1, v0  }
0x593: {  	v1 =	vld [tilespmem:s15+$0xFFFFFFC0]  }
0x594: {  	v0 =	vadd.f32 v2, v0  }
0x595: {  	v2 =	vld [tilespmem:s15+$0x40]  }
0x596: {  	v0 =	vadd.f32 v3, v0  }
0x597: {  	v3 =	vld [tilespmem:s15+$0xC0]  }
0x598: {  	v0 =	vadd.f32 v1, v0  }
0x599: {  	v1 =	vld [tilespmem:s15+$0x140]  }
0x59a: {  	v0 =	vadd.f32 v2, v0  }
0x59b: {  	v2 =	vld [tilespmem:s15+$0x1C0]  }
0x59c: {  	v0 =	vadd.f32 v3, v0  }
0x59d: {  	v3 =	vld [tilespmem:s15+$0x240]  }
0x59e: {  	v0 =	vadd.f32 v1, v0  }
0x59f: {  	v1 =	vld [tilespmem:s15+$0x2C0]  }
0x5a0: {  	v0 =	vadd.f32 v2, v0  }
0x5a1: {  	v2 =	vld [tilespmem:s15+$0x340]  }
0x5a2: {  	v0 =	vadd.f32 v3, v0  }
0x5a3: {  	v3 =	vld [tilespmem:s15+$0x3C0]  }
0x5a4: {  	v0 =	vadd.f32 v1, v0;
	_ =	sdelay $0x1  }
0x5a5: {  	v0 =	vadd.f32 v2, v0;
	_ =	sdelay $0x1  }
0x5a6: {  	v0 =	vadd.f32 v3, v0;
	_ =	sdelay $0x1  }
0x5a7: {  	[tilespmem:s16+$0x9440] =	vst v0  }
0x5a8: {  	v0 =	vld [tilespmem:s15+$0xFFFFFC50]  }
0x5a9: {  	v1 =	vld [tilespmem:s15+$0xFFFFFCD0]  }
0x5aa: {  	v2 =	vld [tilespmem:s15+$0xFFFFFD50]  }
0x5ab: {  	v3 =	vld [tilespmem:s15+$0xFFFFFDD0]  }
0x5ac: {  	v4 =	vld [tilespmem:s15+$0xFFFFFE50]  }
0x5ad: {  	v5 =	vld [tilespmem:s15+$0xFFFFFED0]  }
0x5ae: {  	v0 =	vadd.f32 v1, v0;
	v1 =	vld [tilespmem:s15+$0xFFFFFF50]  }
0x5af: {  	v6 =	vld [tilespmem:s15+$0xFFFFFFD0]  }
0x5b0: {  	v0 =	vadd.f32 v2, v0;
	v2 =	vld [tilespmem:s15+$0x50]  }
0x5b1: {  	v7 =	vld [tilespmem:s15+$0xD0]  }
0x5b2: {  	v0 =	vadd.f32 v3, v0;
	v3 =	vld [tilespmem:s15+$0x150]  }
0x5b3: {  	v8 =	vld [tilespmem:s15+$0x1D0]  }
0x5b4: {  	v0 =	vadd.f32 v4, v0;
	v4 =	vld [tilespmem:s15+$0x250]  }
0x5b5: {  	v9 =	vld [tilespmem:s15+$0x2D0]  }
0x5b6: {  	v0 =	vadd.f32 v5, v0;
	v5 =	vld [tilespmem:s15+$0x350]  }
0x5b7: {  	v10 =	vld [tilespmem:s15+$0x3D0]  }
0x5b8: {  	v0 =	vadd.f32 v1, v0;
	_ =	sdelay $0x1  }
0x5b9: {  	v0 =	vadd.f32 v6, v0;
	_ =	sdelay $0x1  }
0x5ba: {  	v0 =	vadd.f32 v2, v0;
	_ =	sdelay $0x1  }
0x5bb: {  	v0 =	vadd.f32 v7, v0;
	_ =	sdelay $0x1  }
0x5bc: {  	v0 =	vadd.f32 v3, v0;
	_ =	sdelay $0x1  }
0x5bd: {  	v0 =	vadd.f32 v8, v0;
	_ =	sdelay $0x1  }
0x5be: {  	v0 =	vadd.f32 v4, v0;
	_ =	sdelay $0x1  }
0x5bf: {  	v0 =	vadd.f32 v9, v0;
	_ =	sdelay $0x1  }
0x5c0: {  	v0 =	vadd.f32 v5, v0;
	_ =	sdelay $0x1  }
0x5c1: {  	v0 =	vadd.f32 v10, v0;
	_ =	sdelay $0x1  }
0x5c2: {  	[tilespmem:s16+$0x9450] =	vst v0  }
0x5c3: {  	v0 =	vld [tilespmem:s15+$0xFFFFFC60]  }
0x5c4: {  	v1 =	vld [tilespmem:s15+$0xFFFFFCE0]  }
0x5c5: {  	v2 =	vld [tilespmem:s15+$0xFFFFFD60]  }
0x5c6: {  	v3 =	vld [tilespmem:s15+$0xFFFFFDE0]  }
0x5c7: {  	v4 =	vld [tilespmem:s15+$0xFFFFFE60]  }
0x5c8: {  	v5 =	vld [tilespmem:s15+$0xFFFFFEE0]  }
0x5c9: {  	v0 =	vadd.f32 v1, v0;
	v1 =	vld [tilespmem:s15+$0xFFFFFF60]  }
0x5ca: {  	v6 =	vld [tilespmem:s15+$0xFFFFFFE0]  }
0x5cb: {  	v0 =	vadd.f32 v2, v0;
	v2 =	vld [tilespmem:s15+$0x60]  }
0x5cc: {  	v7 =	vld [tilespmem:s15+$0xE0]  }
0x5cd: {  	v0 =	vadd.f32 v3, v0;
	v3 =	vld [tilespmem:s15+$0x160]  }
0x5ce: {  	v8 =	vld [tilespmem:s15+$0x1E0]  }
0x5cf: {  	v0 =	vadd.f32 v4, v0;
	v4 =	vld [tilespmem:s15+$0x260]  }
0x5d0: {  	v9 =	vld [tilespmem:s15+$0x2E0]  }
0x5d1: {  	v0 =	vadd.f32 v5, v0;
	v5 =	vld [tilespmem:s15+$0x360]  }
0x5d2: {  	v10 =	vld [tilespmem:s15+$0x3E0]  }
0x5d3: {  	v0 =	vadd.f32 v1, v0;
	_ =	sdelay $0x1  }
0x5d4: {  	v0 =	vadd.f32 v6, v0;
	_ =	sdelay $0x1  }
0x5d5: {  	v0 =	vadd.f32 v2, v0;
	_ =	sdelay $0x1  }
0x5d6: {  	v0 =	vadd.f32 v7, v0;
	_ =	sdelay $0x1  }
0x5d7: {  	v0 =	vadd.f32 v3, v0;
	_ =	sdelay $0x1  }
0x5d8: {  	v0 =	vadd.f32 v8, v0;
	_ =	sdelay $0x1  }
0x5d9: {  	v0 =	vadd.f32 v4, v0;
	_ =	sdelay $0x1  }
0x5da: {  	v0 =	vadd.f32 v9, v0;
	_ =	sdelay $0x1  }
0x5db: {  	v0 =	vadd.f32 v5, v0;
	_ =	sdelay $0x1  }
0x5dc: {  	v0 =	vadd.f32 v10, v0;
	_ =	sdelay $0x1  }
0x5dd: {  	[tilespmem:s16+$0x9460] =	vst v0  }
0x5de: {  	v0 =	vld [tilespmem:s15+$0xFFFFFC70]  }
0x5df: {  	v1 =	vld [tilespmem:s15+$0xFFFFFCF0]  }
0x5e0: {  	v2 =	vld [tilespmem:s15+$0xFFFFFD70]  }
0x5e1: {  	v3 =	vld [tilespmem:s15+$0xFFFFFDF0]  }
0x5e2: {  	v4 =	vld [tilespmem:s15+$0xFFFFFE70]  }
0x5e3: {  	v5 =	vld [tilespmem:s15+$0xFFFFFEF0]  }
0x5e4: {  	v0 =	vadd.f32 v1, v0;
	v6 =	vld [tilespmem:s15+$0xFFFFFF70]  }
0x5e5: {  	v7 =	vld [tilespmem:s15+$0xFFFFFFF0]  }
0x5e6: {  	v0 =	vadd.f32 v2, v0;
	v8 =	vld [tilespmem:s15+$0x70]  }
0x5e7: {  	v9 =	vld [tilespmem:s15+$0xF0]  }
0x5e8: {  	v0 =	vadd.f32 v3, v0;
	v10 =	vld [tilespmem:s15+$0x170]  }
0x5e9: {  	v11 =	vld [tilespmem:s15+$0x1F0]  }
0x5ea: {  	v1 =	vadd.f32 v4, v0;
	v3 =	vld [tilespmem:s15+$0x270]  }
0x5eb: {  	v0 =	vld [tilespmem:s15+$0x2F0]  }
0x5ec: {  	v4 =	vadd.f32 v5, v1;
	v1 =	vld [tilespmem:s15+$0x370]  }
0x5ed: {  	v2 =	vld [tilespmem:s15+$0x3F0]  }
0x5ee: {  	v4 =	vadd.f32 v6, v4;
	_ =	sdelay $0x1  }
0x5ef: {  	v4 =	vadd.f32 v7, v4;
	_ =	sdelay $0x1  }
0x5f0: {  	v4 =	vadd.f32 v8, v4;
	_ =	sdelay $0x1  }
.Ltmp2:
0x5f1: {  	v4 =	vadd.f32 v9, v4;
	(pc) =	sbr.rel @p0 .LBB2_6-.Ltmp2, $3  }
0x5f2: {  	_ = 	snop  }
0x5f3: {  	v4 =	vadd.f32 v10, v4;
	_ =	sdelay $0x1  }
0x5f4: {  	v4 =	vadd.f32 v11, v4  }
0x5f5: {  	_ = 	snop  }
0x5f6: {  	v3 =	vadd.f32 v3, v4;
	_ =	sdelay $0x1  }
0x5f7: {  	v0 =	vadd.f32 v0, v3;
	_ =	sdelay $0x1  }
0x5f8: {  	v0 =	vadd.f32 v1, v0;
	_ =	sdelay $0x1  }
0x5f9: {  	v0 =	vadd.f32 v2, v0;
	_ =	sdelay $0x1  }
0x5fa: {  	[tilespmem:s16+$0x9470] =	vst v0  }
0x5fb: {  	[tilespmem:s9], [sflag:$0x1] =	stream.indirect.gather [hbm4b:s3+s8], $0x80, s12, s8, $0xb8;
	[tilespmem:$0xA400] =	vst v63  }
0x5fc: {  	_ =	swait.ge [sflag:s10], $0x8000  }
0x5fd: {  	[sflag:s10] =	ssyncset.done $0x0  }
0x5fe: {  	s15 =	simm.s32 $0x800;
	[sflag:s10] =	ssyncadd.s32 $0xFFFF8000  }
0x5ff: {  	v0 =	vld [tilespmem:s15+$0xFFFFFC80]  }
0x600: {  	v1 =	vld [tilespmem:s15+$0xFFFFFC00];
	_ =	sdelay $0x1  }
0x601: {  	v2 =	vld [tilespmem:s15+$0xFFFFFD00];
	_ =	sdelay $0x1  }
0x602: {  	v3 =	vld [tilespmem:s15+$0xFFFFFD80]  }
0x603: {  	v0 =	vadd.f32 v0, v1  }
0x604: {  	v1 =	vld [tilespmem:s15+$0xFFFFFE00]  }
0x605: {  	v0 =	vadd.f32 v2, v0  }
0x606: {  	v2 =	vld [tilespmem:s15+$0xFFFFFE80]  }
0x607: {  	v0 =	vadd.f32 v3, v0  }
0x608: {  	v3 =	vld [tilespmem:s15+$0xFFFFFF00]  }
0x609: {  	v0 =	vadd.f32 v1, v0  }
0x60a: {  	v1 =	vld [tilespmem:s15+$0xFFFFFF80]  }
0x60b: {  	v0 =	vadd.f32 v2, v0  }
0x60c: {  	v2 =	vld [tilespmem:s15+$0x0]  }
0x60d: {  	v0 =	vadd.f32 v3, v0  }
0x60e: {  	v3 =	vld [tilespmem:s15+$0x80]  }
0x60f: {  	v0 =	vadd.f32 v1, v0  }
0x610: {  	v1 =	vld [tilespmem:s15+$0x100]  }
0x611: {  	v0 =	vadd.f32 v2, v0  }
0x612: {  	v2 =	vld [tilespmem:s15+$0x180]  }
0x613: {  	v0 =	vadd.f32 v3, v0  }
0x614: {  	v3 =	vld [tilespmem:s15+$0x200]  }
0x615: {  	v0 =	vadd.f32 v1, v0  }
0x616: {  	v1 =	vld [tilespmem:s15+$0x280]  }
0x617: {  	v0 =	vadd.f32 v2, v0  }
0x618: {  	v2 =	vld [tilespmem:s15+$0x300]  }
0x619: {  	v0 =	vadd.f32 v3, v0  }
0x61a: {  	v3 =	vld [tilespmem:s15+$0x380]  }
0x61b: {  	v0 =	vadd.f32 v1, v0;
	_ =	sdelay $0x1  }
0x61c: {  	v0 =	vadd.f32 v2, v0;
	_ =	sdelay $0x1  }
0x61d: {  	v0 =	vadd.f32 v3, v0  }
0x61e: {  	s16 =	simm.s32 $0x0  }
0x61f: {  	[tilespmem:s16+$0x9C00] =	vst v0  }
0x620: {  	v0 =	vld [tilespmem:s15+$0xFFFFFC10]  }
0x621: {  	v1 =	vld [tilespmem:s15+$0xFFFFFC90];
	_ =	sdelay $0x1  }
0x622: {  	v2 =	vld [tilespmem:s15+$0xFFFFFD10];
	_ =	sdelay $0x1  }
0x623: {  	v3 =	vld [tilespmem:s15+$0xFFFFFD90]  }
0x624: {  	v0 =	vadd.f32 v1, v0  }
0x625: {  	v1 =	vld [tilespmem:s15+$0xFFFFFE10]  }
0x626: {  	v0 =	vadd.f32 v2, v0  }
0x627: {  	v2 =	vld [tilespmem:s15+$0xFFFFFE90]  }
0x628: {  	v0 =	vadd.f32 v3, v0  }
0x629: {  	v3 =	vld [tilespmem:s15+$0xFFFFFF10]  }
0x62a: {  	v0 =	vadd.f32 v1, v0  }
0x62b: {  	v1 =	vld [tilespmem:s15+$0xFFFFFF90]  }
0x62c: {  	v0 =	vadd.f32 v2, v0  }
0x62d: {  	v2 =	vld [tilespmem:s15+$0x10]  }
0x62e: {  	v0 =	vadd.f32 v3, v0  }
0x62f: {  	v3 =	vld [tilespmem:s15+$0x90]  }
0x630: {  	v0 =	vadd.f32 v1, v0  }
0x631: {  	v1 =	vld [tilespmem:s15+$0x110]  }
0x632: {  	v0 =	vadd.f32 v2, v0  }
0x633: {  	v2 =	vld [tilespmem:s15+$0x190]  }
0x634: {  	v0 =	vadd.f32 v3, v0  }
0x635: {  	v3 =	vld [tilespmem:s15+$0x210]  }
0x636: {  	v0 =	vadd.f32 v1, v0  }
0x637: {  	v1 =	vld [tilespmem:s15+$0x290]  }
0x638: {  	v0 =	vadd.f32 v2, v0  }
0x639: {  	v2 =	vld [tilespmem:s15+$0x310]  }
0x63a: {  	v0 =	vadd.f32 v3, v0  }
0x63b: {  	v3 =	vld [tilespmem:s15+$0x390]  }
0x63c: {  	v0 =	vadd.f32 v1, v0;
	_ =	sdelay $0x1  }
0x63d: {  	v0 =	vadd.f32 v2, v0;
	_ =	sdelay $0x1  }
0x63e: {  	v0 =	vadd.f32 v3, v0;
	_ =	sdelay $0x1  }
0x63f: {  	[tilespmem:s16+$0x9C10] =	vst v0  }
0x640: {  	v0 =	vld [tilespmem:s15+$0xFFFFFC20]  }
0x641: {  	v1 =	vld [tilespmem:s15+$0xFFFFFCA0];
	_ =	sdelay $0x1  }
0x642: {  	v2 =	vld [tilespmem:s15+$0xFFFFFD20];
	_ =	sdelay $0x1  }
0x643: {  	v3 =	vld [tilespmem:s15+$0xFFFFFDA0]  }
0x644: {  	v0 =	vadd.f32 v1, v0  }
0x645: {  	v1 =	vld [tilespmem:s15+$0xFFFFFE20]  }
0x646: {  	v0 =	vadd.f32 v2, v0  }
0x647: {  	v2 =	vld [tilespmem:s15+$0xFFFFFEA0]  }
0x648: {  	v0 =	vadd.f32 v3, v0  }
0x649: {  	v3 =	vld [tilespmem:s15+$0xFFFFFF20]  }
0x64a: {  	v0 =	vadd.f32 v1, v0  }
0x64b: {  	v1 =	vld [tilespmem:s15+$0xFFFFFFA0]  }
0x64c: {  	v0 =	vadd.f32 v2, v0  }
0x64d: {  	v2 =	vld [tilespmem:s15+$0x20]  }
0x64e: {  	v0 =	vadd.f32 v3, v0  }
0x64f: {  	v3 =	vld [tilespmem:s15+$0xA0]  }
0x650: {  	v0 =	vadd.f32 v1, v0  }
0x651: {  	v1 =	vld [tilespmem:s15+$0x120]  }
0x652: {  	v0 =	vadd.f32 v2, v0  }
0x653: {  	v2 =	vld [tilespmem:s15+$0x1A0]  }
0x654: {  	v0 =	vadd.f32 v3, v0  }
0x655: {  	v3 =	vld [tilespmem:s15+$0x220]  }
0x656: {  	v0 =	vadd.f32 v1, v0  }
0x657: {  	v1 =	vld [tilespmem:s15+$0x2A0]  }
0x658: {  	v0 =	vadd.f32 v2, v0  }
0x659: {  	v2 =	vld [tilespmem:s15+$0x320]  }
0x65a: {  	v0 =	vadd.f32 v3, v0  }
0x65b: {  	v3 =	vld [tilespmem:s15+$0x3A0]  }
0x65c: {  	v0 =	vadd.f32 v1, v0;
	_ =	sdelay $0x1  }
0x65d: {  	v0 =	vadd.f32 v2, v0;
	_ =	sdelay $0x1  }
0x65e: {  	v0 =	vadd.f32 v3, v0;
	_ =	sdelay $0x1  }
0x65f: {  	[tilespmem:s16+$0x9C20] =	vst v0  }
0x660: {  	v0 =	vld [tilespmem:s15+$0xFFFFFC30]  }
0x661: {  	v1 =	vld [tilespmem:s15+$0xFFFFFCB0];
	_ =	sdelay $0x1  }
0x662: {  	v2 =	vld [tilespmem:s15+$0xFFFFFD30];
	_ =	sdelay $0x1  }
0x663: {  	v3 =	vld [tilespmem:s15+$0xFFFFFDB0]  }
0x664: {  	v0 =	vadd.f32 v1, v0  }
0x665: {  	v1 =	vld [tilespmem:s15+$0xFFFFFE30]  }
0x666: {  	v0 =	vadd.f32 v2, v0  }
0x667: {  	v2 =	vld [tilespmem:s15+$0xFFFFFEB0]  }
0x668: {  	v0 =	vadd.f32 v3, v0  }
0x669: {  	v3 =	vld [tilespmem:s15+$0xFFFFFF30]  }
0x66a: {  	v0 =	vadd.f32 v1, v0  }
0x66b: {  	v1 =	vld [tilespmem:s15+$0xFFFFFFB0]  }
0x66c: {  	v0 =	vadd.f32 v2, v0  }
0x66d: {  	v2 =	vld [tilespmem:s15+$0x30]  }
0x66e: {  	v0 =	vadd.f32 v3, v0  }
0x66f: {  	v3 =	vld [tilespmem:s15+$0xB0]  }
0x670: {  	v0 =	vadd.f32 v1, v0  }
0x671: {  	v1 =	vld [tilespmem:s15+$0x130]  }
0x672: {  	v0 =	vadd.f32 v2, v0  }
0x673: {  	v2 =	vld [tilespmem:s15+$0x1B0]  }
0x674: {  	v0 =	vadd.f32 v3, v0  }
0x675: {  	v3 =	vld [tilespmem:s15+$0x230]  }
0x676: {  	v0 =	vadd.f32 v1, v0  }
0x677: {  	v1 =	vld [tilespmem:s15+$0x2B0]  }
0x678: {  	v0 =	vadd.f32 v2, v0  }
0x679: {  	v2 =	vld [tilespmem:s15+$0x330]  }
0x67a: {  	v0 =	vadd.f32 v3, v0  }
0x67b: {  	v3 =	vld [tilespmem:s15+$0x3B0]  }
0x67c: {  	v0 =	vadd.f32 v1, v0;
	_ =	sdelay $0x1  }
0x67d: {  	v0 =	vadd.f32 v2, v0;
	_ =	sdelay $0x1  }
0x67e: {  	v0 =	vadd.f32 v3, v0;
	_ =	sdelay $0x1  }
0x67f: {  	[tilespmem:s16+$0x9C30] =	vst v0  }
0x680: {  	v0 =	vld [tilespmem:s15+$0xFFFFFC40]  }
0x681: {  	v1 =	vld [tilespmem:s15+$0xFFFFFCC0];
	_ =	sdelay $0x1  }
0x682: {  	v2 =	vld [tilespmem:s15+$0xFFFFFD40];
	_ =	sdelay $0x1  }
0x683: {  	v3 =	vld [tilespmem:s15+$0xFFFFFDC0]  }
0x684: {  	v0 =	vadd.f32 v1, v0  }
0x685: {  	v1 =	vld [tilespmem:s15+$0xFFFFFE40]  }
0x686: {  	v0 =	vadd.f32 v2, v0  }
0x687: {  	v2 =	vld [tilespmem:s15+$0xFFFFFEC0]  }
0x688: {  	v0 =	vadd.f32 v3, v0  }
0x689: {  	v3 =	vld [tilespmem:s15+$0xFFFFFF40]  }
0x68a: {  	v0 =	vadd.f32 v1, v0  }
0x68b: {  	v1 =	vld [tilespmem:s15+$0xFFFFFFC0]  }
0x68c: {  	v0 =	vadd.f32 v2, v0  }
0x68d: {  	v2 =	vld [tilespmem:s15+$0x40]  }
0x68e: {  	v0 =	vadd.f32 v3, v0  }
0x68f: {  	v3 =	vld [tilespmem:s15+$0xC0]  }
0x690: {  	v0 =	vadd.f32 v1, v0  }
0x691: {  	v1 =	vld [tilespmem:s15+$0x140]  }
0x692: {  	v0 =	vadd.f32 v2, v0  }
0x693: {  	v2 =	vld [tilespmem:s15+$0x1C0]  }
0x694: {  	v0 =	vadd.f32 v3, v0  }
0x695: {  	v3 =	vld [tilespmem:s15+$0x240]  }
0x696: {  	v0 =	vadd.f32 v1, v0  }
0x697: {  	v1 =	vld [tilespmem:s15+$0x2C0]  }
0x698: {  	v0 =	vadd.f32 v2, v0  }
0x699: {  	v2 =	vld [tilespmem:s15+$0x340]  }
0x69a: {  	v0 =	vadd.f32 v3, v0  }
0x69b: {  	v3 =	vld [tilespmem:s15+$0x3C0]  }
0x69c: {  	v0 =	vadd.f32 v1, v0;
	_ =	sdelay $0x1  }
0x69d: {  	v0 =	vadd.f32 v2, v0;
	_ =	sdelay $0x1  }
0x69e: {  	v0 =	vadd.f32 v3, v0;
	_ =	sdelay $0x1  }
0x69f: {  	[tilespmem:s16+$0x9C40] =	vst v0  }
0x6a0: {  	v0 =	vld [tilespmem:s15+$0xFFFFFC50]  }
0x6a1: {  	v1 =	vld [tilespmem:s15+$0xFFFFFCD0];
	_ =	sdelay $0x1  }
0x6a2: {  	v2 =	vld [tilespmem:s15+$0xFFFFFD50];
	_ =	sdelay $0x1  }
0x6a3: {  	v3 =	vld [tilespmem:s15+$0xFFFFFDD0]  }
0x6a4: {  	v0 =	vadd.f32 v1, v0  }
0x6a5: {  	v1 =	vld [tilespmem:s15+$0xFFFFFE50]  }
0x6a6: {  	v0 =	vadd.f32 v2, v0  }
0x6a7: {  	v2 =	vld [tilespmem:s15+$0xFFFFFED0]  }
0x6a8: {  	v0 =	vadd.f32 v3, v0  }
0x6a9: {  	v3 =	vld [tilespmem:s15+$0xFFFFFF50]  }
0x6aa: {  	v0 =	vadd.f32 v1, v0  }
0x6ab: {  	v1 =	vld [tilespmem:s15+$0xFFFFFFD0]  }
0x6ac: {  	v0 =	vadd.f32 v2, v0  }
0x6ad: {  	v2 =	vld [tilespmem:s15+$0x50]  }
0x6ae: {  	v0 =	vadd.f32 v3, v0  }
0x6af: {  	v3 =	vld [tilespmem:s15+$0xD0]  }
0x6b0: {  	v0 =	vadd.f32 v1, v0  }
0x6b1: {  	v1 =	vld [tilespmem:s15+$0x150]  }
0x6b2: {  	v0 =	vadd.f32 v2, v0  }
0x6b3: {  	v2 =	vld [tilespmem:s15+$0x1D0]  }
0x6b4: {  	v0 =	vadd.f32 v3, v0  }
0x6b5: {  	v3 =	vld [tilespmem:s15+$0x250]  }
0x6b6: {  	v0 =	vadd.f32 v1, v0  }
0x6b7: {  	v1 =	vld [tilespmem:s15+$0x2D0]  }
0x6b8: {  	v0 =	vadd.f32 v2, v0  }
0x6b9: {  	v2 =	vld [tilespmem:s15+$0x350]  }
0x6ba: {  	v0 =	vadd.f32 v3, v0  }
0x6bb: {  	v3 =	vld [tilespmem:s15+$0x3D0]  }
0x6bc: {  	v0 =	vadd.f32 v1, v0;
	_ =	sdelay $0x1  }
0x6bd: {  	v0 =	vadd.f32 v2, v0;
	_ =	sdelay $0x1  }
0x6be: {  	v0 =	vadd.f32 v3, v0;
	_ =	sdelay $0x1  }
0x6bf: {  	[tilespmem:s16+$0x9C50] =	vst v0  }
0x6c0: {  	v0 =	vld [tilespmem:s15+$0xFFFFFC60]  }
0x6c1: {  	v1 =	vld [tilespmem:s15+$0xFFFFFCE0];
	_ =	sdelay $0x1  }
0x6c2: {  	v2 =	vld [tilespmem:s15+$0xFFFFFD60];
	_ =	sdelay $0x1  }
0x6c3: {  	v3 =	vld [tilespmem:s15+$0xFFFFFDE0]  }
0x6c4: {  	v0 =	vadd.f32 v1, v0  }
0x6c5: {  	v1 =	vld [tilespmem:s15+$0xFFFFFE60]  }
0x6c6: {  	v0 =	vadd.f32 v2, v0  }
0x6c7: {  	v2 =	vld [tilespmem:s15+$0xFFFFFEE0]  }
0x6c8: {  	v0 =	vadd.f32 v3, v0  }
0x6c9: {  	v3 =	vld [tilespmem:s15+$0xFFFFFF60]  }
0x6ca: {  	v0 =	vadd.f32 v1, v0  }
0x6cb: {  	v1 =	vld [tilespmem:s15+$0xFFFFFFE0]  }
0x6cc: {  	v0 =	vadd.f32 v2, v0  }
0x6cd: {  	v2 =	vld [tilespmem:s15+$0x60]  }
0x6ce: {  	v0 =	vadd.f32 v3, v0  }
0x6cf: {  	v3 =	vld [tilespmem:s15+$0xE0]  }
0x6d0: {  	v0 =	vadd.f32 v1, v0  }
0x6d1: {  	v1 =	vld [tilespmem:s15+$0x160]  }
0x6d2: {  	v0 =	vadd.f32 v2, v0  }
0x6d3: {  	v2 =	vld [tilespmem:s15+$0x1E0]  }
0x6d4: {  	v0 =	vadd.f32 v3, v0  }
0x6d5: {  	v3 =	vld [tilespmem:s15+$0x260]  }
0x6d6: {  	v0 =	vadd.f32 v1, v0  }
0x6d7: {  	v1 =	vld [tilespmem:s15+$0x2E0]  }
0x6d8: {  	v0 =	vadd.f32 v2, v0  }
0x6d9: {  	v2 =	vld [tilespmem:s15+$0x360]  }
0x6da: {  	v0 =	vadd.f32 v3, v0  }
0x6db: {  	v3 =	vld [tilespmem:s15+$0x3E0]  }
0x6dc: {  	v0 =	vadd.f32 v1, v0;
	_ =	sdelay $0x1  }
0x6dd: {  	v0 =	vadd.f32 v2, v0;
	_ =	sdelay $0x1  }
0x6de: {  	v0 =	vadd.f32 v3, v0;
	_ =	sdelay $0x1  }
0x6df: {  	[tilespmem:s16+$0x9C60] =	vst v0  }
0x6e0: {  	v0 =	vld [tilespmem:s15+$0xFFFFFC70]  }
0x6e1: {  	v1 =	vld [tilespmem:s15+$0xFFFFFCF0];
	_ =	sdelay $0x1  }
0x6e2: {  	v2 =	vld [tilespmem:s15+$0xFFFFFD70];
	_ =	sdelay $0x1  }
0x6e3: {  	v3 =	vld [tilespmem:s15+$0xFFFFFDF0]  }
0x6e4: {  	v0 =	vadd.f32 v1, v0  }
0x6e5: {  	v1 =	vld [tilespmem:s15+$0xFFFFFE70]  }
0x6e6: {  	v0 =	vadd.f32 v2, v0  }
0x6e7: {  	v2 =	vld [tilespmem:s15+$0xFFFFFEF0]  }
0x6e8: {  	v0 =	vadd.f32 v3, v0  }
0x6e9: {  	v3 =	vld [tilespmem:s15+$0xFFFFFF70]  }
0x6ea: {  	v0 =	vadd.f32 v1, v0  }
0x6eb: {  	v1 =	vld [tilespmem:s15+$0xFFFFFFF0]  }
0x6ec: {  	v0 =	vadd.f32 v2, v0  }
0x6ed: {  	v2 =	vld [tilespmem:s15+$0x70]  }
0x6ee: {  	v0 =	vadd.f32 v3, v0  }
0x6ef: {  	v3 =	vld [tilespmem:s15+$0xF0]  }
0x6f0: {  	v0 =	vadd.f32 v1, v0  }
0x6f1: {  	v1 =	vld [tilespmem:s15+$0x170]  }
0x6f2: {  	v0 =	vadd.f32 v2, v0  }
0x6f3: {  	v4 =	vld [tilespmem:s15+$0x1F0]  }
0x6f4: {  	v2 =	vadd.f32 v3, v0  }
0x6f5: {  	v3 =	vld [tilespmem:s15+$0x270]  }
0x6f6: {  	v0 =	vld [tilespmem:s15+$0x2F0];
	v5 =	vadd.f32 v1, v2  }
0x6f7: {  	v1 =	vld [tilespmem:s15+$0x370]  }
0x6f8: {  	s17 =	simm.s32 $0x200;
	v2 =	vld [tilespmem:s15+$0x3F0];
	v4 =	vadd.f32 v4, v5  }
.LBB2_8:
0x6f9: {  	p0 =	sne.s32 s17, $0x1E00  }
0x6fa: {  	s15 =	sadd.s32 $0x800, s15;
	s18 =	smov.u32 s17;
	s17 =	sadd.s32 $0x200, s17;
	v3 =	vadd.f32 v3, v4  }
0x6fb: {  	_ = 	snop  }
0x6fc: {  	v0 =	vadd.f32 v0, v3;
	_ =	sdelay $0x1  }
0x6fd: {  	v0 =	vadd.f32 v1, v0;
	_ =	sdelay $0x1  }
0x6fe: {  	v0 =	vadd.f32 v2, v0;
	_ =	sdelay $0x1  }
0x6ff: {  	[tilespmem:s16+$0x9C70] =	vst v0  }
0x700: {  	v0 =	vld [tilespmem:s15+$0xFFFFFC80]  }
0x701: {  	v1 =	vld [tilespmem:s15+$0xFFFFFC00]  }
0x702: {  	v2 =	vld [tilespmem:s15+$0xFFFFFD00];
	_ =	sdelay $0x2  }
0x703: {  	v3 =	vld [tilespmem:s15+$0xFFFFFD80]  }
0x704: {  	v0 =	vadd.f32 v0, v1  }
0x705: {  	v1 =	vld [tilespmem:s15+$0xFFFFFE00]  }
0x706: {  	v0 =	vadd.f32 v2, v0  }
0x707: {  	v2 =	vld [tilespmem:s15+$0xFFFFFE80]  }
0x708: {  	v0 =	vadd.f32 v3, v0  }
0x709: {  	v3 =	vld [tilespmem:s15+$0xFFFFFF00]  }
0x70a: {  	v0 =	vadd.f32 v1, v0  }
0x70b: {  	v1 =	vld [tilespmem:s15+$0xFFFFFF80]  }
0x70c: {  	v0 =	vadd.f32 v2, v0  }
0x70d: {  	v2 =	vld [tilespmem:s15+$0x0]  }
0x70e: {  	v0 =	vadd.f32 v3, v0  }
0x70f: {  	v3 =	vld [tilespmem:s15+$0x80]  }
0x710: {  	v0 =	vadd.f32 v1, v0  }
0x711: {  	v1 =	vld [tilespmem:s15+$0x100]  }
0x712: {  	v0 =	vadd.f32 v2, v0  }
0x713: {  	v2 =	vld [tilespmem:s15+$0x180]  }
0x714: {  	v0 =	vadd.f32 v3, v0  }
0x715: {  	v3 =	vld [tilespmem:s15+$0x200]  }
0x716: {  	v0 =	vadd.f32 v1, v0  }
0x717: {  	v1 =	vld [tilespmem:s15+$0x280]  }
0x718: {  	v0 =	vadd.f32 v2, v0  }
0x719: {  	v2 =	vld [tilespmem:s15+$0x300]  }
0x71a: {  	v0 =	vadd.f32 v3, v0  }
0x71b: {  	v3 =	vld [tilespmem:s15+$0x380]  }
0x71c: {  	v0 =	vadd.f32 v1, v0;
	_ =	sdelay $0x1  }
0x71d: {  	v0 =	vadd.f32 v2, v0;
	_ =	sdelay $0x1  }
0x71e: {  	v0 =	vadd.f32 v3, v0  }
0x71f: {  	s16 =	sshra.s32 s18, $0x2  }
0x720: {  	[tilespmem:s16+$0x9C00] =	vst v0  }
0x721: {  	v0 =	vld [tilespmem:s15+$0xFFFFFC10]  }
0x722: {  	v1 =	vld [tilespmem:s15+$0xFFFFFC90];
	_ =	sdelay $0x1  }
0x723: {  	v2 =	vld [tilespmem:s15+$0xFFFFFD10];
	_ =	sdelay $0x1  }
0x724: {  	v3 =	vld [tilespmem:s15+$0xFFFFFD90]  }
0x725: {  	v0 =	vadd.f32 v1, v0  }
0x726: {  	v1 =	vld [tilespmem:s15+$0xFFFFFE10]  }
0x727: {  	v0 =	vadd.f32 v2, v0  }
0x728: {  	v2 =	vld [tilespmem:s15+$0xFFFFFE90]  }
0x729: {  	v0 =	vadd.f32 v3, v0  }
0x72a: {  	v3 =	vld [tilespmem:s15+$0xFFFFFF10]  }
0x72b: {  	v0 =	vadd.f32 v1, v0  }
0x72c: {  	v1 =	vld [tilespmem:s15+$0xFFFFFF90]  }
0x72d: {  	v0 =	vadd.f32 v2, v0  }
0x72e: {  	v2 =	vld [tilespmem:s15+$0x10]  }
0x72f: {  	v0 =	vadd.f32 v3, v0  }
0x730: {  	v3 =	vld [tilespmem:s15+$0x90]  }
0x731: {  	v0 =	vadd.f32 v1, v0  }
0x732: {  	v1 =	vld [tilespmem:s15+$0x110]  }
0x733: {  	v0 =	vadd.f32 v2, v0  }
0x734: {  	v2 =	vld [tilespmem:s15+$0x190]  }
0x735: {  	v0 =	vadd.f32 v3, v0  }
0x736: {  	v3 =	vld [tilespmem:s15+$0x210]  }
0x737: {  	v0 =	vadd.f32 v1, v0  }
0x738: {  	v1 =	vld [tilespmem:s15+$0x290]  }
0x739: {  	v0 =	vadd.f32 v2, v0  }
0x73a: {  	v2 =	vld [tilespmem:s15+$0x310]  }
0x73b: {  	v0 =	vadd.f32 v3, v0  }
0x73c: {  	v3 =	vld [tilespmem:s15+$0x390]  }
0x73d: {  	v0 =	vadd.f32 v1, v0;
	_ =	sdelay $0x1  }
0x73e: {  	v0 =	vadd.f32 v2, v0;
	_ =	sdelay $0x1  }
0x73f: {  	v0 =	vadd.f32 v3, v0;
	_ =	sdelay $0x1  }
0x740: {  	[tilespmem:s16+$0x9C10] =	vst v0  }
0x741: {  	v0 =	vld [tilespmem:s15+$0xFFFFFC20]  }
0x742: {  	v1 =	vld [tilespmem:s15+$0xFFFFFCA0];
	_ =	sdelay $0x1  }
0x743: {  	v2 =	vld [tilespmem:s15+$0xFFFFFD20];
	_ =	sdelay $0x1  }
0x744: {  	v3 =	vld [tilespmem:s15+$0xFFFFFDA0]  }
0x745: {  	v0 =	vadd.f32 v1, v0  }
0x746: {  	v1 =	vld [tilespmem:s15+$0xFFFFFE20]  }
0x747: {  	v0 =	vadd.f32 v2, v0  }
0x748: {  	v2 =	vld [tilespmem:s15+$0xFFFFFEA0]  }
0x749: {  	v0 =	vadd.f32 v3, v0  }
0x74a: {  	v3 =	vld [tilespmem:s15+$0xFFFFFF20]  }
0x74b: {  	v0 =	vadd.f32 v1, v0  }
0x74c: {  	v1 =	vld [tilespmem:s15+$0xFFFFFFA0]  }
0x74d: {  	v0 =	vadd.f32 v2, v0  }
0x74e: {  	v2 =	vld [tilespmem:s15+$0x20]  }
0x74f: {  	v0 =	vadd.f32 v3, v0  }
0x750: {  	v3 =	vld [tilespmem:s15+$0xA0]  }
0x751: {  	v0 =	vadd.f32 v1, v0  }
0x752: {  	v1 =	vld [tilespmem:s15+$0x120]  }
0x753: {  	v0 =	vadd.f32 v2, v0  }
0x754: {  	v2 =	vld [tilespmem:s15+$0x1A0]  }
0x755: {  	v0 =	vadd.f32 v3, v0  }
0x756: {  	v3 =	vld [tilespmem:s15+$0x220]  }
0x757: {  	v0 =	vadd.f32 v1, v0  }
0x758: {  	v1 =	vld [tilespmem:s15+$0x2A0]  }
0x759: {  	v0 =	vadd.f32 v2, v0  }
0x75a: {  	v2 =	vld [tilespmem:s15+$0x320]  }
0x75b: {  	v0 =	vadd.f32 v3, v0  }
0x75c: {  	v3 =	vld [tilespmem:s15+$0x3A0]  }
0x75d: {  	v0 =	vadd.f32 v1, v0;
	_ =	sdelay $0x1  }
0x75e: {  	v0 =	vadd.f32 v2, v0;
	_ =	sdelay $0x1  }
0x75f: {  	v0 =	vadd.f32 v3, v0;
	_ =	sdelay $0x1  }
0x760: {  	[tilespmem:s16+$0x9C20] =	vst v0  }
0x761: {  	v0 =	vld [tilespmem:s15+$0xFFFFFC30]  }
0x762: {  	v1 =	vld [tilespmem:s15+$0xFFFFFCB0]  }
0x763: {  	v2 =	vld [tilespmem:s15+$0xFFFFFD30];
	_ =	sdelay $0x2  }
0x764: {  	v3 =	vld [tilespmem:s15+$0xFFFFFDB0]  }
0x765: {  	v0 =	vadd.f32 v1, v0  }
0x766: {  	v1 =	vld [tilespmem:s15+$0xFFFFFE30]  }
0x767: {  	v0 =	vadd.f32 v2, v0  }
0x768: {  	v2 =	vld [tilespmem:s15+$0xFFFFFEB0]  }
0x769: {  	v0 =	vadd.f32 v3, v0  }
0x76a: {  	v3 =	vld [tilespmem:s15+$0xFFFFFF30]  }
0x76b: {  	v0 =	vadd.f32 v1, v0  }
0x76c: {  	v1 =	vld [tilespmem:s15+$0xFFFFFFB0]  }
0x76d: {  	v0 =	vadd.f32 v2, v0  }
0x76e: {  	v2 =	vld [tilespmem:s15+$0x30]  }
0x76f: {  	v0 =	vadd.f32 v3, v0  }
0x770: {  	v3 =	vld [tilespmem:s15+$0xB0]  }
0x771: {  	v0 =	vadd.f32 v1, v0  }
0x772: {  	v1 =	vld [tilespmem:s15+$0x130]  }
0x773: {  	v0 =	vadd.f32 v2, v0  }
0x774: {  	v2 =	vld [tilespmem:s15+$0x1B0]  }
0x775: {  	v0 =	vadd.f32 v3, v0  }
0x776: {  	v3 =	vld [tilespmem:s15+$0x230]  }
0x777: {  	v0 =	vadd.f32 v1, v0  }
0x778: {  	v1 =	vld [tilespmem:s15+$0x2B0]  }
0x779: {  	v0 =	vadd.f32 v2, v0  }
0x77a: {  	v2 =	vld [tilespmem:s15+$0x330]  }
0x77b: {  	v0 =	vadd.f32 v3, v0  }
0x77c: {  	v3 =	vld [tilespmem:s15+$0x3B0]  }
0x77d: {  	v0 =	vadd.f32 v1, v0;
	_ =	sdelay $0x1  }
0x77e: {  	v0 =	vadd.f32 v2, v0;
	_ =	sdelay $0x1  }
0x77f: {  	v0 =	vadd.f32 v3, v0;
	_ =	sdelay $0x1  }
0x780: {  	[tilespmem:s16+$0x9C30] =	vst v0  }
0x781: {  	v0 =	vld [tilespmem:s15+$0xFFFFFC40]  }
0x782: {  	v1 =	vld [tilespmem:s15+$0xFFFFFCC0]  }
0x783: {  	v2 =	vld [tilespmem:s15+$0xFFFFFD40];
	_ =	sdelay $0x2  }
0x784: {  	v3 =	vld [tilespmem:s15+$0xFFFFFDC0]  }
0x785: {  	v0 =	vadd.f32 v1, v0  }
0x786: {  	v1 =	vld [tilespmem:s15+$0xFFFFFE40]  }
0x787: {  	v0 =	vadd.f32 v2, v0  }
0x788: {  	v2 =	vld [tilespmem:s15+$0xFFFFFEC0]  }
0x789: {  	v0 =	vadd.f32 v3, v0  }
0x78a: {  	v3 =	vld [tilespmem:s15+$0xFFFFFF40]  }
0x78b: {  	v0 =	vadd.f32 v1, v0  }
0x78c: {  	v1 =	vld [tilespmem:s15+$0xFFFFFFC0]  }
0x78d: {  	v0 =	vadd.f32 v2, v0  }
0x78e: {  	v2 =	vld [tilespmem:s15+$0x40]  }
0x78f: {  	v0 =	vadd.f32 v3, v0  }
0x790: {  	v3 =	vld [tilespmem:s15+$0xC0]  }
0x791: {  	v0 =	vadd.f32 v1, v0  }
0x792: {  	v1 =	vld [tilespmem:s15+$0x140]  }
0x793: {  	v0 =	vadd.f32 v2, v0  }
0x794: {  	v2 =	vld [tilespmem:s15+$0x1C0]  }
0x795: {  	v0 =	vadd.f32 v3, v0  }
0x796: {  	v3 =	vld [tilespmem:s15+$0x240]  }
0x797: {  	v0 =	vadd.f32 v1, v0  }
0x798: {  	v1 =	vld [tilespmem:s15+$0x2C0]  }
0x799: {  	v0 =	vadd.f32 v2, v0  }
0x79a: {  	v2 =	vld [tilespmem:s15+$0x340]  }
0x79b: {  	v0 =	vadd.f32 v3, v0  }
0x79c: {  	v3 =	vld [tilespmem:s15+$0x3C0]  }
0x79d: {  	v0 =	vadd.f32 v1, v0;
	_ =	sdelay $0x1  }
0x79e: {  	v0 =	vadd.f32 v2, v0;
	_ =	sdelay $0x1  }
0x79f: {  	v0 =	vadd.f32 v3, v0;
	_ =	sdelay $0x1  }
0x7a0: {  	[tilespmem:s16+$0x9C40] =	vst v0  }
0x7a1: {  	v0 =	vld [tilespmem:s15+$0xFFFFFC50]  }
0x7a2: {  	v1 =	vld [tilespmem:s15+$0xFFFFFCD0]  }
0x7a3: {  	v2 =	vld [tilespmem:s15+$0xFFFFFD50]  }
0x7a4: {  	v3 =	vld [tilespmem:s15+$0xFFFFFDD0]  }
0x7a5: {  	v4 =	vld [tilespmem:s15+$0xFFFFFE50]  }
0x7a6: {  	v5 =	vld [tilespmem:s15+$0xFFFFFED0]  }
0x7a7: {  	v0 =	vadd.f32 v1, v0;
	v1 =	vld [tilespmem:s15+$0xFFFFFF50]  }
0x7a8: {  	v6 =	vld [tilespmem:s15+$0xFFFFFFD0]  }
0x7a9: {  	v0 =	vadd.f32 v2, v0;
	v2 =	vld [tilespmem:s15+$0x50]  }
0x7aa: {  	v7 =	vld [tilespmem:s15+$0xD0]  }
0x7ab: {  	v0 =	vadd.f32 v3, v0;
	v3 =	vld [tilespmem:s15+$0x150]  }
0x7ac: {  	v8 =	vld [tilespmem:s15+$0x1D0]  }
0x7ad: {  	v0 =	vadd.f32 v4, v0;
	v4 =	vld [tilespmem:s15+$0x250]  }
0x7ae: {  	v9 =	vld [tilespmem:s15+$0x2D0]  }
0x7af: {  	v0 =	vadd.f32 v5, v0;
	v5 =	vld [tilespmem:s15+$0x350]  }
0x7b0: {  	v10 =	vld [tilespmem:s15+$0x3D0]  }
0x7b1: {  	v0 =	vadd.f32 v1, v0;
	_ =	sdelay $0x1  }
0x7b2: {  	v0 =	vadd.f32 v6, v0;
	_ =	sdelay $0x1  }
0x7b3: {  	v0 =	vadd.f32 v2, v0;
	_ =	sdelay $0x1  }
0x7b4: {  	v0 =	vadd.f32 v7, v0;
	_ =	sdelay $0x1  }
0x7b5: {  	v0 =	vadd.f32 v3, v0;
	_ =	sdelay $0x1  }
0x7b6: {  	v0 =	vadd.f32 v8, v0;
	_ =	sdelay $0x1  }
0x7b7: {  	v0 =	vadd.f32 v4, v0;
	_ =	sdelay $0x1  }
0x7b8: {  	v0 =	vadd.f32 v9, v0;
	_ =	sdelay $0x1  }
0x7b9: {  	v0 =	vadd.f32 v5, v0;
	_ =	sdelay $0x1  }
0x7ba: {  	v0 =	vadd.f32 v10, v0;
	_ =	sdelay $0x1  }
0x7bb: {  	[tilespmem:s16+$0x9C50] =	vst v0  }
0x7bc: {  	v0 =	vld [tilespmem:s15+$0xFFFFFC60]  }
0x7bd: {  	v1 =	vld [tilespmem:s15+$0xFFFFFCE0]  }
0x7be: {  	v2 =	vld [tilespmem:s15+$0xFFFFFD60]  }
0x7bf: {  	v3 =	vld [tilespmem:s15+$0xFFFFFDE0]  }
0x7c0: {  	v4 =	vld [tilespmem:s15+$0xFFFFFE60]  }
0x7c1: {  	v5 =	vld [tilespmem:s15+$0xFFFFFEE0]  }
0x7c2: {  	v0 =	vadd.f32 v1, v0;
	v1 =	vld [tilespmem:s15+$0xFFFFFF60]  }
0x7c3: {  	v6 =	vld [tilespmem:s15+$0xFFFFFFE0]  }
0x7c4: {  	v0 =	vadd.f32 v2, v0;
	v2 =	vld [tilespmem:s15+$0x60]  }
0x7c5: {  	v7 =	vld [tilespmem:s15+$0xE0]  }
0x7c6: {  	v0 =	vadd.f32 v3, v0;
	v3 =	vld [tilespmem:s15+$0x160]  }
0x7c7: {  	v8 =	vld [tilespmem:s15+$0x1E0]  }
0x7c8: {  	v0 =	vadd.f32 v4, v0;
	v4 =	vld [tilespmem:s15+$0x260]  }
0x7c9: {  	v9 =	vld [tilespmem:s15+$0x2E0]  }
0x7ca: {  	v0 =	vadd.f32 v5, v0;
	v5 =	vld [tilespmem:s15+$0x360]  }
0x7cb: {  	v10 =	vld [tilespmem:s15+$0x3E0]  }
0x7cc: {  	v0 =	vadd.f32 v1, v0;
	_ =	sdelay $0x1  }
0x7cd: {  	v0 =	vadd.f32 v6, v0;
	_ =	sdelay $0x1  }
0x7ce: {  	v0 =	vadd.f32 v2, v0;
	_ =	sdelay $0x1  }
0x7cf: {  	v0 =	vadd.f32 v7, v0;
	_ =	sdelay $0x1  }
0x7d0: {  	v0 =	vadd.f32 v3, v0;
	_ =	sdelay $0x1  }
0x7d1: {  	v0 =	vadd.f32 v8, v0;
	_ =	sdelay $0x1  }
0x7d2: {  	v0 =	vadd.f32 v4, v0;
	_ =	sdelay $0x1  }
0x7d3: {  	v0 =	vadd.f32 v9, v0;
	_ =	sdelay $0x1  }
0x7d4: {  	v0 =	vadd.f32 v5, v0;
	_ =	sdelay $0x1  }
0x7d5: {  	v0 =	vadd.f32 v10, v0;
	_ =	sdelay $0x1  }
0x7d6: {  	[tilespmem:s16+$0x9C60] =	vst v0  }
0x7d7: {  	v0 =	vld [tilespmem:s15+$0xFFFFFC70]  }
0x7d8: {  	v1 =	vld [tilespmem:s15+$0xFFFFFCF0]  }
0x7d9: {  	v2 =	vld [tilespmem:s15+$0xFFFFFD70]  }
0x7da: {  	v3 =	vld [tilespmem:s15+$0xFFFFFDF0]  }
0x7db: {  	v4 =	vld [tilespmem:s15+$0xFFFFFE70]  }
0x7dc: {  	v5 =	vld [tilespmem:s15+$0xFFFFFEF0]  }
0x7dd: {  	v0 =	vadd.f32 v1, v0;
	v6 =	vld [tilespmem:s15+$0xFFFFFF70]  }
0x7de: {  	v7 =	vld [tilespmem:s15+$0xFFFFFFF0]  }
0x7df: {  	v0 =	vadd.f32 v2, v0;
	v8 =	vld [tilespmem:s15+$0x70]  }
0x7e0: {  	v9 =	vld [tilespmem:s15+$0xF0]  }
0x7e1: {  	v0 =	vadd.f32 v3, v0;
	v10 =	vld [tilespmem:s15+$0x170]  }
0x7e2: {  	v11 =	vld [tilespmem:s15+$0x1F0]  }
0x7e3: {  	v1 =	vadd.f32 v4, v0;
	v3 =	vld [tilespmem:s15+$0x270]  }
0x7e4: {  	v0 =	vld [tilespmem:s15+$0x2F0]  }
0x7e5: {  	v4 =	vadd.f32 v5, v1;
	v1 =	vld [tilespmem:s15+$0x370]  }
0x7e6: {  	v2 =	vld [tilespmem:s15+$0x3F0]  }
0x7e7: {  	v4 =	vadd.f32 v6, v4;
	_ =	sdelay $0x1  }
0x7e8: {  	v4 =	vadd.f32 v7, v4;
	_ =	sdelay $0x1  }
0x7e9: {  	v4 =	vadd.f32 v8, v4;
	_ =	sdelay $0x1  }
.Ltmp3:
0x7ea: {  	v4 =	vadd.f32 v9, v4;
	(pc) =	sbr.rel @p0 .LBB2_8-.Ltmp3, $3  }
0x7eb: {  	_ = 	snop  }
0x7ec: {  	v4 =	vadd.f32 v10, v4;
	_ =	sdelay $0x1  }
0x7ed: {  	v4 =	vadd.f32 v11, v4  }
0x7ee: {  	_ = 	snop  }
0x7ef: {  	v3 =	vadd.f32 v3, v4;
	_ =	sdelay $0x1  }
0x7f0: {  	v0 =	vadd.f32 v0, v3;
	_ =	sdelay $0x1  }
0x7f1: {  	v0 =	vadd.f32 v1, v0;
	_ =	sdelay $0x1  }
0x7f2: {  	s14 =	sadd.s32 $0x1, s14;
	v0 =	vadd.f32 v2, v0  }
0x7f3: {  	p0 =	sne.s32 s14, s6  }
.Ltmp4:
0x7f4: {  	[tilespmem:s16+$0x9C70] =	vst v0;
	(pc) =	sbr.rel @p0 .LBB2_1-.Ltmp4, $4  }
0x7f5: {  	[hbm4b:s5+s2] =	stream.linear.scatter [tilespmem:s13], [sflag:$0x2], $0x2000, $0x38;
	[tilespmem:$0xA400] =	vst v63  }
0x7f6: {  	_ =	swait.ge [sflag:s7], $0x2000  }
0x7f7: {  	[sflag:s7] =	ssyncset.done $0x0  }
0x7f8: {  	[sflag:s7] =	ssyncadd.s32 $0xFFFFE000  }
0x7f9: {  	_ =	sfence.sel $0x180000  }
0x7fa: {  	[bflag:$0x0] =	sbarrier.arrive $0xFFFF  }
0x7fb: {  	p0 =	sne.s32 s1, $0x0;
	_ =	strace $0x90000047  }
0x7fc: {  	s0 =	sadd.s32 @!p0 $0x100000, s0;
	[bflag:$0x2] =	sbarrier.arrive $0xFFFF  }
0x7fd: {  	[sflag:s0] =	ssyncadd.tile.s32 @!p0 $0x1;
	_ =	shalt  }
.Lfunc_end2:
_tile_overlayer_lowered:
.L_overlay_start_2:
0x7fe: {  	(tag) =	ssettag $0x2  }
0x7ff: {  	s0 =	rddreg [dreg:$0x0];
	s2 =	stileid.u32  }
0x800: {  	s1 =	rddreg [dreg:$0x1];
	p0 =	sne.s32 s2, $0x0  }
0x801: {  	s3 =	rddreg [dreg:$0x2];
	[bflag:$0x3] =	sbarrier.arrive $0xFFFF;
	s2 =	simm.s32 @!p0 $0x1C02  }
0x802: {  	[timem:s3], [sflag:s2] =	dma.local @!p0 [hbm:s0], s1  }
0x803: {  	s0 =	simm.s32 @!p0 $0x2  }
0x804: {  	_ =	swait.ge @!p0 [sflag:s0], s1  }
0x805: {  	s1 =	ssub.s32 @!p0 $0x0, s1;
	[sflag:s0] =	ssyncset.done @!p0 $0x0  }
0x806: {  	[sflag:s0] =	ssyncadd.s32 @!p0 s1  }
0x807: {  	[bflag:$0x3] =	sbarrier.arrive $0xFFFF  }
0x808: {  	_ =	shalt  }

</sc_bundles>
